<compile_context>
chip_gen: v7x
topology: tpu7x:2x2x1
jax: 0.10.2.dev20260603
libtpu: 0.0.44.dev20260713+nightly
codegen_flags: <defaults>
</compile_context>

<pallas_src>
import numpy as np
import jax
import jax.numpy as jnp
from jax import lax
from jax.experimental import pallas as pl
from jax.experimental.pallas import tpu as pltpu
from jax.experimental.pallas import tpu_sc as plsc

NUM_TABLES = 16
EMBED_DIM = 32
B, S = 4, 2048
P_TOTAL = B * S
NW = 32
PPW = P_TOTAL // NW
CHUNK_P = 8
N_CHUNKS = PPW // CHUNK_P

_SIZES = np.array([100000 + i for i in range(NUM_TABLES)], dtype=np.int64)
_OFFS = np.concatenate([[0], np.cumsum(_SIZES)[:-1]]).astype(np.int64)
_C32 = np.array([(1 << 32) % int(s) for s in _SIZES], dtype=np.int64)
TOTAL_ROWS = int(_SIZES.sum())
N_EMBD = 1024


def _u32(x):
    return plsc.bitcast(x, jnp.uint32)


def _sc_body(table_hbm, tok_hbm, consts_hbm, emb_hbm,
             tok_v, consts_v, idx_v, row_v, gsem):
    cid = lax.axis_index("c")
    sid = lax.axis_index("s")
    wid = sid * 2 + cid
    base = wid * PPW

    pltpu.sync_copy(tok_hbm.at[pl.ds(wid * (3 * PPW), 3 * PPW)], tok_v)
    pltpu.sync_copy(consts_hbm, consts_v)

    ml0 = _u32(consts_v[0, :])
    mh0 = _u32(consts_v[1, :])
    ml1 = _u32(consts_v[2, :])
    mh1 = _u32(consts_v[3, :])
    ml2 = _u32(consts_v[4, :])
    mh2 = _u32(consts_v[5, :])
    bias = _u32(consts_v[6, :])
    sizes = _u32(consts_v[7, :])
    c32 = _u32(consts_v[8, :])
    offs = _u32(consts_v[9, :])
    lane = lax.iota(jnp.int32, 16)
    is_tri = lane >= 8
    zero = jnp.zeros((16,), jnp.uint32)
    one = jnp.full((16,), 1, jnp.uint32)
    s16 = jnp.full((16,), 16, jnp.uint32)

    def _prod(ml, mh, tb):
        a = ml * tb
        bb = mh * tb
        lo = a + (bb << s16)
        carry = jnp.where(lo < a, one, zero)
        hi = (bb >> s16) + carry
        return lo, hi

    dnums = lax.GatherDimensionNumbers(
        offset_dims=(), collapsed_slice_dims=(0,), start_index_map=(0,))

    def _bcast(vec, j):
        jidx = jnp.full((16, 1), j, dtype=jnp.int32)
        return lax.gather(vec, jidx, dnums, (1,),
                          mode=lax.GatherScatterMode.PROMISE_IN_BOUNDS)

    def group_step(_, g):
        goff = g * 16
        t0g = tok_v[pl.ds(goff, 16)]
        t1g = tok_v[pl.ds(goff + PPW, 16)]
        t2g = tok_v[pl.ds(goff + 2 * PPW, 16)]
        for j in range(16):
            t0 = _u32(_bcast(t0g, j))
            t1 = _u32(_bcast(t1g, j))
            t2 = jnp.where(is_tri, _u32(_bcast(t2g, j)), zero)
            lo0, hi0 = _prod(ml0, mh0, t0)
            lo1, hi1 = _prod(ml1, mh1, t1)
            lo2, hi2 = _prod(ml2, mh2, t2)
            h_lo = lo0 ^ lo1 ^ lo2 ^ bias
            h_hi = hi0 ^ hi1 ^ hi2
            r = lax.rem(h_lo, sizes)
            acc = h_hi * c32 + r
            r2 = lax.rem(acc, sizes)
            idx = plsc.bitcast(r2 + offs, jnp.int32)
            row = g * 2 + (j >> 3)
            col = (j & 7) * NUM_TABLES
            idx_v[row, pl.ds(col, NUM_TABLES)] = idx
        return g + 1

    lax.fori_loop(0, PPW // 16, group_step, np.int32(0))

    i32 = jnp.int32
    descs = [None, None]
    descs[0] = pltpu.make_async_copy(
        table_hbm.at[idx_v.at[i32(0)]], row_v.at[i32(0)], gsem[0])
    descs[0].start()
    for c in range(N_CHUNKS):
        buf = c % 2
        if c + 1 < N_CHUNKS:
            nbuf = (c + 1) % 2
            descs[nbuf] = pltpu.make_async_copy(
                table_hbm.at[idx_v.at[i32(c + 1)]], row_v.at[i32(nbuf)],
                gsem[nbuf])
            descs[nbuf].start()
        descs[buf].wait()
        pltpu.sync_copy(
            row_v.at[i32(buf)],
            emb_hbm.at[pl.ds(base * NUM_TABLES + c * CHUNK_P * NUM_TABLES,
                             CHUNK_P * NUM_TABLES)])


def _sc_gather(table, tok_arr, consts):
    mesh = plsc.VectorSubcoreMesh(core_axis_name="c", subcore_axis_name="s")
    fn = pl.kernel(
        _sc_body,
        out_type=jax.ShapeDtypeStruct((P_TOTAL * NUM_TABLES, EMBED_DIM),
                                      jnp.float32),
        mesh=mesh,
        scratch_types=[
            pltpu.VMEM((3 * PPW,), jnp.int32),
            pltpu.VMEM((10, 16), jnp.int32),
            pltpu.VMEM((N_CHUNKS, CHUNK_P * NUM_TABLES), jnp.int32),
            pltpu.VMEM((2, CHUNK_P * NUM_TABLES, EMBED_DIM), jnp.float32),
            [pltpu.SemaphoreType.DMA, pltpu.SemaphoreType.DMA],
        ],
        compiler_params=pltpu.CompilerParams(use_tc_tiling_on_sc=False),
    )
    return fn(table, tok_arr, consts)


def _mm_body(x_ref, w_ref, o_ref):
    o_ref[...] = lax.dot_general(
        x_ref[...], w_ref[...], (((1,), (1,)), ((), ())),
        preferred_element_type=jnp.float32)


def _matmul(x, w):
    m_blk = 1024
    grid = (x.shape[0] // m_blk,)
    return pl.pallas_call(
        _mm_body,
        grid=grid,
        in_specs=[
            pl.BlockSpec((m_blk, NUM_TABLES * EMBED_DIM),
                         lambda i: (i, jnp.int32(0))),
            pl.BlockSpec((N_EMBD, NUM_TABLES * EMBED_DIM),
                         lambda i: (jnp.int32(0), jnp.int32(0))),
        ],
        out_specs=pl.BlockSpec((m_blk, N_EMBD), lambda i: (i, jnp.int32(0))),
        out_shape=jax.ShapeDtypeStruct((x.shape[0], N_EMBD), jnp.float32),
    )(x, w)


def kernel(token_ids, table, W_out, hash_mults, hash_bias):
    tok32 = token_ids.astype(jnp.int32)
    sh0 = tok32
    sh1 = jnp.pad(tok32[:, :-1], ((0, 0), (1, 0)))
    sh2 = jnp.pad(tok32[:, :-2], ((0, 0), (2, 0)))
    stk = jnp.stack([sh0, sh1, sh2], axis=0)
    tok_arr = stk.reshape(3, NW, PPW).transpose(1, 0, 2).reshape(-1)

    mt = hash_mults.T
    ml = (mt & 0xFFFF).astype(jnp.int32)
    mh = (mt >> 16).astype(jnp.int32)
    consts = jnp.stack([
        ml[0], mh[0], ml[1], mh[1], ml[2], mh[2],
        hash_bias.astype(jnp.int32),
        jnp.asarray(_SIZES, jnp.int32),
        jnp.asarray(_C32, jnp.int32),
        jnp.asarray(_OFFS, jnp.int32),
    ])

    emb = _sc_gather(table, tok_arr, consts)
    x = emb.reshape(P_TOTAL, NUM_TABLES * EMBED_DIM)
    out = _matmul(x, W_out)
    return out.reshape(B, S, N_EMBD)

# --- scband reference (transcript-rebuilt; emitter-appended) ---
"""Pipeline reference for scband-ngram-hash-embedding-sample-37812892074113 (READ-ONLY COPY).

The authoritative reference and input builder live on the scoring server;
editing this copy changes nothing except your own understanding.
"""

import jax, jax.numpy as jnp
import numpy as np

jax.config.update("jax_enable_x64", True)

N_EMBD = 1024
ORDERS = (2, 3)
NUM_HEADS = 8
TABLE_SIZE = 100000
EMBED_DIM = 32
NUM_TABLES = len(ORDERS) * NUM_HEADS
MAX_ORDER = max(ORDERS)
BATCH, STEPS = 4, 2048
VOCAB = 50257

PRIMES = [499801, 499819, 499853, 499879, 499883, 499897, 499903, 499927, 499943, 499957, 499969, 499973, 499979, 500009, 500029, 500041]

def pick_primes(count, target_size):
    candidates = [p for p in PRIMES if abs(p - target_size) / target_size < 0.5]
    if len(candidates) >= count:
        return candidates[:count]
    return [target_size + i for i in range(count)]

TABLE_SIZES = pick_primes(NUM_TABLES, TABLE_SIZE)
OFFSETS = []
_total = 0
for s in TABLE_SIZES:
    OFFSETS.append(_total)
    _total += s
TOTAL_ROWS = _total

_order_list = []
for order in ORDERS:
    for _ in range(NUM_HEADS):
        _order_list.append(order)
_order_mask = np.zeros((MAX_ORDER, NUM_TABLES), dtype=np.int64)
for t, order in enumerate(_order_list):
    for pos in range(order):
        _order_mask[pos, t] = 1
ORDER_MASK = jnp.asarray(_order_mask)
TABLE_SIZES_T = jnp.asarray(np.array(TABLE_SIZES, dtype=np.int64))
TABLE_OFFSETS = jnp.asarray(np.array(OFFSETS, dtype=np.int64))


def setup_inputs(seed: int = 0) -> dict:
    key = jax.random.key(seed)
    k1, k2, k3, k4, k5 = jax.random.split(key, 5)
    token_ids = jax.random.randint(k1, (BATCH, STEPS), 0, VOCAB, dtype=jnp.int64)
    table = jax.random.normal(k2, (TOTAL_ROWS, EMBED_DIM), dtype=jnp.float32) * 0.02
    W_out = jax.random.normal(k3, (N_EMBD, NUM_TABLES * EMBED_DIM), dtype=jnp.float32) * 0.02
    hash_mults = jax.random.randint(k4, (NUM_TABLES, MAX_ORDER), 1, 2 ** 31, dtype=jnp.int64) | 1
    hash_bias = jax.random.randint(k5, (NUM_TABLES,), 0, 2 ** 31, dtype=jnp.int64)
    return {"token_ids": token_ids, "table": table, "W_out": W_out, "hash_mults": hash_mults, "hash_bias": hash_bias}


def _hash_all(token_ids, hash_mults, hash_bias):
    shifted_list = [token_ids]
    for shift in range(1, MAX_ORDER):
        shifted_list.append(jnp.pad(token_ids[:, :-shift], ((0, 0), (shift, 0))))
    shifted = jnp.stack(shifted_list, axis=0)  # (MAX_ORDER, B, S)
    mults = hash_mults.T[:, :, None, None]  # (MAX_ORDER, NUM_TABLES, 1, 1)
    mask = ORDER_MASK[:, :, None, None]
    product = mults * shifted[:, None, :, :] * mask  # (MAX_ORDER, NUM_TABLES, B, S)
    hashed = product[0]
    for idx in range(1, MAX_ORDER):
        hashed = hashed ^ product[idx]
    hashed = hashed ^ hash_bias[:, None, None]
    hashed = hashed % TABLE_SIZES_T[:, None, None]
    unified = hashed + TABLE_OFFSETS[:, None, None]  # (NUM_TABLES, B, S)
    return jnp.transpose(unified, (1, 0, 2))  # (B, NUM_TABLES, S)


def reference(token_ids, table, W_out, hash_mults, hash_bias):
    unified_indices = _hash_all(token_ids, hash_mults, hash_bias)
    batch, num_tables, steps = unified_indices.shape
    flat_indices = unified_indices.reshape(-1)
    flat_emb = jnp.take(table, flat_indices, axis=0)
    emb = flat_emb.reshape(batch, num_tables, steps, EMBED_DIM)
    emb = jnp.transpose(emb, (0, 2, 1, 3)).reshape(batch, steps, num_tables * EMBED_DIM)
    out = emb @ W_out.T
    return out

if __name__ == "__main__":
    import jax
    _d = setup_inputs()
    print(jax.jit(kernel)(*tuple(_d.values())))

</pallas_src>

<mosaic_0001>
#map = affine_map<(d0, d1) -> (0, 0)>
#map1 = affine_map<(d0, d1) -> (0)>
module attributes {stable_mosaic.version = 14 : i64} {
  func.func @_sc_body(%arg0: i32, %arg1: i32, %arg2: memref<1600120x32xf32, #tpu.memory_space<hbm>>, %arg3: memref<24576xi32, #tpu.memory_space<hbm>>, %arg4: memref<10x16xi32, #tpu.memory_space<hbm>>, %arg5: memref<131072x32xf32, #tpu.memory_space<hbm>>, %arg6: memref<768xi32, #tpu.memory_space<vmem>>, %arg7: memref<10x16xi32, #tpu.memory_space<vmem>>, %arg8: memref<32x128xi32, #tpu.memory_space<vmem>>, %arg9: memref<2x128x32xf32, #tpu.memory_space<vmem>>, %arg10: memref<!tpu.dma_semaphore, #tpu.memory_space<semaphore_mem>>, %arg11: memref<!tpu.dma_semaphore, #tpu.memory_space<semaphore_mem>>) attributes {dimension_semantics = [#tpu.dimension_semantics<core_parallel>, #tpu.dimension_semantics<subcore_parallel>], iteration_bounds = array<i64: 2, 16>, scalar_prefetch = 0 : i64, scratch_operands = 6 : i64, tpu.core_type = #tpu.core_type<sc_vector_subcore>, window_params = [{transform_indices = #map}, {transform_indices = #map1}, {transform_indices = #map}, {transform_indices = #map}]} {
    %mul3A = arith.constant 2 : i32
    %mul3A_0 = arith.muli %arg1, %mul3A : i32
    %add3A = arith.addi %mul3A_0, %arg0 : i32
    %mul3A_1 = arith.constant 256 : i32
    %mul3A_2 = arith.muli %add3A, %mul3A_1 : i32
    %mul3A_3 = arith.constant 768 : i32
    %mul3A_4 = arith.muli %add3A, %mul3A_3 : i32
    "tpu.region"() ({
      %run_scoped3A_1001 = tpu.sem_alloc : memref<!tpu.dma_semaphore, #tpu.memory_space<semaphore_mem>>
      %dma_start3A_1002 = tpu.memref_slice %arg3[%mul3A_4] : memref<24576xi32, #tpu.memory_space<hbm>> -> memref<768xi32, #tpu.memory_space<hbm>>
      %dma_start3A_1003 = tpu.memref_slice %arg3[%mul3A_4] : memref<24576xi32, #tpu.memory_space<hbm>> -> memref<768xi32, #tpu.memory_space<hbm>>
      tpu.enqueue_dma source(%dma_start3A_1003 : memref<768xi32, #tpu.memory_space<hbm>>) target(%arg6 : memref<768xi32, #tpu.memory_space<vmem>>) target_semaphore(%run_scoped3A_1001 : memref<!tpu.dma_semaphore, #tpu.memory_space<semaphore_mem>>)
      %dma_wait3A_1004 = tpu.memref_slice %arg3[%mul3A_4] : memref<24576xi32, #tpu.memory_space<hbm>> -> memref<768xi32, #tpu.memory_space<hbm>>
      %dma_wait3A_1005 = tpu.memref_slice %arg3[%mul3A_4] : memref<24576xi32, #tpu.memory_space<hbm>> -> memref<768xi32, #tpu.memory_space<hbm>>
      tpu.wait_dma2 semaphore(%run_scoped3A_1001 : memref<!tpu.dma_semaphore, #tpu.memory_space<semaphore_mem>>) src(%dma_wait3A_1005 : memref<768xi32, #tpu.memory_space<hbm>>) dst(%arg6 : memref<768xi32, #tpu.memory_space<vmem>>)
      tpu.yield
    }) : () -> ()
    "tpu.region"() ({
      %run_scoped3A_1001 = tpu.sem_alloc : memref<!tpu.dma_semaphore, #tpu.memory_space<semaphore_mem>>
      tpu.enqueue_dma source(%arg4 : memref<10x16xi32, #tpu.memory_space<hbm>>) target(%arg7 : memref<10x16xi32, #tpu.memory_space<vmem>>) target_semaphore(%run_scoped3A_1001 : memref<!tpu.dma_semaphore, #tpu.memory_space<semaphore_mem>>)
      tpu.wait_dma2 semaphore(%run_scoped3A_1001 : memref<!tpu.dma_semaphore, #tpu.memory_space<semaphore_mem>>) src(%arg4 : memref<10x16xi32, #tpu.memory_space<hbm>>) dst(%arg7 : memref<10x16xi32, #tpu.memory_space<vmem>>)
      tpu.yield
    }) : () -> ()
    %get3A = arith.constant 0 : i64
    %get3A_5 = arith.index_cast %get3A : i64 to index
    %get3A_6 = arith.constant 0 : index
    %get3A_7 = tpu.vector_load %arg7[%get3A_5, %get3A_6] {strides = array<i32>} : memref<10x16xi32, #tpu.memory_space<vmem>>, vector<1x16xi32>,
    %get3A_8 = vector.shape_cast %get3A_7 : vector<1x16xi32> to vector<16xi32>
    %bitcast3A = vector.bitcast %get3A_8 : vector<16xi32> to vector<16xi32>
    %get3A_9 = arith.constant 1 : i64
    %get3A_10 = arith.index_cast %get3A_9 : i64 to index
    %get3A_11 = arith.constant 0 : index
    %get3A_12 = tpu.vector_load %arg7[%get3A_10, %get3A_11] {strides = array<i32>} : memref<10x16xi32, #tpu.memory_space<vmem>>, vector<1x16xi32>,
    %get3A_13 = vector.shape_cast %get3A_12 : vector<1x16xi32> to vector<16xi32>
    %bitcast3A_14 = vector.bitcast %get3A_13 : vector<16xi32> to vector<16xi32>
    %get3A_15 = arith.constant 2 : i64
    %get3A_16 = arith.index_cast %get3A_15 : i64 to index
    %get3A_17 = arith.constant 0 : index
    %get3A_18 = tpu.vector_load %arg7[%get3A_16, %get3A_17] {strides = array<i32>} : memref<10x16xi32, #tpu.memory_space<vmem>>, vector<1x16xi32>,
    %get3A_19 = vector.shape_cast %get3A_18 : vector<1x16xi32> to vector<16xi32>
    %bitcast3A_20 = vector.bitcast %get3A_19 : vector<16xi32> to vector<16xi32>
    %get3A_21 = arith.constant 3 : i64
    %get3A_22 = arith.index_cast %get3A_21 : i64 to index
    %get3A_23 = arith.constant 0 : index
    %get3A_24 = tpu.vector_load %arg7[%get3A_22, %get3A_23] {strides = array<i32>} : memref<10x16xi32, #tpu.memory_space<vmem>>, vector<1x16xi32>,
    %get3A_25 = vector.shape_cast %get3A_24 : vector<1x16xi32> to vector<16xi32>
    %bitcast3A_26 = vector.bitcast %get3A_25 : vector<16xi32> to vector<16xi32>
    %get3A_27 = arith.constant 4 : i64
    %get3A_28 = arith.index_cast %get3A_27 : i64 to index
    %get3A_29 = arith.constant 0 : index
    %get3A_30 = tpu.vector_load %arg7[%get3A_28, %get3A_29] {strides = array<i32>} : memref<10x16xi32, #tpu.memory_space<vmem>>, vector<1x16xi32>,
    %get3A_31 = vector.shape_cast %get3A_30 : vector<1x16xi32> to vector<16xi32>
    %bitcast3A_32 = vector.bitcast %get3A_31 : vector<16xi32> to vector<16xi32>
    %get3A_33 = arith.constant 5 : i64
    %get3A_34 = arith.index_cast %get3A_33 : i64 to index
    %get3A_35 = arith.constant 0 : index
    %get3A_36 = tpu.vector_load %arg7[%get3A_34, %get3A_35] {strides = array<i32>} : memref<10x16xi32, #tpu.memory_space<vmem>>, vector<1x16xi32>,
    %get3A_37 = vector.shape_cast %get3A_36 : vector<1x16xi32> to vector<16xi32>
    %bitcast3A_38 = vector.bitcast %get3A_37 : vector<16xi32> to vector<16xi32>
    %get3A_39 = arith.constant 6 : i64
    %get3A_40 = arith.index_cast %get3A_39 : i64 to index
    %get3A_41 = arith.constant 0 : index
    %get3A_42 = tpu.vector_load %arg7[%get3A_40, %get3A_41] {strides = array<i32>} : memref<10x16xi32, #tpu.memory_space<vmem>>, vector<1x16xi32>,
    %get3A_43 = vector.shape_cast %get3A_42 : vector<1x16xi32> to vector<16xi32>
    %bitcast3A_44 = vector.bitcast %get3A_43 : vector<16xi32> to vector<16xi32>
    %get3A_45 = arith.constant 7 : i64
    %get3A_46 = arith.index_cast %get3A_45 : i64 to index
    %get3A_47 = arith.constant 0 : index
    %get3A_48 = tpu.vector_load %arg7[%get3A_46, %get3A_47] {strides = array<i32>} : memref<10x16xi32, #tpu.memory_space<vmem>>, vector<1x16xi32>,
    %get3A_49 = vector.shape_cast %get3A_48 : vector<1x16xi32> to vector<16xi32>
    %bitcast3A_50 = vector.bitcast %get3A_49 : vector<16xi32> to vector<16xi32>
    %get3A_51 = arith.constant 8 : i64
    %get3A_52 = arith.index_cast %get3A_51 : i64 to index
    %get3A_53 = arith.constant 0 : index
    %get3A_54 = tpu.vector_load %arg7[%get3A_52, %get3A_53] {strides = array<i32>} : memref<10x16xi32, #tpu.memory_space<vmem>>, vector<1x16xi32>,
    %get3A_55 = vector.shape_cast %get3A_54 : vector<1x16xi32> to vector<16xi32>
    %bitcast3A_56 = vector.bitcast %get3A_55 : vector<16xi32> to vector<16xi32>
    %get3A_57 = arith.constant 9 : i64
    %get3A_58 = arith.index_cast %get3A_57 : i64 to index
    %get3A_59 = arith.constant 0 : index
    %get3A_60 = tpu.vector_load %arg7[%get3A_58, %get3A_59] {strides = array<i32>} : memref<10x16xi32, #tpu.memory_space<vmem>>, vector<1x16xi32>,
    %get3A_61 = vector.shape_cast %get3A_60 : vector<1x16xi32> to vector<16xi32>
    %bitcast3A_62 = vector.bitcast %get3A_61 : vector<16xi32> to vector<16xi32>
    %iota3A = tpu.iota {dimensions = array<i32: 0>} : vector<16xi32>
    %ge3A = arith.constant 8 : i32
    %ge3A_63 = vector.broadcast %ge3A : i32 to vector<16xi32>
    %ge3A_64 = arith.cmpi sge, %iota3A, %ge3A_63 : vector<16xi32>
    %broadcast_in_dim3A = arith.constant 0 : i32
    %broadcast_in_dim3A_65 = vector.broadcast %broadcast_in_dim3A : i32 to vector<16xi32>
    %broadcast_in_dim3A_66 = arith.constant 1 : i32
    %broadcast_in_dim3A_67 = vector.broadcast %broadcast_in_dim3A_66 : i32 to vector<16xi32>
    %broadcast_in_dim3A_68 = arith.constant 16 : i32
    %broadcast_in_dim3A_69 = vector.broadcast %broadcast_in_dim3A_68 : i32 to vector<16xi32>
    %scan3A = arith.constant 0 : i32
    %scan3A_70 = arith.constant 0 : i32
    %scan3A_71 = arith.constant 16 : i32
    %scan3A_72 = arith.addi %scan3A_70, %scan3A_71 : i32
    %scan3A_73 = arith.constant 1 : i32
    %scan3A_74 = scf.for %scan3A_1001 = %scan3A_70 to %scan3A_72 step %scan3A_73 iter_args(%scan3A_1002 = %scan3A) -> (i32)  : i32 {
      %mul3A_1003 = arith.constant 16 : i32
      %mul3A_1004 = arith.muli %scan3A_1002, %mul3A_1003 : i32
      %get3A_1005 = arith.index_cast %mul3A_1004 : i32 to index
      %get3A_1006 = tpu.vector_load %arg6[%get3A_1005] {strides = array<i32>} : memref<768xi32, #tpu.memory_space<vmem>>, vector<16xi32>,
      %get3A_1007 = vector.shape_cast %get3A_1006 : vector<16xi32> to vector<16xi32>
      %add3A_1008 = arith.constant 256 : i32
      %add3A_1009 = arith.addi %mul3A_1004, %add3A_1008 : i32
      %get3A_1010 = arith.index_cast %add3A_1009 : i32 to index
      %get3A_1011 = tpu.vector_load %arg6[%get3A_1010] {strides = array<i32>} : memref<768xi32, #tpu.memory_space<vmem>>, vector<16xi32>,
      %get3A_1012 = vector.shape_cast %get3A_1011 : vector<16xi32> to vector<16xi32>
      %add3A_1013 = arith.constant 512 : i32
      %add3A_1014 = arith.addi %mul3A_1004, %add3A_1013 : i32
      %get3A_1015 = arith.index_cast %add3A_1014 : i32 to index
      %get3A_1016 = tpu.vector_load %arg6[%get3A_1015] {strides = array<i32>} : memref<768xi32, #tpu.memory_space<vmem>>, vector<16xi32>,
      %get3A_1017 = vector.shape_cast %get3A_1016 : vector<16xi32> to vector<16xi32>
      %broadcast_in_dim3A_1018 = arith.constant 0 : i32
      %broadcast_in_dim3A_1019 = vector.broadcast %broadcast_in_dim3A_1018 : i32 to vector<16x1xi32>
      %gather3A = vector.shape_cast %broadcast_in_dim3A_1019 : vector<16x1xi32> to vector<16xi32>
      %gather3A_1020 = tpu.dynamic_gather %get3A_1007[%gather3A] in [0] : vector<16xi32>, vector<16xi32> -> vector<16xi32>
      %bitcast3A_1021 = vector.bitcast %gather3A_1020 : vector<16xi32> to vector<16xi32>
      %broadcast_in_dim3A_1022 = arith.constant 0 : i32
      %broadcast_in_dim3A_1023 = vector.broadcast %broadcast_in_dim3A_1022 : i32 to vector<16x1xi32>
      %gather3A_1024 = vector.shape_cast %broadcast_in_dim3A_1023 : vector<16x1xi32> to vector<16xi32>
      %gather3A_1025 = tpu.dynamic_gather %get3A_1012[%gather3A_1024] in [0] : vector<16xi32>, vector<16xi32> -> vector<16xi32>
      %bitcast3A_1026 = vector.bitcast %gather3A_1025 : vector<16xi32> to vector<16xi32>
      %broadcast_in_dim3A_1027 = arith.constant 0 : i32
      %broadcast_in_dim3A_1028 = vector.broadcast %broadcast_in_dim3A_1027 : i32 to vector<16x1xi32>
      %gather3A_1029 = vector.shape_cast %broadcast_in_dim3A_1028 : vector<16x1xi32> to vector<16xi32>
      %gather3A_1030 = tpu.dynamic_gather %get3A_1017[%gather3A_1029] in [0] : vector<16xi32>, vector<16xi32> -> vector<16xi32>
      %bitcast3A_1031 = vector.bitcast %gather3A_1030 : vector<16xi32> to vector<16xi32>
      %select_n3A = arith.select %ge3A_64, %bitcast3A_1031, %broadcast_in_dim3A_65 : vector<16xi1>, vector<16xi32>
      %mul3A_1032 = arith.muli %bitcast3A, %bitcast3A_1021 : vector<16xi32>
      %mul3A_1033 = arith.muli %bitcast3A_14, %bitcast3A_1021 : vector<16xi32>
      %shift_left3A = arith.shli %mul3A_1033, %broadcast_in_dim3A_69 : vector<16xi32>
      %add3A_1034 = arith.addi %mul3A_1032, %shift_left3A : vector<16xi32>
      %lt3A = arith.cmpi ult, %add3A_1034, %mul3A_1032 : vector<16xi32>
      %select_n3A_1035 = arith.select %lt3A, %broadcast_in_dim3A_67, %broadcast_in_dim3A_65 : vector<16xi1>, vector<16xi32>
      %shift_right_logical3A = arith.shrui %mul3A_1033, %broadcast_in_dim3A_69 : vector<16xi32>
      %add3A_1036 = arith.addi %shift_right_logical3A, %select_n3A_1035 : vector<16xi32>
      %mul3A_1037 = arith.muli %bitcast3A_20, %bitcast3A_1026 : vector<16xi32>
      %mul3A_1038 = arith.muli %bitcast3A_26, %bitcast3A_1026 : vector<16xi32>
      %shift_left3A_1039 = arith.shli %mul3A_1038, %broadcast_in_dim3A_69 : vector<16xi32>
      %add3A_1040 = arith.addi %mul3A_1037, %shift_left3A_1039 : vector<16xi32>
      %lt3A_1041 = arith.cmpi ult, %add3A_1040, %mul3A_1037 : vector<16xi32>
      %select_n3A_1042 = arith.select %lt3A_1041, %broadcast_in_dim3A_67, %broadcast_in_dim3A_65 : vector<16xi1>, vector<16xi32>
      %shift_right_logical3A_1043 = arith.shrui %mul3A_1038, %broadcast_in_dim3A_69 : vector<16xi32>
      %add3A_1044 = arith.addi %shift_right_logical3A_1043, %select_n3A_1042 : vector<16xi32>
      %mul3A_1045 = arith.muli %bitcast3A_32, %select_n3A : vector<16xi32>
      %mul3A_1046 = arith.muli %bitcast3A_38, %select_n3A : vector<16xi32>
      %shift_left3A_1047 = arith.shli %mul3A_1046, %broadcast_in_dim3A_69 : vector<16xi32>
      %add3A_1048 = arith.addi %mul3A_1045, %shift_left3A_1047 : vector<16xi32>
      %lt3A_1049 = arith.cmpi ult, %add3A_1048, %mul3A_1045 : vector<16xi32>
      %select_n3A_1050 = arith.select %lt3A_1049, %broadcast_in_dim3A_67, %broadcast_in_dim3A_65 : vector<16xi1>, vector<16xi32>
      %shift_right_logical3A_1051 = arith.shrui %mul3A_1046, %broadcast_in_dim3A_69 : vector<16xi32>
      %add3A_1052 = arith.addi %shift_right_logical3A_1051, %select_n3A_1050 : vector<16xi32>
      %xor3A = arith.xori %add3A_1034, %add3A_1040 : vector<16xi32>
      %xor3A_1053 = arith.xori %xor3A, %add3A_1048 : vector<16xi32>
      %xor3A_1054 = arith.xori %xor3A_1053, %bitcast3A_44 : vector<16xi32>
      %xor3A_1055 = arith.xori %add3A_1036, %add3A_1044 : vector<16xi32>
      %xor3A_1056 = arith.xori %xor3A_1055, %add3A_1052 : vector<16xi32>
      %rem3A = arith.remui %xor3A_1054, %bitcast3A_50 : vector<16xi32>
      %mul3A_1057 = arith.muli %xor3A_1056, %bitcast3A_56 : vector<16xi32>
      %add3A_1058 = arith.addi %mul3A_1057, %rem3A : vector<16xi32>
      %rem3A_1059 = arith.remui %add3A_1058, %bitcast3A_50 : vector<16xi32>
      %add3A_1060 = arith.addi %rem3A_1059, %bitcast3A_62 : vector<16xi32>
      %bitcast3A_1061 = vector.bitcast %add3A_1060 : vector<16xi32> to vector<16xi32>
      %mul3A_1062 = arith.constant 2 : i32
      %mul3A_1063 = arith.muli %scan3A_1002, %mul3A_1062 : i32
      %add3A_1064 = arith.constant 0 : i32
      %add3A_1065 = arith.addi %mul3A_1063, %add3A_1064 : i32
      %swap3A = arith.index_cast %add3A_1065 : i32 to index
      %swap3A_1066 = arith.constant 0 : index
      %swap3A_1067 = tpu.vector_load %arg8[%swap3A, %swap3A_1066] {strides = array<i32>} : memref<32x128xi32, #tpu.memory_space<vmem>>, vector<1x16xi32>,
      %swap3A_1068 = vector.shape_cast %swap3A_1067 : vector<1x16xi32> to vector<16xi32>
      %swap3A_1069 = vector.shape_cast %bitcast3A_1061 : vector<16xi32> to vector<1x16xi32>
      tpu.vector_store %arg8[%swap3A, %swap3A_1066], %swap3A_1069 {strides = array<i32>} : memref<32x128xi32, #tpu.memory_space<vmem>>, vector<1x16xi32>,
      %broadcast_in_dim3A_1070 = arith.constant 1 : i32
      %broadcast_in_dim3A_1071 = vector.broadcast %broadcast_in_dim3A_1070 : i32 to vector<16x1xi32>
      %gather3A_1072 = vector.shape_cast %broadcast_in_dim3A_1071 : vector<16x1xi32> to vector<16xi32>
      %gather3A_1073 = tpu.dynamic_gather %get3A_1007[%gather3A_1072] in [0] : vector<16xi32>, vector<16xi32> -> vector<16xi32>
      %bitcast3A_1074 = vector.bitcast %gather3A_1073 : vector<16xi32> to vector<16xi32>
      %broadcast_in_dim3A_1075 = arith.constant 1 : i32
      %broadcast_in_dim3A_1076 = vector.broadcast %broadcast_in_dim3A_1075 : i32 to vector<16x1xi32>
      %gather3A_1077 = vector.shape_cast %broadcast_in_dim3A_1076 : vector<16x1xi32> to vector<16xi32>
      %gather3A_1078 = tpu.dynamic_gather %get3A_1012[%gather3A_1077] in [0] : vector<16xi32>, vector<16xi32> -> vector<16xi32>
      %bitcast3A_1079 = vector.bitcast %gather3A_1078 : vector<16xi32> to vector<16xi32>
      %broadcast_in_dim3A_1080 = arith.constant 1 : i32
      %broadcast_in_dim3A_1081 = vector.broadcast %broadcast_in_dim3A_1080 : i32 to vector<16x1xi32>
      %gather3A_1082 = vector.shape_cast %broadcast_in_dim3A_1081 : vector<16x1xi32> to vector<16xi32>
      %gather3A_1083 = tpu.dynamic_gather %get3A_1017[%gather3A_1082] in [0] : vector<16xi32>, vector<16xi32> -> vector<16xi32>
      %bitcast3A_1084 = vector.bitcast %gather3A_1083 : vector<16xi32> to vector<16xi32>
      %select_n3A_1085 = arith.select %ge3A_64, %bitcast3A_1084, %broadcast_in_dim3A_65 : vector<16xi1>, vector<16xi32>
      %mul3A_1086 = arith.muli %bitcast3A, %bitcast3A_1074 : vector<16xi32>
      %mul3A_1087 = arith.muli %bitcast3A_14, %bitcast3A_1074 : vector<16xi32>
      %shift_left3A_1088 = arith.shli %mul3A_1087, %broadcast_in_dim3A_69 : vector<16xi32>
      %add3A_1089 = arith.addi %mul3A_1086, %shift_left3A_1088 : vector<16xi32>
      %lt3A_1090 = arith.cmpi ult, %add3A_1089, %mul3A_1086 : vector<16xi32>
      %select_n3A_1091 = arith.select %lt3A_1090, %broadcast_in_dim3A_67, %broadcast_in_dim3A_65 : vector<16xi1>, vector<16xi32>
      %shift_right_logical3A_1092 = arith.shrui %mul3A_1087, %broadcast_in_dim3A_69 : vector<16xi32>
      %add3A_1093 = arith.addi %shift_right_logical3A_1092, %select_n3A_1091 : vector<16xi32>
      %mul3A_1094 = arith.muli %bitcast3A_20, %bitcast3A_1079 : vector<16xi32>
      %mul3A_1095 = arith.muli %bitcast3A_26, %bitcast3A_1079 : vector<16xi32>
      %shift_left3A_1096 = arith.shli %mul3A_1095, %broadcast_in_dim3A_69 : vector<16xi32>
      %add3A_1097 = arith.addi %mul3A_1094, %shift_left3A_1096 : vector<16xi32>
      %lt3A_1098 = arith.cmpi ult, %add3A_1097, %mul3A_1094 : vector<16xi32>
      %select_n3A_1099 = arith.select %lt3A_1098, %broadcast_in_dim3A_67, %broadcast_in_dim3A_65 : vector<16xi1>, vector<16xi32>
      %shift_right_logical3A_1100 = arith.shrui %mul3A_1095, %broadcast_in_dim3A_69 : vector<16xi32>
      %add3A_1101 = arith.addi %shift_right_logical3A_1100, %select_n3A_1099 : vector<16xi32>
      %mul3A_1102 = arith.muli %bitcast3A_32, %select_n3A_1085 : vector<16xi32>
      %mul3A_1103 = arith.muli %bitcast3A_38, %select_n3A_1085 : vector<16xi32>
      %shift_left3A_1104 = arith.shli %mul3A_1103, %broadcast_in_dim3A_69 : vector<16xi32>
      %add3A_1105 = arith.addi %mul3A_1102, %shift_left3A_1104 : vector<16xi32>
      %lt3A_1106 = arith.cmpi ult, %add3A_1105, %mul3A_1102 : vector<16xi32>
      %select_n3A_1107 = arith.select %lt3A_1106, %broadcast_in_dim3A_67, %broadcast_in_dim3A_65 : vector<16xi1>, vector<16xi32>
      %shift_right_logical3A_1108 = arith.shrui %mul3A_1103, %broadcast_in_dim3A_69 : vector<16xi32>
      %add3A_1109 = arith.addi %shift_right_logical3A_1108, %select_n3A_1107 : vector<16xi32>
      %xor3A_1110 = arith.xori %add3A_1089, %add3A_1097 : vector<16xi32>
      %xor3A_1111 = arith.xori %xor3A_1110, %add3A_1105 : vector<16xi32>
      %xor3A_1112 = arith.xori %xor3A_1111, %bitcast3A_44 : vector<16xi32>
      %xor3A_1113 = arith.xori %add3A_1093, %add3A_1101 : vector<16xi32>
      %xor3A_1114 = arith.xori %xor3A_1113, %add3A_1109 : vector<16xi32>
      %rem3A_1115 = arith.remui %xor3A_1112, %bitcast3A_50 : vector<16xi32>
      %mul3A_1116 = arith.muli %xor3A_1114, %bitcast3A_56 : vector<16xi32>
      %add3A_1117 = arith.addi %mul3A_1116, %rem3A_1115 : vector<16xi32>
      %rem3A_1118 = arith.remui %add3A_1117, %bitcast3A_50 : vector<16xi32>
      %add3A_1119 = arith.addi %rem3A_1118, %bitcast3A_62 : vector<16xi32>
      %bitcast3A_1120 = vector.bitcast %add3A_1119 : vector<16xi32> to vector<16xi32>
      %mul3A_1121 = arith.constant 2 : i32
      %mul3A_1122 = arith.muli %scan3A_1002, %mul3A_1121 : i32
      %add3A_1123 = arith.constant 0 : i32
      %add3A_1124 = arith.addi %mul3A_1122, %add3A_1123 : i32
      %swap3A_1125 = arith.index_cast %add3A_1124 : i32 to index
      %swap3A_1126 = arith.constant 16 : index
      %swap3A_1127 = tpu.vector_load %arg8[%swap3A_1125, %swap3A_1126] {strides = array<i32>} : memref<32x128xi32, #tpu.memory_space<vmem>>, vector<1x16xi32>,
      %swap3A_1128 = vector.shape_cast %swap3A_1127 : vector<1x16xi32> to vector<16xi32>
      %swap3A_1129 = vector.shape_cast %bitcast3A_1120 : vector<16xi32> to vector<1x16xi32>
      tpu.vector_store %arg8[%swap3A_1125, %swap3A_1126], %swap3A_1129 {strides = array<i32>} : memref<32x128xi32, #tpu.memory_space<vmem>>, vector<1x16xi32>,
      %broadcast_in_dim3A_1130 = arith.constant 2 : i32
      %broadcast_in_dim3A_1131 = vector.broadcast %broadcast_in_dim3A_1130 : i32 to vector<16x1xi32>
      %gather3A_1132 = vector.shape_cast %broadcast_in_dim3A_1131 : vector<16x1xi32> to vector<16xi32>
      %gather3A_1133 = tpu.dynamic_gather %get3A_1007[%gather3A_1132] in [0] : vector<16xi32>, vector<16xi32> -> vector<16xi32>
      %bitcast3A_1134 = vector.bitcast %gather3A_1133 : vector<16xi32> to vector<16xi32>
      %broadcast_in_dim3A_1135 = arith.constant 2 : i32
      %broadcast_in_dim3A_1136 = vector.broadcast %broadcast_in_dim3A_1135 : i32 to vector<16x1xi32>
      %gather3A_1137 = vector.shape_cast %broadcast_in_dim3A_1136 : vector<16x1xi32> to vector<16xi32>
      %gather3A_1138 = tpu.dynamic_gather %get3A_1012[%gather3A_1137] in [0] : vector<16xi32>, vector<16xi32> -> vector<16xi32>
      %bitcast3A_1139 = vector.bitcast %gather3A_1138 : vector<16xi32> to vector<16xi32>
      %broadcast_in_dim3A_1140 = arith.constant 2 : i32
      %broadcast_in_dim3A_1141 = vector.broadcast %broadcast_in_dim3A_1140 : i32 to vector<16x1xi32>
      %gather3A_1142 = vector.shape_cast %broadcast_in_dim3A_1141 : vector<16x1xi32> to vector<16xi32>
      %gather3A_1143 = tpu.dynamic_gather %get3A_1017[%gather3A_1142] in [0] : vector<16xi32>, vector<16xi32> -> vector<16xi32>
      %bitcast3A_1144 = vector.bitcast %gather3A_1143 : vector<16xi32> to vector<16xi32>
      %select_n3A_1145 = arith.select %ge3A_64, %bitcast3A_1144, %broadcast_in_dim3A_65 : vector<16xi1>, vector<16xi32>
      %mul3A_1146 = arith.muli %bitcast3A, %bitcast3A_1134 : vector<16xi32>
      %mul3A_1147 = arith.muli %bitcast3A_14, %bitcast3A_1134 : vector<16xi32>
      %shift_left3A_1148 = arith.shli %mul3A_1147, %broadcast_in_dim3A_69 : vector<16xi32>
      %add3A_1149 = arith.addi %mul3A_1146, %shift_left3A_1148 : vector<16xi32>
      %lt3A_1150 = arith.cmpi ult, %add3A_1149, %mul3A_1146 : vector<16xi32>
      %select_n3A_1151 = arith.select %lt3A_1150, %broadcast_in_dim3A_67, %broadcast_in_dim3A_65 : vector<16xi1>, vector<16xi32>
      %shift_right_logical3A_1152 = arith.shrui %mul3A_1147, %broadcast_in_dim3A_69 : vector<16xi32>
      %add3A_1153 = arith.addi %shift_right_logical3A_1152, %select_n3A_1151 : vector<16xi32>
      %mul3A_1154 = arith.muli %bitcast3A_20, %bitcast3A_1139 : vector<16xi32>
      %mul3A_1155 = arith.muli %bitcast3A_26, %bitcast3A_1139 : vector<16xi32>
      %shift_left3A_1156 = arith.shli %mul3A_1155, %broadcast_in_dim3A_69 : vector<16xi32>
      %add3A_1157 = arith.addi %mul3A_1154, %shift_left3A_1156 : vector<16xi32>
      %lt3A_1158 = arith.cmpi ult, %add3A_1157, %mul3A_1154 : vector<16xi32>
      %select_n3A_1159 = arith.select %lt3A_1158, %broadcast_in_dim3A_67, %broadcast_in_dim3A_65 : vector<16xi1>, vector<16xi32>
      %shift_right_logical3A_1160 = arith.shrui %mul3A_1155, %broadcast_in_dim3A_69 : vector<16xi32>
      %add3A_1161 = arith.addi %shift_right_logical3A_1160, %select_n3A_1159 : vector<16xi32>
      %mul3A_1162 = arith.muli %bitcast3A_32, %select_n3A_1145 : vector<16xi32>
      %mul3A_1163 = arith.muli %bitcast3A_38, %select_n3A_1145 : vector<16xi32>
      %shift_left3A_1164 = arith.shli %mul3A_1163, %broadcast_in_dim3A_69 : vector<16xi32>
      %add3A_1165 = arith.addi %mul3A_1162, %shift_left3A_1164 : vector<16xi32>
      %lt3A_1166 = arith.cmpi ult, %add3A_1165, %mul3A_1162 : vector<16xi32>
      %select_n3A_1167 = arith.select %lt3A_1166, %broadcast_in_dim3A_67, %broadcast_in_dim3A_65 : vector<16xi1>, vector<16xi32>
      %shift_right_logical3A_1168 = arith.shrui %mul3A_1163, %broadcast_in_dim3A_69 : vector<16xi32>
      %add3A_1169 = arith.addi %shift_right_logical3A_1168, %select_n3A_1167 : vector<16xi32>
      %xor3A_1170 = arith.xori %add3A_1149, %add3A_1157 : vector<16xi32>
      %xor3A_1171 = arith.xori %xor3A_1170, %add3A_1165 : vector<16xi32>
      %xor3A_1172 = arith.xori %xor3A_1171, %bitcast3A_44 : vector<16xi32>
      %xor3A_1173 = arith.xori %add3A_1153, %add3A_1161 : vector<16xi32>
      %xor3A_1174 = arith.xori %xor3A_1173, %add3A_1169 : vector<16xi32>
      %rem3A_1175 = arith.remui %xor3A_1172, %bitcast3A_50 : vector<16xi32>
      %mul3A_1176 = arith.muli %xor3A_1174, %bitcast3A_56 : vector<16xi32>
      %add3A_1177 = arith.addi %mul3A_1176, %rem3A_1175 : vector<16xi32>
      %rem3A_1178 = arith.remui %add3A_1177, %bitcast3A_50 : vector<16xi32>
      %add3A_1179 = arith.addi %rem3A_1178, %bitcast3A_62 : vector<16xi32>
      %bitcast3A_1180 = vector.bitcast %add3A_1179 : vector<16xi32> to vector<16xi32>
      %mul3A_1181 = arith.constant 2 : i32
      %mul3A_1182 = arith.muli %scan3A_1002, %mul3A_1181 : i32
      %add3A_1183 = arith.constant 0 : i32
      %add3A_1184 = arith.addi %mul3A_1182, %add3A_1183 : i32
      %swap3A_1185 = arith.index_cast %add3A_1184 : i32 to index
      %swap3A_1186 = arith.constant 32 : index
      %swap3A_1187 = tpu.vector_load %arg8[%swap3A_1185, %swap3A_1186] {strides = array<i32>} : memref<32x128xi32, #tpu.memory_space<vmem>>, vector<1x16xi32>,
      %swap3A_1188 = vector.shape_cast %swap3A_1187 : vector<1x16xi32> to vector<16xi32>
      %swap3A_1189 = vector.shape_cast %bitcast3A_1180 : vector<16xi32> to vector<1x16xi32>
      tpu.vector_store %arg8[%swap3A_1185, %swap3A_1186], %swap3A_1189 {strides = array<i32>} : memref<32x128xi32, #tpu.memory_space<vmem>>, vector<1x16xi32>,
      %broadcast_in_dim3A_1190 = arith.constant 3 : i32
      %broadcast_in_dim3A_1191 = vector.broadcast %broadcast_in_dim3A_1190 : i32 to vector<16x1xi32>
      %gather3A_1192 = vector.shape_cast %broadcast_in_dim3A_1191 : vector<16x1xi32> to vector<16xi32>
      %gather3A_1193 = tpu.dynamic_gather %get3A_1007[%gather3A_1192] in [0] : vector<16xi32>, vector<16xi32> -> vector<16xi32>
      %bitcast3A_1194 = vector.bitcast %gather3A_1193 : vector<16xi32> to vector<16xi32>
      %broadcast_in_dim3A_1195 = arith.constant 3 : i32
      %broadcast_in_dim3A_1196 = vector.broadcast %broadcast_in_dim3A_1195 : i32 to vector<16x1xi32>
      %gather3A_1197 = vector.shape_cast %broadcast_in_dim3A_1196 : vector<16x1xi32> to vector<16xi32>
      %gather3A_1198 = tpu.dynamic_gather %get3A_1012[%gather3A_1197] in [0] : vector<16xi32>, vector<16xi32> -> vector<16xi32>
      %bitcast3A_1199 = vector.bitcast %gather3A_1198 : vector<16xi32> to vector<16xi32>
      %broadcast_in_dim3A_1200 = arith.constant 3 : i32
      %broadcast_in_dim3A_1201 = vector.broadcast %broadcast_in_dim3A_1200 : i32 to vector<16x1xi32>
      %gather3A_1202 = vector.shape_cast %broadcast_in_dim3A_1201 : vector<16x1xi32> to vector<16xi32>
      %gather3A_1203 = tpu.dynamic_gather %get3A_1017[%gather3A_1202] in [0] : vector<16xi32>, vector<16xi32> -> vector<16xi32>
      %bitcast3A_1204 = vector.bitcast %gather3A_1203 : vector<16xi32> to vector<16xi32>
      %select_n3A_1205 = arith.select %ge3A_64, %bitcast3A_1204, %broadcast_in_dim3A_65 : vector<16xi1>, vector<16xi32>
      %mul3A_1206 = arith.muli %bitcast3A, %bitcast3A_1194 : vector<16xi32>
      %mul3A_1207 = arith.muli %bitcast3A_14, %bitcast3A_1194 : vector<16xi32>
      %shift_left3A_1208 = arith.shli %mul3A_1207, %broadcast_in_dim3A_69 : vector<16xi32>
      %add3A_1209 = arith.addi %mul3A_1206, %shift_left3A_1208 : vector<16xi32>
      %lt3A_1210 = arith.cmpi ult, %add3A_1209, %mul3A_1206 : vector<16xi32>
      %select_n3A_1211 = arith.select %lt3A_1210, %broadcast_in_dim3A_67, %broadcast_in_dim3A_65 : vector<16xi1>, vector<16xi32>
      %shift_right_logical3A_1212 = arith.shrui %mul3A_1207, %broadcast_in_dim3A_69 : vector<16xi32>
      %add3A_1213 = arith.addi %shift_right_logical3A_1212, %select_n3A_1211 : vector<16xi32>
      %mul3A_1214 = arith.muli %bitcast3A_20, %bitcast3A_1199 : vector<16xi32>
      %mul3A_1215 = arith.muli %bitcast3A_26, %bitcast3A_1199 : vector<16xi32>
      %shift_left3A_1216 = arith.shli %mul3A_1215, %broadcast_in_dim3A_69 : vector<16xi32>
      %add3A_1217 = arith.addi %mul3A_1214, %shift_left3A_1216 : vector<16xi32>
      %lt3A_1218 = arith.cmpi ult, %add3A_1217, %mul3A_1214 : vector<16xi32>
      %select_n3A_1219 = arith.select %lt3A_1218, %broadcast_in_dim3A_67, %broadcast_in_dim3A_65 : vector<16xi1>, vector<16xi32>
      %shift_right_logical3A_1220 = arith.shrui %mul3A_1215, %broadcast_in_dim3A_69 : vector<16xi32>
      %add3A_1221 = arith.addi %shift_right_logical3A_1220, %select_n3A_1219 : vector<16xi32>
      %mul3A_1222 = arith.muli %bitcast3A_32, %select_n3A_1205 : vector<16xi32>
      %mul3A_1223 = arith.muli %bitcast3A_38, %select_n3A_1205 : vector<16xi32>
      %shift_left3A_1224 = arith.shli %mul3A_1223, %broadcast_in_dim3A_69 : vector<16xi32>
      %add3A_1225 = arith.addi %mul3A_1222, %shift_left3A_1224 : vector<16xi32>
      %lt3A_1226 = arith.cmpi ult, %add3A_1225, %mul3A_1222 : vector<16xi32>
      %select_n3A_1227 = arith.select %lt3A_1226, %broadcast_in_dim3A_67, %broadcast_in_dim3A_65 : vector<16xi1>, vector<16xi32>
      %shift_right_logical3A_1228 = arith.shrui %mul3A_1223, %broadcast_in_dim3A_69 : vector<16xi32>
      %add3A_1229 = arith.addi %shift_right_logical3A_1228, %select_n3A_1227 : vector<16xi32>
      %xor3A_1230 = arith.xori %add3A_1209, %add3A_1217 : vector<16xi32>
      %xor3A_1231 = arith.xori %xor3A_1230, %add3A_1225 : vector<16xi32>
      %xor3A_1232 = arith.xori %xor3A_1231, %bitcast3A_44 : vector<16xi32>
      %xor3A_1233 = arith.xori %add3A_1213, %add3A_1221 : vector<16xi32>
      %xor3A_1234 = arith.xori %xor3A_1233, %add3A_1229 : vector<16xi32>
      %rem3A_1235 = arith.remui %xor3A_1232, %bitcast3A_50 : vector<16xi32>
      %mul3A_1236 = arith.muli %xor3A_1234, %bitcast3A_56 : vector<16xi32>
      %add3A_1237 = arith.addi %mul3A_1236, %rem3A_1235 : vector<16xi32>
      %rem3A_1238 = arith.remui %add3A_1237, %bitcast3A_50 : vector<16xi32>
      %add3A_1239 = arith.addi %rem3A_1238, %bitcast3A_62 : vector<16xi32>
      %bitcast3A_1240 = vector.bitcast %add3A_1239 : vector<16xi32> to vector<16xi32>
      %mul3A_1241 = arith.constant 2 : i32
      %mul3A_1242 = arith.muli %scan3A_1002, %mul3A_1241 : i32
      %add3A_1243 = arith.constant 0 : i32
      %add3A_1244 = arith.addi %mul3A_1242, %add3A_1243 : i32
      %swap3A_1245 = arith.index_cast %add3A_1244 : i32 to index
      %swap3A_1246 = arith.constant 48 : index
      %swap3A_1247 = tpu.vector_load %arg8[%swap3A_1245, %swap3A_1246] {strides = array<i32>} : memref<32x128xi32, #tpu.memory_space<vmem>>, vector<1x16xi32>,
      %swap3A_1248 = vector.shape_cast %swap3A_1247 : vector<1x16xi32> to vector<16xi32>
      %swap3A_1249 = vector.shape_cast %bitcast3A_1240 : vector<16xi32> to vector<1x16xi32>
      tpu.vector_store %arg8[%swap3A_1245, %swap3A_1246], %swap3A_1249 {strides = array<i32>} : memref<32x128xi32, #tpu.memory_space<vmem>>, vector<1x16xi32>,
      %broadcast_in_dim3A_1250 = arith.constant 4 : i32
      %broadcast_in_dim3A_1251 = vector.broadcast %broadcast_in_dim3A_1250 : i32 to vector<16x1xi32>
      %gather3A_1252 = vector.shape_cast %broadcast_in_dim3A_1251 : vector<16x1xi32> to vector<16xi32>
      %gather3A_1253 = tpu.dynamic_gather %get3A_1007[%gather3A_1252] in [0] : vector<16xi32>, vector<16xi32> -> vector<16xi32>
      %bitcast3A_1254 = vector.bitcast %gather3A_1253 : vector<16xi32> to vector<16xi32>
      %broadcast_in_dim3A_1255 = arith.constant 4 : i32
      %broadcast_in_dim3A_1256 = vector.broadcast %broadcast_in_dim3A_1255 : i32 to vector<16x1xi32>
      %gather3A_1257 = vector.shape_cast %broadcast_in_dim3A_1256 : vector<16x1xi32> to vector<16xi32>
      %gather3A_1258 = tpu.dynamic_gather %get3A_1012[%gather3A_1257] in [0] : vector<16xi32>, vector<16xi32> -> vector<16xi32>
      %bitcast3A_1259 = vector.bitcast %gather3A_1258 : vector<16xi32> to vector<16xi32>
      %broadcast_in_dim3A_1260 = arith.constant 4 : i32
      %broadcast_in_dim3A_1261 = vector.broadcast %broadcast_in_dim3A_1260 : i32 to vector<16x1xi32>
      %gather3A_1262 = vector.shape_cast %broadcast_in_dim3A_1261 : vector<16x1xi32> to vector<16xi32>
      %gather3A_1263 = tpu.dynamic_gather %get3A_1017[%gather3A_1262] in [0] : vector<16xi32>, vector<16xi32> -> vector<16xi32>
      %bitcast3A_1264 = vector.bitcast %gather3A_1263 : vector<16xi32> to vector<16xi32>
      %select_n3A_1265 = arith.select %ge3A_64, %bitcast3A_1264, %broadcast_in_dim3A_65 : vector<16xi1>, vector<16xi32>
      %mul3A_1266 = arith.muli %bitcast3A, %bitcast3A_1254 : vector<16xi32>
      %mul3A_1267 = arith.muli %bitcast3A_14, %bitcast3A_1254 : vector<16xi32>
      %shift_left3A_1268 = arith.shli %mul3A_1267, %broadcast_in_dim3A_69 : vector<16xi32>
      %add3A_1269 = arith.addi %mul3A_1266, %shift_left3A_1268 : vector<16xi32>
      %lt3A_1270 = arith.cmpi ult, %add3A_1269, %mul3A_1266 : vector<16xi32>
      %select_n3A_1271 = arith.select %lt3A_1270, %broadcast_in_dim3A_67, %broadcast_in_dim3A_65 : vector<16xi1>, vector<16xi32>
      %shift_right_logical3A_1272 = arith.shrui %mul3A_1267, %broadcast_in_dim3A_69 : vector<16xi32>
      %add3A_1273 = arith.addi %shift_right_logical3A_1272, %select_n3A_1271 : vector<16xi32>
      %mul3A_1274 = arith.muli %bitcast3A_20, %bitcast3A_1259 : vector<16xi32>
      %mul3A_1275 = arith.muli %bitcast3A_26, %bitcast3A_1259 : vector<16xi32>
      %shift_left3A_1276 = arith.shli %mul3A_1275, %broadcast_in_dim3A_69 : vector<16xi32>
      %add3A_1277 = arith.addi %mul3A_1274, %shift_left3A_1276 : vector<16xi32>
      %lt3A_1278 = arith.cmpi ult, %add3A_1277, %mul3A_1274 : vector<16xi32>
      %select_n3A_1279 = arith.select %lt3A_1278, %broadcast_in_dim3A_67, %broadcast_in_dim3A_65 : vector<16xi1>, vector<16xi32>
      %shift_right_logical3A_1280 = arith.shrui %mul3A_1275, %broadcast_in_dim3A_69 : vector<16xi32>
      %add3A_1281 = arith.addi %shift_right_logical3A_1280, %select_n3A_1279 : vector<16xi32>
      %mul3A_1282 = arith.muli %bitcast3A_32, %select_n3A_1265 : vector<16xi32>
      %mul3A_1283 = arith.muli %bitcast3A_38, %select_n3A_1265 : vector<16xi32>
      %shift_left3A_1284 = arith.shli %mul3A_1283, %broadcast_in_dim3A_69 : vector<16xi32>
      %add3A_1285 = arith.addi %mul3A_1282, %shift_left3A_1284 : vector<16xi32>
      %lt3A_1286 = arith.cmpi ult, %add3A_1285, %mul3A_1282 : vector<16xi32>
      %select_n3A_1287 = arith.select %lt3A_1286, %broadcast_in_dim3A_67, %broadcast_in_dim3A_65 : vector<16xi1>, vector<16xi32>
      %shift_right_logical3A_1288 = arith.shrui %mul3A_1283, %broadcast_in_dim3A_69 : vector<16xi32>
      %add3A_1289 = arith.addi %shift_right_logical3A_1288, %select_n3A_1287 : vector<16xi32>
      %xor3A_1290 = arith.xori %add3A_1269, %add3A_1277 : vector<16xi32>
      %xor3A_1291 = arith.xori %xor3A_1290, %add3A_1285 : vector<16xi32>
      %xor3A_1292 = arith.xori %xor3A_1291, %bitcast3A_44 : vector<16xi32>
      %xor3A_1293 = arith.xori %add3A_1273, %add3A_1281 : vector<16xi32>
      %xor3A_1294 = arith.xori %xor3A_1293, %add3A_1289 : vector<16xi32>
      %rem3A_1295 = arith.remui %xor3A_1292, %bitcast3A_50 : vector<16xi32>
      %mul3A_1296 = arith.muli %xor3A_1294, %bitcast3A_56 : vector<16xi32>
      %add3A_1297 = arith.addi %mul3A_1296, %rem3A_1295 : vector<16xi32>
      %rem3A_1298 = arith.remui %add3A_1297, %bitcast3A_50 : vector<16xi32>
      %add3A_1299 = arith.addi %rem3A_1298, %bitcast3A_62 : vector<16xi32>
      %bitcast3A_1300 = vector.bitcast %add3A_1299 : vector<16xi32> to vector<16xi32>
      %mul3A_1301 = arith.constant 2 : i32
      %mul3A_1302 = arith.muli %scan3A_1002, %mul3A_1301 : i32
      %add3A_1303 = arith.constant 0 : i32
      %add3A_1304 = arith.addi %mul3A_1302, %add3A_1303 : i32
      %swap3A_1305 = arith.index_cast %add3A_1304 : i32 to index
      %swap3A_1306 = arith.constant 64 : index
      %swap3A_1307 = tpu.vector_load %arg8[%swap3A_1305, %swap3A_1306] {strides = array<i32>} : memref<32x128xi32, #tpu.memory_space<vmem>>, vector<1x16xi32>,
      %swap3A_1308 = vector.shape_cast %swap3A_1307 : vector<1x16xi32> to vector<16xi32>
      %swap3A_1309 = vector.shape_cast %bitcast3A_1300 : vector<16xi32> to vector<1x16xi32>
      tpu.vector_store %arg8[%swap3A_1305, %swap3A_1306], %swap3A_1309 {strides = array<i32>} : memref<32x128xi32, #tpu.memory_space<vmem>>, vector<1x16xi32>,
      %broadcast_in_dim3A_1310 = arith.constant 5 : i32
      %broadcast_in_dim3A_1311 = vector.broadcast %broadcast_in_dim3A_1310 : i32 to vector<16x1xi32>
      %gather3A_1312 = vector.shape_cast %broadcast_in_dim3A_1311 : vector<16x1xi32> to vector<16xi32>
      %gather3A_1313 = tpu.dynamic_gather %get3A_1007[%gather3A_1312] in [0] : vector<16xi32>, vector<16xi32> -> vector<16xi32>
      %bitcast3A_1314 = vector.bitcast %gather3A_1313 : vector<16xi32> to vector<16xi32>
      %broadcast_in_dim3A_1315 = arith.constant 5 : i32
      %broadcast_in_dim3A_1316 = vector.broadcast %broadcast_in_dim3A_1315 : i32 to vector<16x1xi32>
      %gather3A_1317 = vector.shape_cast %broadcast_in_dim3A_1316 : vector<16x1xi32> to vector<16xi32>
      %gather3A_1318 = tpu.dynamic_gather %get3A_1012[%gather3A_1317] in [0] : vector<16xi32>, vector<16xi32> -> vector<16xi32>
      %bitcast3A_1319 = vector.bitcast %gather3A_1318 : vector<16xi32> to vector<16xi32>
      %broadcast_in_dim3A_1320 = arith.constant 5 : i32
      %broadcast_in_dim3A_1321 = vector.broadcast %broadcast_in_dim3A_1320 : i32 to vector<16x1xi32>
      %gather3A_1322 = vector.shape_cast %broadcast_in_dim3A_1321 : vector<16x1xi32> to vector<16xi32>
      %gather3A_1323 = tpu.dynamic_gather %get3A_1017[%gather3A_1322] in [0] : vector<16xi32>, vector<16xi32> -> vector<16xi32>
      %bitcast3A_1324 = vector.bitcast %gather3A_1323 : vector<16xi32> to vector<16xi32>
      %select_n3A_1325 = arith.select %ge3A_64, %bitcast3A_1324, %broadcast_in_dim3A_65 : vector<16xi1>, vector<16xi32>
      %mul3A_1326 = arith.muli %bitcast3A, %bitcast3A_1314 : vector<16xi32>
      %mul3A_1327 = arith.muli %bitcast3A_14, %bitcast3A_1314 : vector<16xi32>
      %shift_left3A_1328 = arith.shli %mul3A_1327, %broadcast_in_dim3A_69 : vector<16xi32>
      %add3A_1329 = arith.addi %mul3A_1326, %shift_left3A_1328 : vector<16xi32>
      %lt3A_1330 = arith.cmpi ult, %add3A_1329, %mul3A_1326 : vector<16xi32>
      %select_n3A_1331 = arith.select %lt3A_1330, %broadcast_in_dim3A_67, %broadcast_in_dim3A_65 : vector<16xi1>, vector<16xi32>
      %shift_right_logical3A_1332 = arith.shrui %mul3A_1327, %broadcast_in_dim3A_69 : vector<16xi32>
      %add3A_1333 = arith.addi %shift_right_logical3A_1332, %select_n3A_1331 : vector<16xi32>
      %mul3A_1334 = arith.muli %bitcast3A_20, %bitcast3A_1319 : vector<16xi32>
      %mul3A_1335 = arith.muli %bitcast3A_26, %bitcast3A_1319 : vector<16xi32>
      %shift_left3A_1336 = arith.shli %mul3A_1335, %broadcast_in_dim3A_69 : vector<16xi32>
      %add3A_1337 = arith.addi %mul3A_1334, %shift_left3A_1336 : vector<16xi32>
      %lt3A_1338 = arith.cmpi ult, %add3A_1337, %mul3A_1334 : vector<16xi32>
      %select_n3A_1339 = arith.select %lt3A_1338, %broadcast_in_dim3A_67, %broadcast_in_dim3A_65 : vector<16xi1>, vector<16xi32>
      %shift_right_logical3A_1340 = arith.shrui %mul3A_1335, %broadcast_in_dim3A_69 : vector<16xi32>
      %add3A_1341 = arith.addi %shift_right_logical3A_1340, %select_n3A_1339 : vector<16xi32>
      %mul3A_1342 = arith.muli %bitcast3A_32, %select_n3A_1325 : vector<16xi32>
      %mul3A_1343 = arith.muli %bitcast3A_38, %select_n3A_1325 : vector<16xi32>
      %shift_left3A_1344 = arith.shli %mul3A_1343, %broadcast_in_dim3A_69 : vector<16xi32>
      %add3A_1345 = arith.addi %mul3A_1342, %shift_left3A_1344 : vector<16xi32>
      %lt3A_1346 = arith.cmpi ult, %add3A_1345, %mul3A_1342 : vector<16xi32>
      %select_n3A_1347 = arith.select %lt3A_1346, %broadcast_in_dim3A_67, %broadcast_in_dim3A_65 : vector<16xi1>, vector<16xi32>
      %shift_right_logical3A_1348 = arith.shrui %mul3A_1343, %broadcast_in_dim3A_69 : vector<16xi32>
      %add3A_1349 = arith.addi %shift_right_logical3A_1348, %select_n3A_1347 : vector<16xi32>
      %xor3A_1350 = arith.xori %add3A_1329, %add3A_1337 : vector<16xi32>
      %xor3A_1351 = arith.xori %xor3A_1350, %add3A_1345 : vector<16xi32>
      %xor3A_1352 = arith.xori %xor3A_1351, %bitcast3A_44 : vector<16xi32>
      %xor3A_1353 = arith.xori %add3A_1333, %add3A_1341 : vector<16xi32>
      %xor3A_1354 = arith.xori %xor3A_1353, %add3A_1349 : vector<16xi32>
      %rem3A_1355 = arith.remui %xor3A_1352, %bitcast3A_50 : vector<16xi32>
      %mul3A_1356 = arith.muli %xor3A_1354, %bitcast3A_56 : vector<16xi32>
      %add3A_1357 = arith.addi %mul3A_1356, %rem3A_1355 : vector<16xi32>
      %rem3A_1358 = arith.remui %add3A_1357, %bitcast3A_50 : vector<16xi32>
      %add3A_1359 = arith.addi %rem3A_1358, %bitcast3A_62 : vector<16xi32>
      %bitcast3A_1360 = vector.bitcast %add3A_1359 : vector<16xi32> to vector<16xi32>
      %mul3A_1361 = arith.constant 2 : i32
      %mul3A_1362 = arith.muli %scan3A_1002, %mul3A_1361 : i32
      %add3A_1363 = arith.constant 0 : i32
      %add3A_1364 = arith.addi %mul3A_1362, %add3A_1363 : i32
      %swap3A_1365 = arith.index_cast %add3A_1364 : i32 to index
      %swap3A_1366 = arith.constant 80 : index
      %swap3A_1367 = tpu.vector_load %arg8[%swap3A_1365, %swap3A_1366] {strides = array<i32>} : memref<32x128xi32, #tpu.memory_space<vmem>>, vector<1x16xi32>,
      %swap3A_1368 = vector.shape_cast %swap3A_1367 : vector<1x16xi32> to vector<16xi32>
      %swap3A_1369 = vector.shape_cast %bitcast3A_1360 : vector<16xi32> to vector<1x16xi32>
      tpu.vector_store %arg8[%swap3A_1365, %swap3A_1366], %swap3A_1369 {strides = array<i32>} : memref<32x128xi32, #tpu.memory_space<vmem>>, vector<1x16xi32>,
      %broadcast_in_dim3A_1370 = arith.constant 6 : i32
      %broadcast_in_dim3A_1371 = vector.broadcast %broadcast_in_dim3A_1370 : i32 to vector<16x1xi32>
      %gather3A_1372 = vector.shape_cast %broadcast_in_dim3A_1371 : vector<16x1xi32> to vector<16xi32>
      %gather3A_1373 = tpu.dynamic_gather %get3A_1007[%gather3A_1372] in [0] : vector<16xi32>, vector<16xi32> -> vector<16xi32>
      %bitcast3A_1374 = vector.bitcast %gather3A_1373 : vector<16xi32> to vector<16xi32>
      %broadcast_in_dim3A_1375 = arith.constant 6 : i32
      %broadcast_in_dim3A_1376 = vector.broadcast %broadcast_in_dim3A_1375 : i32 to vector<16x1xi32>
      %gather3A_1377 = vector.shape_cast %broadcast_in_dim3A_1376 : vector<16x1xi32> to vector<16xi32>
      %gather3A_1378 = tpu.dynamic_gather %get3A_1012[%gather3A_1377] in [0] : vector<16xi32>, vector<16xi32> -> vector<16xi32>
      %bitcast3A_1379 = vector.bitcast %gather3A_1378 : vector<16xi32> to vector<16xi32>
      %broadcast_in_dim3A_1380 = arith.constant 6 : i32
      %broadcast_in_dim3A_1381 = vector.broadcast %broadcast_in_dim3A_1380 : i32 to vector<16x1xi32>
      %gather3A_1382 = vector.shape_cast %broadcast_in_dim3A_1381 : vector<16x1xi32> to vector<16xi32>
      %gather3A_1383 = tpu.dynamic_gather %get3A_1017[%gather3A_1382] in [0] : vector<16xi32>, vector<16xi32> -> vector<16xi32>
      %bitcast3A_1384 = vector.bitcast %gather3A_1383 : vector<16xi32> to vector<16xi32>
      %select_n3A_1385 = arith.select %ge3A_64, %bitcast3A_1384, %broadcast_in_dim3A_65 : vector<16xi1>, vector<16xi32>
      %mul3A_1386 = arith.muli %bitcast3A, %bitcast3A_1374 : vector<16xi32>
      %mul3A_1387 = arith.muli %bitcast3A_14, %bitcast3A_1374 : vector<16xi32>
      %shift_left3A_1388 = arith.shli %mul3A_1387, %broadcast_in_dim3A_69 : vector<16xi32>
      %add3A_1389 = arith.addi %mul3A_1386, %shift_left3A_1388 : vector<16xi32>
      %lt3A_1390 = arith.cmpi ult, %add3A_1389, %mul3A_1386 : vector<16xi32>
      %select_n3A_1391 = arith.select %lt3A_1390, %broadcast_in_dim3A_67, %broadcast_in_dim3A_65 : vector<16xi1>, vector<16xi32>
      %shift_right_logical3A_1392 = arith.shrui %mul3A_1387, %broadcast_in_dim3A_69 : vector<16xi32>
      %add3A_1393 = arith.addi %shift_right_logical3A_1392, %select_n3A_1391 : vector<16xi32>
      %mul3A_1394 = arith.muli %bitcast3A_20, %bitcast3A_1379 : vector<16xi32>
      %mul3A_1395 = arith.muli %bitcast3A_26, %bitcast3A_1379 : vector<16xi32>
      %shift_left3A_1396 = arith.shli %mul3A_1395, %broadcast_in_dim3A_69 : vector<16xi32>
      %add3A_1397 = arith.addi %mul3A_1394, %shift_left3A_1396 : vector<16xi32>
      %lt3A_1398 = arith.cmpi ult, %add3A_1397, %mul3A_1394 : vector<16xi32>
      %select_n3A_1399 = arith.select %lt3A_1398, %broadcast_in_dim3A_67, %broadcast_in_dim3A_65 : vector<16xi1>, vector<16xi32>
      %shift_right_logical3A_1400 = arith.shrui %mul3A_1395, %broadcast_in_dim3A_69 : vector<16xi32>
      %add3A_1401 = arith.addi %shift_right_logical3A_1400, %select_n3A_1399 : vector<16xi32>
      %mul3A_1402 = arith.muli %bitcast3A_32, %select_n3A_1385 : vector<16xi32>
      %mul3A_1403 = arith.muli %bitcast3A_38, %select_n3A_1385 : vector<16xi32>
      %shift_left3A_1404 = arith.shli %mul3A_1403, %broadcast_in_dim3A_69 : vector<16xi32>
      %add3A_1405 = arith.addi %mul3A_1402, %shift_left3A_1404 : vector<16xi32>
      %lt3A_1406 = arith.cmpi ult, %add3A_1405, %mul3A_1402 : vector<16xi32>
      %select_n3A_1407 = arith.select %lt3A_1406, %broadcast_in_dim3A_67, %broadcast_in_dim3A_65 : vector<16xi1>, vector<16xi32>
      %shift_right_logical3A_1408 = arith.shrui %mul3A_1403, %broadcast_in_dim3A_69 : vector<16xi32>
      %add3A_1409 = arith.addi %shift_right_logical3A_1408, %select_n3A_1407 : vector<16xi32>
      %xor3A_1410 = arith.xori %add3A_1389, %add3A_1397 : vector<16xi32>
      %xor3A_1411 = arith.xori %xor3A_1410, %add3A_1405 : vector<16xi32>
      %xor3A_1412 = arith.xori %xor3A_1411, %bitcast3A_44 : vector<16xi32>
      %xor3A_1413 = arith.xori %add3A_1393, %add3A_1401 : vector<16xi32>
      %xor3A_1414 = arith.xori %xor3A_1413, %add3A_1409 : vector<16xi32>
      %rem3A_1415 = arith.remui %xor3A_1412, %bitcast3A_50 : vector<16xi32>
      %mul3A_1416 = arith.muli %xor3A_1414, %bitcast3A_56 : vector<16xi32>
      %add3A_1417 = arith.addi %mul3A_1416, %rem3A_1415 : vector<16xi32>
      %rem3A_1418 = arith.remui %add3A_1417, %bitcast3A_50 : vector<16xi32>
      %add3A_1419 = arith.addi %rem3A_1418, %bitcast3A_62 : vector<16xi32>
      %bitcast3A_1420 = vector.bitcast %add3A_1419 : vector<16xi32> to vector<16xi32>
      %mul3A_1421 = arith.constant 2 : i32
      %mul3A_1422 = arith.muli %scan3A_1002, %mul3A_1421 : i32
      %add3A_1423 = arith.constant 0 : i32
      %add3A_1424 = arith.addi %mul3A_1422, %add3A_1423 : i32
      %swap3A_1425 = arith.index_cast %add3A_1424 : i32 to index
      %swap3A_1426 = arith.constant 96 : index
      %swap3A_1427 = tpu.vector_load %arg8[%swap3A_1425, %swap3A_1426] {strides = array<i32>} : memref<32x128xi32, #tpu.memory_space<vmem>>, vector<1x16xi32>,
      %swap3A_1428 = vector.shape_cast %swap3A_1427 : vector<1x16xi32> to vector<16xi32>
      %swap3A_1429 = vector.shape_cast %bitcast3A_1420 : vector<16xi32> to vector<1x16xi32>
      tpu.vector_store %arg8[%swap3A_1425, %swap3A_1426], %swap3A_1429 {strides = array<i32>} : memref<32x128xi32, #tpu.memory_space<vmem>>, vector<1x16xi32>,
      %broadcast_in_dim3A_1430 = arith.constant 7 : i32
      %broadcast_in_dim3A_1431 = vector.broadcast %broadcast_in_dim3A_1430 : i32 to vector<16x1xi32>
      %gather3A_1432 = vector.shape_cast %broadcast_in_dim3A_1431 : vector<16x1xi32> to vector<16xi32>
      %gather3A_1433 = tpu.dynamic_gather %get3A_1007[%gather3A_1432] in [0] : vector<16xi32>, vector<16xi32> -> vector<16xi32>
      %bitcast3A_1434 = vector.bitcast %gather3A_1433 : vector<16xi32> to vector<16xi32>
      %broadcast_in_dim3A_1435 = arith.constant 7 : i32
      %broadcast_in_dim3A_1436 = vector.broadcast %broadcast_in_dim3A_1435 : i32 to vector<16x1xi32>
      %gather3A_1437 = vector.shape_cast %broadcast_in_dim3A_1436 : vector<16x1xi32> to vector<16xi32>
      %gather3A_1438 = tpu.dynamic_gather %get3A_1012[%gather3A_1437] in [0] : vector<16xi32>, vector<16xi32> -> vector<16xi32>
      %bitcast3A_1439 = vector.bitcast %gather3A_1438 : vector<16xi32> to vector<16xi32>
      %broadcast_in_dim3A_1440 = arith.constant 7 : i32
      %broadcast_in_dim3A_1441 = vector.broadcast %broadcast_in_dim3A_1440 : i32 to vector<16x1xi32>
      %gather3A_1442 = vector.shape_cast %broadcast_in_dim3A_1441 : vector<16x1xi32> to vector<16xi32>
      %gather3A_1443 = tpu.dynamic_gather %get3A_1017[%gather3A_1442] in [0] : vector<16xi32>, vector<16xi32> -> vector<16xi32>
      %bitcast3A_1444 = vector.bitcast %gather3A_1443 : vector<16xi32> to vector<16xi32>
      %select_n3A_1445 = arith.select %ge3A_64, %bitcast3A_1444, %broadcast_in_dim3A_65 : vector<16xi1>, vector<16xi32>
      %mul3A_1446 = arith.muli %bitcast3A, %bitcast3A_1434 : vector<16xi32>
      %mul3A_1447 = arith.muli %bitcast3A_14, %bitcast3A_1434 : vector<16xi32>
      %shift_left3A_1448 = arith.shli %mul3A_1447, %broadcast_in_dim3A_69 : vector<16xi32>
      %add3A_1449 = arith.addi %mul3A_1446, %shift_left3A_1448 : vector<16xi32>
      %lt3A_1450 = arith.cmpi ult, %add3A_1449, %mul3A_1446 : vector<16xi32>
      %select_n3A_1451 = arith.select %lt3A_1450, %broadcast_in_dim3A_67, %broadcast_in_dim3A_65 : vector<16xi1>, vector<16xi32>
      %shift_right_logical3A_1452 = arith.shrui %mul3A_1447, %broadcast_in_dim3A_69 : vector<16xi32>
      %add3A_1453 = arith.addi %shift_right_logical3A_1452, %select_n3A_1451 : vector<16xi32>
      %mul3A_1454 = arith.muli %bitcast3A_20, %bitcast3A_1439 : vector<16xi32>
      %mul3A_1455 = arith.muli %bitcast3A_26, %bitcast3A_1439 : vector<16xi32>
      %shift_left3A_1456 = arith.shli %mul3A_1455, %broadcast_in_dim3A_69 : vector<16xi32>
      %add3A_1457 = arith.addi %mul3A_1454, %shift_left3A_1456 : vector<16xi32>
      %lt3A_1458 = arith.cmpi ult, %add3A_1457, %mul3A_1454 : vector<16xi32>
      %select_n3A_1459 = arith.select %lt3A_1458, %broadcast_in_dim3A_67, %broadcast_in_dim3A_65 : vector<16xi1>, vector<16xi32>
      %shift_right_logical3A_1460 = arith.shrui %mul3A_1455, %broadcast_in_dim3A_69 : vector<16xi32>
      %add3A_1461 = arith.addi %shift_right_logical3A_1460, %select_n3A_1459 : vector<16xi32>
      %mul3A_1462 = arith.muli %bitcast3A_32, %select_n3A_1445 : vector<16xi32>
      %mul3A_1463 = arith.muli %bitcast3A_38, %select_n3A_1445 : vector<16xi32>
      %shift_left3A_1464 = arith.shli %mul3A_1463, %broadcast_in_dim3A_69 : vector<16xi32>
      %add3A_1465 = arith.addi %mul3A_1462, %shift_left3A_1464 : vector<16xi32>
      %lt3A_1466 = arith.cmpi ult, %add3A_1465, %mul3A_1462 : vector<16xi32>
      %select_n3A_1467 = arith.select %lt3A_1466, %broadcast_in_dim3A_67, %broadcast_in_dim3A_65 : vector<16xi1>, vector<16xi32>
      %shift_right_logical3A_1468 = arith.shrui %mul3A_1463, %broadcast_in_dim3A_69 : vector<16xi32>
      %add3A_1469 = arith.addi %shift_right_logical3A_1468, %select_n3A_1467 : vector<16xi32>
      %xor3A_1470 = arith.xori %add3A_1449, %add3A_1457 : vector<16xi32>
      %xor3A_1471 = arith.xori %xor3A_1470, %add3A_1465 : vector<16xi32>
      %xor3A_1472 = arith.xori %xor3A_1471, %bitcast3A_44 : vector<16xi32>
      %xor3A_1473 = arith.xori %add3A_1453, %add3A_1461 : vector<16xi32>
      %xor3A_1474 = arith.xori %xor3A_1473, %add3A_1469 : vector<16xi32>
      %rem3A_1475 = arith.remui %xor3A_1472, %bitcast3A_50 : vector<16xi32>
      %mul3A_1476 = arith.muli %xor3A_1474, %bitcast3A_56 : vector<16xi32>
      %add3A_1477 = arith.addi %mul3A_1476, %rem3A_1475 : vector<16xi32>
      %rem3A_1478 = arith.remui %add3A_1477, %bitcast3A_50 : vector<16xi32>
      %add3A_1479 = arith.addi %rem3A_1478, %bitcast3A_62 : vector<16xi32>
      %bitcast3A_1480 = vector.bitcast %add3A_1479 : vector<16xi32> to vector<16xi32>
      %mul3A_1481 = arith.constant 2 : i32
      %mul3A_1482 = arith.muli %scan3A_1002, %mul3A_1481 : i32
      %add3A_1483 = arith.constant 0 : i32
      %add3A_1484 = arith.addi %mul3A_1482, %add3A_1483 : i32
      %swap3A_1485 = arith.index_cast %add3A_1484 : i32 to index
      %swap3A_1486 = arith.constant 112 : index
      %swap3A_1487 = tpu.vector_load %arg8[%swap3A_1485, %swap3A_1486] {strides = array<i32>} : memref<32x128xi32, #tpu.memory_space<vmem>>, vector<1x16xi32>,
      %swap3A_1488 = vector.shape_cast %swap3A_1487 : vector<1x16xi32> to vector<16xi32>
      %swap3A_1489 = vector.shape_cast %bitcast3A_1480 : vector<16xi32> to vector<1x16xi32>
      tpu.vector_store %arg8[%swap3A_1485, %swap3A_1486], %swap3A_1489 {strides = array<i32>} : memref<32x128xi32, #tpu.memory_space<vmem>>, vector<1x16xi32>,
      %broadcast_in_dim3A_1490 = arith.constant 8 : i32
      %broadcast_in_dim3A_1491 = vector.broadcast %broadcast_in_dim3A_1490 : i32 to vector<16x1xi32>
      %gather3A_1492 = vector.shape_cast %broadcast_in_dim3A_1491 : vector<16x1xi32> to vector<16xi32>
      %gather3A_1493 = tpu.dynamic_gather %get3A_1007[%gather3A_1492] in [0] : vector<16xi32>, vector<16xi32> -> vector<16xi32>
      %bitcast3A_1494 = vector.bitcast %gather3A_1493 : vector<16xi32> to vector<16xi32>
      %broadcast_in_dim3A_1495 = arith.constant 8 : i32
      %broadcast_in_dim3A_1496 = vector.broadcast %broadcast_in_dim3A_1495 : i32 to vector<16x1xi32>
      %gather3A_1497 = vector.shape_cast %broadcast_in_dim3A_1496 : vector<16x1xi32> to vector<16xi32>
      %gather3A_1498 = tpu.dynamic_gather %get3A_1012[%gather3A_1497] in [0] : vector<16xi32>, vector<16xi32> -> vector<16xi32>
      %bitcast3A_1499 = vector.bitcast %gather3A_1498 : vector<16xi32> to vector<16xi32>
      %broadcast_in_dim3A_1500 = arith.constant 8 : i32
      %broadcast_in_dim3A_1501 = vector.broadcast %broadcast_in_dim3A_1500 : i32 to vector<16x1xi32>
      %gather3A_1502 = vector.shape_cast %broadcast_in_dim3A_1501 : vector<16x1xi32> to vector<16xi32>
      %gather3A_1503 = tpu.dynamic_gather %get3A_1017[%gather3A_1502] in [0] : vector<16xi32>, vector<16xi32> -> vector<16xi32>
      %bitcast3A_1504 = vector.bitcast %gather3A_1503 : vector<16xi32> to vector<16xi32>
      %select_n3A_1505 = arith.select %ge3A_64, %bitcast3A_1504, %broadcast_in_dim3A_65 : vector<16xi1>, vector<16xi32>
      %mul3A_1506 = arith.muli %bitcast3A, %bitcast3A_1494 : vector<16xi32>
      %mul3A_1507 = arith.muli %bitcast3A_14, %bitcast3A_1494 : vector<16xi32>
      %shift_left3A_1508 = arith.shli %mul3A_1507, %broadcast_in_dim3A_69 : vector<16xi32>
      %add3A_1509 = arith.addi %mul3A_1506, %shift_left3A_1508 : vector<16xi32>
      %lt3A_1510 = arith.cmpi ult, %add3A_1509, %mul3A_1506 : vector<16xi32>
      %select_n3A_1511 = arith.select %lt3A_1510, %broadcast_in_dim3A_67, %broadcast_in_dim3A_65 : vector<16xi1>, vector<16xi32>
      %shift_right_logical3A_1512 = arith.shrui %mul3A_1507, %broadcast_in_dim3A_69 : vector<16xi32>
      %add3A_1513 = arith.addi %shift_right_logical3A_1512, %select_n3A_1511 : vector<16xi32>
      %mul3A_1514 = arith.muli %bitcast3A_20, %bitcast3A_1499 : vector<16xi32>
      %mul3A_1515 = arith.muli %bitcast3A_26, %bitcast3A_1499 : vector<16xi32>
      %shift_left3A_1516 = arith.shli %mul3A_1515, %broadcast_in_dim3A_69 : vector<16xi32>
      %add3A_1517 = arith.addi %mul3A_1514, %shift_left3A_1516 : vector<16xi32>
      %lt3A_1518 = arith.cmpi ult, %add3A_1517, %mul3A_1514 : vector<16xi32>
      %select_n3A_1519 = arith.select %lt3A_1518, %broadcast_in_dim3A_67, %broadcast_in_dim3A_65 : vector<16xi1>, vector<16xi32>
      %shift_right_logical3A_1520 = arith.shrui %mul3A_1515, %broadcast_in_dim3A_69 : vector<16xi32>
      %add3A_1521 = arith.addi %shift_right_logical3A_1520, %select_n3A_1519 : vector<16xi32>
      %mul3A_1522 = arith.muli %bitcast3A_32, %select_n3A_1505 : vector<16xi32>
      %mul3A_1523 = arith.muli %bitcast3A_38, %select_n3A_1505 : vector<16xi32>
      %shift_left3A_1524 = arith.shli %mul3A_1523, %broadcast_in_dim3A_69 : vector<16xi32>
      %add3A_1525 = arith.addi %mul3A_1522, %shift_left3A_1524 : vector<16xi32>
      %lt3A_1526 = arith.cmpi ult, %add3A_1525, %mul3A_1522 : vector<16xi32>
      %select_n3A_1527 = arith.select %lt3A_1526, %broadcast_in_dim3A_67, %broadcast_in_dim3A_65 : vector<16xi1>, vector<16xi32>
      %shift_right_logical3A_1528 = arith.shrui %mul3A_1523, %broadcast_in_dim3A_69 : vector<16xi32>
      %add3A_1529 = arith.addi %shift_right_logical3A_1528, %select_n3A_1527 : vector<16xi32>
      %xor3A_1530 = arith.xori %add3A_1509, %add3A_1517 : vector<16xi32>
      %xor3A_1531 = arith.xori %xor3A_1530, %add3A_1525 : vector<16xi32>
      %xor3A_1532 = arith.xori %xor3A_1531, %bitcast3A_44 : vector<16xi32>
      %xor3A_1533 = arith.xori %add3A_1513, %add3A_1521 : vector<16xi32>
      %xor3A_1534 = arith.xori %xor3A_1533, %add3A_1529 : vector<16xi32>
      %rem3A_1535 = arith.remui %xor3A_1532, %bitcast3A_50 : vector<16xi32>
      %mul3A_1536 = arith.muli %xor3A_1534, %bitcast3A_56 : vector<16xi32>
      %add3A_1537 = arith.addi %mul3A_1536, %rem3A_1535 : vector<16xi32>
      %rem3A_1538 = arith.remui %add3A_1537, %bitcast3A_50 : vector<16xi32>
      %add3A_1539 = arith.addi %rem3A_1538, %bitcast3A_62 : vector<16xi32>
      %bitcast3A_1540 = vector.bitcast %add3A_1539 : vector<16xi32> to vector<16xi32>
      %mul3A_1541 = arith.constant 2 : i32
      %mul3A_1542 = arith.muli %scan3A_1002, %mul3A_1541 : i32
      %add3A_1543 = arith.constant 1 : i32
      %add3A_1544 = arith.addi %mul3A_1542, %add3A_1543 : i32
      %swap3A_1545 = arith.index_cast %add3A_1544 : i32 to index
      %swap3A_1546 = arith.constant 0 : index
      %swap3A_1547 = tpu.vector_load %arg8[%swap3A_1545, %swap3A_1546] {strides = array<i32>} : memref<32x128xi32, #tpu.memory_space<vmem>>, vector<1x16xi32>,
      %swap3A_1548 = vector.shape_cast %swap3A_1547 : vector<1x16xi32> to vector<16xi32>
      %swap3A_1549 = vector.shape_cast %bitcast3A_1540 : vector<16xi32> to vector<1x16xi32>
      tpu.vector_store %arg8[%swap3A_1545, %swap3A_1546], %swap3A_1549 {strides = array<i32>} : memref<32x128xi32, #tpu.memory_space<vmem>>, vector<1x16xi32>,
      %broadcast_in_dim3A_1550 = arith.constant 9 : i32
      %broadcast_in_dim3A_1551 = vector.broadcast %broadcast_in_dim3A_1550 : i32 to vector<16x1xi32>
      %gather3A_1552 = vector.shape_cast %broadcast_in_dim3A_1551 : vector<16x1xi32> to vector<16xi32>
      %gather3A_1553 = tpu.dynamic_gather %get3A_1007[%gather3A_1552] in [0] : vector<16xi32>, vector<16xi32> -> vector<16xi32>
      %bitcast3A_1554 = vector.bitcast %gather3A_1553 : vector<16xi32> to vector<16xi32>
      %broadcast_in_dim3A_1555 = arith.constant 9 : i32
      %broadcast_in_dim3A_1556 = vector.broadcast %broadcast_in_dim3A_1555 : i32 to vector<16x1xi32>
      %gather3A_1557 = vector.shape_cast %broadcast_in_dim3A_1556 : vector<16x1xi32> to vector<16xi32>
      %gather3A_1558 = tpu.dynamic_gather %get3A_1012[%gather3A_1557] in [0] : vector<16xi32>, vector<16xi32> -> vector<16xi32>
      %bitcast3A_1559 = vector.bitcast %gather3A_1558 : vector<16xi32> to vector<16xi32>
      %broadcast_in_dim3A_1560 = arith.constant 9 : i32
      %broadcast_in_dim3A_1561 = vector.broadcast %broadcast_in_dim3A_1560 : i32 to vector<16x1xi32>
      %gather3A_1562 = vector.shape_cast %broadcast_in_dim3A_1561 : vector<16x1xi32> to vector<16xi32>
      %gather3A_1563 = tpu.dynamic_gather %get3A_1017[%gather3A_1562] in [0] : vector<16xi32>, vector<16xi32> -> vector<16xi32>
      %bitcast3A_1564 = vector.bitcast %gather3A_1563 : vector<16xi32> to vector<16xi32>
      %select_n3A_1565 = arith.select %ge3A_64, %bitcast3A_1564, %broadcast_in_dim3A_65 : vector<16xi1>, vector<16xi32>
      %mul3A_1566 = arith.muli %bitcast3A, %bitcast3A_1554 : vector<16xi32>
      %mul3A_1567 = arith.muli %bitcast3A_14, %bitcast3A_1554 : vector<16xi32>
      %shift_left3A_1568 = arith.shli %mul3A_1567, %broadcast_in_dim3A_69 : vector<16xi32>
      %add3A_1569 = arith.addi %mul3A_1566, %shift_left3A_1568 : vector<16xi32>
      %lt3A_1570 = arith.cmpi ult, %add3A_1569, %mul3A_1566 : vector<16xi32>
      %select_n3A_1571 = arith.select %lt3A_1570, %broadcast_in_dim3A_67, %broadcast_in_dim3A_65 : vector<16xi1>, vector<16xi32>
      %shift_right_logical3A_1572 = arith.shrui %mul3A_1567, %broadcast_in_dim3A_69 : vector<16xi32>
      %add3A_1573 = arith.addi %shift_right_logical3A_1572, %select_n3A_1571 : vector<16xi32>
      %mul3A_1574 = arith.muli %bitcast3A_20, %bitcast3A_1559 : vector<16xi32>
      %mul3A_1575 = arith.muli %bitcast3A_26, %bitcast3A_1559 : vector<16xi32>
      %shift_left3A_1576 = arith.shli %mul3A_1575, %broadcast_in_dim3A_69 : vector<16xi32>
      %add3A_1577 = arith.addi %mul3A_1574, %shift_left3A_1576 : vector<16xi32>
      %lt3A_1578 = arith.cmpi ult, %add3A_1577, %mul3A_1574 : vector<16xi32>
      %select_n3A_1579 = arith.select %lt3A_1578, %broadcast_in_dim3A_67, %broadcast_in_dim3A_65 : vector<16xi1>, vector<16xi32>
      %shift_right_logical3A_1580 = arith.shrui %mul3A_1575, %broadcast_in_dim3A_69 : vector<16xi32>
      %add3A_1581 = arith.addi %shift_right_logical3A_1580, %select_n3A_1579 : vector<16xi32>
      %mul3A_1582 = arith.muli %bitcast3A_32, %select_n3A_1565 : vector<16xi32>
      %mul3A_1583 = arith.muli %bitcast3A_38, %select_n3A_1565 : vector<16xi32>
      %shift_left3A_1584 = arith.shli %mul3A_1583, %broadcast_in_dim3A_69 : vector<16xi32>
      %add3A_1585 = arith.addi %mul3A_1582, %shift_left3A_1584 : vector<16xi32>
      %lt3A_1586 = arith.cmpi ult, %add3A_1585, %mul3A_1582 : vector<16xi32>
      %select_n3A_1587 = arith.select %lt3A_1586, %broadcast_in_dim3A_67, %broadcast_in_dim3A_65 : vector<16xi1>, vector<16xi32>
      %shift_right_logical3A_1588 = arith.shrui %mul3A_1583, %broadcast_in_dim3A_69 : vector<16xi32>
      %add3A_1589 = arith.addi %shift_right_logical3A_1588, %select_n3A_1587 : vector<16xi32>
      %xor3A_1590 = arith.xori %add3A_1569, %add3A_1577 : vector<16xi32>
      %xor3A_1591 = arith.xori %xor3A_1590, %add3A_1585 : vector<16xi32>
      %xor3A_1592 = arith.xori %xor3A_1591, %bitcast3A_44 : vector<16xi32>
      %xor3A_1593 = arith.xori %add3A_1573, %add3A_1581 : vector<16xi32>
      %xor3A_1594 = arith.xori %xor3A_1593, %add3A_1589 : vector<16xi32>
      %rem3A_1595 = arith.remui %xor3A_1592, %bitcast3A_50 : vector<16xi32>
      %mul3A_1596 = arith.muli %xor3A_1594, %bitcast3A_56 : vector<16xi32>
      %add3A_1597 = arith.addi %mul3A_1596, %rem3A_1595 : vector<16xi32>
      %rem3A_1598 = arith.remui %add3A_1597, %bitcast3A_50 : vector<16xi32>
      %add3A_1599 = arith.addi %rem3A_1598, %bitcast3A_62 : vector<16xi32>
      %bitcast3A_1600 = vector.bitcast %add3A_1599 : vector<16xi32> to vector<16xi32>
      %mul3A_1601 = arith.constant 2 : i32
      %mul3A_1602 = arith.muli %scan3A_1002, %mul3A_1601 : i32
      %add3A_1603 = arith.constant 1 : i32
      %add3A_1604 = arith.addi %mul3A_1602, %add3A_1603 : i32
      %swap3A_1605 = arith.index_cast %add3A_1604 : i32 to index
      %swap3A_1606 = arith.constant 16 : index
      %swap3A_1607 = tpu.vector_load %arg8[%swap3A_1605, %swap3A_1606] {strides = array<i32>} : memref<32x128xi32, #tpu.memory_space<vmem>>, vector<1x16xi32>,
      %swap3A_1608 = vector.shape_cast %swap3A_1607 : vector<1x16xi32> to vector<16xi32>
      %swap3A_1609 = vector.shape_cast %bitcast3A_1600 : vector<16xi32> to vector<1x16xi32>
      tpu.vector_store %arg8[%swap3A_1605, %swap3A_1606], %swap3A_1609 {strides = array<i32>} : memref<32x128xi32, #tpu.memory_space<vmem>>, vector<1x16xi32>,
      %broadcast_in_dim3A_1610 = arith.constant 10 : i32
      %broadcast_in_dim3A_1611 = vector.broadcast %broadcast_in_dim3A_1610 : i32 to vector<16x1xi32>
      %gather3A_1612 = vector.shape_cast %broadcast_in_dim3A_1611 : vector<16x1xi32> to vector<16xi32>
      %gather3A_1613 = tpu.dynamic_gather %get3A_1007[%gather3A_1612] in [0] : vector<16xi32>, vector<16xi32> -> vector<16xi32>
      %bitcast3A_1614 = vector.bitcast %gather3A_1613 : vector<16xi32> to vector<16xi32>
      %broadcast_in_dim3A_1615 = arith.constant 10 : i32
      %broadcast_in_dim3A_1616 = vector.broadcast %broadcast_in_dim3A_1615 : i32 to vector<16x1xi32>
      %gather3A_1617 = vector.shape_cast %broadcast_in_dim3A_1616 : vector<16x1xi32> to vector<16xi32>
      %gather3A_1618 = tpu.dynamic_gather %get3A_1012[%gather3A_1617] in [0] : vector<16xi32>, vector<16xi32> -> vector<16xi32>
      %bitcast3A_1619 = vector.bitcast %gather3A_1618 : vector<16xi32> to vector<16xi32>
      %broadcast_in_dim3A_1620 = arith.constant 10 : i32
      %broadcast_in_dim3A_1621 = vector.broadcast %broadcast_in_dim3A_1620 : i32 to vector<16x1xi32>
      %gather3A_1622 = vector.shape_cast %broadcast_in_dim3A_1621 : vector<16x1xi32> to vector<16xi32>
      %gather3A_1623 = tpu.dynamic_gather %get3A_1017[%gather3A_1622] in [0] : vector<16xi32>, vector<16xi32> -> vector<16xi32>
      %bitcast3A_1624 = vector.bitcast %gather3A_1623 : vector<16xi32> to vector<16xi32>
      %select_n3A_1625 = arith.select %ge3A_64, %bitcast3A_1624, %broadcast_in_dim3A_65 : vector<16xi1>, vector<16xi32>
      %mul3A_1626 = arith.muli %bitcast3A, %bitcast3A_1614 : vector<16xi32>
      %mul3A_1627 = arith.muli %bitcast3A_14, %bitcast3A_1614 : vector<16xi32>
      %shift_left3A_1628 = arith.shli %mul3A_1627, %broadcast_in_dim3A_69 : vector<16xi32>
      %add3A_1629 = arith.addi %mul3A_1626, %shift_left3A_1628 : vector<16xi32>
      %lt3A_1630 = arith.cmpi ult, %add3A_1629, %mul3A_1626 : vector<16xi32>
      %select_n3A_1631 = arith.select %lt3A_1630, %broadcast_in_dim3A_67, %broadcast_in_dim3A_65 : vector<16xi1>, vector<16xi32>
      %shift_right_logical3A_1632 = arith.shrui %mul3A_1627, %broadcast_in_dim3A_69 : vector<16xi32>
      %add3A_1633 = arith.addi %shift_right_logical3A_1632, %select_n3A_1631 : vector<16xi32>
      %mul3A_1634 = arith.muli %bitcast3A_20, %bitcast3A_1619 : vector<16xi32>
      %mul3A_1635 = arith.muli %bitcast3A_26, %bitcast3A_1619 : vector<16xi32>
      %shift_left3A_1636 = arith.shli %mul3A_1635, %broadcast_in_dim3A_69 : vector<16xi32>
      %add3A_1637 = arith.addi %mul3A_1634, %shift_left3A_1636 : vector<16xi32>
      %lt3A_1638 = arith.cmpi ult, %add3A_1637, %mul3A_1634 : vector<16xi32>
      %select_n3A_1639 = arith.select %lt3A_1638, %broadcast_in_dim3A_67, %broadcast_in_dim3A_65 : vector<16xi1>, vector<16xi32>
      %shift_right_logical3A_1640 = arith.shrui %mul3A_1635, %broadcast_in_dim3A_69 : vector<16xi32>
      %add3A_1641 = arith.addi %shift_right_logical3A_1640, %select_n3A_1639 : vector<16xi32>
      %mul3A_1642 = arith.muli %bitcast3A_32, %select_n3A_1625 : vector<16xi32>
      %mul3A_1643 = arith.muli %bitcast3A_38, %select_n3A_1625 : vector<16xi32>
      %shift_left3A_1644 = arith.shli %mul3A_1643, %broadcast_in_dim3A_69 : vector<16xi32>
      %add3A_1645 = arith.addi %mul3A_1642, %shift_left3A_1644 : vector<16xi32>
      %lt3A_1646 = arith.cmpi ult, %add3A_1645, %mul3A_1642 : vector<16xi32>
      %select_n3A_1647 = arith.select %lt3A_1646, %broadcast_in_dim3A_67, %broadcast_in_dim3A_65 : vector<16xi1>, vector<16xi32>
      %shift_right_logical3A_1648 = arith.shrui %mul3A_1643, %broadcast_in_dim3A_69 : vector<16xi32>
      %add3A_1649 = arith.addi %shift_right_logical3A_1648, %select_n3A_1647 : vector<16xi32>
      %xor3A_1650 = arith.xori %add3A_1629, %add3A_1637 : vector<16xi32>
      %xor3A_1651 = arith.xori %xor3A_1650, %add3A_1645 : vector<16xi32>
      %xor3A_1652 = arith.xori %xor3A_1651, %bitcast3A_44 : vector<16xi32>
      %xor3A_1653 = arith.xori %add3A_1633, %add3A_1641 : vector<16xi32>
      %xor3A_1654 = arith.xori %xor3A_1653, %add3A_1649 : vector<16xi32>
      %rem3A_1655 = arith.remui %xor3A_1652, %bitcast3A_50 : vector<16xi32>
      %mul3A_1656 = arith.muli %xor3A_1654, %bitcast3A_56 : vector<16xi32>
      %add3A_1657 = arith.addi %mul3A_1656, %rem3A_1655 : vector<16xi32>
      %rem3A_1658 = arith.remui %add3A_1657, %bitcast3A_50 : vector<16xi32>
      %add3A_1659 = arith.addi %rem3A_1658, %bitcast3A_62 : vector<16xi32>
      %bitcast3A_1660 = vector.bitcast %add3A_1659 : vector<16xi32> to vector<16xi32>
      %mul3A_1661 = arith.constant 2 : i32
      %mul3A_1662 = arith.muli %scan3A_1002, %mul3A_1661 : i32
      %add3A_1663 = arith.constant 1 : i32
      %add3A_1664 = arith.addi %mul3A_1662, %add3A_1663 : i32
      %swap3A_1665 = arith.index_cast %add3A_1664 : i32 to index
      %swap3A_1666 = arith.constant 32 : index
      %swap3A_1667 = tpu.vector_load %arg8[%swap3A_1665, %swap3A_1666] {strides = array<i32>} : memref<32x128xi32, #tpu.memory_space<vmem>>, vector<1x16xi32>,
      %swap3A_1668 = vector.shape_cast %swap3A_1667 : vector<1x16xi32> to vector<16xi32>
      %swap3A_1669 = vector.shape_cast %bitcast3A_1660 : vector<16xi32> to vector<1x16xi32>
      tpu.vector_store %arg8[%swap3A_1665, %swap3A_1666], %swap3A_1669 {strides = array<i32>} : memref<32x128xi32, #tpu.memory_space<vmem>>, vector<1x16xi32>,
      %broadcast_in_dim3A_1670 = arith.constant 11 : i32
      %broadcast_in_dim3A_1671 = vector.broadcast %broadcast_in_dim3A_1670 : i32 to vector<16x1xi32>
      %gather3A_1672 = vector.shape_cast %broadcast_in_dim3A_1671 : vector<16x1xi32> to vector<16xi32>
      %gather3A_1673 = tpu.dynamic_gather %get3A_1007[%gather3A_1672] in [0] : vector<16xi32>, vector<16xi32> -> vector<16xi32>
      %bitcast3A_1674 = vector.bitcast %gather3A_1673 : vector<16xi32> to vector<16xi32>
      %broadcast_in_dim3A_1675 = arith.constant 11 : i32
      %broadcast_in_dim3A_1676 = vector.broadcast %broadcast_in_dim3A_1675 : i32 to vector<16x1xi32>
      %gather3A_1677 = vector.shape_cast %broadcast_in_dim3A_1676 : vector<16x1xi32> to vector<16xi32>
      %gather3A_1678 = tpu.dynamic_gather %get3A_1012[%gather3A_1677] in [0] : vector<16xi32>, vector<16xi32> -> vector<16xi32>
      %bitcast3A_1679 = vector.bitcast %gather3A_1678 : vector<16xi32> to vector<16xi32>
      %broadcast_in_dim3A_1680 = arith.constant 11 : i32
      %broadcast_in_dim3A_1681 = vector.broadcast %broadcast_in_dim3A_1680 : i32 to vector<16x1xi32>
      %gather3A_1682 = vector.shape_cast %broadcast_in_dim3A_1681 : vector<16x1xi32> to vector<16xi32>
      %gather3A_1683 = tpu.dynamic_gather %get3A_1017[%gather3A_1682] in [0] : vector<16xi32>, vector<16xi32> -> vector<16xi32>
      %bitcast3A_1684 = vector.bitcast %gather3A_1683 : vector<16xi32> to vector<16xi32>
      %select_n3A_1685 = arith.select %ge3A_64, %bitcast3A_1684, %broadcast_in_dim3A_65 : vector<16xi1>, vector<16xi32>
      %mul3A_1686 = arith.muli %bitcast3A, %bitcast3A_1674 : vector<16xi32>
      %mul3A_1687 = arith.muli %bitcast3A_14, %bitcast3A_1674 : vector<16xi32>
      %shift_left3A_1688 = arith.shli %mul3A_1687, %broadcast_in_dim3A_69 : vector<16xi32>
      %add3A_1689 = arith.addi %mul3A_1686, %shift_left3A_1688 : vector<16xi32>
      %lt3A_1690 = arith.cmpi ult, %add3A_1689, %mul3A_1686 : vector<16xi32>
      %select_n3A_1691 = arith.select %lt3A_1690, %broadcast_in_dim3A_67, %broadcast_in_dim3A_65 : vector<16xi1>, vector<16xi32>
      %shift_right_logical3A_1692 = arith.shrui %mul3A_1687, %broadcast_in_dim3A_69 : vector<16xi32>
      %add3A_1693 = arith.addi %shift_right_logical3A_1692, %select_n3A_1691 : vector<16xi32>
      %mul3A_1694 = arith.muli %bitcast3A_20, %bitcast3A_1679 : vector<16xi32>
      %mul3A_1695 = arith.muli %bitcast3A_26, %bitcast3A_1679 : vector<16xi32>
      %shift_left3A_1696 = arith.shli %mul3A_1695, %broadcast_in_dim3A_69 : vector<16xi32>
      %add3A_1697 = arith.addi %mul3A_1694, %shift_left3A_1696 : vector<16xi32>
      %lt3A_1698 = arith.cmpi ult, %add3A_1697, %mul3A_1694 : vector<16xi32>
      %select_n3A_1699 = arith.select %lt3A_1698, %broadcast_in_dim3A_67, %broadcast_in_dim3A_65 : vector<16xi1>, vector<16xi32>
      %shift_right_logical3A_1700 = arith.shrui %mul3A_1695, %broadcast_in_dim3A_69 : vector<16xi32>
      %add3A_1701 = arith.addi %shift_right_logical3A_1700, %select_n3A_1699 : vector<16xi32>
      %mul3A_1702 = arith.muli %bitcast3A_32, %select_n3A_1685 : vector<16xi32>
      %mul3A_1703 = arith.muli %bitcast3A_38, %select_n3A_1685 : vector<16xi32>
      %shift_left3A_1704 = arith.shli %mul3A_1703, %broadcast_in_dim3A_69 : vector<16xi32>
      %add3A_1705 = arith.addi %mul3A_1702, %shift_left3A_1704 : vector<16xi32>
      %lt3A_1706 = arith.cmpi ult, %add3A_1705, %mul3A_1702 : vector<16xi32>
      %select_n3A_1707 = arith.select %lt3A_1706, %broadcast_in_dim3A_67, %broadcast_in_dim3A_65 : vector<16xi1>, vector<16xi32>
      %shift_right_logical3A_1708 = arith.shrui %mul3A_1703, %broadcast_in_dim3A_69 : vector<16xi32>
      %add3A_1709 = arith.addi %shift_right_logical3A_1708, %select_n3A_1707 : vector<16xi32>
      %xor3A_1710 = arith.xori %add3A_1689, %add3A_1697 : vector<16xi32>
      %xor3A_1711 = arith.xori %xor3A_1710, %add3A_1705 : vector<16xi32>
      %xor3A_1712 = arith.xori %xor3A_1711, %bitcast3A_44 : vector<16xi32>
      %xor3A_1713 = arith.xori %add3A_1693, %add3A_1701 : vector<16xi32>
      %xor3A_1714 = arith.xori %xor3A_1713, %add3A_1709 : vector<16xi32>
      %rem3A_1715 = arith.remui %xor3A_1712, %bitcast3A_50 : vector<16xi32>
      %mul3A_1716 = arith.muli %xor3A_1714, %bitcast3A_56 : vector<16xi32>
      %add3A_1717 = arith.addi %mul3A_1716, %rem3A_1715 : vector<16xi32>
      %rem3A_1718 = arith.remui %add3A_1717, %bitcast3A_50 : vector<16xi32>
      %add3A_1719 = arith.addi %rem3A_1718, %bitcast3A_62 : vector<16xi32>
      %bitcast3A_1720 = vector.bitcast %add3A_1719 : vector<16xi32> to vector<16xi32>
      %mul3A_1721 = arith.constant 2 : i32
      %mul3A_1722 = arith.muli %scan3A_1002, %mul3A_1721 : i32
      %add3A_1723 = arith.constant 1 : i32
      %add3A_1724 = arith.addi %mul3A_1722, %add3A_1723 : i32
      %swap3A_1725 = arith.index_cast %add3A_1724 : i32 to index
      %swap3A_1726 = arith.constant 48 : index
      %swap3A_1727 = tpu.vector_load %arg8[%swap3A_1725, %swap3A_1726] {strides = array<i32>} : memref<32x128xi32, #tpu.memory_space<vmem>>, vector<1x16xi32>,
      %swap3A_1728 = vector.shape_cast %swap3A_1727 : vector<1x16xi32> to vector<16xi32>
      %swap3A_1729 = vector.shape_cast %bitcast3A_1720 : vector<16xi32> to vector<1x16xi32>
      tpu.vector_store %arg8[%swap3A_1725, %swap3A_1726], %swap3A_1729 {strides = array<i32>} : memref<32x128xi32, #tpu.memory_space<vmem>>, vector<1x16xi32>,
      %broadcast_in_dim3A_1730 = arith.constant 12 : i32
      %broadcast_in_dim3A_1731 = vector.broadcast %broadcast_in_dim3A_1730 : i32 to vector<16x1xi32>
      %gather3A_1732 = vector.shape_cast %broadcast_in_dim3A_1731 : vector<16x1xi32> to vector<16xi32>
      %gather3A_1733 = tpu.dynamic_gather %get3A_1007[%gather3A_1732] in [0] : vector<16xi32>, vector<16xi32> -> vector<16xi32>
      %bitcast3A_1734 = vector.bitcast %gather3A_1733 : vector<16xi32> to vector<16xi32>
      %broadcast_in_dim3A_1735 = arith.constant 12 : i32
      %broadcast_in_dim3A_1736 = vector.broadcast %broadcast_in_dim3A_1735 : i32 to vector<16x1xi32>
      %gather3A_1737 = vector.shape_cast %broadcast_in_dim3A_1736 : vector<16x1xi32> to vector<16xi32>
      %gather3A_1738 = tpu.dynamic_gather %get3A_1012[%gather3A_1737] in [0] : vector<16xi32>, vector<16xi32> -> vector<16xi32>
      %bitcast3A_1739 = vector.bitcast %gather3A_1738 : vector<16xi32> to vector<16xi32>
      %broadcast_in_dim3A_1740 = arith.constant 12 : i32
      %broadcast_in_dim3A_1741 = vector.broadcast %broadcast_in_dim3A_1740 : i32 to vector<16x1xi32>
      %gather3A_1742 = vector.shape_cast %broadcast_in_dim3A_1741 : vector<16x1xi32> to vector<16xi32>
      %gather3A_1743 = tpu.dynamic_gather %get3A_1017[%gather3A_1742] in [0] : vector<16xi32>, vector<16xi32> -> vector<16xi32>
      %bitcast3A_1744 = vector.bitcast %gather3A_1743 : vector<16xi32> to vector<16xi32>
      %select_n3A_1745 = arith.select %ge3A_64, %bitcast3A_1744, %broadcast_in_dim3A_65 : vector<16xi1>, vector<16xi32>
      %mul3A_1746 = arith.muli %bitcast3A, %bitcast3A_1734 : vector<16xi32>
      %mul3A_1747 = arith.muli %bitcast3A_14, %bitcast3A_1734 : vector<16xi32>
      %shift_left3A_1748 = arith.shli %mul3A_1747, %broadcast_in_dim3A_69 : vector<16xi32>
      %add3A_1749 = arith.addi %mul3A_1746, %shift_left3A_1748 : vector<16xi32>
      %lt3A_1750 = arith.cmpi ult, %add3A_1749, %mul3A_1746 : vector<16xi32>
      %select_n3A_1751 = arith.select %lt3A_1750, %broadcast_in_dim3A_67, %broadcast_in_dim3A_65 : vector<16xi1>, vector<16xi32>
      %shift_right_logical3A_1752 = arith.shrui %mul3A_1747, %broadcast_in_dim3A_69 : vector<16xi32>
      %add3A_1753 = arith.addi %shift_right_logical3A_1752, %select_n3A_1751 : vector<16xi32>
      %mul3A_1754 = arith.muli %bitcast3A_20, %bitcast3A_1739 : vector<16xi32>
      %mul3A_1755 = arith.muli %bitcast3A_26, %bitcast3A_1739 : vector<16xi32>
      %shift_left3A_1756 = arith.shli %mul3A_1755, %broadcast_in_dim3A_69 : vector<16xi32>
      %add3A_1757 = arith.addi %mul3A_1754, %shift_left3A_1756 : vector<16xi32>
      %lt3A_1758 = arith.cmpi ult, %add3A_1757, %mul3A_1754 : vector<16xi32>
      %select_n3A_1759 = arith.select %lt3A_1758, %broadcast_in_dim3A_67, %broadcast_in_dim3A_65 : vector<16xi1>, vector<16xi32>
      %shift_right_logical3A_1760 = arith.shrui %mul3A_1755, %broadcast_in_dim3A_69 : vector<16xi32>
      %add3A_1761 = arith.addi %shift_right_logical3A_1760, %select_n3A_1759 : vector<16xi32>
      %mul3A_1762 = arith.muli %bitcast3A_32, %select_n3A_1745 : vector<16xi32>
      %mul3A_1763 = arith.muli %bitcast3A_38, %select_n3A_1745 : vector<16xi32>
      %shift_left3A_1764 = arith.shli %mul3A_1763, %broadcast_in_dim3A_69 : vector<16xi32>
      %add3A_1765 = arith.addi %mul3A_1762, %shift_left3A_1764 : vector<16xi32>
      %lt3A_1766 = arith.cmpi ult, %add3A_1765, %mul3A_1762 : vector<16xi32>
      %select_n3A_1767 = arith.select %lt3A_1766, %broadcast_in_dim3A_67, %broadcast_in_dim3A_65 : vector<16xi1>, vector<16xi32>
      %shift_right_logical3A_1768 = arith.shrui %mul3A_1763, %broadcast_in_dim3A_69 : vector<16xi32>
      %add3A_1769 = arith.addi %shift_right_logical3A_1768, %select_n3A_1767 : vector<16xi32>
      %xor3A_1770 = arith.xori %add3A_1749, %add3A_1757 : vector<16xi32>
      %xor3A_1771 = arith.xori %xor3A_1770, %add3A_1765 : vector<16xi32>
      %xor3A_1772 = arith.xori %xor3A_1771, %bitcast3A_44 : vector<16xi32>
      %xor3A_1773 = arith.xori %add3A_1753, %add3A_1761 : vector<16xi32>
      %xor3A_1774 = arith.xori %xor3A_1773, %add3A_1769 : vector<16xi32>
      %rem3A_1775 = arith.remui %xor3A_1772, %bitcast3A_50 : vector<16xi32>
      %mul3A_1776 = arith.muli %xor3A_1774, %bitcast3A_56 : vector<16xi32>
      %add3A_1777 = arith.addi %mul3A_1776, %rem3A_1775 : vector<16xi32>
      %rem3A_1778 = arith.remui %add3A_1777, %bitcast3A_50 : vector<16xi32>
      %add3A_1779 = arith.addi %rem3A_1778, %bitcast3A_62 : vector<16xi32>
      %bitcast3A_1780 = vector.bitcast %add3A_1779 : vector<16xi32> to vector<16xi32>
      %mul3A_1781 = arith.constant 2 : i32
      %mul3A_1782 = arith.muli %scan3A_1002, %mul3A_1781 : i32
      %add3A_1783 = arith.constant 1 : i32
      %add3A_1784 = arith.addi %mul3A_1782, %add3A_1783 : i32
      %swap3A_1785 = arith.index_cast %add3A_1784 : i32 to index
      %swap3A_1786 = arith.constant 64 : index
      %swap3A_1787 = tpu.vector_load %arg8[%swap3A_1785, %swap3A_1786] {strides = array<i32>} : memref<32x128xi32, #tpu.memory_space<vmem>>, vector<1x16xi32>,
      %swap3A_1788 = vector.shape_cast %swap3A_1787 : vector<1x16xi32> to vector<16xi32>
      %swap3A_1789 = vector.shape_cast %bitcast3A_1780 : vector<16xi32> to vector<1x16xi32>
      tpu.vector_store %arg8[%swap3A_1785, %swap3A_1786], %swap3A_1789 {strides = array<i32>} : memref<32x128xi32, #tpu.memory_space<vmem>>, vector<1x16xi32>,
      %broadcast_in_dim3A_1790 = arith.constant 13 : i32
      %broadcast_in_dim3A_1791 = vector.broadcast %broadcast_in_dim3A_1790 : i32 to vector<16x1xi32>
      %gather3A_1792 = vector.shape_cast %broadcast_in_dim3A_1791 : vector<16x1xi32> to vector<16xi32>
      %gather3A_1793 = tpu.dynamic_gather %get3A_1007[%gather3A_1792] in [0] : vector<16xi32>, vector<16xi32> -> vector<16xi32>
      %bitcast3A_1794 = vector.bitcast %gather3A_1793 : vector<16xi32> to vector<16xi32>
      %broadcast_in_dim3A_1795 = arith.constant 13 : i32
      %broadcast_in_dim3A_1796 = vector.broadcast %broadcast_in_dim3A_1795 : i32 to vector<16x1xi32>
      %gather3A_1797 = vector.shape_cast %broadcast_in_dim3A_1796 : vector<16x1xi32> to vector<16xi32>
      %gather3A_1798 = tpu.dynamic_gather %get3A_1012[%gather3A_1797] in [0] : vector<16xi32>, vector<16xi32> -> vector<16xi32>
      %bitcast3A_1799 = vector.bitcast %gather3A_1798 : vector<16xi32> to vector<16xi32>
      %broadcast_in_dim3A_1800 = arith.constant 13 : i32
      %broadcast_in_dim3A_1801 = vector.broadcast %broadcast_in_dim3A_1800 : i32 to vector<16x1xi32>
      %gather3A_1802 = vector.shape_cast %broadcast_in_dim3A_1801 : vector<16x1xi32> to vector<16xi32>
      %gather3A_1803 = tpu.dynamic_gather %get3A_1017[%gather3A_1802] in [0] : vector<16xi32>, vector<16xi32> -> vector<16xi32>
      %bitcast3A_1804 = vector.bitcast %gather3A_1803 : vector<16xi32> to vector<16xi32>
      %select_n3A_1805 = arith.select %ge3A_64, %bitcast3A_1804, %broadcast_in_dim3A_65 : vector<16xi1>, vector<16xi32>
      %mul3A_1806 = arith.muli %bitcast3A, %bitcast3A_1794 : vector<16xi32>
      %mul3A_1807 = arith.muli %bitcast3A_14, %bitcast3A_1794 : vector<16xi32>
      %shift_left3A_1808 = arith.shli %mul3A_1807, %broadcast_in_dim3A_69 : vector<16xi32>
      %add3A_1809 = arith.addi %mul3A_1806, %shift_left3A_1808 : vector<16xi32>
      %lt3A_1810 = arith.cmpi ult, %add3A_1809, %mul3A_1806 : vector<16xi32>
      %select_n3A_1811 = arith.select %lt3A_1810, %broadcast_in_dim3A_67, %broadcast_in_dim3A_65 : vector<16xi1>, vector<16xi32>
      %shift_right_logical3A_1812 = arith.shrui %mul3A_1807, %broadcast_in_dim3A_69 : vector<16xi32>
      %add3A_1813 = arith.addi %shift_right_logical3A_1812, %select_n3A_1811 : vector<16xi32>
      %mul3A_1814 = arith.muli %bitcast3A_20, %bitcast3A_1799 : vector<16xi32>
      %mul3A_1815 = arith.muli %bitcast3A_26, %bitcast3A_1799 : vector<16xi32>
      %shift_left3A_1816 = arith.shli %mul3A_1815, %broadcast_in_dim3A_69 : vector<16xi32>
      %add3A_1817 = arith.addi %mul3A_1814, %shift_left3A_1816 : vector<16xi32>
      %lt3A_1818 = arith.cmpi ult, %add3A_1817, %mul3A_1814 : vector<16xi32>
      %select_n3A_1819 = arith.select %lt3A_1818, %broadcast_in_dim3A_67, %broadcast_in_dim3A_65 : vector<16xi1>, vector<16xi32>
      %shift_right_logical3A_1820 = arith.shrui %mul3A_1815, %broadcast_in_dim3A_69 : vector<16xi32>
      %add3A_1821 = arith.addi %shift_right_logical3A_1820, %select_n3A_1819 : vector<16xi32>
      %mul3A_1822 = arith.muli %bitcast3A_32, %select_n3A_1805 : vector<16xi32>
      %mul3A_1823 = arith.muli %bitcast3A_38, %select_n3A_1805 : vector<16xi32>
      %shift_left3A_1824 = arith.shli %mul3A_1823, %broadcast_in_dim3A_69 : vector<16xi32>
      %add3A_1825 = arith.addi %mul3A_1822, %shift_left3A_1824 : vector<16xi32>
      %lt3A_1826 = arith.cmpi ult, %add3A_1825, %mul3A_1822 : vector<16xi32>
      %select_n3A_1827 = arith.select %lt3A_1826, %broadcast_in_dim3A_67, %broadcast_in_dim3A_65 : vector<16xi1>, vector<16xi32>
      %shift_right_logical3A_1828 = arith.shrui %mul3A_1823, %broadcast_in_dim3A_69 : vector<16xi32>
      %add3A_1829 = arith.addi %shift_right_logical3A_1828, %select_n3A_1827 : vector<16xi32>
      %xor3A_1830 = arith.xori %add3A_1809, %add3A_1817 : vector<16xi32>
      %xor3A_1831 = arith.xori %xor3A_1830, %add3A_1825 : vector<16xi32>
      %xor3A_1832 = arith.xori %xor3A_1831, %bitcast3A_44 : vector<16xi32>
      %xor3A_1833 = arith.xori %add3A_1813, %add3A_1821 : vector<16xi32>
      %xor3A_1834 = arith.xori %xor3A_1833, %add3A_1829 : vector<16xi32>
      %rem3A_1835 = arith.remui %xor3A_1832, %bitcast3A_50 : vector<16xi32>
      %mul3A_1836 = arith.muli %xor3A_1834, %bitcast3A_56 : vector<16xi32>
      %add3A_1837 = arith.addi %mul3A_1836, %rem3A_1835 : vector<16xi32>
      %rem3A_1838 = arith.remui %add3A_1837, %bitcast3A_50 : vector<16xi32>
      %add3A_1839 = arith.addi %rem3A_1838, %bitcast3A_62 : vector<16xi32>
      %bitcast3A_1840 = vector.bitcast %add3A_1839 : vector<16xi32> to vector<16xi32>
      %mul3A_1841 = arith.constant 2 : i32
      %mul3A_1842 = arith.muli %scan3A_1002, %mul3A_1841 : i32
      %add3A_1843 = arith.constant 1 : i32
      %add3A_1844 = arith.addi %mul3A_1842, %add3A_1843 : i32
      %swap3A_1845 = arith.index_cast %add3A_1844 : i32 to index
      %swap3A_1846 = arith.constant 80 : index
      %swap3A_1847 = tpu.vector_load %arg8[%swap3A_1845, %swap3A_1846] {strides = array<i32>} : memref<32x128xi32, #tpu.memory_space<vmem>>, vector<1x16xi32>,
      %swap3A_1848 = vector.shape_cast %swap3A_1847 : vector<1x16xi32> to vector<16xi32>
      %swap3A_1849 = vector.shape_cast %bitcast3A_1840 : vector<16xi32> to vector<1x16xi32>
      tpu.vector_store %arg8[%swap3A_1845, %swap3A_1846], %swap3A_1849 {strides = array<i32>} : memref<32x128xi32, #tpu.memory_space<vmem>>, vector<1x16xi32>,
      %broadcast_in_dim3A_1850 = arith.constant 14 : i32
      %broadcast_in_dim3A_1851 = vector.broadcast %broadcast_in_dim3A_1850 : i32 to vector<16x1xi32>
      %gather3A_1852 = vector.shape_cast %broadcast_in_dim3A_1851 : vector<16x1xi32> to vector<16xi32>
      %gather3A_1853 = tpu.dynamic_gather %get3A_1007[%gather3A_1852] in [0] : vector<16xi32>, vector<16xi32> -> vector<16xi32>
      %bitcast3A_1854 = vector.bitcast %gather3A_1853 : vector<16xi32> to vector<16xi32>
      %broadcast_in_dim3A_1855 = arith.constant 14 : i32
      %broadcast_in_dim3A_1856 = vector.broadcast %broadcast_in_dim3A_1855 : i32 to vector<16x1xi32>
      %gather3A_1857 = vector.shape_cast %broadcast_in_dim3A_1856 : vector<16x1xi32> to vector<16xi32>
      %gather3A_1858 = tpu.dynamic_gather %get3A_1012[%gather3A_1857] in [0] : vector<16xi32>, vector<16xi32> -> vector<16xi32>
      %bitcast3A_1859 = vector.bitcast %gather3A_1858 : vector<16xi32> to vector<16xi32>
      %broadcast_in_dim3A_1860 = arith.constant 14 : i32
      %broadcast_in_dim3A_1861 = vector.broadcast %broadcast_in_dim3A_1860 : i32 to vector<16x1xi32>
      %gather3A_1862 = vector.shape_cast %broadcast_in_dim3A_1861 : vector<16x1xi32> to vector<16xi32>
      %gather3A_1863 = tpu.dynamic_gather %get3A_1017[%gather3A_1862] in [0] : vector<16xi32>, vector<16xi32> -> vector<16xi32>
      %bitcast3A_1864 = vector.bitcast %gather3A_1863 : vector<16xi32> to vector<16xi32>
      %select_n3A_1865 = arith.select %ge3A_64, %bitcast3A_1864, %broadcast_in_dim3A_65 : vector<16xi1>, vector<16xi32>
      %mul3A_1866 = arith.muli %bitcast3A, %bitcast3A_1854 : vector<16xi32>
      %mul3A_1867 = arith.muli %bitcast3A_14, %bitcast3A_1854 : vector<16xi32>
      %shift_left3A_1868 = arith.shli %mul3A_1867, %broadcast_in_dim3A_69 : vector<16xi32>
      %add3A_1869 = arith.addi %mul3A_1866, %shift_left3A_1868 : vector<16xi32>
      %lt3A_1870 = arith.cmpi ult, %add3A_1869, %mul3A_1866 : vector<16xi32>
      %select_n3A_1871 = arith.select %lt3A_1870, %broadcast_in_dim3A_67, %broadcast_in_dim3A_65 : vector<16xi1>, vector<16xi32>
      %shift_right_logical3A_1872 = arith.shrui %mul3A_1867, %broadcast_in_dim3A_69 : vector<16xi32>
      %add3A_1873 = arith.addi %shift_right_logical3A_1872, %select_n3A_1871 : vector<16xi32>
      %mul3A_1874 = arith.muli %bitcast3A_20, %bitcast3A_1859 : vector<16xi32>
      %mul3A_1875 = arith.muli %bitcast3A_26, %bitcast3A_1859 : vector<16xi32>
      %shift_left3A_1876 = arith.shli %mul3A_1875, %broadcast_in_dim3A_69 : vector<16xi32>
      %add3A_1877 = arith.addi %mul3A_1874, %shift_left3A_1876 : vector<16xi32>
      %lt3A_1878 = arith.cmpi ult, %add3A_1877, %mul3A_1874 : vector<16xi32>
      %select_n3A_1879 = arith.select %lt3A_1878, %broadcast_in_dim3A_67, %broadcast_in_dim3A_65 : vector<16xi1>, vector<16xi32>
      %shift_right_logical3A_1880 = arith.shrui %mul3A_1875, %broadcast_in_dim3A_69 : vector<16xi32>
      %add3A_1881 = arith.addi %shift_right_logical3A_1880, %select_n3A_1879 : vector<16xi32>
      %mul3A_1882 = arith.muli %bitcast3A_32, %select_n3A_1865 : vector<16xi32>
      %mul3A_1883 = arith.muli %bitcast3A_38, %select_n3A_1865 : vector<16xi32>
      %shift_left3A_1884 = arith.shli %mul3A_1883, %broadcast_in_dim3A_69 : vector<16xi32>
      %add3A_1885 = arith.addi %mul3A_1882, %shift_left3A_1884 : vector<16xi32>
      %lt3A_1886 = arith.cmpi ult, %add3A_1885, %mul3A_1882 : vector<16xi32>
      %select_n3A_1887 = arith.select %lt3A_1886, %broadcast_in_dim3A_67, %broadcast_in_dim3A_65 : vector<16xi1>, vector<16xi32>
      %shift_right_logical3A_1888 = arith.shrui %mul3A_1883, %broadcast_in_dim3A_69 : vector<16xi32>
      %add3A_1889 = arith.addi %shift_right_logical3A_1888, %select_n3A_1887 : vector<16xi32>
      %xor3A_1890 = arith.xori %add3A_1869, %add3A_1877 : vector<16xi32>
      %xor3A_1891 = arith.xori %xor3A_1890, %add3A_1885 : vector<16xi32>
      %xor3A_1892 = arith.xori %xor3A_1891, %bitcast3A_44 : vector<16xi32>
      %xor3A_1893 = arith.xori %add3A_1873, %add3A_1881 : vector<16xi32>
      %xor3A_1894 = arith.xori %xor3A_1893, %add3A_1889 : vector<16xi32>
      %rem3A_1895 = arith.remui %xor3A_1892, %bitcast3A_50 : vector<16xi32>
      %mul3A_1896 = arith.muli %xor3A_1894, %bitcast3A_56 : vector<16xi32>
      %add3A_1897 = arith.addi %mul3A_1896, %rem3A_1895 : vector<16xi32>
      %rem3A_1898 = arith.remui %add3A_1897, %bitcast3A_50 : vector<16xi32>
      %add3A_1899 = arith.addi %rem3A_1898, %bitcast3A_62 : vector<16xi32>
      %bitcast3A_1900 = vector.bitcast %add3A_1899 : vector<16xi32> to vector<16xi32>
      %mul3A_1901 = arith.constant 2 : i32
      %mul3A_1902 = arith.muli %scan3A_1002, %mul3A_1901 : i32
      %add3A_1903 = arith.constant 1 : i32
      %add3A_1904 = arith.addi %mul3A_1902, %add3A_1903 : i32
      %swap3A_1905 = arith.index_cast %add3A_1904 : i32 to index
      %swap3A_1906 = arith.constant 96 : index
      %swap3A_1907 = tpu.vector_load %arg8[%swap3A_1905, %swap3A_1906] {strides = array<i32>} : memref<32x128xi32, #tpu.memory_space<vmem>>, vector<1x16xi32>,
      %swap3A_1908 = vector.shape_cast %swap3A_1907 : vector<1x16xi32> to vector<16xi32>
      %swap3A_1909 = vector.shape_cast %bitcast3A_1900 : vector<16xi32> to vector<1x16xi32>
      tpu.vector_store %arg8[%swap3A_1905, %swap3A_1906], %swap3A_1909 {strides = array<i32>} : memref<32x128xi32, #tpu.memory_space<vmem>>, vector<1x16xi32>,
      %broadcast_in_dim3A_1910 = arith.constant 15 : i32
      %broadcast_in_dim3A_1911 = vector.broadcast %broadcast_in_dim3A_1910 : i32 to vector<16x1xi32>
      %gather3A_1912 = vector.shape_cast %broadcast_in_dim3A_1911 : vector<16x1xi32> to vector<16xi32>
      %gather3A_1913 = tpu.dynamic_gather %get3A_1007[%gather3A_1912] in [0] : vector<16xi32>, vector<16xi32> -> vector<16xi32>
      %bitcast3A_1914 = vector.bitcast %gather3A_1913 : vector<16xi32> to vector<16xi32>
      %broadcast_in_dim3A_1915 = arith.constant 15 : i32
      %broadcast_in_dim3A_1916 = vector.broadcast %broadcast_in_dim3A_1915 : i32 to vector<16x1xi32>
      %gather3A_1917 = vector.shape_cast %broadcast_in_dim3A_1916 : vector<16x1xi32> to vector<16xi32>
      %gather3A_1918 = tpu.dynamic_gather %get3A_1012[%gather3A_1917] in [0] : vector<16xi32>, vector<16xi32> -> vector<16xi32>
      %bitcast3A_1919 = vector.bitcast %gather3A_1918 : vector<16xi32> to vector<16xi32>
      %broadcast_in_dim3A_1920 = arith.constant 15 : i32
      %broadcast_in_dim3A_1921 = vector.broadcast %broadcast_in_dim3A_1920 : i32 to vector<16x1xi32>
      %gather3A_1922 = vector.shape_cast %broadcast_in_dim3A_1921 : vector<16x1xi32> to vector<16xi32>
      %gather3A_1923 = tpu.dynamic_gather %get3A_1017[%gather3A_1922] in [0] : vector<16xi32>, vector<16xi32> -> vector<16xi32>
      %bitcast3A_1924 = vector.bitcast %gather3A_1923 : vector<16xi32> to vector<16xi32>
      %select_n3A_1925 = arith.select %ge3A_64, %bitcast3A_1924, %broadcast_in_dim3A_65 : vector<16xi1>, vector<16xi32>
      %mul3A_1926 = arith.muli %bitcast3A, %bitcast3A_1914 : vector<16xi32>
      %mul3A_1927 = arith.muli %bitcast3A_14, %bitcast3A_1914 : vector<16xi32>
      %shift_left3A_1928 = arith.shli %mul3A_1927, %broadcast_in_dim3A_69 : vector<16xi32>
      %add3A_1929 = arith.addi %mul3A_1926, %shift_left3A_1928 : vector<16xi32>
      %lt3A_1930 = arith.cmpi ult, %add3A_1929, %mul3A_1926 : vector<16xi32>
      %select_n3A_1931 = arith.select %lt3A_1930, %broadcast_in_dim3A_67, %broadcast_in_dim3A_65 : vector<16xi1>, vector<16xi32>
      %shift_right_logical3A_1932 = arith.shrui %mul3A_1927, %broadcast_in_dim3A_69 : vector<16xi32>
      %add3A_1933 = arith.addi %shift_right_logical3A_1932, %select_n3A_1931 : vector<16xi32>
      %mul3A_1934 = arith.muli %bitcast3A_20, %bitcast3A_1919 : vector<16xi32>
      %mul3A_1935 = arith.muli %bitcast3A_26, %bitcast3A_1919 : vector<16xi32>
      %shift_left3A_1936 = arith.shli %mul3A_1935, %broadcast_in_dim3A_69 : vector<16xi32>
      %add3A_1937 = arith.addi %mul3A_1934, %shift_left3A_1936 : vector<16xi32>
      %lt3A_1938 = arith.cmpi ult, %add3A_1937, %mul3A_1934 : vector<16xi32>
      %select_n3A_1939 = arith.select %lt3A_1938, %broadcast_in_dim3A_67, %broadcast_in_dim3A_65 : vector<16xi1>, vector<16xi32>
      %shift_right_logical3A_1940 = arith.shrui %mul3A_1935, %broadcast_in_dim3A_69 : vector<16xi32>
      %add3A_1941 = arith.addi %shift_right_logical3A_1940, %select_n3A_1939 : vector<16xi32>
      %mul3A_1942 = arith.muli %bitcast3A_32, %select_n3A_1925 : vector<16xi32>
      %mul3A_1943 = arith.muli %bitcast3A_38, %select_n3A_1925 : vector<16xi32>
      %shift_left3A_1944 = arith.shli %mul3A_1943, %broadcast_in_dim3A_69 : vector<16xi32>
      %add3A_1945 = arith.addi %mul3A_1942, %shift_left3A_1944 : vector<16xi32>
      %lt3A_1946 = arith.cmpi ult, %add3A_1945, %mul3A_1942 : vector<16xi32>
      %select_n3A_1947 = arith.select %lt3A_1946, %broadcast_in_dim3A_67, %broadcast_in_dim3A_65 : vector<16xi1>, vector<16xi32>
      %shift_right_logical3A_1948 = arith.shrui %mul3A_1943, %broadcast_in_dim3A_69 : vector<16xi32>
      %add3A_1949 = arith.addi %shift_right_logical3A_1948, %select_n3A_1947 : vector<16xi32>
      %xor3A_1950 = arith.xori %add3A_1929, %add3A_1937 : vector<16xi32>
      %xor3A_1951 = arith.xori %xor3A_1950, %add3A_1945 : vector<16xi32>
      %xor3A_1952 = arith.xori %xor3A_1951, %bitcast3A_44 : vector<16xi32>
      %xor3A_1953 = arith.xori %add3A_1933, %add3A_1941 : vector<16xi32>
      %xor3A_1954 = arith.xori %xor3A_1953, %add3A_1949 : vector<16xi32>
      %rem3A_1955 = arith.remui %xor3A_1952, %bitcast3A_50 : vector<16xi32>
      %mul3A_1956 = arith.muli %xor3A_1954, %bitcast3A_56 : vector<16xi32>
      %add3A_1957 = arith.addi %mul3A_1956, %rem3A_1955 : vector<16xi32>
      %rem3A_1958 = arith.remui %add3A_1957, %bitcast3A_50 : vector<16xi32>
      %add3A_1959 = arith.addi %rem3A_1958, %bitcast3A_62 : vector<16xi32>
      %bitcast3A_1960 = vector.bitcast %add3A_1959 : vector<16xi32> to vector<16xi32>
      %mul3A_1961 = arith.constant 2 : i32
      %mul3A_1962 = arith.muli %scan3A_1002, %mul3A_1961 : i32
      %add3A_1963 = arith.constant 1 : i32
      %add3A_1964 = arith.addi %mul3A_1962, %add3A_1963 : i32
      %swap3A_1965 = arith.index_cast %add3A_1964 : i32 to index
      %swap3A_1966 = arith.constant 112 : index
      %swap3A_1967 = tpu.vector_load %arg8[%swap3A_1965, %swap3A_1966] {strides = array<i32>} : memref<32x128xi32, #tpu.memory_space<vmem>>, vector<1x16xi32>,
      %swap3A_1968 = vector.shape_cast %swap3A_1967 : vector<1x16xi32> to vector<16xi32>
      %swap3A_1969 = vector.shape_cast %bitcast3A_1960 : vector<16xi32> to vector<1x16xi32>
      tpu.vector_store %arg8[%swap3A_1965, %swap3A_1966], %swap3A_1969 {strides = array<i32>} : memref<32x128xi32, #tpu.memory_space<vmem>>, vector<1x16xi32>,
      %add3A_1970 = arith.constant 1 : i32
      %add3A_1971 = arith.addi %scan3A_1002, %add3A_1970 : i32
      scf.yield %add3A_1971 : i32
    }
    %scan3A_75 = arith.constant 16 : i32
    %dma_start3A = arith.constant 0 : i32
    %dma_start3A_76 = arith.constant 0 : i32
    %dma_start3A_77 = arith.constant 0 : i32
    %dma_start3A_78 = arith.constant 0 : i32
    %dma_start3A_79 = tpu.memref_slice %arg9[%dma_start3A_76, %dma_start3A_77, %dma_start3A_78] : memref<2x128x32xf32, #tpu.memory_space<vmem>> -> memref<1x128x32xf32, #tpu.memory_space<vmem>>
    %dma_start3A_80 = tpu.memref_squeeze %dma_start3A_79 : memref<1x128x32xf32, #tpu.memory_space<vmem>> -> memref<128x32xf32, #tpu.memory_space<vmem>>
    %dma_start3A_81 = arith.constant 0 : i32
    %dma_start3A_82 = tpu.memref_slice %arg8[%dma_start3A, %dma_start3A_81] : memref<32x128xi32, #tpu.memory_space<vmem>> -> memref<1x128xi32, #tpu.memory_space<vmem>>
    %dma_start3A_83 = tpu.memref_squeeze %dma_start3A_82 : memref<1x128xi32, #tpu.memory_space<vmem>> -> memref<128xi32, #tpu.memory_space<vmem>>
    %dma_start3A_84 = arith.constant 0 : i32
    %dma_start3A_85 = arith.constant 0 : i32
    %dma_start3A_86 = tpu.memref_slice %arg2[%dma_start3A_84, %dma_start3A_85] : memref<1600120x32xf32, #tpu.memory_space<hbm>> -> memref<1600120x32xf32, #tpu.memory_space<hbm>>
    tpu.enqueue_indirect_dma source(%dma_start3A_86 : memref<1600120x32xf32, #tpu.memory_space<hbm>>) target(%dma_start3A_80 : memref<128x32xf32, #tpu.memory_space<vmem>>) offsets(%dma_start3A_83 : memref<128xi32, #tpu.memory_space<vmem>>) semaphore(%arg10 : memref<!tpu.dma_semaphore, #tpu.memory_space<semaphore_mem>>)
    %dma_start3A_87 = arith.constant 1 : i32
    %dma_start3A_88 = arith.constant 1 : i32
    %dma_start3A_89 = arith.constant 0 : i32
    %dma_start3A_90 = arith.constant 0 : i32
    %dma_start3A_91 = tpu.memref_slice %arg9[%dma_start3A_88, %dma_start3A_89, %dma_start3A_90] : memref<2x128x32xf32, #tpu.memory_space<vmem>> -> memref<1x128x32xf32, #tpu.memory_space<vmem>>
    %dma_start3A_92 = tpu.memref_squeeze %dma_start3A_91 : memref<1x128x32xf32, #tpu.memory_space<vmem>> -> memref<128x32xf32, #tpu.memory_space<vmem>>
    %dma_start3A_93 = arith.constant 0 : i32
    %dma_start3A_94 = tpu.memref_slice %arg8[%dma_start3A_87, %dma_start3A_93] : memref<32x128xi32, #tpu.memory_space<vmem>> -> memref<1x128xi32, #tpu.memory_space<vmem>>
    %dma_start3A_95 = tpu.memref_squeeze %dma_start3A_94 : memref<1x128xi32, #tpu.memory_space<vmem>> -> memref<128xi32, #tpu.memory_space<vmem>>
    %dma_start3A_96 = arith.constant 0 : i32
    %dma_start3A_97 = arith.constant 0 : i32
    %dma_start3A_98 = tpu.memref_slice %arg2[%dma_start3A_96, %dma_start3A_97] : memref<1600120x32xf32, #tpu.memory_space<hbm>> -> memref<1600120x32xf32, #tpu.memory_space<hbm>>
    tpu.enqueue_indirect_dma source(%dma_start3A_98 : memref<1600120x32xf32, #tpu.memory_space<hbm>>) target(%dma_start3A_92 : memref<128x32xf32, #tpu.memory_space<vmem>>) offsets(%dma_start3A_95 : memref<128xi32, #tpu.memory_space<vmem>>) semaphore(%arg11 : memref<!tpu.dma_semaphore, #tpu.memory_space<semaphore_mem>>)
    %dma_wait3A = arith.constant 0 : i32
    %dma_wait3A_99 = arith.constant 0 : i32
    %dma_wait3A_100 = arith.constant 0 : i32
    %dma_wait3A_101 = arith.constant 0 : i32
    %dma_wait3A_102 = tpu.memref_slice %arg9[%dma_wait3A_99, %dma_wait3A_100, %dma_wait3A_101] : memref<2x128x32xf32, #tpu.memory_space<vmem>> -> memref<1x128x32xf32, #tpu.memory_space<vmem>>
    %dma_wait3A_103 = tpu.memref_squeeze %dma_wait3A_102 : memref<1x128x32xf32, #tpu.memory_space<vmem>> -> memref<128x32xf32, #tpu.memory_space<vmem>>
    %dma_wait3A_104 = arith.constant 0 : i32
    %dma_wait3A_105 = tpu.memref_slice %arg8[%dma_wait3A, %dma_wait3A_104] : memref<32x128xi32, #tpu.memory_space<vmem>> -> memref<1x128xi32, #tpu.memory_space<vmem>>
    %dma_wait3A_106 = tpu.memref_squeeze %dma_wait3A_105 : memref<1x128xi32, #tpu.memory_space<vmem>> -> memref<128xi32, #tpu.memory_space<vmem>>
    %dma_wait3A_107 = arith.constant 0 : i32
    %dma_wait3A_108 = arith.constant 0 : i32
    %dma_wait3A_109 = tpu.memref_slice %arg2[%dma_wait3A_107, %dma_wait3A_108] : memref<1600120x32xf32, #tpu.memory_space<hbm>> -> memref<1600120x32xf32, #tpu.memory_space<hbm>>
    tpu.wait_indirect_dma semaphore(%arg10 : memref<!tpu.dma_semaphore, #tpu.memory_space<semaphore_mem>>) src(%dma_wait3A_109 : memref<1600120x32xf32, #tpu.memory_space<hbm>>) dst(%dma_wait3A_103 : memref<128x32xf32, #tpu.memory_space<vmem>>)
    %mul3A_110 = arith.constant 16 : i32
    %mul3A_111 = arith.muli %mul3A_2, %mul3A_110 : i32
    %add3A_112 = arith.constant 0 : i32
    %add3A_113 = arith.addi %mul3A_111, %add3A_112 : i32
    %run_scoped3A = arith.constant 0 : i32
    "tpu.region"() ({
      %run_scoped3A_1001 = tpu.sem_alloc : memref<!tpu.dma_semaphore, #tpu.memory_space<semaphore_mem>>
      %dma_start3A_1002 = arith.constant 0 : i32
      %dma_start3A_1003 = arith.constant 0 : i32
      %dma_start3A_1004 = tpu.memref_slice %arg9[%run_scoped3A, %dma_start3A_1002, %dma_start3A_1003] : memref<2x128x32xf32, #tpu.memory_space<vmem>> -> memref<1x128x32xf32, #tpu.memory_space<vmem>>
      %dma_start3A_1005 = tpu.memref_squeeze %dma_start3A_1004 : memref<1x128x32xf32, #tpu.memory_space<vmem>> -> memref<128x32xf32, #tpu.memory_space<vmem>>
      %dma_start3A_1006 = arith.constant 0 : i32
      %dma_start3A_1007 = tpu.memref_slice %arg5[%add3A_113, %dma_start3A_1006] : memref<131072x32xf32, #tpu.memory_space<hbm>> -> memref<128x32xf32, #tpu.memory_space<hbm>>
      %dma_start3A_1008 = arith.constant 0 : i32
      %dma_start3A_1009 = tpu.memref_slice %arg5[%add3A_113, %dma_start3A_1008] : memref<131072x32xf32, #tpu.memory_space<hbm>> -> memref<128x32xf32, #tpu.memory_space<hbm>>
      %dma_start3A_1010 = arith.constant 0 : i32
      %dma_start3A_1011 = arith.constant 0 : i32
      %dma_start3A_1012 = tpu.memref_slice %arg9[%run_scoped3A, %dma_start3A_1010, %dma_start3A_1011] : memref<2x128x32xf32, #tpu.memory_space<vmem>> -> memref<1x128x32xf32, #tpu.memory_space<vmem>>
      %dma_start3A_1013 = tpu.memref_squeeze %dma_start3A_1012 : memref<1x128x32xf32, #tpu.memory_space<vmem>> -> memref<128x32xf32, #tpu.memory_space<vmem>>
      tpu.enqueue_dma source(%dma_start3A_1013 : memref<128x32xf32, #tpu.memory_space<vmem>>) target(%dma_start3A_1009 : memref<128x32xf32, #tpu.memory_space<hbm>>) target_semaphore(%run_scoped3A_1001 : memref<!tpu.dma_semaphore, #tpu.memory_space<semaphore_mem>>)
      %dma_wait3A_1014 = arith.constant 0 : i32
      %dma_wait3A_1015 = arith.constant 0 : i32
      %dma_wait3A_1016 = tpu.memref_slice %arg9[%run_scoped3A, %dma_wait3A_1014, %dma_wait3A_1015] : memref<2x128x32xf32, #tpu.memory_space<vmem>> -> memref<1x128x32xf32, #tpu.memory_space<vmem>>
      %dma_wait3A_1017 = tpu.memref_squeeze %dma_wait3A_1016 : memref<1x128x32xf32, #tpu.memory_space<vmem>> -> memref<128x32xf32, #tpu.memory_space<vmem>>
      %dma_wait3A_1018 = arith.constant 0 : i32
      %dma_wait3A_1019 = tpu.memref_slice %arg5[%add3A_113, %dma_wait3A_1018] : memref<131072x32xf32, #tpu.memory_space<hbm>> -> memref<128x32xf32, #tpu.memory_space<hbm>>
      %dma_wait3A_1020 = arith.constant 0 : i32
      %dma_wait3A_1021 = tpu.memref_slice %arg5[%add3A_113, %dma_wait3A_1020] : memref<131072x32xf32, #tpu.memory_space<hbm>> -> memref<128x32xf32, #tpu.memory_space<hbm>>
      %dma_wait3A_1022 = arith.constant 0 : i32
      %dma_wait3A_1023 = arith.constant 0 : i32
      %dma_wait3A_1024 = tpu.memref_slice %arg9[%run_scoped3A, %dma_wait3A_1022, %dma_wait3A_1023] : memref<2x128x32xf32, #tpu.memory_space<vmem>> -> memref<1x128x32xf32, #tpu.memory_space<vmem>>
      %dma_wait3A_1025 = tpu.memref_squeeze %dma_wait3A_1024 : memref<1x128x32xf32, #tpu.memory_space<vmem>> -> memref<128x32xf32, #tpu.memory_space<vmem>>
      tpu.wait_dma2 semaphore(%run_scoped3A_1001 : memref<!tpu.dma_semaphore, #tpu.memory_space<semaphore_mem>>) src(%dma_wait3A_1025 : memref<128x32xf32, #tpu.memory_space<vmem>>) dst(%dma_wait3A_1021 : memref<128x32xf32, #tpu.memory_space<hbm>>)
      tpu.yield
    }) : () -> ()
    %dma_start3A_114 = arith.constant 2 : i32
    %dma_start3A_115 = arith.constant 0 : i32
    %dma_start3A_116 = arith.constant 0 : i32
    %dma_start3A_117 = arith.constant 0 : i32
    %dma_start3A_118 = tpu.memref_slice %arg9[%dma_start3A_115, %dma_start3A_116, %dma_start3A_117] : memref<2x128x32xf32, #tpu.memory_space<vmem>> -> memref<1x128x32xf32, #tpu.memory_space<vmem>>
    %dma_start3A_119 = tpu.memref_squeeze %dma_start3A_118 : memref<1x128x32xf32, #tpu.memory_space<vmem>> -> memref<128x32xf32, #tpu.memory_space<vmem>>
    %dma_start3A_120 = arith.constant 0 : i32
    %dma_start3A_121 = tpu.memref_slice %arg8[%dma_start3A_114, %dma_start3A_120] : memref<32x128xi32, #tpu.memory_space<vmem>> -> memref<1x128xi32, #tpu.memory_space<vmem>>
    %dma_start3A_122 = tpu.memref_squeeze %dma_start3A_121 : memref<1x128xi32, #tpu.memory_space<vmem>> -> memref<128xi32, #tpu.memory_space<vmem>>
    %dma_start3A_123 = arith.constant 0 : i32
    %dma_start3A_124 = arith.constant 0 : i32
    %dma_start3A_125 = tpu.memref_slice %arg2[%dma_start3A_123, %dma_start3A_124] : memref<1600120x32xf32, #tpu.memory_space<hbm>> -> memref<1600120x32xf32, #tpu.memory_space<hbm>>
    tpu.enqueue_indirect_dma source(%dma_start3A_125 : memref<1600120x32xf32, #tpu.memory_space<hbm>>) target(%dma_start3A_119 : memref<128x32xf32, #tpu.memory_space<vmem>>) offsets(%dma_start3A_122 : memref<128xi32, #tpu.memory_space<vmem>>) semaphore(%arg10 : memref<!tpu.dma_semaphore, #tpu.memory_space<semaphore_mem>>)
    %dma_wait3A_126 = arith.constant 1 : i32
    %dma_wait3A_127 = arith.constant 1 : i32
    %dma_wait3A_128 = arith.constant 0 : i32
    %dma_wait3A_129 = arith.constant 0 : i32
    %dma_wait3A_130 = tpu.memref_slice %arg9[%dma_wait3A_127, %dma_wait3A_128, %dma_wait3A_129] : memref<2x128x32xf32, #tpu.memory_space<vmem>> -> memref<1x128x32xf32, #tpu.memory_space<vmem>>
    %dma_wait3A_131 = tpu.memref_squeeze %dma_wait3A_130 : memref<1x128x32xf32, #tpu.memory_space<vmem>> -> memref<128x32xf32, #tpu.memory_space<vmem>>
    %dma_wait3A_132 = arith.constant 0 : i32
    %dma_wait3A_133 = tpu.memref_slice %arg8[%dma_wait3A_126, %dma_wait3A_132] : memref<32x128xi32, #tpu.memory_space<vmem>> -> memref<1x128xi32, #tpu.memory_space<vmem>>
    %dma_wait3A_134 = tpu.memref_squeeze %dma_wait3A_133 : memref<1x128xi32, #tpu.memory_space<vmem>> -> memref<128xi32, #tpu.memory_space<vmem>>
    %dma_wait3A_135 = arith.constant 0 : i32
    %dma_wait3A_136 = arith.constant 0 : i32
    %dma_wait3A_137 = tpu.memref_slice %arg2[%dma_wait3A_135, %dma_wait3A_136] : memref<1600120x32xf32, #tpu.memory_space<hbm>> -> memref<1600120x32xf32, #tpu.memory_space<hbm>>
    tpu.wait_indirect_dma semaphore(%arg11 : memref<!tpu.dma_semaphore, #tpu.memory_space<semaphore_mem>>) src(%dma_wait3A_137 : memref<1600120x32xf32, #tpu.memory_space<hbm>>) dst(%dma_wait3A_131 : memref<128x32xf32, #tpu.memory_space<vmem>>)
    %mul3A_138 = arith.constant 16 : i32
    %mul3A_139 = arith.muli %mul3A_2, %mul3A_138 : i32
    %add3A_140 = arith.constant 128 : i32
    %add3A_141 = arith.addi %mul3A_139, %add3A_140 : i32
    %run_scoped3A_142 = arith.constant 1 : i32
    "tpu.region"() ({
      %run_scoped3A_1001 = tpu.sem_alloc : memref<!tpu.dma_semaphore, #tpu.memory_space<semaphore_mem>>
      %dma_start3A_1002 = arith.constant 0 : i32
      %dma_start3A_1003 = arith.constant 0 : i32
      %dma_start3A_1004 = tpu.memref_slice %arg9[%run_scoped3A_142, %dma_start3A_1002, %dma_start3A_1003] : memref<2x128x32xf32, #tpu.memory_space<vmem>> -> memref<1x128x32xf32, #tpu.memory_space<vmem>>
      %dma_start3A_1005 = tpu.memref_squeeze %dma_start3A_1004 : memref<1x128x32xf32, #tpu.memory_space<vmem>> -> memref<128x32xf32, #tpu.memory_space<vmem>>
      %dma_start3A_1006 = arith.constant 0 : i32
      %dma_start3A_1007 = tpu.memref_slice %arg5[%add3A_141, %dma_start3A_1006] : memref<131072x32xf32, #tpu.memory_space<hbm>> -> memref<128x32xf32, #tpu.memory_space<hbm>>
      %dma_start3A_1008 = arith.constant 0 : i32
      %dma_start3A_1009 = tpu.memref_slice %arg5[%add3A_141, %dma_start3A_1008] : memref<131072x32xf32, #tpu.memory_space<hbm>> -> memref<128x32xf32, #tpu.memory_space<hbm>>
      %dma_start3A_1010 = arith.constant 0 : i32
      %dma_start3A_1011 = arith.constant 0 : i32
      %dma_start3A_1012 = tpu.memref_slice %arg9[%run_scoped3A_142, %dma_start3A_1010, %dma_start3A_1011] : memref<2x128x32xf32, #tpu.memory_space<vmem>> -> memref<1x128x32xf32, #tpu.memory_space<vmem>>
      %dma_start3A_1013 = tpu.memref_squeeze %dma_start3A_1012 : memref<1x128x32xf32, #tpu.memory_space<vmem>> -> memref<128x32xf32, #tpu.memory_space<vmem>>
      tpu.enqueue_dma source(%dma_start3A_1013 : memref<128x32xf32, #tpu.memory_space<vmem>>) target(%dma_start3A_1009 : memref<128x32xf32, #tpu.memory_space<hbm>>) target_semaphore(%run_scoped3A_1001 : memref<!tpu.dma_semaphore, #tpu.memory_space<semaphore_mem>>)
      %dma_wait3A_1014 = arith.constant 0 : i32
      %dma_wait3A_1015 = arith.constant 0 : i32
      %dma_wait3A_1016 = tpu.memref_slice %arg9[%run_scoped3A_142, %dma_wait3A_1014, %dma_wait3A_1015] : memref<2x128x32xf32, #tpu.memory_space<vmem>> -> memref<1x128x32xf32, #tpu.memory_space<vmem>>
      %dma_wait3A_1017 = tpu.memref_squeeze %dma_wait3A_1016 : memref<1x128x32xf32, #tpu.memory_space<vmem>> -> memref<128x32xf32, #tpu.memory_space<vmem>>
      %dma_wait3A_1018 = arith.constant 0 : i32
      %dma_wait3A_1019 = tpu.memref_slice %arg5[%add3A_141, %dma_wait3A_1018] : memref<131072x32xf32, #tpu.memory_space<hbm>> -> memref<128x32xf32, #tpu.memory_space<hbm>>
      %dma_wait3A_1020 = arith.constant 0 : i32
      %dma_wait3A_1021 = tpu.memref_slice %arg5[%add3A_141, %dma_wait3A_1020] : memref<131072x32xf32, #tpu.memory_space<hbm>> -> memref<128x32xf32, #tpu.memory_space<hbm>>
      %dma_wait3A_1022 = arith.constant 0 : i32
      %dma_wait3A_1023 = arith.constant 0 : i32
      %dma_wait3A_1024 = tpu.memref_slice %arg9[%run_scoped3A_142, %dma_wait3A_1022, %dma_wait3A_1023] : memref<2x128x32xf32, #tpu.memory_space<vmem>> -> memref<1x128x32xf32, #tpu.memory_space<vmem>>
      %dma_wait3A_1025 = tpu.memref_squeeze %dma_wait3A_1024 : memref<1x128x32xf32, #tpu.memory_space<vmem>> -> memref<128x32xf32, #tpu.memory_space<vmem>>
      tpu.wait_dma2 semaphore(%run_scoped3A_1001 : memref<!tpu.dma_semaphore, #tpu.memory_space<semaphore_mem>>) src(%dma_wait3A_1025 : memref<128x32xf32, #tpu.memory_space<vmem>>) dst(%dma_wait3A_1021 : memref<128x32xf32, #tpu.memory_space<hbm>>)
      tpu.yield
    }) : () -> ()
    %dma_start3A_143 = arith.constant 3 : i32
    %dma_start3A_144 = arith.constant 1 : i32
    %dma_start3A_145 = arith.constant 0 : i32
    %dma_start3A_146 = arith.constant 0 : i32
    %dma_start3A_147 = tpu.memref_slice %arg9[%dma_start3A_144, %dma_start3A_145, %dma_start3A_146] : memref<2x128x32xf32, #tpu.memory_space<vmem>> -> memref<1x128x32xf32, #tpu.memory_space<vmem>>
    %dma_start3A_148 = tpu.memref_squeeze %dma_start3A_147 : memref<1x128x32xf32, #tpu.memory_space<vmem>> -> memref<128x32xf32, #tpu.memory_space<vmem>>
    %dma_start3A_149 = arith.constant 0 : i32
    %dma_start3A_150 = tpu.memref_slice %arg8[%dma_start3A_143, %dma_start3A_149] : memref<32x128xi32, #tpu.memory_space<vmem>> -> memref<1x128xi32, #tpu.memory_space<vmem>>
    %dma_start3A_151 = tpu.memref_squeeze %dma_start3A_150 : memref<1x128xi32, #tpu.memory_space<vmem>> -> memref<128xi32, #tpu.memory_space<vmem>>
    %dma_start3A_152 = arith.constant 0 : i32
    %dma_start3A_153 = arith.constant 0 : i32
    %dma_start3A_154 = tpu.memref_slice %arg2[%dma_start3A_152, %dma_start3A_153] : memref<1600120x32xf32, #tpu.memory_space<hbm>> -> memref<1600120x32xf32, #tpu.memory_space<hbm>>
    tpu.enqueue_indirect_dma source(%dma_start3A_154 : memref<1600120x32xf32, #tpu.memory_space<hbm>>) target(%dma_start3A_148 : memref<128x32xf32, #tpu.memory_space<vmem>>) offsets(%dma_start3A_151 : memref<128xi32, #tpu.memory_space<vmem>>) semaphore(%arg11 : memref<!tpu.dma_semaphore, #tpu.memory_space<semaphore_mem>>)
    %dma_wait3A_155 = arith.constant 2 : i32
    %dma_wait3A_156 = arith.constant 0 : i32
    %dma_wait3A_157 = arith.constant 0 : i32
    %dma_wait3A_158 = arith.constant 0 : i32
    %dma_wait3A_159 = tpu.memref_slice %arg9[%dma_wait3A_156, %dma_wait3A_157, %dma_wait3A_158] : memref<2x128x32xf32, #tpu.memory_space<vmem>> -> memref<1x128x32xf32, #tpu.memory_space<vmem>>
    %dma_wait3A_160 = tpu.memref_squeeze %dma_wait3A_159 : memref<1x128x32xf32, #tpu.memory_space<vmem>> -> memref<128x32xf32, #tpu.memory_space<vmem>>
    %dma_wait3A_161 = arith.constant 0 : i32
    %dma_wait3A_162 = tpu.memref_slice %arg8[%dma_wait3A_155, %dma_wait3A_161] : memref<32x128xi32, #tpu.memory_space<vmem>> -> memref<1x128xi32, #tpu.memory_space<vmem>>
    %dma_wait3A_163 = tpu.memref_squeeze %dma_wait3A_162 : memref<1x128xi32, #tpu.memory_space<vmem>> -> memref<128xi32, #tpu.memory_space<vmem>>
    %dma_wait3A_164 = arith.constant 0 : i32
    %dma_wait3A_165 = arith.constant 0 : i32
    %dma_wait3A_166 = tpu.memref_slice %arg2[%dma_wait3A_164, %dma_wait3A_165] : memref<1600120x32xf32, #tpu.memory_space<hbm>> -> memref<1600120x32xf32, #tpu.memory_space<hbm>>
    tpu.wait_indirect_dma semaphore(%arg10 : memref<!tpu.dma_semaphore, #tpu.memory_space<semaphore_mem>>) src(%dma_wait3A_166 : memref<1600120x32xf32, #tpu.memory_space<hbm>>) dst(%dma_wait3A_160 : memref<128x32xf32, #tpu.memory_space<vmem>>)
    %mul3A_167 = arith.constant 16 : i32
    %mul3A_168 = arith.muli %mul3A_2, %mul3A_167 : i32
    %add3A_169 = arith.constant 256 : i32
    %add3A_170 = arith.addi %mul3A_168, %add3A_169 : i32
    %run_scoped3A_171 = arith.constant 0 : i32
    "tpu.region"() ({
      %run_scoped3A_1001 = tpu.sem_alloc : memref<!tpu.dma_semaphore, #tpu.memory_space<semaphore_mem>>
      %dma_start3A_1002 = arith.constant 0 : i32
      %dma_start3A_1003 = arith.constant 0 : i32
      %dma_start3A_1004 = tpu.memref_slice %arg9[%run_scoped3A_171, %dma_start3A_1002, %dma_start3A_1003] : memref<2x128x32xf32, #tpu.memory_space<vmem>> -> memref<1x128x32xf32, #tpu.memory_space<vmem>>
      %dma_start3A_1005 = tpu.memref_squeeze %dma_start3A_1004 : memref<1x128x32xf32, #tpu.memory_space<vmem>> -> memref<128x32xf32, #tpu.memory_space<vmem>>
      %dma_start3A_1006 = arith.constant 0 : i32
      %dma_start3A_1007 = tpu.memref_slice %arg5[%add3A_170, %dma_start3A_1006] : memref<131072x32xf32, #tpu.memory_space<hbm>> -> memref<128x32xf32, #tpu.memory_space<hbm>>
      %dma_start3A_1008 = arith.constant 0 : i32
      %dma_start3A_1009 = tpu.memref_slice %arg5[%add3A_170, %dma_start3A_1008] : memref<131072x32xf32, #tpu.memory_space<hbm>> -> memref<128x32xf32, #tpu.memory_space<hbm>>
      %dma_start3A_1010 = arith.constant 0 : i32
      %dma_start3A_1011 = arith.constant 0 : i32
      %dma_start3A_1012 = tpu.memref_slice %arg9[%run_scoped3A_171, %dma_start3A_1010, %dma_start3A_1011] : memref<2x128x32xf32, #tpu.memory_space<vmem>> -> memref<1x128x32xf32, #tpu.memory_space<vmem>>
      %dma_start3A_1013 = tpu.memref_squeeze %dma_start3A_1012 : memref<1x128x32xf32, #tpu.memory_space<vmem>> -> memref<128x32xf32, #tpu.memory_space<vmem>>
      tpu.enqueue_dma source(%dma_start3A_1013 : memref<128x32xf32, #tpu.memory_space<vmem>>) target(%dma_start3A_1009 : memref<128x32xf32, #tpu.memory_space<hbm>>) target_semaphore(%run_scoped3A_1001 : memref<!tpu.dma_semaphore, #tpu.memory_space<semaphore_mem>>)
      %dma_wait3A_1014 = arith.constant 0 : i32
      %dma_wait3A_1015 = arith.constant 0 : i32
      %dma_wait3A_1016 = tpu.memref_slice %arg9[%run_scoped3A_171, %dma_wait3A_1014, %dma_wait3A_1015] : memref<2x128x32xf32, #tpu.memory_space<vmem>> -> memref<1x128x32xf32, #tpu.memory_space<vmem>>
      %dma_wait3A_1017 = tpu.memref_squeeze %dma_wait3A_1016 : memref<1x128x32xf32, #tpu.memory_space<vmem>> -> memref<128x32xf32, #tpu.memory_space<vmem>>
      %dma_wait3A_1018 = arith.constant 0 : i32
      %dma_wait3A_1019 = tpu.memref_slice %arg5[%add3A_170, %dma_wait3A_1018] : memref<131072x32xf32, #tpu.memory_space<hbm>> -> memref<128x32xf32, #tpu.memory_space<hbm>>
      %dma_wait3A_1020 = arith.constant 0 : i32
      %dma_wait3A_1021 = tpu.memref_slice %arg5[%add3A_170, %dma_wait3A_1020] : memref<131072x32xf32, #tpu.memory_space<hbm>> -> memref<128x32xf32, #tpu.memory_space<hbm>>
      %dma_wait3A_1022 = arith.constant 0 : i32
      %dma_wait3A_1023 = arith.constant 0 : i32
      %dma_wait3A_1024 = tpu.memref_slice %arg9[%run_scoped3A_171, %dma_wait3A_1022, %dma_wait3A_1023] : memref<2x128x32xf32, #tpu.memory_space<vmem>> -> memref<1x128x32xf32, #tpu.memory_space<vmem>>
      %dma_wait3A_1025 = tpu.memref_squeeze %dma_wait3A_1024 : memref<1x128x32xf32, #tpu.memory_space<vmem>> -> memref<128x32xf32, #tpu.memory_space<vmem>>
      tpu.wait_dma2 semaphore(%run_scoped3A_1001 : memref<!tpu.dma_semaphore, #tpu.memory_space<semaphore_mem>>) src(%dma_wait3A_1025 : memref<128x32xf32, #tpu.memory_space<vmem>>) dst(%dma_wait3A_1021 : memref<128x32xf32, #tpu.memory_space<hbm>>)
      tpu.yield
    }) : () -> ()
    %dma_start3A_172 = arith.constant 4 : i32
    %dma_start3A_173 = arith.constant 0 : i32
    %dma_start3A_174 = arith.constant 0 : i32
    %dma_start3A_175 = arith.constant 0 : i32
    %dma_start3A_176 = tpu.memref_slice %arg9[%dma_start3A_173, %dma_start3A_174, %dma_start3A_175] : memref<2x128x32xf32, #tpu.memory_space<vmem>> -> memref<1x128x32xf32, #tpu.memory_space<vmem>>
    %dma_start3A_177 = tpu.memref_squeeze %dma_start3A_176 : memref<1x128x32xf32, #tpu.memory_space<vmem>> -> memref<128x32xf32, #tpu.memory_space<vmem>>
    %dma_start3A_178 = arith.constant 0 : i32
    %dma_start3A_179 = tpu.memref_slice %arg8[%dma_start3A_172, %dma_start3A_178] : memref<32x128xi32, #tpu.memory_space<vmem>> -> memref<1x128xi32, #tpu.memory_space<vmem>>
    %dma_start3A_180 = tpu.memref_squeeze %dma_start3A_179 : memref<1x128xi32, #tpu.memory_space<vmem>> -> memref<128xi32, #tpu.memory_space<vmem>>
    %dma_start3A_181 = arith.constant 0 : i32
    %dma_start3A_182 = arith.constant 0 : i32
    %dma_start3A_183 = tpu.memref_slice %arg2[%dma_start3A_181, %dma_start3A_182] : memref<1600120x32xf32, #tpu.memory_space<hbm>> -> memref<1600120x32xf32, #tpu.memory_space<hbm>>
    tpu.enqueue_indirect_dma source(%dma_start3A_183 : memref<1600120x32xf32, #tpu.memory_space<hbm>>) target(%dma_start3A_177 : memref<128x32xf32, #tpu.memory_space<vmem>>) offsets(%dma_start3A_180 : memref<128xi32, #tpu.memory_space<vmem>>) semaphore(%arg10 : memref<!tpu.dma_semaphore, #tpu.memory_space<semaphore_mem>>)
    %dma_wait3A_184 = arith.constant 3 : i32
    %dma_wait3A_185 = arith.constant 1 : i32
    %dma_wait3A_186 = arith.constant 0 : i32
    %dma_wait3A_187 = arith.constant 0 : i32
    %dma_wait3A_188 = tpu.memref_slice %arg9[%dma_wait3A_185, %dma_wait3A_186, %dma_wait3A_187] : memref<2x128x32xf32, #tpu.memory_space<vmem>> -> memref<1x128x32xf32, #tpu.memory_space<vmem>>
    %dma_wait3A_189 = tpu.memref_squeeze %dma_wait3A_188 : memref<1x128x32xf32, #tpu.memory_space<vmem>> -> memref<128x32xf32, #tpu.memory_space<vmem>>
    %dma_wait3A_190 = arith.constant 0 : i32
    %dma_wait3A_191 = tpu.memref_slice %arg8[%dma_wait3A_184, %dma_wait3A_190] : memref<32x128xi32, #tpu.memory_space<vmem>> -> memref<1x128xi32, #tpu.memory_space<vmem>>
    %dma_wait3A_192 = tpu.memref_squeeze %dma_wait3A_191 : memref<1x128xi32, #tpu.memory_space<vmem>> -> memref<128xi32, #tpu.memory_space<vmem>>
    %dma_wait3A_193 = arith.constant 0 : i32
    %dma_wait3A_194 = arith.constant 0 : i32
    %dma_wait3A_195 = tpu.memref_slice %arg2[%dma_wait3A_193, %dma_wait3A_194] : memref<1600120x32xf32, #tpu.memory_space<hbm>> -> memref<1600120x32xf32, #tpu.memory_space<hbm>>
    tpu.wait_indirect_dma semaphore(%arg11 : memref<!tpu.dma_semaphore, #tpu.memory_space<semaphore_mem>>) src(%dma_wait3A_195 : memref<1600120x32xf32, #tpu.memory_space<hbm>>) dst(%dma_wait3A_189 : memref<128x32xf32, #tpu.memory_space<vmem>>)
    %mul3A_196 = arith.constant 16 : i32
    %mul3A_197 = arith.muli %mul3A_2, %mul3A_196 : i32
    %add3A_198 = arith.constant 384 : i32
    %add3A_199 = arith.addi %mul3A_197, %add3A_198 : i32
    %run_scoped3A_200 = arith.constant 1 : i32
    "tpu.region"() ({
      %run_scoped3A_1001 = tpu.sem_alloc : memref<!tpu.dma_semaphore, #tpu.memory_space<semaphore_mem>>
      %dma_start3A_1002 = arith.constant 0 : i32
      %dma_start3A_1003 = arith.constant 0 : i32
      %dma_start3A_1004 = tpu.memref_slice %arg9[%run_scoped3A_200, %dma_start3A_1002, %dma_start3A_1003] : memref<2x128x32xf32, #tpu.memory_space<vmem>> -> memref<1x128x32xf32, #tpu.memory_space<vmem>>
      %dma_start3A_1005 = tpu.memref_squeeze %dma_start3A_1004 : memref<1x128x32xf32, #tpu.memory_space<vmem>> -> memref<128x32xf32, #tpu.memory_space<vmem>>
      %dma_start3A_1006 = arith.constant 0 : i32
      %dma_start3A_1007 = tpu.memref_slice %arg5[%add3A_199, %dma_start3A_1006] : memref<131072x32xf32, #tpu.memory_space<hbm>> -> memref<128x32xf32, #tpu.memory_space<hbm>>
      %dma_start3A_1008 = arith.constant 0 : i32
      %dma_start3A_1009 = tpu.memref_slice %arg5[%add3A_199, %dma_start3A_1008] : memref<131072x32xf32, #tpu.memory_space<hbm>> -> memref<128x32xf32, #tpu.memory_space<hbm>>
      %dma_start3A_1010 = arith.constant 0 : i32
      %dma_start3A_1011 = arith.constant 0 : i32
      %dma_start3A_1012 = tpu.memref_slice %arg9[%run_scoped3A_200, %dma_start3A_1010, %dma_start3A_1011] : memref<2x128x32xf32, #tpu.memory_space<vmem>> -> memref<1x128x32xf32, #tpu.memory_space<vmem>>
      %dma_start3A_1013 = tpu.memref_squeeze %dma_start3A_1012 : memref<1x128x32xf32, #tpu.memory_space<vmem>> -> memref<128x32xf32, #tpu.memory_space<vmem>>
      tpu.enqueue_dma source(%dma_start3A_1013 : memref<128x32xf32, #tpu.memory_space<vmem>>) target(%dma_start3A_1009 : memref<128x32xf32, #tpu.memory_space<hbm>>) target_semaphore(%run_scoped3A_1001 : memref<!tpu.dma_semaphore, #tpu.memory_space<semaphore_mem>>)
      %dma_wait3A_1014 = arith.constant 0 : i32
      %dma_wait3A_1015 = arith.constant 0 : i32
      %dma_wait3A_1016 = tpu.memref_slice %arg9[%run_scoped3A_200, %dma_wait3A_1014, %dma_wait3A_1015] : memref<2x128x32xf32, #tpu.memory_space<vmem>> -> memref<1x128x32xf32, #tpu.memory_space<vmem>>
      %dma_wait3A_1017 = tpu.memref_squeeze %dma_wait3A_1016 : memref<1x128x32xf32, #tpu.memory_space<vmem>> -> memref<128x32xf32, #tpu.memory_space<vmem>>
      %dma_wait3A_1018 = arith.constant 0 : i32
      %dma_wait3A_1019 = tpu.memref_slice %arg5[%add3A_199, %dma_wait3A_1018] : memref<131072x32xf32, #tpu.memory_space<hbm>> -> memref<128x32xf32, #tpu.memory_space<hbm>>
      %dma_wait3A_1020 = arith.constant 0 : i32
      %dma_wait3A_1021 = tpu.memref_slice %arg5[%add3A_199, %dma_wait3A_1020] : memref<131072x32xf32, #tpu.memory_space<hbm>> -> memref<128x32xf32, #tpu.memory_space<hbm>>
      %dma_wait3A_1022 = arith.constant 0 : i32
      %dma_wait3A_1023 = arith.constant 0 : i32
      %dma_wait3A_1024 = tpu.memref_slice %arg9[%run_scoped3A_200, %dma_wait3A_1022, %dma_wait3A_1023] : memref<2x128x32xf32, #tpu.memory_space<vmem>> -> memref<1x128x32xf32, #tpu.memory_space<vmem>>
      %dma_wait3A_1025 = tpu.memref_squeeze %dma_wait3A_1024 : memref<1x128x32xf32, #tpu.memory_space<vmem>> -> memref<128x32xf32, #tpu.memory_space<vmem>>
      tpu.wait_dma2 semaphore(%run_scoped3A_1001 : memref<!tpu.dma_semaphore, #tpu.memory_space<semaphore_mem>>) src(%dma_wait3A_1025 : memref<128x32xf32, #tpu.memory_space<vmem>>) dst(%dma_wait3A_1021 : memref<128x32xf32, #tpu.memory_space<hbm>>)
      tpu.yield
    }) : () -> ()
    %dma_start3A_201 = arith.constant 5 : i32
    %dma_start3A_202 = arith.constant 1 : i32
    %dma_start3A_203 = arith.constant 0 : i32
    %dma_start3A_204 = arith.constant 0 : i32
    %dma_start3A_205 = tpu.memref_slice %arg9[%dma_start3A_202, %dma_start3A_203, %dma_start3A_204] : memref<2x128x32xf32, #tpu.memory_space<vmem>> -> memref<1x128x32xf32, #tpu.memory_space<vmem>>
    %dma_start3A_206 = tpu.memref_squeeze %dma_start3A_205 : memref<1x128x32xf32, #tpu.memory_space<vmem>> -> memref<128x32xf32, #tpu.memory_space<vmem>>
    %dma_start3A_207 = arith.constant 0 : i32
    %dma_start3A_208 = tpu.memref_slice %arg8[%dma_start3A_201, %dma_start3A_207] : memref<32x128xi32, #tpu.memory_space<vmem>> -> memref<1x128xi32, #tpu.memory_space<vmem>>
    %dma_start3A_209 = tpu.memref_squeeze %dma_start3A_208 : memref<1x128xi32, #tpu.memory_space<vmem>> -> memref<128xi32, #tpu.memory_space<vmem>>
    %dma_start3A_210 = arith.constant 0 : i32
    %dma_start3A_211 = arith.constant 0 : i32
    %dma_start3A_212 = tpu.memref_slice %arg2[%dma_start3A_210, %dma_start3A_211] : memref<1600120x32xf32, #tpu.memory_space<hbm>> -> memref<1600120x32xf32, #tpu.memory_space<hbm>>
    tpu.enqueue_indirect_dma source(%dma_start3A_212 : memref<1600120x32xf32, #tpu.memory_space<hbm>>) target(%dma_start3A_206 : memref<128x32xf32, #tpu.memory_space<vmem>>) offsets(%dma_start3A_209 : memref<128xi32, #tpu.memory_space<vmem>>) semaphore(%arg11 : memref<!tpu.dma_semaphore, #tpu.memory_space<semaphore_mem>>)
    %dma_wait3A_213 = arith.constant 4 : i32
    %dma_wait3A_214 = arith.constant 0 : i32
    %dma_wait3A_215 = arith.constant 0 : i32
    %dma_wait3A_216 = arith.constant 0 : i32
    %dma_wait3A_217 = tpu.memref_slice %arg9[%dma_wait3A_214, %dma_wait3A_215, %dma_wait3A_216] : memref<2x128x32xf32, #tpu.memory_space<vmem>> -> memref<1x128x32xf32, #tpu.memory_space<vmem>>
    %dma_wait3A_218 = tpu.memref_squeeze %dma_wait3A_217 : memref<1x128x32xf32, #tpu.memory_space<vmem>> -> memref<128x32xf32, #tpu.memory_space<vmem>>
    %dma_wait3A_219 = arith.constant 0 : i32
    %dma_wait3A_220 = tpu.memref_slice %arg8[%dma_wait3A_213, %dma_wait3A_219] : memref<32x128xi32, #tpu.memory_space<vmem>> -> memref<1x128xi32, #tpu.memory_space<vmem>>
    %dma_wait3A_221 = tpu.memref_squeeze %dma_wait3A_220 : memref<1x128xi32, #tpu.memory_space<vmem>> -> memref<128xi32, #tpu.memory_space<vmem>>
    %dma_wait3A_222 = arith.constant 0 : i32
    %dma_wait3A_223 = arith.constant 0 : i32
    %dma_wait3A_224 = tpu.memref_slice %arg2[%dma_wait3A_222, %dma_wait3A_223] : memref<1600120x32xf32, #tpu.memory_space<hbm>> -> memref<1600120x32xf32, #tpu.memory_space<hbm>>
    tpu.wait_indirect_dma semaphore(%arg10 : memref<!tpu.dma_semaphore, #tpu.memory_space<semaphore_mem>>) src(%dma_wait3A_224 : memref<1600120x32xf32, #tpu.memory_space<hbm>>) dst(%dma_wait3A_218 : memref<128x32xf32, #tpu.memory_space<vmem>>)
    %mul3A_225 = arith.constant 16 : i32
    %mul3A_226 = arith.muli %mul3A_2, %mul3A_225 : i32
    %add3A_227 = arith.constant 512 : i32
    %add3A_228 = arith.addi %mul3A_226, %add3A_227 : i32
    %run_scoped3A_229 = arith.constant 0 : i32
    "tpu.region"() ({
      %run_scoped3A_1001 = tpu.sem_alloc : memref<!tpu.dma_semaphore, #tpu.memory_space<semaphore_mem>>
      %dma_start3A_1002 = arith.constant 0 : i32
      %dma_start3A_1003 = arith.constant 0 : i32
      %dma_start3A_1004 = tpu.memref_slice %arg9[%run_scoped3A_229, %dma_start3A_1002, %dma_start3A_1003] : memref<2x128x32xf32, #tpu.memory_space<vmem>> -> memref<1x128x32xf32, #tpu.memory_space<vmem>>
      %dma_start3A_1005 = tpu.memref_squeeze %dma_start3A_1004 : memref<1x128x32xf32, #tpu.memory_space<vmem>> -> memref<128x32xf32, #tpu.memory_space<vmem>>
      %dma_start3A_1006 = arith.constant 0 : i32
      %dma_start3A_1007 = tpu.memref_slice %arg5[%add3A_228, %dma_start3A_1006] : memref<131072x32xf32, #tpu.memory_space<hbm>> -> memref<128x32xf32, #tpu.memory_space<hbm>>
      %dma_start3A_1008 = arith.constant 0 : i32
      %dma_start3A_1009 = tpu.memref_slice %arg5[%add3A_228, %dma_start3A_1008] : memref<131072x32xf32, #tpu.memory_space<hbm>> -> memref<128x32xf32, #tpu.memory_space<hbm>>
      %dma_start3A_1010 = arith.constant 0 : i32
      %dma_start3A_1011 = arith.constant 0 : i32
      %dma_start3A_1012 = tpu.memref_slice %arg9[%run_scoped3A_229, %dma_start3A_1010, %dma_start3A_1011] : memref<2x128x32xf32, #tpu.memory_space<vmem>> -> memref<1x128x32xf32, #tpu.memory_space<vmem>>
      %dma_start3A_1013 = tpu.memref_squeeze %dma_start3A_1012 : memref<1x128x32xf32, #tpu.memory_space<vmem>> -> memref<128x32xf32, #tpu.memory_space<vmem>>
      tpu.enqueue_dma source(%dma_start3A_1013 : memref<128x32xf32, #tpu.memory_space<vmem>>) target(%dma_start3A_1009 : memref<128x32xf32, #tpu.memory_space<hbm>>) target_semaphore(%run_scoped3A_1001 : memref<!tpu.dma_semaphore, #tpu.memory_space<semaphore_mem>>)
      %dma_wait3A_1014 = arith.constant 0 : i32
      %dma_wait3A_1015 = arith.constant 0 : i32
      %dma_wait3A_1016 = tpu.memref_slice %arg9[%run_scoped3A_229, %dma_wait3A_1014, %dma_wait3A_1015] : memref<2x128x32xf32, #tpu.memory_space<vmem>> -> memref<1x128x32xf32, #tpu.memory_space<vmem>>
      %dma_wait3A_1017 = tpu.memref_squeeze %dma_wait3A_1016 : memref<1x128x32xf32, #tpu.memory_space<vmem>> -> memref<128x32xf32, #tpu.memory_space<vmem>>
      %dma_wait3A_1018 = arith.constant 0 : i32
      %dma_wait3A_1019 = tpu.memref_slice %arg5[%add3A_228, %dma_wait3A_1018] : memref<131072x32xf32, #tpu.memory_space<hbm>> -> memref<128x32xf32, #tpu.memory_space<hbm>>
      %dma_wait3A_1020 = arith.constant 0 : i32
      %dma_wait3A_1021 = tpu.memref_slice %arg5[%add3A_228, %dma_wait3A_1020] : memref<131072x32xf32, #tpu.memory_space<hbm>> -> memref<128x32xf32, #tpu.memory_space<hbm>>
      %dma_wait3A_1022 = arith.constant 0 : i32
      %dma_wait3A_1023 = arith.constant 0 : i32
      %dma_wait3A_1024 = tpu.memref_slice %arg9[%run_scoped3A_229, %dma_wait3A_1022, %dma_wait3A_1023] : memref<2x128x32xf32, #tpu.memory_space<vmem>> -> memref<1x128x32xf32, #tpu.memory_space<vmem>>
      %dma_wait3A_1025 = tpu.memref_squeeze %dma_wait3A_1024 : memref<1x128x32xf32, #tpu.memory_space<vmem>> -> memref<128x32xf32, #tpu.memory_space<vmem>>
      tpu.wait_dma2 semaphore(%run_scoped3A_1001 : memref<!tpu.dma_semaphore, #tpu.memory_space<semaphore_mem>>) src(%dma_wait3A_1025 : memref<128x32xf32, #tpu.memory_space<vmem>>) dst(%dma_wait3A_1021 : memref<128x32xf32, #tpu.memory_space<hbm>>)
      tpu.yield
    }) : () -> ()
    %dma_start3A_230 = arith.constant 6 : i32
    %dma_start3A_231 = arith.constant 0 : i32
    %dma_start3A_232 = arith.constant 0 : i32
    %dma_start3A_233 = arith.constant 0 : i32
    %dma_start3A_234 = tpu.memref_slice %arg9[%dma_start3A_231, %dma_start3A_232, %dma_start3A_233] : memref<2x128x32xf32, #tpu.memory_space<vmem>> -> memref<1x128x32xf32, #tpu.memory_space<vmem>>
    %dma_start3A_235 = tpu.memref_squeeze %dma_start3A_234 : memref<1x128x32xf32, #tpu.memory_space<vmem>> -> memref<128x32xf32, #tpu.memory_space<vmem>>
    %dma_start3A_236 = arith.constant 0 : i32
    %dma_start3A_237 = tpu.memref_slice %arg8[%dma_start3A_230, %dma_start3A_236] : memref<32x128xi32, #tpu.memory_space<vmem>> -> memref<1x128xi32, #tpu.memory_space<vmem>>
    %dma_start3A_238 = tpu.memref_squeeze %dma_start3A_237 : memref<1x128xi32, #tpu.memory_space<vmem>> -> memref<128xi32, #tpu.memory_space<vmem>>
    %dma_start3A_239 = arith.constant 0 : i32
    %dma_start3A_240 = arith.constant 0 : i32
    %dma_start3A_241 = tpu.memref_slice %arg2[%dma_start3A_239, %dma_start3A_240] : memref<1600120x32xf32, #tpu.memory_space<hbm>> -> memref<1600120x32xf32, #tpu.memory_space<hbm>>
    tpu.enqueue_indirect_dma source(%dma_start3A_241 : memref<1600120x32xf32, #tpu.memory_space<hbm>>) target(%dma_start3A_235 : memref<128x32xf32, #tpu.memory_space<vmem>>) offsets(%dma_start3A_238 : memref<128xi32, #tpu.memory_space<vmem>>) semaphore(%arg10 : memref<!tpu.dma_semaphore, #tpu.memory_space<semaphore_mem>>)
    %dma_wait3A_242 = arith.constant 5 : i32
    %dma_wait3A_243 = arith.constant 1 : i32
    %dma_wait3A_244 = arith.constant 0 : i32
    %dma_wait3A_245 = arith.constant 0 : i32
    %dma_wait3A_246 = tpu.memref_slice %arg9[%dma_wait3A_243, %dma_wait3A_244, %dma_wait3A_245] : memref<2x128x32xf32, #tpu.memory_space<vmem>> -> memref<1x128x32xf32, #tpu.memory_space<vmem>>
    %dma_wait3A_247 = tpu.memref_squeeze %dma_wait3A_246 : memref<1x128x32xf32, #tpu.memory_space<vmem>> -> memref<128x32xf32, #tpu.memory_space<vmem>>
    %dma_wait3A_248 = arith.constant 0 : i32
    %dma_wait3A_249 = tpu.memref_slice %arg8[%dma_wait3A_242, %dma_wait3A_248] : memref<32x128xi32, #tpu.memory_space<vmem>> -> memref<1x128xi32, #tpu.memory_space<vmem>>
    %dma_wait3A_250 = tpu.memref_squeeze %dma_wait3A_249 : memref<1x128xi32, #tpu.memory_space<vmem>> -> memref<128xi32, #tpu.memory_space<vmem>>
    %dma_wait3A_251 = arith.constant 0 : i32
    %dma_wait3A_252 = arith.constant 0 : i32
    %dma_wait3A_253 = tpu.memref_slice %arg2[%dma_wait3A_251, %dma_wait3A_252] : memref<1600120x32xf32, #tpu.memory_space<hbm>> -> memref<1600120x32xf32, #tpu.memory_space<hbm>>
    tpu.wait_indirect_dma semaphore(%arg11 : memref<!tpu.dma_semaphore, #tpu.memory_space<semaphore_mem>>) src(%dma_wait3A_253 : memref<1600120x32xf32, #tpu.memory_space<hbm>>) dst(%dma_wait3A_247 : memref<128x32xf32, #tpu.memory_space<vmem>>)
    %mul3A_254 = arith.constant 16 : i32
    %mul3A_255 = arith.muli %mul3A_2, %mul3A_254 : i32
    %add3A_256 = arith.constant 640 : i32
    %add3A_257 = arith.addi %mul3A_255, %add3A_256 : i32
    %run_scoped3A_258 = arith.constant 1 : i32
    "tpu.region"() ({
      %run_scoped3A_1001 = tpu.sem_alloc : memref<!tpu.dma_semaphore, #tpu.memory_space<semaphore_mem>>
      %dma_start3A_1002 = arith.constant 0 : i32
      %dma_start3A_1003 = arith.constant 0 : i32
      %dma_start3A_1004 = tpu.memref_slice %arg9[%run_scoped3A_258, %dma_start3A_1002, %dma_start3A_1003] : memref<2x128x32xf32, #tpu.memory_space<vmem>> -> memref<1x128x32xf32, #tpu.memory_space<vmem>>
      %dma_start3A_1005 = tpu.memref_squeeze %dma_start3A_1004 : memref<1x128x32xf32, #tpu.memory_space<vmem>> -> memref<128x32xf32, #tpu.memory_space<vmem>>
      %dma_start3A_1006 = arith.constant 0 : i32
      %dma_start3A_1007 = tpu.memref_slice %arg5[%add3A_257, %dma_start3A_1006] : memref<131072x32xf32, #tpu.memory_space<hbm>> -> memref<128x32xf32, #tpu.memory_space<hbm>>
      %dma_start3A_1008 = arith.constant 0 : i32
      %dma_start3A_1009 = tpu.memref_slice %arg5[%add3A_257, %dma_start3A_1008] : memref<131072x32xf32, #tpu.memory_space<hbm>> -> memref<128x32xf32, #tpu.memory_space<hbm>>
      %dma_start3A_1010 = arith.constant 0 : i32
      %dma_start3A_1011 = arith.constant 0 : i32
      %dma_start3A_1012 = tpu.memref_slice %arg9[%run_scoped3A_258, %dma_start3A_1010, %dma_start3A_1011] : memref<2x128x32xf32, #tpu.memory_space<vmem>> -> memref<1x128x32xf32, #tpu.memory_space<vmem>>
      %dma_start3A_1013 = tpu.memref_squeeze %dma_start3A_1012 : memref<1x128x32xf32, #tpu.memory_space<vmem>> -> memref<128x32xf32, #tpu.memory_space<vmem>>
      tpu.enqueue_dma source(%dma_start3A_1013 : memref<128x32xf32, #tpu.memory_space<vmem>>) target(%dma_start3A_1009 : memref<128x32xf32, #tpu.memory_space<hbm>>) target_semaphore(%run_scoped3A_1001 : memref<!tpu.dma_semaphore, #tpu.memory_space<semaphore_mem>>)
      %dma_wait3A_1014 = arith.constant 0 : i32
      %dma_wait3A_1015 = arith.constant 0 : i32
      %dma_wait3A_1016 = tpu.memref_slice %arg9[%run_scoped3A_258, %dma_wait3A_1014, %dma_wait3A_1015] : memref<2x128x32xf32, #tpu.memory_space<vmem>> -> memref<1x128x32xf32, #tpu.memory_space<vmem>>
      %dma_wait3A_1017 = tpu.memref_squeeze %dma_wait3A_1016 : memref<1x128x32xf32, #tpu.memory_space<vmem>> -> memref<128x32xf32, #tpu.memory_space<vmem>>
      %dma_wait3A_1018 = arith.constant 0 : i32
      %dma_wait3A_1019 = tpu.memref_slice %arg5[%add3A_257, %dma_wait3A_1018] : memref<131072x32xf32, #tpu.memory_space<hbm>> -> memref<128x32xf32, #tpu.memory_space<hbm>>
      %dma_wait3A_1020 = arith.constant 0 : i32
      %dma_wait3A_1021 = tpu.memref_slice %arg5[%add3A_257, %dma_wait3A_1020] : memref<131072x32xf32, #tpu.memory_space<hbm>> -> memref<128x32xf32, #tpu.memory_space<hbm>>
      %dma_wait3A_1022 = arith.constant 0 : i32
      %dma_wait3A_1023 = arith.constant 0 : i32
      %dma_wait3A_1024 = tpu.memref_slice %arg9[%run_scoped3A_258, %dma_wait3A_1022, %dma_wait3A_1023] : memref<2x128x32xf32, #tpu.memory_space<vmem>> -> memref<1x128x32xf32, #tpu.memory_space<vmem>>
      %dma_wait3A_1025 = tpu.memref_squeeze %dma_wait3A_1024 : memref<1x128x32xf32, #tpu.memory_space<vmem>> -> memref<128x32xf32, #tpu.memory_space<vmem>>
      tpu.wait_dma2 semaphore(%run_scoped3A_1001 : memref<!tpu.dma_semaphore, #tpu.memory_space<semaphore_mem>>) src(%dma_wait3A_1025 : memref<128x32xf32, #tpu.memory_space<vmem>>) dst(%dma_wait3A_1021 : memref<128x32xf32, #tpu.memory_space<hbm>>)
      tpu.yield
    }) : () -> ()
    %dma_start3A_259 = arith.constant 7 : i32
    %dma_start3A_260 = arith.constant 1 : i32
    %dma_start3A_261 = arith.constant 0 : i32
    %dma_start3A_262 = arith.constant 0 : i32
    %dma_start3A_263 = tpu.memref_slice %arg9[%dma_start3A_260, %dma_start3A_261, %dma_start3A_262] : memref<2x128x32xf32, #tpu.memory_space<vmem>> -> memref<1x128x32xf32, #tpu.memory_space<vmem>>
    %dma_start3A_264 = tpu.memref_squeeze %dma_start3A_263 : memref<1x128x32xf32, #tpu.memory_space<vmem>> -> memref<128x32xf32, #tpu.memory_space<vmem>>
    %dma_start3A_265 = arith.constant 0 : i32
    %dma_start3A_266 = tpu.memref_slice %arg8[%dma_start3A_259, %dma_start3A_265] : memref<32x128xi32, #tpu.memory_space<vmem>> -> memref<1x128xi32, #tpu.memory_space<vmem>>
    %dma_start3A_267 = tpu.memref_squeeze %dma_start3A_266 : memref<1x128xi32, #tpu.memory_space<vmem>> -> memref<128xi32, #tpu.memory_space<vmem>>
    %dma_start3A_268 = arith.constant 0 : i32
    %dma_start3A_269 = arith.constant 0 : i32
    %dma_start3A_270 = tpu.memref_slice %arg2[%dma_start3A_268, %dma_start3A_269] : memref<1600120x32xf32, #tpu.memory_space<hbm>> -> memref<1600120x32xf32, #tpu.memory_space<hbm>>
    tpu.enqueue_indirect_dma source(%dma_start3A_270 : memref<1600120x32xf32, #tpu.memory_space<hbm>>) target(%dma_start3A_264 : memref<128x32xf32, #tpu.memory_space<vmem>>) offsets(%dma_start3A_267 : memref<128xi32, #tpu.memory_space<vmem>>) semaphore(%arg11 : memref<!tpu.dma_semaphore, #tpu.memory_space<semaphore_mem>>)
    %dma_wait3A_271 = arith.constant 6 : i32
    %dma_wait3A_272 = arith.constant 0 : i32
    %dma_wait3A_273 = arith.constant 0 : i32
    %dma_wait3A_274 = arith.constant 0 : i32
    %dma_wait3A_275 = tpu.memref_slice %arg9[%dma_wait3A_272, %dma_wait3A_273, %dma_wait3A_274] : memref<2x128x32xf32, #tpu.memory_space<vmem>> -> memref<1x128x32xf32, #tpu.memory_space<vmem>>
    %dma_wait3A_276 = tpu.memref_squeeze %dma_wait3A_275 : memref<1x128x32xf32, #tpu.memory_space<vmem>> -> memref<128x32xf32, #tpu.memory_space<vmem>>
    %dma_wait3A_277 = arith.constant 0 : i32
    %dma_wait3A_278 = tpu.memref_slice %arg8[%dma_wait3A_271, %dma_wait3A_277] : memref<32x128xi32, #tpu.memory_space<vmem>> -> memref<1x128xi32, #tpu.memory_space<vmem>>
    %dma_wait3A_279 = tpu.memref_squeeze %dma_wait3A_278 : memref<1x128xi32, #tpu.memory_space<vmem>> -> memref<128xi32, #tpu.memory_space<vmem>>
    %dma_wait3A_280 = arith.constant 0 : i32
    %dma_wait3A_281 = arith.constant 0 : i32
    %dma_wait3A_282 = tpu.memref_slice %arg2[%dma_wait3A_280, %dma_wait3A_281] : memref<1600120x32xf32, #tpu.memory_space<hbm>> -> memref<1600120x32xf32, #tpu.memory_space<hbm>>
    tpu.wait_indirect_dma semaphore(%arg10 : memref<!tpu.dma_semaphore, #tpu.memory_space<semaphore_mem>>) src(%dma_wait3A_282 : memref<1600120x32xf32, #tpu.memory_space<hbm>>) dst(%dma_wait3A_276 : memref<128x32xf32, #tpu.memory_space<vmem>>)
    %mul3A_283 = arith.constant 16 : i32
    %mul3A_284 = arith.muli %mul3A_2, %mul3A_283 : i32
    %add3A_285 = arith.constant 768 : i32
    %add3A_286 = arith.addi %mul3A_284, %add3A_285 : i32
    %run_scoped3A_287 = arith.constant 0 : i32
    "tpu.region"() ({
      %run_scoped3A_1001 = tpu.sem_alloc : memref<!tpu.dma_semaphore, #tpu.memory_space<semaphore_mem>>
      %dma_start3A_1002 = arith.constant 0 : i32
      %dma_start3A_1003 = arith.constant 0 : i32
      %dma_start3A_1004 = tpu.memref_slice %arg9[%run_scoped3A_287, %dma_start3A_1002, %dma_start3A_1003] : memref<2x128x32xf32, #tpu.memory_space<vmem>> -> memref<1x128x32xf32, #tpu.memory_space<vmem>>
      %dma_start3A_1005 = tpu.memref_squeeze %dma_start3A_1004 : memref<1x128x32xf32, #tpu.memory_space<vmem>> -> memref<128x32xf32, #tpu.memory_space<vmem>>
      %dma_start3A_1006 = arith.constant 0 : i32
      %dma_start3A_1007 = tpu.memref_slice %arg5[%add3A_286, %dma_start3A_1006] : memref<131072x32xf32, #tpu.memory_space<hbm>> -> memref<128x32xf32, #tpu.memory_space<hbm>>
      %dma_start3A_1008 = arith.constant 0 : i32
      %dma_start3A_1009 = tpu.memref_slice %arg5[%add3A_286, %dma_start3A_1008] : memref<131072x32xf32, #tpu.memory_space<hbm>> -> memref<128x32xf32, #tpu.memory_space<hbm>>
      %dma_start3A_1010 = arith.constant 0 : i32
      %dma_start3A_1011 = arith.constant 0 : i32
      %dma_start3A_1012 = tpu.memref_slice %arg9[%run_scoped3A_287, %dma_start3A_1010, %dma_start3A_1011] : memref<2x128x32xf32, #tpu.memory_space<vmem>> -> memref<1x128x32xf32, #tpu.memory_space<vmem>>
      %dma_start3A_1013 = tpu.memref_squeeze %dma_start3A_1012 : memref<1x128x32xf32, #tpu.memory_space<vmem>> -> memref<128x32xf32, #tpu.memory_space<vmem>>
      tpu.enqueue_dma source(%dma_start3A_1013 : memref<128x32xf32, #tpu.memory_space<vmem>>) target(%dma_start3A_1009 : memref<128x32xf32, #tpu.memory_space<hbm>>) target_semaphore(%run_scoped3A_1001 : memref<!tpu.dma_semaphore, #tpu.memory_space<semaphore_mem>>)
      %dma_wait3A_1014 = arith.constant 0 : i32
      %dma_wait3A_1015 = arith.constant 0 : i32
      %dma_wait3A_1016 = tpu.memref_slice %arg9[%run_scoped3A_287, %dma_wait3A_1014, %dma_wait3A_1015] : memref<2x128x32xf32, #tpu.memory_space<vmem>> -> memref<1x128x32xf32, #tpu.memory_space<vmem>>
      %dma_wait3A_1017 = tpu.memref_squeeze %dma_wait3A_1016 : memref<1x128x32xf32, #tpu.memory_space<vmem>> -> memref<128x32xf32, #tpu.memory_space<vmem>>
      %dma_wait3A_1018 = arith.constant 0 : i32
      %dma_wait3A_1019 = tpu.memref_slice %arg5[%add3A_286, %dma_wait3A_1018] : memref<131072x32xf32, #tpu.memory_space<hbm>> -> memref<128x32xf32, #tpu.memory_space<hbm>>
      %dma_wait3A_1020 = arith.constant 0 : i32
      %dma_wait3A_1021 = tpu.memref_slice %arg5[%add3A_286, %dma_wait3A_1020] : memref<131072x32xf32, #tpu.memory_space<hbm>> -> memref<128x32xf32, #tpu.memory_space<hbm>>
      %dma_wait3A_1022 = arith.constant 0 : i32
      %dma_wait3A_1023 = arith.constant 0 : i32
      %dma_wait3A_1024 = tpu.memref_slice %arg9[%run_scoped3A_287, %dma_wait3A_1022, %dma_wait3A_1023] : memref<2x128x32xf32, #tpu.memory_space<vmem>> -> memref<1x128x32xf32, #tpu.memory_space<vmem>>
      %dma_wait3A_1025 = tpu.memref_squeeze %dma_wait3A_1024 : memref<1x128x32xf32, #tpu.memory_space<vmem>> -> memref<128x32xf32, #tpu.memory_space<vmem>>
      tpu.wait_dma2 semaphore(%run_scoped3A_1001 : memref<!tpu.dma_semaphore, #tpu.memory_space<semaphore_mem>>) src(%dma_wait3A_1025 : memref<128x32xf32, #tpu.memory_space<vmem>>) dst(%dma_wait3A_1021 : memref<128x32xf32, #tpu.memory_space<hbm>>)
      tpu.yield
    }) : () -> ()
    %dma_start3A_288 = arith.constant 8 : i32
    %dma_start3A_289 = arith.constant 0 : i32
    %dma_start3A_290 = arith.constant 0 : i32
    %dma_start3A_291 = arith.constant 0 : i32
    %dma_start3A_292 = tpu.memref_slice %arg9[%dma_start3A_289, %dma_start3A_290, %dma_start3A_291] : memref<2x128x32xf32, #tpu.memory_space<vmem>> -> memref<1x128x32xf32, #tpu.memory_space<vmem>>
    %dma_start3A_293 = tpu.memref_squeeze %dma_start3A_292 : memref<1x128x32xf32, #tpu.memory_space<vmem>> -> memref<128x32xf32, #tpu.memory_space<vmem>>
    %dma_start3A_294 = arith.constant 0 : i32
    %dma_start3A_295 = tpu.memref_slice %arg8[%dma_start3A_288, %dma_start3A_294] : memref<32x128xi32, #tpu.memory_space<vmem>> -> memref<1x128xi32, #tpu.memory_space<vmem>>
    %dma_start3A_296 = tpu.memref_squeeze %dma_start3A_295 : memref<1x128xi32, #tpu.memory_space<vmem>> -> memref<128xi32, #tpu.memory_space<vmem>>
    %dma_start3A_297 = arith.constant 0 : i32
    %dma_start3A_298 = arith.constant 0 : i32
    %dma_start3A_299 = tpu.memref_slice %arg2[%dma_start3A_297, %dma_start3A_298] : memref<1600120x32xf32, #tpu.memory_space<hbm>> -> memref<1600120x32xf32, #tpu.memory_space<hbm>>
    tpu.enqueue_indirect_dma source(%dma_start3A_299 : memref<1600120x32xf32, #tpu.memory_space<hbm>>) target(%dma_start3A_293 : memref<128x32xf32, #tpu.memory_space<vmem>>) offsets(%dma_start3A_296 : memref<128xi32, #tpu.memory_space<vmem>>) semaphore(%arg10 : memref<!tpu.dma_semaphore, #tpu.memory_space<semaphore_mem>>)
    %dma_wait3A_300 = arith.constant 7 : i32
    %dma_wait3A_301 = arith.constant 1 : i32
    %dma_wait3A_302 = arith.constant 0 : i32
    %dma_wait3A_303 = arith.constant 0 : i32
    %dma_wait3A_304 = tpu.memref_slice %arg9[%dma_wait3A_301, %dma_wait3A_302, %dma_wait3A_303] : memref<2x128x32xf32, #tpu.memory_space<vmem>> -> memref<1x128x32xf32, #tpu.memory_space<vmem>>
    %dma_wait3A_305 = tpu.memref_squeeze %dma_wait3A_304 : memref<1x128x32xf32, #tpu.memory_space<vmem>> -> memref<128x32xf32, #tpu.memory_space<vmem>>
    %dma_wait3A_306 = arith.constant 0 : i32
    %dma_wait3A_307 = tpu.memref_slice %arg8[%dma_wait3A_300, %dma_wait3A_306] : memref<32x128xi32, #tpu.memory_space<vmem>> -> memref<1x128xi32, #tpu.memory_space<vmem>>
    %dma_wait3A_308 = tpu.memref_squeeze %dma_wait3A_307 : memref<1x128xi32, #tpu.memory_space<vmem>> -> memref<128xi32, #tpu.memory_space<vmem>>
    %dma_wait3A_309 = arith.constant 0 : i32
    %dma_wait3A_310 = arith.constant 0 : i32
    %dma_wait3A_311 = tpu.memref_slice %arg2[%dma_wait3A_309, %dma_wait3A_310] : memref<1600120x32xf32, #tpu.memory_space<hbm>> -> memref<1600120x32xf32, #tpu.memory_space<hbm>>
    tpu.wait_indirect_dma semaphore(%arg11 : memref<!tpu.dma_semaphore, #tpu.memory_space<semaphore_mem>>) src(%dma_wait3A_311 : memref<1600120x32xf32, #tpu.memory_space<hbm>>) dst(%dma_wait3A_305 : memref<128x32xf32, #tpu.memory_space<vmem>>)
    %mul3A_312 = arith.constant 16 : i32
    %mul3A_313 = arith.muli %mul3A_2, %mul3A_312 : i32
    %add3A_314 = arith.constant 896 : i32
    %add3A_315 = arith.addi %mul3A_313, %add3A_314 : i32
    %run_scoped3A_316 = arith.constant 1 : i32
    "tpu.region"() ({
      %run_scoped3A_1001 = tpu.sem_alloc : memref<!tpu.dma_semaphore, #tpu.memory_space<semaphore_mem>>
      %dma_start3A_1002 = arith.constant 0 : i32
      %dma_start3A_1003 = arith.constant 0 : i32
      %dma_start3A_1004 = tpu.memref_slice %arg9[%run_scoped3A_316, %dma_start3A_1002, %dma_start3A_1003] : memref<2x128x32xf32, #tpu.memory_space<vmem>> -> memref<1x128x32xf32, #tpu.memory_space<vmem>>
      %dma_start3A_1005 = tpu.memref_squeeze %dma_start3A_1004 : memref<1x128x32xf32, #tpu.memory_space<vmem>> -> memref<128x32xf32, #tpu.memory_space<vmem>>
      %dma_start3A_1006 = arith.constant 0 : i32
      %dma_start3A_1007 = tpu.memref_slice %arg5[%add3A_315, %dma_start3A_1006] : memref<131072x32xf32, #tpu.memory_space<hbm>> -> memref<128x32xf32, #tpu.memory_space<hbm>>
      %dma_start3A_1008 = arith.constant 0 : i32
      %dma_start3A_1009 = tpu.memref_slice %arg5[%add3A_315, %dma_start3A_1008] : memref<131072x32xf32, #tpu.memory_space<hbm>> -> memref<128x32xf32, #tpu.memory_space<hbm>>
      %dma_start3A_1010 = arith.constant 0 : i32
      %dma_start3A_1011 = arith.constant 0 : i32
      %dma_start3A_1012 = tpu.memref_slice %arg9[%run_scoped3A_316, %dma_start3A_1010, %dma_start3A_1011] : memref<2x128x32xf32, #tpu.memory_space<vmem>> -> memref<1x128x32xf32, #tpu.memory_space<vmem>>
      %dma_start3A_1013 = tpu.memref_squeeze %dma_start3A_1012 : memref<1x128x32xf32, #tpu.memory_space<vmem>> -> memref<128x32xf32, #tpu.memory_space<vmem>>
      tpu.enqueue_dma source(%dma_start3A_1013 : memref<128x32xf32, #tpu.memory_space<vmem>>) target(%dma_start3A_1009 : memref<128x32xf32, #tpu.memory_space<hbm>>) target_semaphore(%run_scoped3A_1001 : memref<!tpu.dma_semaphore, #tpu.memory_space<semaphore_mem>>)
      %dma_wait3A_1014 = arith.constant 0 : i32
      %dma_wait3A_1015 = arith.constant 0 : i32
      %dma_wait3A_1016 = tpu.memref_slice %arg9[%run_scoped3A_316, %dma_wait3A_1014, %dma_wait3A_1015] : memref<2x128x32xf32, #tpu.memory_space<vmem>> -> memref<1x128x32xf32, #tpu.memory_space<vmem>>
      %dma_wait3A_1017 = tpu.memref_squeeze %dma_wait3A_1016 : memref<1x128x32xf32, #tpu.memory_space<vmem>> -> memref<128x32xf32, #tpu.memory_space<vmem>>
      %dma_wait3A_1018 = arith.constant 0 : i32
      %dma_wait3A_1019 = tpu.memref_slice %arg5[%add3A_315, %dma_wait3A_1018] : memref<131072x32xf32, #tpu.memory_space<hbm>> -> memref<128x32xf32, #tpu.memory_space<hbm>>
      %dma_wait3A_1020 = arith.constant 0 : i32
      %dma_wait3A_1021 = tpu.memref_slice %arg5[%add3A_315, %dma_wait3A_1020] : memref<131072x32xf32, #tpu.memory_space<hbm>> -> memref<128x32xf32, #tpu.memory_space<hbm>>
      %dma_wait3A_1022 = arith.constant 0 : i32
      %dma_wait3A_1023 = arith.constant 0 : i32
      %dma_wait3A_1024 = tpu.memref_slice %arg9[%run_scoped3A_316, %dma_wait3A_1022, %dma_wait3A_1023] : memref<2x128x32xf32, #tpu.memory_space<vmem>> -> memref<1x128x32xf32, #tpu.memory_space<vmem>>
      %dma_wait3A_1025 = tpu.memref_squeeze %dma_wait3A_1024 : memref<1x128x32xf32, #tpu.memory_space<vmem>> -> memref<128x32xf32, #tpu.memory_space<vmem>>
      tpu.wait_dma2 semaphore(%run_scoped3A_1001 : memref<!tpu.dma_semaphore, #tpu.memory_space<semaphore_mem>>) src(%dma_wait3A_1025 : memref<128x32xf32, #tpu.memory_space<vmem>>) dst(%dma_wait3A_1021 : memref<128x32xf32, #tpu.memory_space<hbm>>)
      tpu.yield
    }) : () -> ()
    %dma_start3A_317 = arith.constant 9 : i32
    %dma_start3A_318 = arith.constant 1 : i32
    %dma_start3A_319 = arith.constant 0 : i32
    %dma_start3A_320 = arith.constant 0 : i32
    %dma_start3A_321 = tpu.memref_slice %arg9[%dma_start3A_318, %dma_start3A_319, %dma_start3A_320] : memref<2x128x32xf32, #tpu.memory_space<vmem>> -> memref<1x128x32xf32, #tpu.memory_space<vmem>>
    %dma_start3A_322 = tpu.memref_squeeze %dma_start3A_321 : memref<1x128x32xf32, #tpu.memory_space<vmem>> -> memref<128x32xf32, #tpu.memory_space<vmem>>
    %dma_start3A_323 = arith.constant 0 : i32
    %dma_start3A_324 = tpu.memref_slice %arg8[%dma_start3A_317, %dma_start3A_323] : memref<32x128xi32, #tpu.memory_space<vmem>> -> memref<1x128xi32, #tpu.memory_space<vmem>>
    %dma_start3A_325 = tpu.memref_squeeze %dma_start3A_324 : memref<1x128xi32, #tpu.memory_space<vmem>> -> memref<128xi32, #tpu.memory_space<vmem>>
    %dma_start3A_326 = arith.constant 0 : i32
    %dma_start3A_327 = arith.constant 0 : i32
    %dma_start3A_328 = tpu.memref_slice %arg2[%dma_start3A_326, %dma_start3A_327] : memref<1600120x32xf32, #tpu.memory_space<hbm>> -> memref<1600120x32xf32, #tpu.memory_space<hbm>>
    tpu.enqueue_indirect_dma source(%dma_start3A_328 : memref<1600120x32xf32, #tpu.memory_space<hbm>>) target(%dma_start3A_322 : memref<128x32xf32, #tpu.memory_space<vmem>>) offsets(%dma_start3A_325 : memref<128xi32, #tpu.memory_space<vmem>>) semaphore(%arg11 : memref<!tpu.dma_semaphore, #tpu.memory_space<semaphore_mem>>)
    %dma_wait3A_329 = arith.constant 8 : i32
    %dma_wait3A_330 = arith.constant 0 : i32
    %dma_wait3A_331 = arith.constant 0 : i32
    %dma_wait3A_332 = arith.constant 0 : i32
    %dma_wait3A_333 = tpu.memref_slice %arg9[%dma_wait3A_330, %dma_wait3A_331, %dma_wait3A_332] : memref<2x128x32xf32, #tpu.memory_space<vmem>> -> memref<1x128x32xf32, #tpu.memory_space<vmem>>
    %dma_wait3A_334 = tpu.memref_squeeze %dma_wait3A_333 : memref<1x128x32xf32, #tpu.memory_space<vmem>> -> memref<128x32xf32, #tpu.memory_space<vmem>>
    %dma_wait3A_335 = arith.constant 0 : i32
    %dma_wait3A_336 = tpu.memref_slice %arg8[%dma_wait3A_329, %dma_wait3A_335] : memref<32x128xi32, #tpu.memory_space<vmem>> -> memref<1x128xi32, #tpu.memory_space<vmem>>
    %dma_wait3A_337 = tpu.memref_squeeze %dma_wait3A_336 : memref<1x128xi32, #tpu.memory_space<vmem>> -> memref<128xi32, #tpu.memory_space<vmem>>
    %dma_wait3A_338 = arith.constant 0 : i32
    %dma_wait3A_339 = arith.constant 0 : i32
    %dma_wait3A_340 = tpu.memref_slice %arg2[%dma_wait3A_338, %dma_wait3A_339] : memref<1600120x32xf32, #tpu.memory_space<hbm>> -> memref<1600120x32xf32, #tpu.memory_space<hbm>>
    tpu.wait_indirect_dma semaphore(%arg10 : memref<!tpu.dma_semaphore, #tpu.memory_space<semaphore_mem>>) src(%dma_wait3A_340 : memref<1600120x32xf32, #tpu.memory_space<hbm>>) dst(%dma_wait3A_334 : memref<128x32xf32, #tpu.memory_space<vmem>>)
    %mul3A_341 = arith.constant 16 : i32
    %mul3A_342 = arith.muli %mul3A_2, %mul3A_341 : i32
    %add3A_343 = arith.constant 1024 : i32
    %add3A_344 = arith.addi %mul3A_342, %add3A_343 : i32
    %run_scoped3A_345 = arith.constant 0 : i32
    "tpu.region"() ({
      %run_scoped3A_1001 = tpu.sem_alloc : memref<!tpu.dma_semaphore, #tpu.memory_space<semaphore_mem>>
      %dma_start3A_1002 = arith.constant 0 : i32
      %dma_start3A_1003 = arith.constant 0 : i32
      %dma_start3A_1004 = tpu.memref_slice %arg9[%run_scoped3A_345, %dma_start3A_1002, %dma_start3A_1003] : memref<2x128x32xf32, #tpu.memory_space<vmem>> -> memref<1x128x32xf32, #tpu.memory_space<vmem>>
      %dma_start3A_1005 = tpu.memref_squeeze %dma_start3A_1004 : memref<1x128x32xf32, #tpu.memory_space<vmem>> -> memref<128x32xf32, #tpu.memory_space<vmem>>
      %dma_start3A_1006 = arith.constant 0 : i32
      %dma_start3A_1007 = tpu.memref_slice %arg5[%add3A_344, %dma_start3A_1006] : memref<131072x32xf32, #tpu.memory_space<hbm>> -> memref<128x32xf32, #tpu.memory_space<hbm>>
      %dma_start3A_1008 = arith.constant 0 : i32
      %dma_start3A_1009 = tpu.memref_slice %arg5[%add3A_344, %dma_start3A_1008] : memref<131072x32xf32, #tpu.memory_space<hbm>> -> memref<128x32xf32, #tpu.memory_space<hbm>>
      %dma_start3A_1010 = arith.constant 0 : i32
      %dma_start3A_1011 = arith.constant 0 : i32
      %dma_start3A_1012 = tpu.memref_slice %arg9[%run_scoped3A_345, %dma_start3A_1010, %dma_start3A_1011] : memref<2x128x32xf32, #tpu.memory_space<vmem>> -> memref<1x128x32xf32, #tpu.memory_space<vmem>>
      %dma_start3A_1013 = tpu.memref_squeeze %dma_start3A_1012 : memref<1x128x32xf32, #tpu.memory_space<vmem>> -> memref<128x32xf32, #tpu.memory_space<vmem>>
      tpu.enqueue_dma source(%dma_start3A_1013 : memref<128x32xf32, #tpu.memory_space<vmem>>) target(%dma_start3A_1009 : memref<128x32xf32, #tpu.memory_space<hbm>>) target_semaphore(%run_scoped3A_1001 : memref<!tpu.dma_semaphore, #tpu.memory_space<semaphore_mem>>)
      %dma_wait3A_1014 = arith.constant 0 : i32
      %dma_wait3A_1015 = arith.constant 0 : i32
      %dma_wait3A_1016 = tpu.memref_slice %arg9[%run_scoped3A_345, %dma_wait3A_1014, %dma_wait3A_1015] : memref<2x128x32xf32, #tpu.memory_space<vmem>> -> memref<1x128x32xf32, #tpu.memory_space<vmem>>
      %dma_wait3A_1017 = tpu.memref_squeeze %dma_wait3A_1016 : memref<1x128x32xf32, #tpu.memory_space<vmem>> -> memref<128x32xf32, #tpu.memory_space<vmem>>
      %dma_wait3A_1018 = arith.constant 0 : i32
      %dma_wait3A_1019 = tpu.memref_slice %arg5[%add3A_344, %dma_wait3A_1018] : memref<131072x32xf32, #tpu.memory_space<hbm>> -> memref<128x32xf32, #tpu.memory_space<hbm>>
      %dma_wait3A_1020 = arith.constant 0 : i32
      %dma_wait3A_1021 = tpu.memref_slice %arg5[%add3A_344, %dma_wait3A_1020] : memref<131072x32xf32, #tpu.memory_space<hbm>> -> memref<128x32xf32, #tpu.memory_space<hbm>>
      %dma_wait3A_1022 = arith.constant 0 : i32
      %dma_wait3A_1023 = arith.constant 0 : i32
      %dma_wait3A_1024 = tpu.memref_slice %arg9[%run_scoped3A_345, %dma_wait3A_1022, %dma_wait3A_1023] : memref<2x128x32xf32, #tpu.memory_space<vmem>> -> memref<1x128x32xf32, #tpu.memory_space<vmem>>
      %dma_wait3A_1025 = tpu.memref_squeeze %dma_wait3A_1024 : memref<1x128x32xf32, #tpu.memory_space<vmem>> -> memref<128x32xf32, #tpu.memory_space<vmem>>
      tpu.wait_dma2 semaphore(%run_scoped3A_1001 : memref<!tpu.dma_semaphore, #tpu.memory_space<semaphore_mem>>) src(%dma_wait3A_1025 : memref<128x32xf32, #tpu.memory_space<vmem>>) dst(%dma_wait3A_1021 : memref<128x32xf32, #tpu.memory_space<hbm>>)
      tpu.yield
    }) : () -> ()
    %dma_start3A_346 = arith.constant 10 : i32
    %dma_start3A_347 = arith.constant 0 : i32
    %dma_start3A_348 = arith.constant 0 : i32
    %dma_start3A_349 = arith.constant 0 : i32
    %dma_start3A_350 = tpu.memref_slice %arg9[%dma_start3A_347, %dma_start3A_348, %dma_start3A_349] : memref<2x128x32xf32, #tpu.memory_space<vmem>> -> memref<1x128x32xf32, #tpu.memory_space<vmem>>
    %dma_start3A_351 = tpu.memref_squeeze %dma_start3A_350 : memref<1x128x32xf32, #tpu.memory_space<vmem>> -> memref<128x32xf32, #tpu.memory_space<vmem>>
    %dma_start3A_352 = arith.constant 0 : i32
    %dma_start3A_353 = tpu.memref_slice %arg8[%dma_start3A_346, %dma_start3A_352] : memref<32x128xi32, #tpu.memory_space<vmem>> -> memref<1x128xi32, #tpu.memory_space<vmem>>
    %dma_start3A_354 = tpu.memref_squeeze %dma_start3A_353 : memref<1x128xi32, #tpu.memory_space<vmem>> -> memref<128xi32, #tpu.memory_space<vmem>>
    %dma_start3A_355 = arith.constant 0 : i32
    %dma_start3A_356 = arith.constant 0 : i32
    %dma_start3A_357 = tpu.memref_slice %arg2[%dma_start3A_355, %dma_start3A_356] : memref<1600120x32xf32, #tpu.memory_space<hbm>> -> memref<1600120x32xf32, #tpu.memory_space<hbm>>
    tpu.enqueue_indirect_dma source(%dma_start3A_357 : memref<1600120x32xf32, #tpu.memory_space<hbm>>) target(%dma_start3A_351 : memref<128x32xf32, #tpu.memory_space<vmem>>) offsets(%dma_start3A_354 : memref<128xi32, #tpu.memory_space<vmem>>) semaphore(%arg10 : memref<!tpu.dma_semaphore, #tpu.memory_space<semaphore_mem>>)
    %dma_wait3A_358 = arith.constant 9 : i32
    %dma_wait3A_359 = arith.constant 1 : i32
    %dma_wait3A_360 = arith.constant 0 : i32
    %dma_wait3A_361 = arith.constant 0 : i32
    %dma_wait3A_362 = tpu.memref_slice %arg9[%dma_wait3A_359, %dma_wait3A_360, %dma_wait3A_361] : memref<2x128x32xf32, #tpu.memory_space<vmem>> -> memref<1x128x32xf32, #tpu.memory_space<vmem>>
    %dma_wait3A_363 = tpu.memref_squeeze %dma_wait3A_362 : memref<1x128x32xf32, #tpu.memory_space<vmem>> -> memref<128x32xf32, #tpu.memory_space<vmem>>
    %dma_wait3A_364 = arith.constant 0 : i32
    %dma_wait3A_365 = tpu.memref_slice %arg8[%dma_wait3A_358, %dma_wait3A_364] : memref<32x128xi32, #tpu.memory_space<vmem>> -> memref<1x128xi32, #tpu.memory_space<vmem>>
    %dma_wait3A_366 = tpu.memref_squeeze %dma_wait3A_365 : memref<1x128xi32, #tpu.memory_space<vmem>> -> memref<128xi32, #tpu.memory_space<vmem>>
    %dma_wait3A_367 = arith.constant 0 : i32
    %dma_wait3A_368 = arith.constant 0 : i32
    %dma_wait3A_369 = tpu.memref_slice %arg2[%dma_wait3A_367, %dma_wait3A_368] : memref<1600120x32xf32, #tpu.memory_space<hbm>> -> memref<1600120x32xf32, #tpu.memory_space<hbm>>
    tpu.wait_indirect_dma semaphore(%arg11 : memref<!tpu.dma_semaphore, #tpu.memory_space<semaphore_mem>>) src(%dma_wait3A_369 : memref<1600120x32xf32, #tpu.memory_space<hbm>>) dst(%dma_wait3A_363 : memref<128x32xf32, #tpu.memory_space<vmem>>)
    %mul3A_370 = arith.constant 16 : i32
    %mul3A_371 = arith.muli %mul3A_2, %mul3A_370 : i32
    %add3A_372 = arith.constant 1152 : i32
    %add3A_373 = arith.addi %mul3A_371, %add3A_372 : i32
    %run_scoped3A_374 = arith.constant 1 : i32
    "tpu.region"() ({
      %run_scoped3A_1001 = tpu.sem_alloc : memref<!tpu.dma_semaphore, #tpu.memory_space<semaphore_mem>>
      %dma_start3A_1002 = arith.constant 0 : i32
      %dma_start3A_1003 = arith.constant 0 : i32
      %dma_start3A_1004 = tpu.memref_slice %arg9[%run_scoped3A_374, %dma_start3A_1002, %dma_start3A_1003] : memref<2x128x32xf32, #tpu.memory_space<vmem>> -> memref<1x128x32xf32, #tpu.memory_space<vmem>>
      %dma_start3A_1005 = tpu.memref_squeeze %dma_start3A_1004 : memref<1x128x32xf32, #tpu.memory_space<vmem>> -> memref<128x32xf32, #tpu.memory_space<vmem>>
      %dma_start3A_1006 = arith.constant 0 : i32
      %dma_start3A_1007 = tpu.memref_slice %arg5[%add3A_373, %dma_start3A_1006] : memref<131072x32xf32, #tpu.memory_space<hbm>> -> memref<128x32xf32, #tpu.memory_space<hbm>>
      %dma_start3A_1008 = arith.constant 0 : i32
      %dma_start3A_1009 = tpu.memref_slice %arg5[%add3A_373, %dma_start3A_1008] : memref<131072x32xf32, #tpu.memory_space<hbm>> -> memref<128x32xf32, #tpu.memory_space<hbm>>
      %dma_start3A_1010 = arith.constant 0 : i32
      %dma_start3A_1011 = arith.constant 0 : i32
      %dma_start3A_1012 = tpu.memref_slice %arg9[%run_scoped3A_374, %dma_start3A_1010, %dma_start3A_1011] : memref<2x128x32xf32, #tpu.memory_space<vmem>> -> memref<1x128x32xf32, #tpu.memory_space<vmem>>
      %dma_start3A_1013 = tpu.memref_squeeze %dma_start3A_1012 : memref<1x128x32xf32, #tpu.memory_space<vmem>> -> memref<128x32xf32, #tpu.memory_space<vmem>>
      tpu.enqueue_dma source(%dma_start3A_1013 : memref<128x32xf32, #tpu.memory_space<vmem>>) target(%dma_start3A_1009 : memref<128x32xf32, #tpu.memory_space<hbm>>) target_semaphore(%run_scoped3A_1001 : memref<!tpu.dma_semaphore, #tpu.memory_space<semaphore_mem>>)
      %dma_wait3A_1014 = arith.constant 0 : i32
      %dma_wait3A_1015 = arith.constant 0 : i32
      %dma_wait3A_1016 = tpu.memref_slice %arg9[%run_scoped3A_374, %dma_wait3A_1014, %dma_wait3A_1015] : memref<2x128x32xf32, #tpu.memory_space<vmem>> -> memref<1x128x32xf32, #tpu.memory_space<vmem>>
      %dma_wait3A_1017 = tpu.memref_squeeze %dma_wait3A_1016 : memref<1x128x32xf32, #tpu.memory_space<vmem>> -> memref<128x32xf32, #tpu.memory_space<vmem>>
      %dma_wait3A_1018 = arith.constant 0 : i32
      %dma_wait3A_1019 = tpu.memref_slice %arg5[%add3A_373, %dma_wait3A_1018] : memref<131072x32xf32, #tpu.memory_space<hbm>> -> memref<128x32xf32, #tpu.memory_space<hbm>>
      %dma_wait3A_1020 = arith.constant 0 : i32
      %dma_wait3A_1021 = tpu.memref_slice %arg5[%add3A_373, %dma_wait3A_1020] : memref<131072x32xf32, #tpu.memory_space<hbm>> -> memref<128x32xf32, #tpu.memory_space<hbm>>
      %dma_wait3A_1022 = arith.constant 0 : i32
      %dma_wait3A_1023 = arith.constant 0 : i32
      %dma_wait3A_1024 = tpu.memref_slice %arg9[%run_scoped3A_374, %dma_wait3A_1022, %dma_wait3A_1023] : memref<2x128x32xf32, #tpu.memory_space<vmem>> -> memref<1x128x32xf32, #tpu.memory_space<vmem>>
      %dma_wait3A_1025 = tpu.memref_squeeze %dma_wait3A_1024 : memref<1x128x32xf32, #tpu.memory_space<vmem>> -> memref<128x32xf32, #tpu.memory_space<vmem>>
      tpu.wait_dma2 semaphore(%run_scoped3A_1001 : memref<!tpu.dma_semaphore, #tpu.memory_space<semaphore_mem>>) src(%dma_wait3A_1025 : memref<128x32xf32, #tpu.memory_space<vmem>>) dst(%dma_wait3A_1021 : memref<128x32xf32, #tpu.memory_space<hbm>>)
      tpu.yield
    }) : () -> ()
    %dma_start3A_375 = arith.constant 11 : i32
    %dma_start3A_376 = arith.constant 1 : i32
    %dma_start3A_377 = arith.constant 0 : i32
    %dma_start3A_378 = arith.constant 0 : i32
    %dma_start3A_379 = tpu.memref_slice %arg9[%dma_start3A_376, %dma_start3A_377, %dma_start3A_378] : memref<2x128x32xf32, #tpu.memory_space<vmem>> -> memref<1x128x32xf32, #tpu.memory_space<vmem>>
    %dma_start3A_380 = tpu.memref_squeeze %dma_start3A_379 : memref<1x128x32xf32, #tpu.memory_space<vmem>> -> memref<128x32xf32, #tpu.memory_space<vmem>>
    %dma_start3A_381 = arith.constant 0 : i32
    %dma_start3A_382 = tpu.memref_slice %arg8[%dma_start3A_375, %dma_start3A_381] : memref<32x128xi32, #tpu.memory_space<vmem>> -> memref<1x128xi32, #tpu.memory_space<vmem>>
    %dma_start3A_383 = tpu.memref_squeeze %dma_start3A_382 : memref<1x128xi32, #tpu.memory_space<vmem>> -> memref<128xi32, #tpu.memory_space<vmem>>
    %dma_start3A_384 = arith.constant 0 : i32
    %dma_start3A_385 = arith.constant 0 : i32
    %dma_start3A_386 = tpu.memref_slice %arg2[%dma_start3A_384, %dma_start3A_385] : memref<1600120x32xf32, #tpu.memory_space<hbm>> -> memref<1600120x32xf32, #tpu.memory_space<hbm>>
    tpu.enqueue_indirect_dma source(%dma_start3A_386 : memref<1600120x32xf32, #tpu.memory_space<hbm>>) target(%dma_start3A_380 : memref<128x32xf32, #tpu.memory_space<vmem>>) offsets(%dma_start3A_383 : memref<128xi32, #tpu.memory_space<vmem>>) semaphore(%arg11 : memref<!tpu.dma_semaphore, #tpu.memory_space<semaphore_mem>>)
    %dma_wait3A_387 = arith.constant 10 : i32
    %dma_wait3A_388 = arith.constant 0 : i32
    %dma_wait3A_389 = arith.constant 0 : i32
    %dma_wait3A_390 = arith.constant 0 : i32
    %dma_wait3A_391 = tpu.memref_slice %arg9[%dma_wait3A_388, %dma_wait3A_389, %dma_wait3A_390] : memref<2x128x32xf32, #tpu.memory_space<vmem>> -> memref<1x128x32xf32, #tpu.memory_space<vmem>>
    %dma_wait3A_392 = tpu.memref_squeeze %dma_wait3A_391 : memref<1x128x32xf32, #tpu.memory_space<vmem>> -> memref<128x32xf32, #tpu.memory_space<vmem>>
    %dma_wait3A_393 = arith.constant 0 : i32
    %dma_wait3A_394 = tpu.memref_slice %arg8[%dma_wait3A_387, %dma_wait3A_393] : memref<32x128xi32, #tpu.memory_space<vmem>> -> memref<1x128xi32, #tpu.memory_space<vmem>>
    %dma_wait3A_395 = tpu.memref_squeeze %dma_wait3A_394 : memref<1x128xi32, #tpu.memory_space<vmem>> -> memref<128xi32, #tpu.memory_space<vmem>>
    %dma_wait3A_396 = arith.constant 0 : i32
    %dma_wait3A_397 = arith.constant 0 : i32
    %dma_wait3A_398 = tpu.memref_slice %arg2[%dma_wait3A_396, %dma_wait3A_397] : memref<1600120x32xf32, #tpu.memory_space<hbm>> -> memref<1600120x32xf32, #tpu.memory_space<hbm>>
    tpu.wait_indirect_dma semaphore(%arg10 : memref<!tpu.dma_semaphore, #tpu.memory_space<semaphore_mem>>) src(%dma_wait3A_398 : memref<1600120x32xf32, #tpu.memory_space<hbm>>) dst(%dma_wait3A_392 : memref<128x32xf32, #tpu.memory_space<vmem>>)
    %mul3A_399 = arith.constant 16 : i32
    %mul3A_400 = arith.muli %mul3A_2, %mul3A_399 : i32
    %add3A_401 = arith.constant 1280 : i32
    %add3A_402 = arith.addi %mul3A_400, %add3A_401 : i32
    %run_scoped3A_403 = arith.constant 0 : i32
    "tpu.region"() ({
      %run_scoped3A_1001 = tpu.sem_alloc : memref<!tpu.dma_semaphore, #tpu.memory_space<semaphore_mem>>
      %dma_start3A_1002 = arith.constant 0 : i32
      %dma_start3A_1003 = arith.constant 0 : i32
      %dma_start3A_1004 = tpu.memref_slice %arg9[%run_scoped3A_403, %dma_start3A_1002, %dma_start3A_1003] : memref<2x128x32xf32, #tpu.memory_space<vmem>> -> memref<1x128x32xf32, #tpu.memory_space<vmem>>
      %dma_start3A_1005 = tpu.memref_squeeze %dma_start3A_1004 : memref<1x128x32xf32, #tpu.memory_space<vmem>> -> memref<128x32xf32, #tpu.memory_space<vmem>>
      %dma_start3A_1006 = arith.constant 0 : i32
      %dma_start3A_1007 = tpu.memref_slice %arg5[%add3A_402, %dma_start3A_1006] : memref<131072x32xf32, #tpu.memory_space<hbm>> -> memref<128x32xf32, #tpu.memory_space<hbm>>
      %dma_start3A_1008 = arith.constant 0 : i32
      %dma_start3A_1009 = tpu.memref_slice %arg5[%add3A_402, %dma_start3A_1008] : memref<131072x32xf32, #tpu.memory_space<hbm>> -> memref<128x32xf32, #tpu.memory_space<hbm>>
      %dma_start3A_1010 = arith.constant 0 : i32
      %dma_start3A_1011 = arith.constant 0 : i32
      %dma_start3A_1012 = tpu.memref_slice %arg9[%run_scoped3A_403, %dma_start3A_1010, %dma_start3A_1011] : memref<2x128x32xf32, #tpu.memory_space<vmem>> -> memref<1x128x32xf32, #tpu.memory_space<vmem>>
      %dma_start3A_1013 = tpu.memref_squeeze %dma_start3A_1012 : memref<1x128x32xf32, #tpu.memory_space<vmem>> -> memref<128x32xf32, #tpu.memory_space<vmem>>
      tpu.enqueue_dma source(%dma_start3A_1013 : memref<128x32xf32, #tpu.memory_space<vmem>>) target(%dma_start3A_1009 : memref<128x32xf32, #tpu.memory_space<hbm>>) target_semaphore(%run_scoped3A_1001 : memref<!tpu.dma_semaphore, #tpu.memory_space<semaphore_mem>>)
      %dma_wait3A_1014 = arith.constant 0 : i32
      %dma_wait3A_1015 = arith.constant 0 : i32
      %dma_wait3A_1016 = tpu.memref_slice %arg9[%run_scoped3A_403, %dma_wait3A_1014, %dma_wait3A_1015] : memref<2x128x32xf32, #tpu.memory_space<vmem>> -> memref<1x128x32xf32, #tpu.memory_space<vmem>>
      %dma_wait3A_1017 = tpu.memref_squeeze %dma_wait3A_1016 : memref<1x128x32xf32, #tpu.memory_space<vmem>> -> memref<128x32xf32, #tpu.memory_space<vmem>>
      %dma_wait3A_1018 = arith.constant 0 : i32
      %dma_wait3A_1019 = tpu.memref_slice %arg5[%add3A_402, %dma_wait3A_1018] : memref<131072x32xf32, #tpu.memory_space<hbm>> -> memref<128x32xf32, #tpu.memory_space<hbm>>
      %dma_wait3A_1020 = arith.constant 0 : i32
      %dma_wait3A_1021 = tpu.memref_slice %arg5[%add3A_402, %dma_wait3A_1020] : memref<131072x32xf32, #tpu.memory_space<hbm>> -> memref<128x32xf32, #tpu.memory_space<hbm>>
      %dma_wait3A_1022 = arith.constant 0 : i32
      %dma_wait3A_1023 = arith.constant 0 : i32
      %dma_wait3A_1024 = tpu.memref_slice %arg9[%run_scoped3A_403, %dma_wait3A_1022, %dma_wait3A_1023] : memref<2x128x32xf32, #tpu.memory_space<vmem>> -> memref<1x128x32xf32, #tpu.memory_space<vmem>>
      %dma_wait3A_1025 = tpu.memref_squeeze %dma_wait3A_1024 : memref<1x128x32xf32, #tpu.memory_space<vmem>> -> memref<128x32xf32, #tpu.memory_space<vmem>>
      tpu.wait_dma2 semaphore(%run_scoped3A_1001 : memref<!tpu.dma_semaphore, #tpu.memory_space<semaphore_mem>>) src(%dma_wait3A_1025 : memref<128x32xf32, #tpu.memory_space<vmem>>) dst(%dma_wait3A_1021 : memref<128x32xf32, #tpu.memory_space<hbm>>)
      tpu.yield
    }) : () -> ()
    %dma_start3A_404 = arith.constant 12 : i32
    %dma_start3A_405 = arith.constant 0 : i32
    %dma_start3A_406 = arith.constant 0 : i32
    %dma_start3A_407 = arith.constant 0 : i32
    %dma_start3A_408 = tpu.memref_slice %arg9[%dma_start3A_405, %dma_start3A_406, %dma_start3A_407] : memref<2x128x32xf32, #tpu.memory_space<vmem>> -> memref<1x128x32xf32, #tpu.memory_space<vmem>>
    %dma_start3A_409 = tpu.memref_squeeze %dma_start3A_408 : memref<1x128x32xf32, #tpu.memory_space<vmem>> -> memref<128x32xf32, #tpu.memory_space<vmem>>
    %dma_start3A_410 = arith.constant 0 : i32
    %dma_start3A_411 = tpu.memref_slice %arg8[%dma_start3A_404, %dma_start3A_410] : memref<32x128xi32, #tpu.memory_space<vmem>> -> memref<1x128xi32, #tpu.memory_space<vmem>>
    %dma_start3A_412 = tpu.memref_squeeze %dma_start3A_411 : memref<1x128xi32, #tpu.memory_space<vmem>> -> memref<128xi32, #tpu.memory_space<vmem>>
    %dma_start3A_413 = arith.constant 0 : i32
    %dma_start3A_414 = arith.constant 0 : i32
    %dma_start3A_415 = tpu.memref_slice %arg2[%dma_start3A_413, %dma_start3A_414] : memref<1600120x32xf32, #tpu.memory_space<hbm>> -> memref<1600120x32xf32, #tpu.memory_space<hbm>>
    tpu.enqueue_indirect_dma source(%dma_start3A_415 : memref<1600120x32xf32, #tpu.memory_space<hbm>>) target(%dma_start3A_409 : memref<128x32xf32, #tpu.memory_space<vmem>>) offsets(%dma_start3A_412 : memref<128xi32, #tpu.memory_space<vmem>>) semaphore(%arg10 : memref<!tpu.dma_semaphore, #tpu.memory_space<semaphore_mem>>)
    %dma_wait3A_416 = arith.constant 11 : i32
    %dma_wait3A_417 = arith.constant 1 : i32
    %dma_wait3A_418 = arith.constant 0 : i32
    %dma_wait3A_419 = arith.constant 0 : i32
    %dma_wait3A_420 = tpu.memref_slice %arg9[%dma_wait3A_417, %dma_wait3A_418, %dma_wait3A_419] : memref<2x128x32xf32, #tpu.memory_space<vmem>> -> memref<1x128x32xf32, #tpu.memory_space<vmem>>
    %dma_wait3A_421 = tpu.memref_squeeze %dma_wait3A_420 : memref<1x128x32xf32, #tpu.memory_space<vmem>> -> memref<128x32xf32, #tpu.memory_space<vmem>>
    %dma_wait3A_422 = arith.constant 0 : i32
    %dma_wait3A_423 = tpu.memref_slice %arg8[%dma_wait3A_416, %dma_wait3A_422] : memref<32x128xi32, #tpu.memory_space<vmem>> -> memref<1x128xi32, #tpu.memory_space<vmem>>
    %dma_wait3A_424 = tpu.memref_squeeze %dma_wait3A_423 : memref<1x128xi32, #tpu.memory_space<vmem>> -> memref<128xi32, #tpu.memory_space<vmem>>
    %dma_wait3A_425 = arith.constant 0 : i32
    %dma_wait3A_426 = arith.constant 0 : i32
    %dma_wait3A_427 = tpu.memref_slice %arg2[%dma_wait3A_425, %dma_wait3A_426] : memref<1600120x32xf32, #tpu.memory_space<hbm>> -> memref<1600120x32xf32, #tpu.memory_space<hbm>>
    tpu.wait_indirect_dma semaphore(%arg11 : memref<!tpu.dma_semaphore, #tpu.memory_space<semaphore_mem>>) src(%dma_wait3A_427 : memref<1600120x32xf32, #tpu.memory_space<hbm>>) dst(%dma_wait3A_421 : memref<128x32xf32, #tpu.memory_space<vmem>>)
    %mul3A_428 = arith.constant 16 : i32
    %mul3A_429 = arith.muli %mul3A_2, %mul3A_428 : i32
    %add3A_430 = arith.constant 1408 : i32
    %add3A_431 = arith.addi %mul3A_429, %add3A_430 : i32
    %run_scoped3A_432 = arith.constant 1 : i32
    "tpu.region"() ({
      %run_scoped3A_1001 = tpu.sem_alloc : memref<!tpu.dma_semaphore, #tpu.memory_space<semaphore_mem>>
      %dma_start3A_1002 = arith.constant 0 : i32
      %dma_start3A_1003 = arith.constant 0 : i32
      %dma_start3A_1004 = tpu.memref_slice %arg9[%run_scoped3A_432, %dma_start3A_1002, %dma_start3A_1003] : memref<2x128x32xf32, #tpu.memory_space<vmem>> -> memref<1x128x32xf32, #tpu.memory_space<vmem>>
      %dma_start3A_1005 = tpu.memref_squeeze %dma_start3A_1004 : memref<1x128x32xf32, #tpu.memory_space<vmem>> -> memref<128x32xf32, #tpu.memory_space<vmem>>
      %dma_start3A_1006 = arith.constant 0 : i32
      %dma_start3A_1007 = tpu.memref_slice %arg5[%add3A_431, %dma_start3A_1006] : memref<131072x32xf32, #tpu.memory_space<hbm>> -> memref<128x32xf32, #tpu.memory_space<hbm>>
      %dma_start3A_1008 = arith.constant 0 : i32
      %dma_start3A_1009 = tpu.memref_slice %arg5[%add3A_431, %dma_start3A_1008] : memref<131072x32xf32, #tpu.memory_space<hbm>> -> memref<128x32xf32, #tpu.memory_space<hbm>>
      %dma_start3A_1010 = arith.constant 0 : i32
      %dma_start3A_1011 = arith.constant 0 : i32
      %dma_start3A_1012 = tpu.memref_slice %arg9[%run_scoped3A_432, %dma_start3A_1010, %dma_start3A_1011] : memref<2x128x32xf32, #tpu.memory_space<vmem>> -> memref<1x128x32xf32, #tpu.memory_space<vmem>>
      %dma_start3A_1013 = tpu.memref_squeeze %dma_start3A_1012 : memref<1x128x32xf32, #tpu.memory_space<vmem>> -> memref<128x32xf32, #tpu.memory_space<vmem>>
      tpu.enqueue_dma source(%dma_start3A_1013 : memref<128x32xf32, #tpu.memory_space<vmem>>) target(%dma_start3A_1009 : memref<128x32xf32, #tpu.memory_space<hbm>>) target_semaphore(%run_scoped3A_1001 : memref<!tpu.dma_semaphore, #tpu.memory_space<semaphore_mem>>)
      %dma_wait3A_1014 = arith.constant 0 : i32
      %dma_wait3A_1015 = arith.constant 0 : i32
      %dma_wait3A_1016 = tpu.memref_slice %arg9[%run_scoped3A_432, %dma_wait3A_1014, %dma_wait3A_1015] : memref<2x128x32xf32, #tpu.memory_space<vmem>> -> memref<1x128x32xf32, #tpu.memory_space<vmem>>
      %dma_wait3A_1017 = tpu.memref_squeeze %dma_wait3A_1016 : memref<1x128x32xf32, #tpu.memory_space<vmem>> -> memref<128x32xf32, #tpu.memory_space<vmem>>
      %dma_wait3A_1018 = arith.constant 0 : i32
      %dma_wait3A_1019 = tpu.memref_slice %arg5[%add3A_431, %dma_wait3A_1018] : memref<131072x32xf32, #tpu.memory_space<hbm>> -> memref<128x32xf32, #tpu.memory_space<hbm>>
      %dma_wait3A_1020 = arith.constant 0 : i32
      %dma_wait3A_1021 = tpu.memref_slice %arg5[%add3A_431, %dma_wait3A_1020] : memref<131072x32xf32, #tpu.memory_space<hbm>> -> memref<128x32xf32, #tpu.memory_space<hbm>>
      %dma_wait3A_1022 = arith.constant 0 : i32
      %dma_wait3A_1023 = arith.constant 0 : i32
      %dma_wait3A_1024 = tpu.memref_slice %arg9[%run_scoped3A_432, %dma_wait3A_1022, %dma_wait3A_1023] : memref<2x128x32xf32, #tpu.memory_space<vmem>> -> memref<1x128x32xf32, #tpu.memory_space<vmem>>
      %dma_wait3A_1025 = tpu.memref_squeeze %dma_wait3A_1024 : memref<1x128x32xf32, #tpu.memory_space<vmem>> -> memref<128x32xf32, #tpu.memory_space<vmem>>
      tpu.wait_dma2 semaphore(%run_scoped3A_1001 : memref<!tpu.dma_semaphore, #tpu.memory_space<semaphore_mem>>) src(%dma_wait3A_1025 : memref<128x32xf32, #tpu.memory_space<vmem>>) dst(%dma_wait3A_1021 : memref<128x32xf32, #tpu.memory_space<hbm>>)
      tpu.yield
    }) : () -> ()
    %dma_start3A_433 = arith.constant 13 : i32
    %dma_start3A_434 = arith.constant 1 : i32
    %dma_start3A_435 = arith.constant 0 : i32
    %dma_start3A_436 = arith.constant 0 : i32
    %dma_start3A_437 = tpu.memref_slice %arg9[%dma_start3A_434, %dma_start3A_435, %dma_start3A_436] : memref<2x128x32xf32, #tpu.memory_space<vmem>> -> memref<1x128x32xf32, #tpu.memory_space<vmem>>
    %dma_start3A_438 = tpu.memref_squeeze %dma_start3A_437 : memref<1x128x32xf32, #tpu.memory_space<vmem>> -> memref<128x32xf32, #tpu.memory_space<vmem>>
    %dma_start3A_439 = arith.constant 0 : i32
    %dma_start3A_440 = tpu.memref_slice %arg8[%dma_start3A_433, %dma_start3A_439] : memref<32x128xi32, #tpu.memory_space<vmem>> -> memref<1x128xi32, #tpu.memory_space<vmem>>
    %dma_start3A_441 = tpu.memref_squeeze %dma_start3A_440 : memref<1x128xi32, #tpu.memory_space<vmem>> -> memref<128xi32, #tpu.memory_space<vmem>>
    %dma_start3A_442 = arith.constant 0 : i32
    %dma_start3A_443 = arith.constant 0 : i32
    %dma_start3A_444 = tpu.memref_slice %arg2[%dma_start3A_442, %dma_start3A_443] : memref<1600120x32xf32, #tpu.memory_space<hbm>> -> memref<1600120x32xf32, #tpu.memory_space<hbm>>
    tpu.enqueue_indirect_dma source(%dma_start3A_444 : memref<1600120x32xf32, #tpu.memory_space<hbm>>) target(%dma_start3A_438 : memref<128x32xf32, #tpu.memory_space<vmem>>) offsets(%dma_start3A_441 : memref<128xi32, #tpu.memory_space<vmem>>) semaphore(%arg11 : memref<!tpu.dma_semaphore, #tpu.memory_space<semaphore_mem>>)
    %dma_wait3A_445 = arith.constant 12 : i32
    %dma_wait3A_446 = arith.constant 0 : i32
    %dma_wait3A_447 = arith.constant 0 : i32
    %dma_wait3A_448 = arith.constant 0 : i32
    %dma_wait3A_449 = tpu.memref_slice %arg9[%dma_wait3A_446, %dma_wait3A_447, %dma_wait3A_448] : memref<2x128x32xf32, #tpu.memory_space<vmem>> -> memref<1x128x32xf32, #tpu.memory_space<vmem>>
    %dma_wait3A_450 = tpu.memref_squeeze %dma_wait3A_449 : memref<1x128x32xf32, #tpu.memory_space<vmem>> -> memref<128x32xf32, #tpu.memory_space<vmem>>
    %dma_wait3A_451 = arith.constant 0 : i32
    %dma_wait3A_452 = tpu.memref_slice %arg8[%dma_wait3A_445, %dma_wait3A_451] : memref<32x128xi32, #tpu.memory_space<vmem>> -> memref<1x128xi32, #tpu.memory_space<vmem>>
    %dma_wait3A_453 = tpu.memref_squeeze %dma_wait3A_452 : memref<1x128xi32, #tpu.memory_space<vmem>> -> memref<128xi32, #tpu.memory_space<vmem>>
    %dma_wait3A_454 = arith.constant 0 : i32
    %dma_wait3A_455 = arith.constant 0 : i32
    %dma_wait3A_456 = tpu.memref_slice %arg2[%dma_wait3A_454, %dma_wait3A_455] : memref<1600120x32xf32, #tpu.memory_space<hbm>> -> memref<1600120x32xf32, #tpu.memory_space<hbm>>
    tpu.wait_indirect_dma semaphore(%arg10 : memref<!tpu.dma_semaphore, #tpu.memory_space<semaphore_mem>>) src(%dma_wait3A_456 : memref<1600120x32xf32, #tpu.memory_space<hbm>>) dst(%dma_wait3A_450 : memref<128x32xf32, #tpu.memory_space<vmem>>)
    %mul3A_457 = arith.constant 16 : i32
    %mul3A_458 = arith.muli %mul3A_2, %mul3A_457 : i32
    %add3A_459 = arith.constant 1536 : i32
    %add3A_460 = arith.addi %mul3A_458, %add3A_459 : i32
    %run_scoped3A_461 = arith.constant 0 : i32
    "tpu.region"() ({
      %run_scoped3A_1001 = tpu.sem_alloc : memref<!tpu.dma_semaphore, #tpu.memory_space<semaphore_mem>>
      %dma_start3A_1002 = arith.constant 0 : i32
      %dma_start3A_1003 = arith.constant 0 : i32
      %dma_start3A_1004 = tpu.memref_slice %arg9[%run_scoped3A_461, %dma_start3A_1002, %dma_start3A_1003] : memref<2x128x32xf32, #tpu.memory_space<vmem>> -> memref<1x128x32xf32, #tpu.memory_space<vmem>>
      %dma_start3A_1005 = tpu.memref_squeeze %dma_start3A_1004 : memref<1x128x32xf32, #tpu.memory_space<vmem>> -> memref<128x32xf32, #tpu.memory_space<vmem>>
      %dma_start3A_1006 = arith.constant 0 : i32
      %dma_start3A_1007 = tpu.memref_slice %arg5[%add3A_460, %dma_start3A_1006] : memref<131072x32xf32, #tpu.memory_space<hbm>> -> memref<128x32xf32, #tpu.memory_space<hbm>>
      %dma_start3A_1008 = arith.constant 0 : i32
      %dma_start3A_1009 = tpu.memref_slice %arg5[%add3A_460, %dma_start3A_1008] : memref<131072x32xf32, #tpu.memory_space<hbm>> -> memref<128x32xf32, #tpu.memory_space<hbm>>
      %dma_start3A_1010 = arith.constant 0 : i32
      %dma_start3A_1011 = arith.constant 0 : i32
      %dma_start3A_1012 = tpu.memref_slice %arg9[%run_scoped3A_461, %dma_start3A_1010, %dma_start3A_1011] : memref<2x128x32xf32, #tpu.memory_space<vmem>> -> memref<1x128x32xf32, #tpu.memory_space<vmem>>
      %dma_start3A_1013 = tpu.memref_squeeze %dma_start3A_1012 : memref<1x128x32xf32, #tpu.memory_space<vmem>> -> memref<128x32xf32, #tpu.memory_space<vmem>>
      tpu.enqueue_dma source(%dma_start3A_1013 : memref<128x32xf32, #tpu.memory_space<vmem>>) target(%dma_start3A_1009 : memref<128x32xf32, #tpu.memory_space<hbm>>) target_semaphore(%run_scoped3A_1001 : memref<!tpu.dma_semaphore, #tpu.memory_space<semaphore_mem>>)
      %dma_wait3A_1014 = arith.constant 0 : i32
      %dma_wait3A_1015 = arith.constant 0 : i32
      %dma_wait3A_1016 = tpu.memref_slice %arg9[%run_scoped3A_461, %dma_wait3A_1014, %dma_wait3A_1015] : memref<2x128x32xf32, #tpu.memory_space<vmem>> -> memref<1x128x32xf32, #tpu.memory_space<vmem>>
      %dma_wait3A_1017 = tpu.memref_squeeze %dma_wait3A_1016 : memref<1x128x32xf32, #tpu.memory_space<vmem>> -> memref<128x32xf32, #tpu.memory_space<vmem>>
      %dma_wait3A_1018 = arith.constant 0 : i32
      %dma_wait3A_1019 = tpu.memref_slice %arg5[%add3A_460, %dma_wait3A_1018] : memref<131072x32xf32, #tpu.memory_space<hbm>> -> memref<128x32xf32, #tpu.memory_space<hbm>>
      %dma_wait3A_1020 = arith.constant 0 : i32
      %dma_wait3A_1021 = tpu.memref_slice %arg5[%add3A_460, %dma_wait3A_1020] : memref<131072x32xf32, #tpu.memory_space<hbm>> -> memref<128x32xf32, #tpu.memory_space<hbm>>
      %dma_wait3A_1022 = arith.constant 0 : i32
      %dma_wait3A_1023 = arith.constant 0 : i32
      %dma_wait3A_1024 = tpu.memref_slice %arg9[%run_scoped3A_461, %dma_wait3A_1022, %dma_wait3A_1023] : memref<2x128x32xf32, #tpu.memory_space<vmem>> -> memref<1x128x32xf32, #tpu.memory_space<vmem>>
      %dma_wait3A_1025 = tpu.memref_squeeze %dma_wait3A_1024 : memref<1x128x32xf32, #tpu.memory_space<vmem>> -> memref<128x32xf32, #tpu.memory_space<vmem>>
      tpu.wait_dma2 semaphore(%run_scoped3A_1001 : memref<!tpu.dma_semaphore, #tpu.memory_space<semaphore_mem>>) src(%dma_wait3A_1025 : memref<128x32xf32, #tpu.memory_space<vmem>>) dst(%dma_wait3A_1021 : memref<128x32xf32, #tpu.memory_space<hbm>>)
      tpu.yield
    }) : () -> ()
    %dma_start3A_462 = arith.constant 14 : i32
    %dma_start3A_463 = arith.constant 0 : i32
    %dma_start3A_464 = arith.constant 0 : i32
    %dma_start3A_465 = arith.constant 0 : i32
    %dma_start3A_466 = tpu.memref_slice %arg9[%dma_start3A_463, %dma_start3A_464, %dma_start3A_465] : memref<2x128x32xf32, #tpu.memory_space<vmem>> -> memref<1x128x32xf32, #tpu.memory_space<vmem>>
    %dma_start3A_467 = tpu.memref_squeeze %dma_start3A_466 : memref<1x128x32xf32, #tpu.memory_space<vmem>> -> memref<128x32xf32, #tpu.memory_space<vmem>>
    %dma_start3A_468 = arith.constant 0 : i32
    %dma_start3A_469 = tpu.memref_slice %arg8[%dma_start3A_462, %dma_start3A_468] : memref<32x128xi32, #tpu.memory_space<vmem>> -> memref<1x128xi32, #tpu.memory_space<vmem>>
    %dma_start3A_470 = tpu.memref_squeeze %dma_start3A_469 : memref<1x128xi32, #tpu.memory_space<vmem>> -> memref<128xi32, #tpu.memory_space<vmem>>
    %dma_start3A_471 = arith.constant 0 : i32
    %dma_start3A_472 = arith.constant 0 : i32
    %dma_start3A_473 = tpu.memref_slice %arg2[%dma_start3A_471, %dma_start3A_472] : memref<1600120x32xf32, #tpu.memory_space<hbm>> -> memref<1600120x32xf32, #tpu.memory_space<hbm>>
    tpu.enqueue_indirect_dma source(%dma_start3A_473 : memref<1600120x32xf32, #tpu.memory_space<hbm>>) target(%dma_start3A_467 : memref<128x32xf32, #tpu.memory_space<vmem>>) offsets(%dma_start3A_470 : memref<128xi32, #tpu.memory_space<vmem>>) semaphore(%arg10 : memref<!tpu.dma_semaphore, #tpu.memory_space<semaphore_mem>>)
    %dma_wait3A_474 = arith.constant 13 : i32
    %dma_wait3A_475 = arith.constant 1 : i32
    %dma_wait3A_476 = arith.constant 0 : i32
    %dma_wait3A_477 = arith.constant 0 : i32
    %dma_wait3A_478 = tpu.memref_slice %arg9[%dma_wait3A_475, %dma_wait3A_476, %dma_wait3A_477] : memref<2x128x32xf32, #tpu.memory_space<vmem>> -> memref<1x128x32xf32, #tpu.memory_space<vmem>>
    %dma_wait3A_479 = tpu.memref_squeeze %dma_wait3A_478 : memref<1x128x32xf32, #tpu.memory_space<vmem>> -> memref<128x32xf32, #tpu.memory_space<vmem>>
    %dma_wait3A_480 = arith.constant 0 : i32
    %dma_wait3A_481 = tpu.memref_slice %arg8[%dma_wait3A_474, %dma_wait3A_480] : memref<32x128xi32, #tpu.memory_space<vmem>> -> memref<1x128xi32, #tpu.memory_space<vmem>>
    %dma_wait3A_482 = tpu.memref_squeeze %dma_wait3A_481 : memref<1x128xi32, #tpu.memory_space<vmem>> -> memref<128xi32, #tpu.memory_space<vmem>>
    %dma_wait3A_483 = arith.constant 0 : i32
    %dma_wait3A_484 = arith.constant 0 : i32
    %dma_wait3A_485 = tpu.memref_slice %arg2[%dma_wait3A_483, %dma_wait3A_484] : memref<1600120x32xf32, #tpu.memory_space<hbm>> -> memref<1600120x32xf32, #tpu.memory_space<hbm>>
    tpu.wait_indirect_dma semaphore(%arg11 : memref<!tpu.dma_semaphore, #tpu.memory_space<semaphore_mem>>) src(%dma_wait3A_485 : memref<1600120x32xf32, #tpu.memory_space<hbm>>) dst(%dma_wait3A_479 : memref<128x32xf32, #tpu.memory_space<vmem>>)
    %mul3A_486 = arith.constant 16 : i32
    %mul3A_487 = arith.muli %mul3A_2, %mul3A_486 : i32
    %add3A_488 = arith.constant 1664 : i32
    %add3A_489 = arith.addi %mul3A_487, %add3A_488 : i32
    %run_scoped3A_490 = arith.constant 1 : i32
    "tpu.region"() ({
      %run_scoped3A_1001 = tpu.sem_alloc : memref<!tpu.dma_semaphore, #tpu.memory_space<semaphore_mem>>
      %dma_start3A_1002 = arith.constant 0 : i32
      %dma_start3A_1003 = arith.constant 0 : i32
      %dma_start3A_1004 = tpu.memref_slice %arg9[%run_scoped3A_490, %dma_start3A_1002, %dma_start3A_1003] : memref<2x128x32xf32, #tpu.memory_space<vmem>> -> memref<1x128x32xf32, #tpu.memory_space<vmem>>
      %dma_start3A_1005 = tpu.memref_squeeze %dma_start3A_1004 : memref<1x128x32xf32, #tpu.memory_space<vmem>> -> memref<128x32xf32, #tpu.memory_space<vmem>>
      %dma_start3A_1006 = arith.constant 0 : i32
      %dma_start3A_1007 = tpu.memref_slice %arg5[%add3A_489, %dma_start3A_1006] : memref<131072x32xf32, #tpu.memory_space<hbm>> -> memref<128x32xf32, #tpu.memory_space<hbm>>
      %dma_start3A_1008 = arith.constant 0 : i32
      %dma_start3A_1009 = tpu.memref_slice %arg5[%add3A_489, %dma_start3A_1008] : memref<131072x32xf32, #tpu.memory_space<hbm>> -> memref<128x32xf32, #tpu.memory_space<hbm>>
      %dma_start3A_1010 = arith.constant 0 : i32
      %dma_start3A_1011 = arith.constant 0 : i32
      %dma_start3A_1012 = tpu.memref_slice %arg9[%run_scoped3A_490, %dma_start3A_1010, %dma_start3A_1011] : memref<2x128x32xf32, #tpu.memory_space<vmem>> -> memref<1x128x32xf32, #tpu.memory_space<vmem>>
      %dma_start3A_1013 = tpu.memref_squeeze %dma_start3A_1012 : memref<1x128x32xf32, #tpu.memory_space<vmem>> -> memref<128x32xf32, #tpu.memory_space<vmem>>
      tpu.enqueue_dma source(%dma_start3A_1013 : memref<128x32xf32, #tpu.memory_space<vmem>>) target(%dma_start3A_1009 : memref<128x32xf32, #tpu.memory_space<hbm>>) target_semaphore(%run_scoped3A_1001 : memref<!tpu.dma_semaphore, #tpu.memory_space<semaphore_mem>>)
      %dma_wait3A_1014 = arith.constant 0 : i32
      %dma_wait3A_1015 = arith.constant 0 : i32
      %dma_wait3A_1016 = tpu.memref_slice %arg9[%run_scoped3A_490, %dma_wait3A_1014, %dma_wait3A_1015] : memref<2x128x32xf32, #tpu.memory_space<vmem>> -> memref<1x128x32xf32, #tpu.memory_space<vmem>>
      %dma_wait3A_1017 = tpu.memref_squeeze %dma_wait3A_1016 : memref<1x128x32xf32, #tpu.memory_space<vmem>> -> memref<128x32xf32, #tpu.memory_space<vmem>>
      %dma_wait3A_1018 = arith.constant 0 : i32
      %dma_wait3A_1019 = tpu.memref_slice %arg5[%add3A_489, %dma_wait3A_1018] : memref<131072x32xf32, #tpu.memory_space<hbm>> -> memref<128x32xf32, #tpu.memory_space<hbm>>
      %dma_wait3A_1020 = arith.constant 0 : i32
      %dma_wait3A_1021 = tpu.memref_slice %arg5[%add3A_489, %dma_wait3A_1020] : memref<131072x32xf32, #tpu.memory_space<hbm>> -> memref<128x32xf32, #tpu.memory_space<hbm>>
      %dma_wait3A_1022 = arith.constant 0 : i32
      %dma_wait3A_1023 = arith.constant 0 : i32
      %dma_wait3A_1024 = tpu.memref_slice %arg9[%run_scoped3A_490, %dma_wait3A_1022, %dma_wait3A_1023] : memref<2x128x32xf32, #tpu.memory_space<vmem>> -> memref<1x128x32xf32, #tpu.memory_space<vmem>>
      %dma_wait3A_1025 = tpu.memref_squeeze %dma_wait3A_1024 : memref<1x128x32xf32, #tpu.memory_space<vmem>> -> memref<128x32xf32, #tpu.memory_space<vmem>>
      tpu.wait_dma2 semaphore(%run_scoped3A_1001 : memref<!tpu.dma_semaphore, #tpu.memory_space<semaphore_mem>>) src(%dma_wait3A_1025 : memref<128x32xf32, #tpu.memory_space<vmem>>) dst(%dma_wait3A_1021 : memref<128x32xf32, #tpu.memory_space<hbm>>)
      tpu.yield
    }) : () -> ()
    %dma_start3A_491 = arith.constant 15 : i32
    %dma_start3A_492 = arith.constant 1 : i32
    %dma_start3A_493 = arith.constant 0 : i32
    %dma_start3A_494 = arith.constant 0 : i32
    %dma_start3A_495 = tpu.memref_slice %arg9[%dma_start3A_492, %dma_start3A_493, %dma_start3A_494] : memref<2x128x32xf32, #tpu.memory_space<vmem>> -> memref<1x128x32xf32, #tpu.memory_space<vmem>>
    %dma_start3A_496 = tpu.memref_squeeze %dma_start3A_495 : memref<1x128x32xf32, #tpu.memory_space<vmem>> -> memref<128x32xf32, #tpu.memory_space<vmem>>
    %dma_start3A_497 = arith.constant 0 : i32
    %dma_start3A_498 = tpu.memref_slice %arg8[%dma_start3A_491, %dma_start3A_497] : memref<32x128xi32, #tpu.memory_space<vmem>> -> memref<1x128xi32, #tpu.memory_space<vmem>>
    %dma_start3A_499 = tpu.memref_squeeze %dma_start3A_498 : memref<1x128xi32, #tpu.memory_space<vmem>> -> memref<128xi32, #tpu.memory_space<vmem>>
    %dma_start3A_500 = arith.constant 0 : i32
    %dma_start3A_501 = arith.constant 0 : i32
    %dma_start3A_502 = tpu.memref_slice %arg2[%dma_start3A_500, %dma_start3A_501] : memref<1600120x32xf32, #tpu.memory_space<hbm>> -> memref<1600120x32xf32, #tpu.memory_space<hbm>>
    tpu.enqueue_indirect_dma source(%dma_start3A_502 : memref<1600120x32xf32, #tpu.memory_space<hbm>>) target(%dma_start3A_496 : memref<128x32xf32, #tpu.memory_space<vmem>>) offsets(%dma_start3A_499 : memref<128xi32, #tpu.memory_space<vmem>>) semaphore(%arg11 : memref<!tpu.dma_semaphore, #tpu.memory_space<semaphore_mem>>)
    %dma_wait3A_503 = arith.constant 14 : i32
    %dma_wait3A_504 = arith.constant 0 : i32
    %dma_wait3A_505 = arith.constant 0 : i32
    %dma_wait3A_506 = arith.constant 0 : i32
    %dma_wait3A_507 = tpu.memref_slice %arg9[%dma_wait3A_504, %dma_wait3A_505, %dma_wait3A_506] : memref<2x128x32xf32, #tpu.memory_space<vmem>> -> memref<1x128x32xf32, #tpu.memory_space<vmem>>
    %dma_wait3A_508 = tpu.memref_squeeze %dma_wait3A_507 : memref<1x128x32xf32, #tpu.memory_space<vmem>> -> memref<128x32xf32, #tpu.memory_space<vmem>>
    %dma_wait3A_509 = arith.constant 0 : i32
    %dma_wait3A_510 = tpu.memref_slice %arg8[%dma_wait3A_503, %dma_wait3A_509] : memref<32x128xi32, #tpu.memory_space<vmem>> -> memref<1x128xi32, #tpu.memory_space<vmem>>
    %dma_wait3A_511 = tpu.memref_squeeze %dma_wait3A_510 : memref<1x128xi32, #tpu.memory_space<vmem>> -> memref<128xi32, #tpu.memory_space<vmem>>
    %dma_wait3A_512 = arith.constant 0 : i32
    %dma_wait3A_513 = arith.constant 0 : i32
    %dma_wait3A_514 = tpu.memref_slice %arg2[%dma_wait3A_512, %dma_wait3A_513] : memref<1600120x32xf32, #tpu.memory_space<hbm>> -> memref<1600120x32xf32, #tpu.memory_space<hbm>>
    tpu.wait_indirect_dma semaphore(%arg10 : memref<!tpu.dma_semaphore, #tpu.memory_space<semaphore_mem>>) src(%dma_wait3A_514 : memref<1600120x32xf32, #tpu.memory_space<hbm>>) dst(%dma_wait3A_508 : memref<128x32xf32, #tpu.memory_space<vmem>>)
    %mul3A_515 = arith.constant 16 : i32
    %mul3A_516 = arith.muli %mul3A_2, %mul3A_515 : i32
    %add3A_517 = arith.constant 1792 : i32
    %add3A_518 = arith.addi %mul3A_516, %add3A_517 : i32
    %run_scoped3A_519 = arith.constant 0 : i32
    "tpu.region"() ({
      %run_scoped3A_1001 = tpu.sem_alloc : memref<!tpu.dma_semaphore, #tpu.memory_space<semaphore_mem>>
      %dma_start3A_1002 = arith.constant 0 : i32
      %dma_start3A_1003 = arith.constant 0 : i32
      %dma_start3A_1004 = tpu.memref_slice %arg9[%run_scoped3A_519, %dma_start3A_1002, %dma_start3A_1003] : memref<2x128x32xf32, #tpu.memory_space<vmem>> -> memref<1x128x32xf32, #tpu.memory_space<vmem>>
      %dma_start3A_1005 = tpu.memref_squeeze %dma_start3A_1004 : memref<1x128x32xf32, #tpu.memory_space<vmem>> -> memref<128x32xf32, #tpu.memory_space<vmem>>
      %dma_start3A_1006 = arith.constant 0 : i32
      %dma_start3A_1007 = tpu.memref_slice %arg5[%add3A_518, %dma_start3A_1006] : memref<131072x32xf32, #tpu.memory_space<hbm>> -> memref<128x32xf32, #tpu.memory_space<hbm>>
      %dma_start3A_1008 = arith.constant 0 : i32
      %dma_start3A_1009 = tpu.memref_slice %arg5[%add3A_518, %dma_start3A_1008] : memref<131072x32xf32, #tpu.memory_space<hbm>> -> memref<128x32xf32, #tpu.memory_space<hbm>>
      %dma_start3A_1010 = arith.constant 0 : i32
      %dma_start3A_1011 = arith.constant 0 : i32
      %dma_start3A_1012 = tpu.memref_slice %arg9[%run_scoped3A_519, %dma_start3A_1010, %dma_start3A_1011] : memref<2x128x32xf32, #tpu.memory_space<vmem>> -> memref<1x128x32xf32, #tpu.memory_space<vmem>>
      %dma_start3A_1013 = tpu.memref_squeeze %dma_start3A_1012 : memref<1x128x32xf32, #tpu.memory_space<vmem>> -> memref<128x32xf32, #tpu.memory_space<vmem>>
      tpu.enqueue_dma source(%dma_start3A_1013 : memref<128x32xf32, #tpu.memory_space<vmem>>) target(%dma_start3A_1009 : memref<128x32xf32, #tpu.memory_space<hbm>>) target_semaphore(%run_scoped3A_1001 : memref<!tpu.dma_semaphore, #tpu.memory_space<semaphore_mem>>)
      %dma_wait3A_1014 = arith.constant 0 : i32
      %dma_wait3A_1015 = arith.constant 0 : i32
      %dma_wait3A_1016 = tpu.memref_slice %arg9[%run_scoped3A_519, %dma_wait3A_1014, %dma_wait3A_1015] : memref<2x128x32xf32, #tpu.memory_space<vmem>> -> memref<1x128x32xf32, #tpu.memory_space<vmem>>
      %dma_wait3A_1017 = tpu.memref_squeeze %dma_wait3A_1016 : memref<1x128x32xf32, #tpu.memory_space<vmem>> -> memref<128x32xf32, #tpu.memory_space<vmem>>
      %dma_wait3A_1018 = arith.constant 0 : i32
      %dma_wait3A_1019 = tpu.memref_slice %arg5[%add3A_518, %dma_wait3A_1018] : memref<131072x32xf32, #tpu.memory_space<hbm>> -> memref<128x32xf32, #tpu.memory_space<hbm>>
      %dma_wait3A_1020 = arith.constant 0 : i32
      %dma_wait3A_1021 = tpu.memref_slice %arg5[%add3A_518, %dma_wait3A_1020] : memref<131072x32xf32, #tpu.memory_space<hbm>> -> memref<128x32xf32, #tpu.memory_space<hbm>>
      %dma_wait3A_1022 = arith.constant 0 : i32
      %dma_wait3A_1023 = arith.constant 0 : i32
      %dma_wait3A_1024 = tpu.memref_slice %arg9[%run_scoped3A_519, %dma_wait3A_1022, %dma_wait3A_1023] : memref<2x128x32xf32, #tpu.memory_space<vmem>> -> memref<1x128x32xf32, #tpu.memory_space<vmem>>
      %dma_wait3A_1025 = tpu.memref_squeeze %dma_wait3A_1024 : memref<1x128x32xf32, #tpu.memory_space<vmem>> -> memref<128x32xf32, #tpu.memory_space<vmem>>
      tpu.wait_dma2 semaphore(%run_scoped3A_1001 : memref<!tpu.dma_semaphore, #tpu.memory_space<semaphore_mem>>) src(%dma_wait3A_1025 : memref<128x32xf32, #tpu.memory_space<vmem>>) dst(%dma_wait3A_1021 : memref<128x32xf32, #tpu.memory_space<hbm>>)
      tpu.yield
    }) : () -> ()
    %dma_start3A_520 = arith.constant 16 : i32
    %dma_start3A_521 = arith.constant 0 : i32
    %dma_start3A_522 = arith.constant 0 : i32
    %dma_start3A_523 = arith.constant 0 : i32
    %dma_start3A_524 = tpu.memref_slice %arg9[%dma_start3A_521, %dma_start3A_522, %dma_start3A_523] : memref<2x128x32xf32, #tpu.memory_space<vmem>> -> memref<1x128x32xf32, #tpu.memory_space<vmem>>
    %dma_start3A_525 = tpu.memref_squeeze %dma_start3A_524 : memref<1x128x32xf32, #tpu.memory_space<vmem>> -> memref<128x32xf32, #tpu.memory_space<vmem>>
    %dma_start3A_526 = arith.constant 0 : i32
    %dma_start3A_527 = tpu.memref_slice %arg8[%dma_start3A_520, %dma_start3A_526] : memref<32x128xi32, #tpu.memory_space<vmem>> -> memref<1x128xi32, #tpu.memory_space<vmem>>
    %dma_start3A_528 = tpu.memref_squeeze %dma_start3A_527 : memref<1x128xi32, #tpu.memory_space<vmem>> -> memref<128xi32, #tpu.memory_space<vmem>>
    %dma_start3A_529 = arith.constant 0 : i32
    %dma_start3A_530 = arith.constant 0 : i32
    %dma_start3A_531 = tpu.memref_slice %arg2[%dma_start3A_529, %dma_start3A_530] : memref<1600120x32xf32, #tpu.memory_space<hbm>> -> memref<1600120x32xf32, #tpu.memory_space<hbm>>
    tpu.enqueue_indirect_dma source(%dma_start3A_531 : memref<1600120x32xf32, #tpu.memory_space<hbm>>) target(%dma_start3A_525 : memref<128x32xf32, #tpu.memory_space<vmem>>) offsets(%dma_start3A_528 : memref<128xi32, #tpu.memory_space<vmem>>) semaphore(%arg10 : memref<!tpu.dma_semaphore, #tpu.memory_space<semaphore_mem>>)
    %dma_wait3A_532 = arith.constant 15 : i32
    %dma_wait3A_533 = arith.constant 1 : i32
    %dma_wait3A_534 = arith.constant 0 : i32
    %dma_wait3A_535 = arith.constant 0 : i32
    %dma_wait3A_536 = tpu.memref_slice %arg9[%dma_wait3A_533, %dma_wait3A_534, %dma_wait3A_535] : memref<2x128x32xf32, #tpu.memory_space<vmem>> -> memref<1x128x32xf32, #tpu.memory_space<vmem>>
    %dma_wait3A_537 = tpu.memref_squeeze %dma_wait3A_536 : memref<1x128x32xf32, #tpu.memory_space<vmem>> -> memref<128x32xf32, #tpu.memory_space<vmem>>
    %dma_wait3A_538 = arith.constant 0 : i32
    %dma_wait3A_539 = tpu.memref_slice %arg8[%dma_wait3A_532, %dma_wait3A_538] : memref<32x128xi32, #tpu.memory_space<vmem>> -> memref<1x128xi32, #tpu.memory_space<vmem>>
    %dma_wait3A_540 = tpu.memref_squeeze %dma_wait3A_539 : memref<1x128xi32, #tpu.memory_space<vmem>> -> memref<128xi32, #tpu.memory_space<vmem>>
    %dma_wait3A_541 = arith.constant 0 : i32
    %dma_wait3A_542 = arith.constant 0 : i32
    %dma_wait3A_543 = tpu.memref_slice %arg2[%dma_wait3A_541, %dma_wait3A_542] : memref<1600120x32xf32, #tpu.memory_space<hbm>> -> memref<1600120x32xf32, #tpu.memory_space<hbm>>
    tpu.wait_indirect_dma semaphore(%arg11 : memref<!tpu.dma_semaphore, #tpu.memory_space<semaphore_mem>>) src(%dma_wait3A_543 : memref<1600120x32xf32, #tpu.memory_space<hbm>>) dst(%dma_wait3A_537 : memref<128x32xf32, #tpu.memory_space<vmem>>)
    %mul3A_544 = arith.constant 16 : i32
    %mul3A_545 = arith.muli %mul3A_2, %mul3A_544 : i32
    %add3A_546 = arith.constant 1920 : i32
    %add3A_547 = arith.addi %mul3A_545, %add3A_546 : i32
    %run_scoped3A_548 = arith.constant 1 : i32
    "tpu.region"() ({
      %run_scoped3A_1001 = tpu.sem_alloc : memref<!tpu.dma_semaphore, #tpu.memory_space<semaphore_mem>>
      %dma_start3A_1002 = arith.constant 0 : i32
      %dma_start3A_1003 = arith.constant 0 : i32
      %dma_start3A_1004 = tpu.memref_slice %arg9[%run_scoped3A_548, %dma_start3A_1002, %dma_start3A_1003] : memref<2x128x32xf32, #tpu.memory_space<vmem>> -> memref<1x128x32xf32, #tpu.memory_space<vmem>>
      %dma_start3A_1005 = tpu.memref_squeeze %dma_start3A_1004 : memref<1x128x32xf32, #tpu.memory_space<vmem>> -> memref<128x32xf32, #tpu.memory_space<vmem>>
      %dma_start3A_1006 = arith.constant 0 : i32
      %dma_start3A_1007 = tpu.memref_slice %arg5[%add3A_547, %dma_start3A_1006] : memref<131072x32xf32, #tpu.memory_space<hbm>> -> memref<128x32xf32, #tpu.memory_space<hbm>>
      %dma_start3A_1008 = arith.constant 0 : i32
      %dma_start3A_1009 = tpu.memref_slice %arg5[%add3A_547, %dma_start3A_1008] : memref<131072x32xf32, #tpu.memory_space<hbm>> -> memref<128x32xf32, #tpu.memory_space<hbm>>
      %dma_start3A_1010 = arith.constant 0 : i32
      %dma_start3A_1011 = arith.constant 0 : i32
      %dma_start3A_1012 = tpu.memref_slice %arg9[%run_scoped3A_548, %dma_start3A_1010, %dma_start3A_1011] : memref<2x128x32xf32, #tpu.memory_space<vmem>> -> memref<1x128x32xf32, #tpu.memory_space<vmem>>
      %dma_start3A_1013 = tpu.memref_squeeze %dma_start3A_1012 : memref<1x128x32xf32, #tpu.memory_space<vmem>> -> memref<128x32xf32, #tpu.memory_space<vmem>>
      tpu.enqueue_dma source(%dma_start3A_1013 : memref<128x32xf32, #tpu.memory_space<vmem>>) target(%dma_start3A_1009 : memref<128x32xf32, #tpu.memory_space<hbm>>) target_semaphore(%run_scoped3A_1001 : memref<!tpu.dma_semaphore, #tpu.memory_space<semaphore_mem>>)
      %dma_wait3A_1014 = arith.constant 0 : i32
      %dma_wait3A_1015 = arith.constant 0 : i32
      %dma_wait3A_1016 = tpu.memref_slice %arg9[%run_scoped3A_548, %dma_wait3A_1014, %dma_wait3A_1015] : memref<2x128x32xf32, #tpu.memory_space<vmem>> -> memref<1x128x32xf32, #tpu.memory_space<vmem>>
      %dma_wait3A_1017 = tpu.memref_squeeze %dma_wait3A_1016 : memref<1x128x32xf32, #tpu.memory_space<vmem>> -> memref<128x32xf32, #tpu.memory_space<vmem>>
      %dma_wait3A_1018 = arith.constant 0 : i32
      %dma_wait3A_1019 = tpu.memref_slice %arg5[%add3A_547, %dma_wait3A_1018] : memref<131072x32xf32, #tpu.memory_space<hbm>> -> memref<128x32xf32, #tpu.memory_space<hbm>>
      %dma_wait3A_1020 = arith.constant 0 : i32
      %dma_wait3A_1021 = tpu.memref_slice %arg5[%add3A_547, %dma_wait3A_1020] : memref<131072x32xf32, #tpu.memory_space<hbm>> -> memref<128x32xf32, #tpu.memory_space<hbm>>
      %dma_wait3A_1022 = arith.constant 0 : i32
      %dma_wait3A_1023 = arith.constant 0 : i32
      %dma_wait3A_1024 = tpu.memref_slice %arg9[%run_scoped3A_548, %dma_wait3A_1022, %dma_wait3A_1023] : memref<2x128x32xf32, #tpu.memory_space<vmem>> -> memref<1x128x32xf32, #tpu.memory_space<vmem>>
      %dma_wait3A_1025 = tpu.memref_squeeze %dma_wait3A_1024 : memref<1x128x32xf32, #tpu.memory_space<vmem>> -> memref<128x32xf32, #tpu.memory_space<vmem>>
      tpu.wait_dma2 semaphore(%run_scoped3A_1001 : memref<!tpu.dma_semaphore, #tpu.memory_space<semaphore_mem>>) src(%dma_wait3A_1025 : memref<128x32xf32, #tpu.memory_space<vmem>>) dst(%dma_wait3A_1021 : memref<128x32xf32, #tpu.memory_space<hbm>>)
      tpu.yield
    }) : () -> ()
    %dma_start3A_549 = arith.constant 17 : i32
    %dma_start3A_550 = arith.constant 1 : i32
    %dma_start3A_551 = arith.constant 0 : i32
    %dma_start3A_552 = arith.constant 0 : i32
    %dma_start3A_553 = tpu.memref_slice %arg9[%dma_start3A_550, %dma_start3A_551, %dma_start3A_552] : memref<2x128x32xf32, #tpu.memory_space<vmem>> -> memref<1x128x32xf32, #tpu.memory_space<vmem>>
    %dma_start3A_554 = tpu.memref_squeeze %dma_start3A_553 : memref<1x128x32xf32, #tpu.memory_space<vmem>> -> memref<128x32xf32, #tpu.memory_space<vmem>>
    %dma_start3A_555 = arith.constant 0 : i32
    %dma_start3A_556 = tpu.memref_slice %arg8[%dma_start3A_549, %dma_start3A_555] : memref<32x128xi32, #tpu.memory_space<vmem>> -> memref<1x128xi32, #tpu.memory_space<vmem>>
    %dma_start3A_557 = tpu.memref_squeeze %dma_start3A_556 : memref<1x128xi32, #tpu.memory_space<vmem>> -> memref<128xi32, #tpu.memory_space<vmem>>
    %dma_start3A_558 = arith.constant 0 : i32
    %dma_start3A_559 = arith.constant 0 : i32
    %dma_start3A_560 = tpu.memref_slice %arg2[%dma_start3A_558, %dma_start3A_559] : memref<1600120x32xf32, #tpu.memory_space<hbm>> -> memref<1600120x32xf32, #tpu.memory_space<hbm>>
    tpu.enqueue_indirect_dma source(%dma_start3A_560 : memref<1600120x32xf32, #tpu.memory_space<hbm>>) target(%dma_start3A_554 : memref<128x32xf32, #tpu.memory_space<vmem>>) offsets(%dma_start3A_557 : memref<128xi32, #tpu.memory_space<vmem>>) semaphore(%arg11 : memref<!tpu.dma_semaphore, #tpu.memory_space<semaphore_mem>>)
    %dma_wait3A_561 = arith.constant 16 : i32
    %dma_wait3A_562 = arith.constant 0 : i32
    %dma_wait3A_563 = arith.constant 0 : i32
    %dma_wait3A_564 = arith.constant 0 : i32
    %dma_wait3A_565 = tpu.memref_slice %arg9[%dma_wait3A_562, %dma_wait3A_563, %dma_wait3A_564] : memref<2x128x32xf32, #tpu.memory_space<vmem>> -> memref<1x128x32xf32, #tpu.memory_space<vmem>>
    %dma_wait3A_566 = tpu.memref_squeeze %dma_wait3A_565 : memref<1x128x32xf32, #tpu.memory_space<vmem>> -> memref<128x32xf32, #tpu.memory_space<vmem>>
    %dma_wait3A_567 = arith.constant 0 : i32
    %dma_wait3A_568 = tpu.memref_slice %arg8[%dma_wait3A_561, %dma_wait3A_567] : memref<32x128xi32, #tpu.memory_space<vmem>> -> memref<1x128xi32, #tpu.memory_space<vmem>>
    %dma_wait3A_569 = tpu.memref_squeeze %dma_wait3A_568 : memref<1x128xi32, #tpu.memory_space<vmem>> -> memref<128xi32, #tpu.memory_space<vmem>>
    %dma_wait3A_570 = arith.constant 0 : i32
    %dma_wait3A_571 = arith.constant 0 : i32
    %dma_wait3A_572 = tpu.memref_slice %arg2[%dma_wait3A_570, %dma_wait3A_571] : memref<1600120x32xf32, #tpu.memory_space<hbm>> -> memref<1600120x32xf32, #tpu.memory_space<hbm>>
    tpu.wait_indirect_dma semaphore(%arg10 : memref<!tpu.dma_semaphore, #tpu.memory_space<semaphore_mem>>) src(%dma_wait3A_572 : memref<1600120x32xf32, #tpu.memory_space<hbm>>) dst(%dma_wait3A_566 : memref<128x32xf32, #tpu.memory_space<vmem>>)
    %mul3A_573 = arith.constant 16 : i32
    %mul3A_574 = arith.muli %mul3A_2, %mul3A_573 : i32
    %add3A_575 = arith.constant 2048 : i32
    %add3A_576 = arith.addi %mul3A_574, %add3A_575 : i32
    %run_scoped3A_577 = arith.constant 0 : i32
    "tpu.region"() ({
      %run_scoped3A_1001 = tpu.sem_alloc : memref<!tpu.dma_semaphore, #tpu.memory_space<semaphore_mem>>
      %dma_start3A_1002 = arith.constant 0 : i32
      %dma_start3A_1003 = arith.constant 0 : i32
      %dma_start3A_1004 = tpu.memref_slice %arg9[%run_scoped3A_577, %dma_start3A_1002, %dma_start3A_1003] : memref<2x128x32xf32, #tpu.memory_space<vmem>> -> memref<1x128x32xf32, #tpu.memory_space<vmem>>
      %dma_start3A_1005 = tpu.memref_squeeze %dma_start3A_1004 : memref<1x128x32xf32, #tpu.memory_space<vmem>> -> memref<128x32xf32, #tpu.memory_space<vmem>>
      %dma_start3A_1006 = arith.constant 0 : i32
      %dma_start3A_1007 = tpu.memref_slice %arg5[%add3A_576, %dma_start3A_1006] : memref<131072x32xf32, #tpu.memory_space<hbm>> -> memref<128x32xf32, #tpu.memory_space<hbm>>
      %dma_start3A_1008 = arith.constant 0 : i32
      %dma_start3A_1009 = tpu.memref_slice %arg5[%add3A_576, %dma_start3A_1008] : memref<131072x32xf32, #tpu.memory_space<hbm>> -> memref<128x32xf32, #tpu.memory_space<hbm>>
      %dma_start3A_1010 = arith.constant 0 : i32
      %dma_start3A_1011 = arith.constant 0 : i32
      %dma_start3A_1012 = tpu.memref_slice %arg9[%run_scoped3A_577, %dma_start3A_1010, %dma_start3A_1011] : memref<2x128x32xf32, #tpu.memory_space<vmem>> -> memref<1x128x32xf32, #tpu.memory_space<vmem>>
      %dma_start3A_1013 = tpu.memref_squeeze %dma_start3A_1012 : memref<1x128x32xf32, #tpu.memory_space<vmem>> -> memref<128x32xf32, #tpu.memory_space<vmem>>
      tpu.enqueue_dma source(%dma_start3A_1013 : memref<128x32xf32, #tpu.memory_space<vmem>>) target(%dma_start3A_1009 : memref<128x32xf32, #tpu.memory_space<hbm>>) target_semaphore(%run_scoped3A_1001 : memref<!tpu.dma_semaphore, #tpu.memory_space<semaphore_mem>>)
      %dma_wait3A_1014 = arith.constant 0 : i32
      %dma_wait3A_1015 = arith.constant 0 : i32
      %dma_wait3A_1016 = tpu.memref_slice %arg9[%run_scoped3A_577, %dma_wait3A_1014, %dma_wait3A_1015] : memref<2x128x32xf32, #tpu.memory_space<vmem>> -> memref<1x128x32xf32, #tpu.memory_space<vmem>>
      %dma_wait3A_1017 = tpu.memref_squeeze %dma_wait3A_1016 : memref<1x128x32xf32, #tpu.memory_space<vmem>> -> memref<128x32xf32, #tpu.memory_space<vmem>>
      %dma_wait3A_1018 = arith.constant 0 : i32
      %dma_wait3A_1019 = tpu.memref_slice %arg5[%add3A_576, %dma_wait3A_1018] : memref<131072x32xf32, #tpu.memory_space<hbm>> -> memref<128x32xf32, #tpu.memory_space<hbm>>
      %dma_wait3A_1020 = arith.constant 0 : i32
      %dma_wait3A_1021 = tpu.memref_slice %arg5[%add3A_576, %dma_wait3A_1020] : memref<131072x32xf32, #tpu.memory_space<hbm>> -> memref<128x32xf32, #tpu.memory_space<hbm>>
      %dma_wait3A_1022 = arith.constant 0 : i32
      %dma_wait3A_1023 = arith.constant 0 : i32
      %dma_wait3A_1024 = tpu.memref_slice %arg9[%run_scoped3A_577, %dma_wait3A_1022, %dma_wait3A_1023] : memref<2x128x32xf32, #tpu.memory_space<vmem>> -> memref<1x128x32xf32, #tpu.memory_space<vmem>>
      %dma_wait3A_1025 = tpu.memref_squeeze %dma_wait3A_1024 : memref<1x128x32xf32, #tpu.memory_space<vmem>> -> memref<128x32xf32, #tpu.memory_space<vmem>>
      tpu.wait_dma2 semaphore(%run_scoped3A_1001 : memref<!tpu.dma_semaphore, #tpu.memory_space<semaphore_mem>>) src(%dma_wait3A_1025 : memref<128x32xf32, #tpu.memory_space<vmem>>) dst(%dma_wait3A_1021 : memref<128x32xf32, #tpu.memory_space<hbm>>)
      tpu.yield
    }) : () -> ()
    %dma_start3A_578 = arith.constant 18 : i32
    %dma_start3A_579 = arith.constant 0 : i32
    %dma_start3A_580 = arith.constant 0 : i32
    %dma_start3A_581 = arith.constant 0 : i32
    %dma_start3A_582 = tpu.memref_slice %arg9[%dma_start3A_579, %dma_start3A_580, %dma_start3A_581] : memref<2x128x32xf32, #tpu.memory_space<vmem>> -> memref<1x128x32xf32, #tpu.memory_space<vmem>>
    %dma_start3A_583 = tpu.memref_squeeze %dma_start3A_582 : memref<1x128x32xf32, #tpu.memory_space<vmem>> -> memref<128x32xf32, #tpu.memory_space<vmem>>
    %dma_start3A_584 = arith.constant 0 : i32
    %dma_start3A_585 = tpu.memref_slice %arg8[%dma_start3A_578, %dma_start3A_584] : memref<32x128xi32, #tpu.memory_space<vmem>> -> memref<1x128xi32, #tpu.memory_space<vmem>>
    %dma_start3A_586 = tpu.memref_squeeze %dma_start3A_585 : memref<1x128xi32, #tpu.memory_space<vmem>> -> memref<128xi32, #tpu.memory_space<vmem>>
    %dma_start3A_587 = arith.constant 0 : i32
    %dma_start3A_588 = arith.constant 0 : i32
    %dma_start3A_589 = tpu.memref_slice %arg2[%dma_start3A_587, %dma_start3A_588] : memref<1600120x32xf32, #tpu.memory_space<hbm>> -> memref<1600120x32xf32, #tpu.memory_space<hbm>>
    tpu.enqueue_indirect_dma source(%dma_start3A_589 : memref<1600120x32xf32, #tpu.memory_space<hbm>>) target(%dma_start3A_583 : memref<128x32xf32, #tpu.memory_space<vmem>>) offsets(%dma_start3A_586 : memref<128xi32, #tpu.memory_space<vmem>>) semaphore(%arg10 : memref<!tpu.dma_semaphore, #tpu.memory_space<semaphore_mem>>)
    %dma_wait3A_590 = arith.constant 17 : i32
    %dma_wait3A_591 = arith.constant 1 : i32
    %dma_wait3A_592 = arith.constant 0 : i32
    %dma_wait3A_593 = arith.constant 0 : i32
    %dma_wait3A_594 = tpu.memref_slice %arg9[%dma_wait3A_591, %dma_wait3A_592, %dma_wait3A_593] : memref<2x128x32xf32, #tpu.memory_space<vmem>> -> memref<1x128x32xf32, #tpu.memory_space<vmem>>
    %dma_wait3A_595 = tpu.memref_squeeze %dma_wait3A_594 : memref<1x128x32xf32, #tpu.memory_space<vmem>> -> memref<128x32xf32, #tpu.memory_space<vmem>>
    %dma_wait3A_596 = arith.constant 0 : i32
    %dma_wait3A_597 = tpu.memref_slice %arg8[%dma_wait3A_590, %dma_wait3A_596] : memref<32x128xi32, #tpu.memory_space<vmem>> -> memref<1x128xi32, #tpu.memory_space<vmem>>
    %dma_wait3A_598 = tpu.memref_squeeze %dma_wait3A_597 : memref<1x128xi32, #tpu.memory_space<vmem>> -> memref<128xi32, #tpu.memory_space<vmem>>
    %dma_wait3A_599 = arith.constant 0 : i32
    %dma_wait3A_600 = arith.constant 0 : i32
    %dma_wait3A_601 = tpu.memref_slice %arg2[%dma_wait3A_599, %dma_wait3A_600] : memref<1600120x32xf32, #tpu.memory_space<hbm>> -> memref<1600120x32xf32, #tpu.memory_space<hbm>>
    tpu.wait_indirect_dma semaphore(%arg11 : memref<!tpu.dma_semaphore, #tpu.memory_space<semaphore_mem>>) src(%dma_wait3A_601 : memref<1600120x32xf32, #tpu.memory_space<hbm>>) dst(%dma_wait3A_595 : memref<128x32xf32, #tpu.memory_space<vmem>>)
    %mul3A_602 = arith.constant 16 : i32
    %mul3A_603 = arith.muli %mul3A_2, %mul3A_602 : i32
    %add3A_604 = arith.constant 2176 : i32
    %add3A_605 = arith.addi %mul3A_603, %add3A_604 : i32
    %run_scoped3A_606 = arith.constant 1 : i32
    "tpu.region"() ({
      %run_scoped3A_1001 = tpu.sem_alloc : memref<!tpu.dma_semaphore, #tpu.memory_space<semaphore_mem>>
      %dma_start3A_1002 = arith.constant 0 : i32
      %dma_start3A_1003 = arith.constant 0 : i32
      %dma_start3A_1004 = tpu.memref_slice %arg9[%run_scoped3A_606, %dma_start3A_1002, %dma_start3A_1003] : memref<2x128x32xf32, #tpu.memory_space<vmem>> -> memref<1x128x32xf32, #tpu.memory_space<vmem>>
      %dma_start3A_1005 = tpu.memref_squeeze %dma_start3A_1004 : memref<1x128x32xf32, #tpu.memory_space<vmem>> -> memref<128x32xf32, #tpu.memory_space<vmem>>
      %dma_start3A_1006 = arith.constant 0 : i32
      %dma_start3A_1007 = tpu.memref_slice %arg5[%add3A_605, %dma_start3A_1006] : memref<131072x32xf32, #tpu.memory_space<hbm>> -> memref<128x32xf32, #tpu.memory_space<hbm>>
      %dma_start3A_1008 = arith.constant 0 : i32
      %dma_start3A_1009 = tpu.memref_slice %arg5[%add3A_605, %dma_start3A_1008] : memref<131072x32xf32, #tpu.memory_space<hbm>> -> memref<128x32xf32, #tpu.memory_space<hbm>>
      %dma_start3A_1010 = arith.constant 0 : i32
      %dma_start3A_1011 = arith.constant 0 : i32
      %dma_start3A_1012 = tpu.memref_slice %arg9[%run_scoped3A_606, %dma_start3A_1010, %dma_start3A_1011] : memref<2x128x32xf32, #tpu.memory_space<vmem>> -> memref<1x128x32xf32, #tpu.memory_space<vmem>>
      %dma_start3A_1013 = tpu.memref_squeeze %dma_start3A_1012 : memref<1x128x32xf32, #tpu.memory_space<vmem>> -> memref<128x32xf32, #tpu.memory_space<vmem>>
      tpu.enqueue_dma source(%dma_start3A_1013 : memref<128x32xf32, #tpu.memory_space<vmem>>) target(%dma_start3A_1009 : memref<128x32xf32, #tpu.memory_space<hbm>>) target_semaphore(%run_scoped3A_1001 : memref<!tpu.dma_semaphore, #tpu.memory_space<semaphore_mem>>)
      %dma_wait3A_1014 = arith.constant 0 : i32
      %dma_wait3A_1015 = arith.constant 0 : i32
      %dma_wait3A_1016 = tpu.memref_slice %arg9[%run_scoped3A_606, %dma_wait3A_1014, %dma_wait3A_1015] : memref<2x128x32xf32, #tpu.memory_space<vmem>> -> memref<1x128x32xf32, #tpu.memory_space<vmem>>
      %dma_wait3A_1017 = tpu.memref_squeeze %dma_wait3A_1016 : memref<1x128x32xf32, #tpu.memory_space<vmem>> -> memref<128x32xf32, #tpu.memory_space<vmem>>
      %dma_wait3A_1018 = arith.constant 0 : i32
      %dma_wait3A_1019 = tpu.memref_slice %arg5[%add3A_605, %dma_wait3A_1018] : memref<131072x32xf32, #tpu.memory_space<hbm>> -> memref<128x32xf32, #tpu.memory_space<hbm>>
      %dma_wait3A_1020 = arith.constant 0 : i32
      %dma_wait3A_1021 = tpu.memref_slice %arg5[%add3A_605, %dma_wait3A_1020] : memref<131072x32xf32, #tpu.memory_space<hbm>> -> memref<128x32xf32, #tpu.memory_space<hbm>>
      %dma_wait3A_1022 = arith.constant 0 : i32
      %dma_wait3A_1023 = arith.constant 0 : i32
      %dma_wait3A_1024 = tpu.memref_slice %arg9[%run_scoped3A_606, %dma_wait3A_1022, %dma_wait3A_1023] : memref<2x128x32xf32, #tpu.memory_space<vmem>> -> memref<1x128x32xf32, #tpu.memory_space<vmem>>
      %dma_wait3A_1025 = tpu.memref_squeeze %dma_wait3A_1024 : memref<1x128x32xf32, #tpu.memory_space<vmem>> -> memref<128x32xf32, #tpu.memory_space<vmem>>
      tpu.wait_dma2 semaphore(%run_scoped3A_1001 : memref<!tpu.dma_semaphore, #tpu.memory_space<semaphore_mem>>) src(%dma_wait3A_1025 : memref<128x32xf32, #tpu.memory_space<vmem>>) dst(%dma_wait3A_1021 : memref<128x32xf32, #tpu.memory_space<hbm>>)
      tpu.yield
    }) : () -> ()
    %dma_start3A_607 = arith.constant 19 : i32
    %dma_start3A_608 = arith.constant 1 : i32
    %dma_start3A_609 = arith.constant 0 : i32
    %dma_start3A_610 = arith.constant 0 : i32
    %dma_start3A_611 = tpu.memref_slice %arg9[%dma_start3A_608, %dma_start3A_609, %dma_start3A_610] : memref<2x128x32xf32, #tpu.memory_space<vmem>> -> memref<1x128x32xf32, #tpu.memory_space<vmem>>
    %dma_start3A_612 = tpu.memref_squeeze %dma_start3A_611 : memref<1x128x32xf32, #tpu.memory_space<vmem>> -> memref<128x32xf32, #tpu.memory_space<vmem>>
    %dma_start3A_613 = arith.constant 0 : i32
    %dma_start3A_614 = tpu.memref_slice %arg8[%dma_start3A_607, %dma_start3A_613] : memref<32x128xi32, #tpu.memory_space<vmem>> -> memref<1x128xi32, #tpu.memory_space<vmem>>
    %dma_start3A_615 = tpu.memref_squeeze %dma_start3A_614 : memref<1x128xi32, #tpu.memory_space<vmem>> -> memref<128xi32, #tpu.memory_space<vmem>>
    %dma_start3A_616 = arith.constant 0 : i32
    %dma_start3A_617 = arith.constant 0 : i32
    %dma_start3A_618 = tpu.memref_slice %arg2[%dma_start3A_616, %dma_start3A_617] : memref<1600120x32xf32, #tpu.memory_space<hbm>> -> memref<1600120x32xf32, #tpu.memory_space<hbm>>
    tpu.enqueue_indirect_dma source(%dma_start3A_618 : memref<1600120x32xf32, #tpu.memory_space<hbm>>) target(%dma_start3A_612 : memref<128x32xf32, #tpu.memory_space<vmem>>) offsets(%dma_start3A_615 : memref<128xi32, #tpu.memory_space<vmem>>) semaphore(%arg11 : memref<!tpu.dma_semaphore, #tpu.memory_space<semaphore_mem>>)
    %dma_wait3A_619 = arith.constant 18 : i32
    %dma_wait3A_620 = arith.constant 0 : i32
    %dma_wait3A_621 = arith.constant 0 : i32
    %dma_wait3A_622 = arith.constant 0 : i32
    %dma_wait3A_623 = tpu.memref_slice %arg9[%dma_wait3A_620, %dma_wait3A_621, %dma_wait3A_622] : memref<2x128x32xf32, #tpu.memory_space<vmem>> -> memref<1x128x32xf32, #tpu.memory_space<vmem>>
    %dma_wait3A_624 = tpu.memref_squeeze %dma_wait3A_623 : memref<1x128x32xf32, #tpu.memory_space<vmem>> -> memref<128x32xf32, #tpu.memory_space<vmem>>
    %dma_wait3A_625 = arith.constant 0 : i32
    %dma_wait3A_626 = tpu.memref_slice %arg8[%dma_wait3A_619, %dma_wait3A_625] : memref<32x128xi32, #tpu.memory_space<vmem>> -> memref<1x128xi32, #tpu.memory_space<vmem>>
    %dma_wait3A_627 = tpu.memref_squeeze %dma_wait3A_626 : memref<1x128xi32, #tpu.memory_space<vmem>> -> memref<128xi32, #tpu.memory_space<vmem>>
    %dma_wait3A_628 = arith.constant 0 : i32
    %dma_wait3A_629 = arith.constant 0 : i32
    %dma_wait3A_630 = tpu.memref_slice %arg2[%dma_wait3A_628, %dma_wait3A_629] : memref<1600120x32xf32, #tpu.memory_space<hbm>> -> memref<1600120x32xf32, #tpu.memory_space<hbm>>
    tpu.wait_indirect_dma semaphore(%arg10 : memref<!tpu.dma_semaphore, #tpu.memory_space<semaphore_mem>>) src(%dma_wait3A_630 : memref<1600120x32xf32, #tpu.memory_space<hbm>>) dst(%dma_wait3A_624 : memref<128x32xf32, #tpu.memory_space<vmem>>)
    %mul3A_631 = arith.constant 16 : i32
    %mul3A_632 = arith.muli %mul3A_2, %mul3A_631 : i32
    %add3A_633 = arith.constant 2304 : i32
    %add3A_634 = arith.addi %mul3A_632, %add3A_633 : i32
    %run_scoped3A_635 = arith.constant 0 : i32
    "tpu.region"() ({
      %run_scoped3A_1001 = tpu.sem_alloc : memref<!tpu.dma_semaphore, #tpu.memory_space<semaphore_mem>>
      %dma_start3A_1002 = arith.constant 0 : i32
      %dma_start3A_1003 = arith.constant 0 : i32
      %dma_start3A_1004 = tpu.memref_slice %arg9[%run_scoped3A_635, %dma_start3A_1002, %dma_start3A_1003] : memref<2x128x32xf32, #tpu.memory_space<vmem>> -> memref<1x128x32xf32, #tpu.memory_space<vmem>>
      %dma_start3A_1005 = tpu.memref_squeeze %dma_start3A_1004 : memref<1x128x32xf32, #tpu.memory_space<vmem>> -> memref<128x32xf32, #tpu.memory_space<vmem>>
      %dma_start3A_1006 = arith.constant 0 : i32
      %dma_start3A_1007 = tpu.memref_slice %arg5[%add3A_634, %dma_start3A_1006] : memref<131072x32xf32, #tpu.memory_space<hbm>> -> memref<128x32xf32, #tpu.memory_space<hbm>>
      %dma_start3A_1008 = arith.constant 0 : i32
      %dma_start3A_1009 = tpu.memref_slice %arg5[%add3A_634, %dma_start3A_1008] : memref<131072x32xf32, #tpu.memory_space<hbm>> -> memref<128x32xf32, #tpu.memory_space<hbm>>
      %dma_start3A_1010 = arith.constant 0 : i32
      %dma_start3A_1011 = arith.constant 0 : i32
      %dma_start3A_1012 = tpu.memref_slice %arg9[%run_scoped3A_635, %dma_start3A_1010, %dma_start3A_1011] : memref<2x128x32xf32, #tpu.memory_space<vmem>> -> memref<1x128x32xf32, #tpu.memory_space<vmem>>
      %dma_start3A_1013 = tpu.memref_squeeze %dma_start3A_1012 : memref<1x128x32xf32, #tpu.memory_space<vmem>> -> memref<128x32xf32, #tpu.memory_space<vmem>>
      tpu.enqueue_dma source(%dma_start3A_1013 : memref<128x32xf32, #tpu.memory_space<vmem>>) target(%dma_start3A_1009 : memref<128x32xf32, #tpu.memory_space<hbm>>) target_semaphore(%run_scoped3A_1001 : memref<!tpu.dma_semaphore, #tpu.memory_space<semaphore_mem>>)
      %dma_wait3A_1014 = arith.constant 0 : i32
      %dma_wait3A_1015 = arith.constant 0 : i32
      %dma_wait3A_1016 = tpu.memref_slice %arg9[%run_scoped3A_635, %dma_wait3A_1014, %dma_wait3A_1015] : memref<2x128x32xf32, #tpu.memory_space<vmem>> -> memref<1x128x32xf32, #tpu.memory_space<vmem>>
      %dma_wait3A_1017 = tpu.memref_squeeze %dma_wait3A_1016 : memref<1x128x32xf32, #tpu.memory_space<vmem>> -> memref<128x32xf32, #tpu.memory_space<vmem>>
      %dma_wait3A_1018 = arith.constant 0 : i32
      %dma_wait3A_1019 = tpu.memref_slice %arg5[%add3A_634, %dma_wait3A_1018] : memref<131072x32xf32, #tpu.memory_space<hbm>> -> memref<128x32xf32, #tpu.memory_space<hbm>>
      %dma_wait3A_1020 = arith.constant 0 : i32
      %dma_wait3A_1021 = tpu.memref_slice %arg5[%add3A_634, %dma_wait3A_1020] : memref<131072x32xf32, #tpu.memory_space<hbm>> -> memref<128x32xf32, #tpu.memory_space<hbm>>
      %dma_wait3A_1022 = arith.constant 0 : i32
      %dma_wait3A_1023 = arith.constant 0 : i32
      %dma_wait3A_1024 = tpu.memref_slice %arg9[%run_scoped3A_635, %dma_wait3A_1022, %dma_wait3A_1023] : memref<2x128x32xf32, #tpu.memory_space<vmem>> -> memref<1x128x32xf32, #tpu.memory_space<vmem>>
      %dma_wait3A_1025 = tpu.memref_squeeze %dma_wait3A_1024 : memref<1x128x32xf32, #tpu.memory_space<vmem>> -> memref<128x32xf32, #tpu.memory_space<vmem>>
      tpu.wait_dma2 semaphore(%run_scoped3A_1001 : memref<!tpu.dma_semaphore, #tpu.memory_space<semaphore_mem>>) src(%dma_wait3A_1025 : memref<128x32xf32, #tpu.memory_space<vmem>>) dst(%dma_wait3A_1021 : memref<128x32xf32, #tpu.memory_space<hbm>>)
      tpu.yield
    }) : () -> ()
    %dma_start3A_636 = arith.constant 20 : i32
    %dma_start3A_637 = arith.constant 0 : i32
    %dma_start3A_638 = arith.constant 0 : i32
    %dma_start3A_639 = arith.constant 0 : i32
    %dma_start3A_640 = tpu.memref_slice %arg9[%dma_start3A_637, %dma_start3A_638, %dma_start3A_639] : memref<2x128x32xf32, #tpu.memory_space<vmem>> -> memref<1x128x32xf32, #tpu.memory_space<vmem>>
    %dma_start3A_641 = tpu.memref_squeeze %dma_start3A_640 : memref<1x128x32xf32, #tpu.memory_space<vmem>> -> memref<128x32xf32, #tpu.memory_space<vmem>>
    %dma_start3A_642 = arith.constant 0 : i32
    %dma_start3A_643 = tpu.memref_slice %arg8[%dma_start3A_636, %dma_start3A_642] : memref<32x128xi32, #tpu.memory_space<vmem>> -> memref<1x128xi32, #tpu.memory_space<vmem>>
    %dma_start3A_644 = tpu.memref_squeeze %dma_start3A_643 : memref<1x128xi32, #tpu.memory_space<vmem>> -> memref<128xi32, #tpu.memory_space<vmem>>
    %dma_start3A_645 = arith.constant 0 : i32
    %dma_start3A_646 = arith.constant 0 : i32
    %dma_start3A_647 = tpu.memref_slice %arg2[%dma_start3A_645, %dma_start3A_646] : memref<1600120x32xf32, #tpu.memory_space<hbm>> -> memref<1600120x32xf32, #tpu.memory_space<hbm>>
    tpu.enqueue_indirect_dma source(%dma_start3A_647 : memref<1600120x32xf32, #tpu.memory_space<hbm>>) target(%dma_start3A_641 : memref<128x32xf32, #tpu.memory_space<vmem>>) offsets(%dma_start3A_644 : memref<128xi32, #tpu.memory_space<vmem>>) semaphore(%arg10 : memref<!tpu.dma_semaphore, #tpu.memory_space<semaphore_mem>>)
    %dma_wait3A_648 = arith.constant 19 : i32
    %dma_wait3A_649 = arith.constant 1 : i32
    %dma_wait3A_650 = arith.constant 0 : i32
    %dma_wait3A_651 = arith.constant 0 : i32
    %dma_wait3A_652 = tpu.memref_slice %arg9[%dma_wait3A_649, %dma_wait3A_650, %dma_wait3A_651] : memref<2x128x32xf32, #tpu.memory_space<vmem>> -> memref<1x128x32xf32, #tpu.memory_space<vmem>>
    %dma_wait3A_653 = tpu.memref_squeeze %dma_wait3A_652 : memref<1x128x32xf32, #tpu.memory_space<vmem>> -> memref<128x32xf32, #tpu.memory_space<vmem>>
    %dma_wait3A_654 = arith.constant 0 : i32
    %dma_wait3A_655 = tpu.memref_slice %arg8[%dma_wait3A_648, %dma_wait3A_654] : memref<32x128xi32, #tpu.memory_space<vmem>> -> memref<1x128xi32, #tpu.memory_space<vmem>>
    %dma_wait3A_656 = tpu.memref_squeeze %dma_wait3A_655 : memref<1x128xi32, #tpu.memory_space<vmem>> -> memref<128xi32, #tpu.memory_space<vmem>>
    %dma_wait3A_657 = arith.constant 0 : i32
    %dma_wait3A_658 = arith.constant 0 : i32
    %dma_wait3A_659 = tpu.memref_slice %arg2[%dma_wait3A_657, %dma_wait3A_658] : memref<1600120x32xf32, #tpu.memory_space<hbm>> -> memref<1600120x32xf32, #tpu.memory_space<hbm>>
    tpu.wait_indirect_dma semaphore(%arg11 : memref<!tpu.dma_semaphore, #tpu.memory_space<semaphore_mem>>) src(%dma_wait3A_659 : memref<1600120x32xf32, #tpu.memory_space<hbm>>) dst(%dma_wait3A_653 : memref<128x32xf32, #tpu.memory_space<vmem>>)
    %mul3A_660 = arith.constant 16 : i32
    %mul3A_661 = arith.muli %mul3A_2, %mul3A_660 : i32
    %add3A_662 = arith.constant 2432 : i32
    %add3A_663 = arith.addi %mul3A_661, %add3A_662 : i32
    %run_scoped3A_664 = arith.constant 1 : i32
    "tpu.region"() ({
      %run_scoped3A_1001 = tpu.sem_alloc : memref<!tpu.dma_semaphore, #tpu.memory_space<semaphore_mem>>
      %dma_start3A_1002 = arith.constant 0 : i32
      %dma_start3A_1003 = arith.constant 0 : i32
      %dma_start3A_1004 = tpu.memref_slice %arg9[%run_scoped3A_664, %dma_start3A_1002, %dma_start3A_1003] : memref<2x128x32xf32, #tpu.memory_space<vmem>> -> memref<1x128x32xf32, #tpu.memory_space<vmem>>
      %dma_start3A_1005 = tpu.memref_squeeze %dma_start3A_1004 : memref<1x128x32xf32, #tpu.memory_space<vmem>> -> memref<128x32xf32, #tpu.memory_space<vmem>>
      %dma_start3A_1006 = arith.constant 0 : i32
      %dma_start3A_1007 = tpu.memref_slice %arg5[%add3A_663, %dma_start3A_1006] : memref<131072x32xf32, #tpu.memory_space<hbm>> -> memref<128x32xf32, #tpu.memory_space<hbm>>
      %dma_start3A_1008 = arith.constant 0 : i32
      %dma_start3A_1009 = tpu.memref_slice %arg5[%add3A_663, %dma_start3A_1008] : memref<131072x32xf32, #tpu.memory_space<hbm>> -> memref<128x32xf32, #tpu.memory_space<hbm>>
      %dma_start3A_1010 = arith.constant 0 : i32
      %dma_start3A_1011 = arith.constant 0 : i32
      %dma_start3A_1012 = tpu.memref_slice %arg9[%run_scoped3A_664, %dma_start3A_1010, %dma_start3A_1011] : memref<2x128x32xf32, #tpu.memory_space<vmem>> -> memref<1x128x32xf32, #tpu.memory_space<vmem>>
      %dma_start3A_1013 = tpu.memref_squeeze %dma_start3A_1012 : memref<1x128x32xf32, #tpu.memory_space<vmem>> -> memref<128x32xf32, #tpu.memory_space<vmem>>
      tpu.enqueue_dma source(%dma_start3A_1013 : memref<128x32xf32, #tpu.memory_space<vmem>>) target(%dma_start3A_1009 : memref<128x32xf32, #tpu.memory_space<hbm>>) target_semaphore(%run_scoped3A_1001 : memref<!tpu.dma_semaphore, #tpu.memory_space<semaphore_mem>>)
      %dma_wait3A_1014 = arith.constant 0 : i32
      %dma_wait3A_1015 = arith.constant 0 : i32
      %dma_wait3A_1016 = tpu.memref_slice %arg9[%run_scoped3A_664, %dma_wait3A_1014, %dma_wait3A_1015] : memref<2x128x32xf32, #tpu.memory_space<vmem>> -> memref<1x128x32xf32, #tpu.memory_space<vmem>>
      %dma_wait3A_1017 = tpu.memref_squeeze %dma_wait3A_1016 : memref<1x128x32xf32, #tpu.memory_space<vmem>> -> memref<128x32xf32, #tpu.memory_space<vmem>>
      %dma_wait3A_1018 = arith.constant 0 : i32
      %dma_wait3A_1019 = tpu.memref_slice %arg5[%add3A_663, %dma_wait3A_1018] : memref<131072x32xf32, #tpu.memory_space<hbm>> -> memref<128x32xf32, #tpu.memory_space<hbm>>
      %dma_wait3A_1020 = arith.constant 0 : i32
      %dma_wait3A_1021 = tpu.memref_slice %arg5[%add3A_663, %dma_wait3A_1020] : memref<131072x32xf32, #tpu.memory_space<hbm>> -> memref<128x32xf32, #tpu.memory_space<hbm>>
      %dma_wait3A_1022 = arith.constant 0 : i32
      %dma_wait3A_1023 = arith.constant 0 : i32
      %dma_wait3A_1024 = tpu.memref_slice %arg9[%run_scoped3A_664, %dma_wait3A_1022, %dma_wait3A_1023] : memref<2x128x32xf32, #tpu.memory_space<vmem>> -> memref<1x128x32xf32, #tpu.memory_space<vmem>>
      %dma_wait3A_1025 = tpu.memref_squeeze %dma_wait3A_1024 : memref<1x128x32xf32, #tpu.memory_space<vmem>> -> memref<128x32xf32, #tpu.memory_space<vmem>>
      tpu.wait_dma2 semaphore(%run_scoped3A_1001 : memref<!tpu.dma_semaphore, #tpu.memory_space<semaphore_mem>>) src(%dma_wait3A_1025 : memref<128x32xf32, #tpu.memory_space<vmem>>) dst(%dma_wait3A_1021 : memref<128x32xf32, #tpu.memory_space<hbm>>)
      tpu.yield
    }) : () -> ()
    %dma_start3A_665 = arith.constant 21 : i32
    %dma_start3A_666 = arith.constant 1 : i32
    %dma_start3A_667 = arith.constant 0 : i32
    %dma_start3A_668 = arith.constant 0 : i32
    %dma_start3A_669 = tpu.memref_slice %arg9[%dma_start3A_666, %dma_start3A_667, %dma_start3A_668] : memref<2x128x32xf32, #tpu.memory_space<vmem>> -> memref<1x128x32xf32, #tpu.memory_space<vmem>>
    %dma_start3A_670 = tpu.memref_squeeze %dma_start3A_669 : memref<1x128x32xf32, #tpu.memory_space<vmem>> -> memref<128x32xf32, #tpu.memory_space<vmem>>
    %dma_start3A_671 = arith.constant 0 : i32
    %dma_start3A_672 = tpu.memref_slice %arg8[%dma_start3A_665, %dma_start3A_671] : memref<32x128xi32, #tpu.memory_space<vmem>> -> memref<1x128xi32, #tpu.memory_space<vmem>>
    %dma_start3A_673 = tpu.memref_squeeze %dma_start3A_672 : memref<1x128xi32, #tpu.memory_space<vmem>> -> memref<128xi32, #tpu.memory_space<vmem>>
    %dma_start3A_674 = arith.constant 0 : i32
    %dma_start3A_675 = arith.constant 0 : i32
    %dma_start3A_676 = tpu.memref_slice %arg2[%dma_start3A_674, %dma_start3A_675] : memref<1600120x32xf32, #tpu.memory_space<hbm>> -> memref<1600120x32xf32, #tpu.memory_space<hbm>>
    tpu.enqueue_indirect_dma source(%dma_start3A_676 : memref<1600120x32xf32, #tpu.memory_space<hbm>>) target(%dma_start3A_670 : memref<128x32xf32, #tpu.memory_space<vmem>>) offsets(%dma_start3A_673 : memref<128xi32, #tpu.memory_space<vmem>>) semaphore(%arg11 : memref<!tpu.dma_semaphore, #tpu.memory_space<semaphore_mem>>)
    %dma_wait3A_677 = arith.constant 20 : i32
    %dma_wait3A_678 = arith.constant 0 : i32
    %dma_wait3A_679 = arith.constant 0 : i32
    %dma_wait3A_680 = arith.constant 0 : i32
    %dma_wait3A_681 = tpu.memref_slice %arg9[%dma_wait3A_678, %dma_wait3A_679, %dma_wait3A_680] : memref<2x128x32xf32, #tpu.memory_space<vmem>> -> memref<1x128x32xf32, #tpu.memory_space<vmem>>
    %dma_wait3A_682 = tpu.memref_squeeze %dma_wait3A_681 : memref<1x128x32xf32, #tpu.memory_space<vmem>> -> memref<128x32xf32, #tpu.memory_space<vmem>>
    %dma_wait3A_683 = arith.constant 0 : i32
    %dma_wait3A_684 = tpu.memref_slice %arg8[%dma_wait3A_677, %dma_wait3A_683] : memref<32x128xi32, #tpu.memory_space<vmem>> -> memref<1x128xi32, #tpu.memory_space<vmem>>
    %dma_wait3A_685 = tpu.memref_squeeze %dma_wait3A_684 : memref<1x128xi32, #tpu.memory_space<vmem>> -> memref<128xi32, #tpu.memory_space<vmem>>
    %dma_wait3A_686 = arith.constant 0 : i32
    %dma_wait3A_687 = arith.constant 0 : i32
    %dma_wait3A_688 = tpu.memref_slice %arg2[%dma_wait3A_686, %dma_wait3A_687] : memref<1600120x32xf32, #tpu.memory_space<hbm>> -> memref<1600120x32xf32, #tpu.memory_space<hbm>>
    tpu.wait_indirect_dma semaphore(%arg10 : memref<!tpu.dma_semaphore, #tpu.memory_space<semaphore_mem>>) src(%dma_wait3A_688 : memref<1600120x32xf32, #tpu.memory_space<hbm>>) dst(%dma_wait3A_682 : memref<128x32xf32, #tpu.memory_space<vmem>>)
    %mul3A_689 = arith.constant 16 : i32
    %mul3A_690 = arith.muli %mul3A_2, %mul3A_689 : i32
    %add3A_691 = arith.constant 2560 : i32
    %add3A_692 = arith.addi %mul3A_690, %add3A_691 : i32
    %run_scoped3A_693 = arith.constant 0 : i32
    "tpu.region"() ({
      %run_scoped3A_1001 = tpu.sem_alloc : memref<!tpu.dma_semaphore, #tpu.memory_space<semaphore_mem>>
      %dma_start3A_1002 = arith.constant 0 : i32
      %dma_start3A_1003 = arith.constant 0 : i32
      %dma_start3A_1004 = tpu.memref_slice %arg9[%run_scoped3A_693, %dma_start3A_1002, %dma_start3A_1003] : memref<2x128x32xf32, #tpu.memory_space<vmem>> -> memref<1x128x32xf32, #tpu.memory_space<vmem>>
      %dma_start3A_1005 = tpu.memref_squeeze %dma_start3A_1004 : memref<1x128x32xf32, #tpu.memory_space<vmem>> -> memref<128x32xf32, #tpu.memory_space<vmem>>
      %dma_start3A_1006 = arith.constant 0 : i32
      %dma_start3A_1007 = tpu.memref_slice %arg5[%add3A_692, %dma_start3A_1006] : memref<131072x32xf32, #tpu.memory_space<hbm>> -> memref<128x32xf32, #tpu.memory_space<hbm>>
      %dma_start3A_1008 = arith.constant 0 : i32
      %dma_start3A_1009 = tpu.memref_slice %arg5[%add3A_692, %dma_start3A_1008] : memref<131072x32xf32, #tpu.memory_space<hbm>> -> memref<128x32xf32, #tpu.memory_space<hbm>>
      %dma_start3A_1010 = arith.constant 0 : i32
      %dma_start3A_1011 = arith.constant 0 : i32
      %dma_start3A_1012 = tpu.memref_slice %arg9[%run_scoped3A_693, %dma_start3A_1010, %dma_start3A_1011] : memref<2x128x32xf32, #tpu.memory_space<vmem>> -> memref<1x128x32xf32, #tpu.memory_space<vmem>>
      %dma_start3A_1013 = tpu.memref_squeeze %dma_start3A_1012 : memref<1x128x32xf32, #tpu.memory_space<vmem>> -> memref<128x32xf32, #tpu.memory_space<vmem>>
      tpu.enqueue_dma source(%dma_start3A_1013 : memref<128x32xf32, #tpu.memory_space<vmem>>) target(%dma_start3A_1009 : memref<128x32xf32, #tpu.memory_space<hbm>>) target_semaphore(%run_scoped3A_1001 : memref<!tpu.dma_semaphore, #tpu.memory_space<semaphore_mem>>)
      %dma_wait3A_1014 = arith.constant 0 : i32
      %dma_wait3A_1015 = arith.constant 0 : i32
      %dma_wait3A_1016 = tpu.memref_slice %arg9[%run_scoped3A_693, %dma_wait3A_1014, %dma_wait3A_1015] : memref<2x128x32xf32, #tpu.memory_space<vmem>> -> memref<1x128x32xf32, #tpu.memory_space<vmem>>
      %dma_wait3A_1017 = tpu.memref_squeeze %dma_wait3A_1016 : memref<1x128x32xf32, #tpu.memory_space<vmem>> -> memref<128x32xf32, #tpu.memory_space<vmem>>
      %dma_wait3A_1018 = arith.constant 0 : i32
      %dma_wait3A_1019 = tpu.memref_slice %arg5[%add3A_692, %dma_wait3A_1018] : memref<131072x32xf32, #tpu.memory_space<hbm>> -> memref<128x32xf32, #tpu.memory_space<hbm>>
      %dma_wait3A_1020 = arith.constant 0 : i32
      %dma_wait3A_1021 = tpu.memref_slice %arg5[%add3A_692, %dma_wait3A_1020] : memref<131072x32xf32, #tpu.memory_space<hbm>> -> memref<128x32xf32, #tpu.memory_space<hbm>>
      %dma_wait3A_1022 = arith.constant 0 : i32
      %dma_wait3A_1023 = arith.constant 0 : i32
      %dma_wait3A_1024 = tpu.memref_slice %arg9[%run_scoped3A_693, %dma_wait3A_1022, %dma_wait3A_1023] : memref<2x128x32xf32, #tpu.memory_space<vmem>> -> memref<1x128x32xf32, #tpu.memory_space<vmem>>
      %dma_wait3A_1025 = tpu.memref_squeeze %dma_wait3A_1024 : memref<1x128x32xf32, #tpu.memory_space<vmem>> -> memref<128x32xf32, #tpu.memory_space<vmem>>
      tpu.wait_dma2 semaphore(%run_scoped3A_1001 : memref<!tpu.dma_semaphore, #tpu.memory_space<semaphore_mem>>) src(%dma_wait3A_1025 : memref<128x32xf32, #tpu.memory_space<vmem>>) dst(%dma_wait3A_1021 : memref<128x32xf32, #tpu.memory_space<hbm>>)
      tpu.yield
    }) : () -> ()
    %dma_start3A_694 = arith.constant 22 : i32
    %dma_start3A_695 = arith.constant 0 : i32
    %dma_start3A_696 = arith.constant 0 : i32
    %dma_start3A_697 = arith.constant 0 : i32
    %dma_start3A_698 = tpu.memref_slice %arg9[%dma_start3A_695, %dma_start3A_696, %dma_start3A_697] : memref<2x128x32xf32, #tpu.memory_space<vmem>> -> memref<1x128x32xf32, #tpu.memory_space<vmem>>
    %dma_start3A_699 = tpu.memref_squeeze %dma_start3A_698 : memref<1x128x32xf32, #tpu.memory_space<vmem>> -> memref<128x32xf32, #tpu.memory_space<vmem>>
    %dma_start3A_700 = arith.constant 0 : i32
    %dma_start3A_701 = tpu.memref_slice %arg8[%dma_start3A_694, %dma_start3A_700] : memref<32x128xi32, #tpu.memory_space<vmem>> -> memref<1x128xi32, #tpu.memory_space<vmem>>
    %dma_start3A_702 = tpu.memref_squeeze %dma_start3A_701 : memref<1x128xi32, #tpu.memory_space<vmem>> -> memref<128xi32, #tpu.memory_space<vmem>>
    %dma_start3A_703 = arith.constant 0 : i32
    %dma_start3A_704 = arith.constant 0 : i32
    %dma_start3A_705 = tpu.memref_slice %arg2[%dma_start3A_703, %dma_start3A_704] : memref<1600120x32xf32, #tpu.memory_space<hbm>> -> memref<1600120x32xf32, #tpu.memory_space<hbm>>
    tpu.enqueue_indirect_dma source(%dma_start3A_705 : memref<1600120x32xf32, #tpu.memory_space<hbm>>) target(%dma_start3A_699 : memref<128x32xf32, #tpu.memory_space<vmem>>) offsets(%dma_start3A_702 : memref<128xi32, #tpu.memory_space<vmem>>) semaphore(%arg10 : memref<!tpu.dma_semaphore, #tpu.memory_space<semaphore_mem>>)
    %dma_wait3A_706 = arith.constant 21 : i32
    %dma_wait3A_707 = arith.constant 1 : i32
    %dma_wait3A_708 = arith.constant 0 : i32
    %dma_wait3A_709 = arith.constant 0 : i32
    %dma_wait3A_710 = tpu.memref_slice %arg9[%dma_wait3A_707, %dma_wait3A_708, %dma_wait3A_709] : memref<2x128x32xf32, #tpu.memory_space<vmem>> -> memref<1x128x32xf32, #tpu.memory_space<vmem>>
    %dma_wait3A_711 = tpu.memref_squeeze %dma_wait3A_710 : memref<1x128x32xf32, #tpu.memory_space<vmem>> -> memref<128x32xf32, #tpu.memory_space<vmem>>
    %dma_wait3A_712 = arith.constant 0 : i32
    %dma_wait3A_713 = tpu.memref_slice %arg8[%dma_wait3A_706, %dma_wait3A_712] : memref<32x128xi32, #tpu.memory_space<vmem>> -> memref<1x128xi32, #tpu.memory_space<vmem>>
    %dma_wait3A_714 = tpu.memref_squeeze %dma_wait3A_713 : memref<1x128xi32, #tpu.memory_space<vmem>> -> memref<128xi32, #tpu.memory_space<vmem>>
    %dma_wait3A_715 = arith.constant 0 : i32
    %dma_wait3A_716 = arith.constant 0 : i32
    %dma_wait3A_717 = tpu.memref_slice %arg2[%dma_wait3A_715, %dma_wait3A_716] : memref<1600120x32xf32, #tpu.memory_space<hbm>> -> memref<1600120x32xf32, #tpu.memory_space<hbm>>
    tpu.wait_indirect_dma semaphore(%arg11 : memref<!tpu.dma_semaphore, #tpu.memory_space<semaphore_mem>>) src(%dma_wait3A_717 : memref<1600120x32xf32, #tpu.memory_space<hbm>>) dst(%dma_wait3A_711 : memref<128x32xf32, #tpu.memory_space<vmem>>)
    %mul3A_718 = arith.constant 16 : i32
    %mul3A_719 = arith.muli %mul3A_2, %mul3A_718 : i32
    %add3A_720 = arith.constant 2688 : i32
    %add3A_721 = arith.addi %mul3A_719, %add3A_720 : i32
    %run_scoped3A_722 = arith.constant 1 : i32
    "tpu.region"() ({
      %run_scoped3A_1001 = tpu.sem_alloc : memref<!tpu.dma_semaphore, #tpu.memory_space<semaphore_mem>>
      %dma_start3A_1002 = arith.constant 0 : i32
      %dma_start3A_1003 = arith.constant 0 : i32
      %dma_start3A_1004 = tpu.memref_slice %arg9[%run_scoped3A_722, %dma_start3A_1002, %dma_start3A_1003] : memref<2x128x32xf32, #tpu.memory_space<vmem>> -> memref<1x128x32xf32, #tpu.memory_space<vmem>>
      %dma_start3A_1005 = tpu.memref_squeeze %dma_start3A_1004 : memref<1x128x32xf32, #tpu.memory_space<vmem>> -> memref<128x32xf32, #tpu.memory_space<vmem>>
      %dma_start3A_1006 = arith.constant 0 : i32
      %dma_start3A_1007 = tpu.memref_slice %arg5[%add3A_721, %dma_start3A_1006] : memref<131072x32xf32, #tpu.memory_space<hbm>> -> memref<128x32xf32, #tpu.memory_space<hbm>>
      %dma_start3A_1008 = arith.constant 0 : i32
      %dma_start3A_1009 = tpu.memref_slice %arg5[%add3A_721, %dma_start3A_1008] : memref<131072x32xf32, #tpu.memory_space<hbm>> -> memref<128x32xf32, #tpu.memory_space<hbm>>
      %dma_start3A_1010 = arith.constant 0 : i32
      %dma_start3A_1011 = arith.constant 0 : i32
      %dma_start3A_1012 = tpu.memref_slice %arg9[%run_scoped3A_722, %dma_start3A_1010, %dma_start3A_1011] : memref<2x128x32xf32, #tpu.memory_space<vmem>> -> memref<1x128x32xf32, #tpu.memory_space<vmem>>
      %dma_start3A_1013 = tpu.memref_squeeze %dma_start3A_1012 : memref<1x128x32xf32, #tpu.memory_space<vmem>> -> memref<128x32xf32, #tpu.memory_space<vmem>>
      tpu.enqueue_dma source(%dma_start3A_1013 : memref<128x32xf32, #tpu.memory_space<vmem>>) target(%dma_start3A_1009 : memref<128x32xf32, #tpu.memory_space<hbm>>) target_semaphore(%run_scoped3A_1001 : memref<!tpu.dma_semaphore, #tpu.memory_space<semaphore_mem>>)
      %dma_wait3A_1014 = arith.constant 0 : i32
      %dma_wait3A_1015 = arith.constant 0 : i32
      %dma_wait3A_1016 = tpu.memref_slice %arg9[%run_scoped3A_722, %dma_wait3A_1014, %dma_wait3A_1015] : memref<2x128x32xf32, #tpu.memory_space<vmem>> -> memref<1x128x32xf32, #tpu.memory_space<vmem>>
      %dma_wait3A_1017 = tpu.memref_squeeze %dma_wait3A_1016 : memref<1x128x32xf32, #tpu.memory_space<vmem>> -> memref<128x32xf32, #tpu.memory_space<vmem>>
      %dma_wait3A_1018 = arith.constant 0 : i32
      %dma_wait3A_1019 = tpu.memref_slice %arg5[%add3A_721, %dma_wait3A_1018] : memref<131072x32xf32, #tpu.memory_space<hbm>> -> memref<128x32xf32, #tpu.memory_space<hbm>>
      %dma_wait3A_1020 = arith.constant 0 : i32
      %dma_wait3A_1021 = tpu.memref_slice %arg5[%add3A_721, %dma_wait3A_1020] : memref<131072x32xf32, #tpu.memory_space<hbm>> -> memref<128x32xf32, #tpu.memory_space<hbm>>
      %dma_wait3A_1022 = arith.constant 0 : i32
      %dma_wait3A_1023 = arith.constant 0 : i32
      %dma_wait3A_1024 = tpu.memref_slice %arg9[%run_scoped3A_722, %dma_wait3A_1022, %dma_wait3A_1023] : memref<2x128x32xf32, #tpu.memory_space<vmem>> -> memref<1x128x32xf32, #tpu.memory_space<vmem>>
      %dma_wait3A_1025 = tpu.memref_squeeze %dma_wait3A_1024 : memref<1x128x32xf32, #tpu.memory_space<vmem>> -> memref<128x32xf32, #tpu.memory_space<vmem>>
      tpu.wait_dma2 semaphore(%run_scoped3A_1001 : memref<!tpu.dma_semaphore, #tpu.memory_space<semaphore_mem>>) src(%dma_wait3A_1025 : memref<128x32xf32, #tpu.memory_space<vmem>>) dst(%dma_wait3A_1021 : memref<128x32xf32, #tpu.memory_space<hbm>>)
      tpu.yield
    }) : () -> ()
    %dma_start3A_723 = arith.constant 23 : i32
    %dma_start3A_724 = arith.constant 1 : i32
    %dma_start3A_725 = arith.constant 0 : i32
    %dma_start3A_726 = arith.constant 0 : i32
    %dma_start3A_727 = tpu.memref_slice %arg9[%dma_start3A_724, %dma_start3A_725, %dma_start3A_726] : memref<2x128x32xf32, #tpu.memory_space<vmem>> -> memref<1x128x32xf32, #tpu.memory_space<vmem>>
    %dma_start3A_728 = tpu.memref_squeeze %dma_start3A_727 : memref<1x128x32xf32, #tpu.memory_space<vmem>> -> memref<128x32xf32, #tpu.memory_space<vmem>>
    %dma_start3A_729 = arith.constant 0 : i32
    %dma_start3A_730 = tpu.memref_slice %arg8[%dma_start3A_723, %dma_start3A_729] : memref<32x128xi32, #tpu.memory_space<vmem>> -> memref<1x128xi32, #tpu.memory_space<vmem>>
    %dma_start3A_731 = tpu.memref_squeeze %dma_start3A_730 : memref<1x128xi32, #tpu.memory_space<vmem>> -> memref<128xi32, #tpu.memory_space<vmem>>
    %dma_start3A_732 = arith.constant 0 : i32
    %dma_start3A_733 = arith.constant 0 : i32
    %dma_start3A_734 = tpu.memref_slice %arg2[%dma_start3A_732, %dma_start3A_733] : memref<1600120x32xf32, #tpu.memory_space<hbm>> -> memref<1600120x32xf32, #tpu.memory_space<hbm>>
    tpu.enqueue_indirect_dma source(%dma_start3A_734 : memref<1600120x32xf32, #tpu.memory_space<hbm>>) target(%dma_start3A_728 : memref<128x32xf32, #tpu.memory_space<vmem>>) offsets(%dma_start3A_731 : memref<128xi32, #tpu.memory_space<vmem>>) semaphore(%arg11 : memref<!tpu.dma_semaphore, #tpu.memory_space<semaphore_mem>>)
    %dma_wait3A_735 = arith.constant 22 : i32
    %dma_wait3A_736 = arith.constant 0 : i32
    %dma_wait3A_737 = arith.constant 0 : i32
    %dma_wait3A_738 = arith.constant 0 : i32
    %dma_wait3A_739 = tpu.memref_slice %arg9[%dma_wait3A_736, %dma_wait3A_737, %dma_wait3A_738] : memref<2x128x32xf32, #tpu.memory_space<vmem>> -> memref<1x128x32xf32, #tpu.memory_space<vmem>>
    %dma_wait3A_740 = tpu.memref_squeeze %dma_wait3A_739 : memref<1x128x32xf32, #tpu.memory_space<vmem>> -> memref<128x32xf32, #tpu.memory_space<vmem>>
    %dma_wait3A_741 = arith.constant 0 : i32
    %dma_wait3A_742 = tpu.memref_slice %arg8[%dma_wait3A_735, %dma_wait3A_741] : memref<32x128xi32, #tpu.memory_space<vmem>> -> memref<1x128xi32, #tpu.memory_space<vmem>>
    %dma_wait3A_743 = tpu.memref_squeeze %dma_wait3A_742 : memref<1x128xi32, #tpu.memory_space<vmem>> -> memref<128xi32, #tpu.memory_space<vmem>>
    %dma_wait3A_744 = arith.constant 0 : i32
    %dma_wait3A_745 = arith.constant 0 : i32
    %dma_wait3A_746 = tpu.memref_slice %arg2[%dma_wait3A_744, %dma_wait3A_745] : memref<1600120x32xf32, #tpu.memory_space<hbm>> -> memref<1600120x32xf32, #tpu.memory_space<hbm>>
    tpu.wait_indirect_dma semaphore(%arg10 : memref<!tpu.dma_semaphore, #tpu.memory_space<semaphore_mem>>) src(%dma_wait3A_746 : memref<1600120x32xf32, #tpu.memory_space<hbm>>) dst(%dma_wait3A_740 : memref<128x32xf32, #tpu.memory_space<vmem>>)
    %mul3A_747 = arith.constant 16 : i32
    %mul3A_748 = arith.muli %mul3A_2, %mul3A_747 : i32
    %add3A_749 = arith.constant 2816 : i32
    %add3A_750 = arith.addi %mul3A_748, %add3A_749 : i32
    %run_scoped3A_751 = arith.constant 0 : i32
    "tpu.region"() ({
      %run_scoped3A_1001 = tpu.sem_alloc : memref<!tpu.dma_semaphore, #tpu.memory_space<semaphore_mem>>
      %dma_start3A_1002 = arith.constant 0 : i32
      %dma_start3A_1003 = arith.constant 0 : i32
      %dma_start3A_1004 = tpu.memref_slice %arg9[%run_scoped3A_751, %dma_start3A_1002, %dma_start3A_1003] : memref<2x128x32xf32, #tpu.memory_space<vmem>> -> memref<1x128x32xf32, #tpu.memory_space<vmem>>
      %dma_start3A_1005 = tpu.memref_squeeze %dma_start3A_1004 : memref<1x128x32xf32, #tpu.memory_space<vmem>> -> memref<128x32xf32, #tpu.memory_space<vmem>>
      %dma_start3A_1006 = arith.constant 0 : i32
      %dma_start3A_1007 = tpu.memref_slice %arg5[%add3A_750, %dma_start3A_1006] : memref<131072x32xf32, #tpu.memory_space<hbm>> -> memref<128x32xf32, #tpu.memory_space<hbm>>
      %dma_start3A_1008 = arith.constant 0 : i32
      %dma_start3A_1009 = tpu.memref_slice %arg5[%add3A_750, %dma_start3A_1008] : memref<131072x32xf32, #tpu.memory_space<hbm>> -> memref<128x32xf32, #tpu.memory_space<hbm>>
      %dma_start3A_1010 = arith.constant 0 : i32
      %dma_start3A_1011 = arith.constant 0 : i32
      %dma_start3A_1012 = tpu.memref_slice %arg9[%run_scoped3A_751, %dma_start3A_1010, %dma_start3A_1011] : memref<2x128x32xf32, #tpu.memory_space<vmem>> -> memref<1x128x32xf32, #tpu.memory_space<vmem>>
      %dma_start3A_1013 = tpu.memref_squeeze %dma_start3A_1012 : memref<1x128x32xf32, #tpu.memory_space<vmem>> -> memref<128x32xf32, #tpu.memory_space<vmem>>
      tpu.enqueue_dma source(%dma_start3A_1013 : memref<128x32xf32, #tpu.memory_space<vmem>>) target(%dma_start3A_1009 : memref<128x32xf32, #tpu.memory_space<hbm>>) target_semaphore(%run_scoped3A_1001 : memref<!tpu.dma_semaphore, #tpu.memory_space<semaphore_mem>>)
      %dma_wait3A_1014 = arith.constant 0 : i32
      %dma_wait3A_1015 = arith.constant 0 : i32
      %dma_wait3A_1016 = tpu.memref_slice %arg9[%run_scoped3A_751, %dma_wait3A_1014, %dma_wait3A_1015] : memref<2x128x32xf32, #tpu.memory_space<vmem>> -> memref<1x128x32xf32, #tpu.memory_space<vmem>>
      %dma_wait3A_1017 = tpu.memref_squeeze %dma_wait3A_1016 : memref<1x128x32xf32, #tpu.memory_space<vmem>> -> memref<128x32xf32, #tpu.memory_space<vmem>>
      %dma_wait3A_1018 = arith.constant 0 : i32
      %dma_wait3A_1019 = tpu.memref_slice %arg5[%add3A_750, %dma_wait3A_1018] : memref<131072x32xf32, #tpu.memory_space<hbm>> -> memref<128x32xf32, #tpu.memory_space<hbm>>
      %dma_wait3A_1020 = arith.constant 0 : i32
      %dma_wait3A_1021 = tpu.memref_slice %arg5[%add3A_750, %dma_wait3A_1020] : memref<131072x32xf32, #tpu.memory_space<hbm>> -> memref<128x32xf32, #tpu.memory_space<hbm>>
      %dma_wait3A_1022 = arith.constant 0 : i32
      %dma_wait3A_1023 = arith.constant 0 : i32
      %dma_wait3A_1024 = tpu.memref_slice %arg9[%run_scoped3A_751, %dma_wait3A_1022, %dma_wait3A_1023] : memref<2x128x32xf32, #tpu.memory_space<vmem>> -> memref<1x128x32xf32, #tpu.memory_space<vmem>>
      %dma_wait3A_1025 = tpu.memref_squeeze %dma_wait3A_1024 : memref<1x128x32xf32, #tpu.memory_space<vmem>> -> memref<128x32xf32, #tpu.memory_space<vmem>>
      tpu.wait_dma2 semaphore(%run_scoped3A_1001 : memref<!tpu.dma_semaphore, #tpu.memory_space<semaphore_mem>>) src(%dma_wait3A_1025 : memref<128x32xf32, #tpu.memory_space<vmem>>) dst(%dma_wait3A_1021 : memref<128x32xf32, #tpu.memory_space<hbm>>)
      tpu.yield
    }) : () -> ()
    %dma_start3A_752 = arith.constant 24 : i32
    %dma_start3A_753 = arith.constant 0 : i32
    %dma_start3A_754 = arith.constant 0 : i32
    %dma_start3A_755 = arith.constant 0 : i32
    %dma_start3A_756 = tpu.memref_slice %arg9[%dma_start3A_753, %dma_start3A_754, %dma_start3A_755] : memref<2x128x32xf32, #tpu.memory_space<vmem>> -> memref<1x128x32xf32, #tpu.memory_space<vmem>>
    %dma_start3A_757 = tpu.memref_squeeze %dma_start3A_756 : memref<1x128x32xf32, #tpu.memory_space<vmem>> -> memref<128x32xf32, #tpu.memory_space<vmem>>
    %dma_start3A_758 = arith.constant 0 : i32
    %dma_start3A_759 = tpu.memref_slice %arg8[%dma_start3A_752, %dma_start3A_758] : memref<32x128xi32, #tpu.memory_space<vmem>> -> memref<1x128xi32, #tpu.memory_space<vmem>>
    %dma_start3A_760 = tpu.memref_squeeze %dma_start3A_759 : memref<1x128xi32, #tpu.memory_space<vmem>> -> memref<128xi32, #tpu.memory_space<vmem>>
    %dma_start3A_761 = arith.constant 0 : i32
    %dma_start3A_762 = arith.constant 0 : i32
    %dma_start3A_763 = tpu.memref_slice %arg2[%dma_start3A_761, %dma_start3A_762] : memref<1600120x32xf32, #tpu.memory_space<hbm>> -> memref<1600120x32xf32, #tpu.memory_space<hbm>>
    tpu.enqueue_indirect_dma source(%dma_start3A_763 : memref<1600120x32xf32, #tpu.memory_space<hbm>>) target(%dma_start3A_757 : memref<128x32xf32, #tpu.memory_space<vmem>>) offsets(%dma_start3A_760 : memref<128xi32, #tpu.memory_space<vmem>>) semaphore(%arg10 : memref<!tpu.dma_semaphore, #tpu.memory_space<semaphore_mem>>)
    %dma_wait3A_764 = arith.constant 23 : i32
    %dma_wait3A_765 = arith.constant 1 : i32
    %dma_wait3A_766 = arith.constant 0 : i32
    %dma_wait3A_767 = arith.constant 0 : i32
    %dma_wait3A_768 = tpu.memref_slice %arg9[%dma_wait3A_765, %dma_wait3A_766, %dma_wait3A_767] : memref<2x128x32xf32, #tpu.memory_space<vmem>> -> memref<1x128x32xf32, #tpu.memory_space<vmem>>
    %dma_wait3A_769 = tpu.memref_squeeze %dma_wait3A_768 : memref<1x128x32xf32, #tpu.memory_space<vmem>> -> memref<128x32xf32, #tpu.memory_space<vmem>>
    %dma_wait3A_770 = arith.constant 0 : i32
    %dma_wait3A_771 = tpu.memref_slice %arg8[%dma_wait3A_764, %dma_wait3A_770] : memref<32x128xi32, #tpu.memory_space<vmem>> -> memref<1x128xi32, #tpu.memory_space<vmem>>
    %dma_wait3A_772 = tpu.memref_squeeze %dma_wait3A_771 : memref<1x128xi32, #tpu.memory_space<vmem>> -> memref<128xi32, #tpu.memory_space<vmem>>
    %dma_wait3A_773 = arith.constant 0 : i32
    %dma_wait3A_774 = arith.constant 0 : i32
    %dma_wait3A_775 = tpu.memref_slice %arg2[%dma_wait3A_773, %dma_wait3A_774] : memref<1600120x32xf32, #tpu.memory_space<hbm>> -> memref<1600120x32xf32, #tpu.memory_space<hbm>>
    tpu.wait_indirect_dma semaphore(%arg11 : memref<!tpu.dma_semaphore, #tpu.memory_space<semaphore_mem>>) src(%dma_wait3A_775 : memref<1600120x32xf32, #tpu.memory_space<hbm>>) dst(%dma_wait3A_769 : memref<128x32xf32, #tpu.memory_space<vmem>>)
    %mul3A_776 = arith.constant 16 : i32
    %mul3A_777 = arith.muli %mul3A_2, %mul3A_776 : i32
    %add3A_778 = arith.constant 2944 : i32
    %add3A_779 = arith.addi %mul3A_777, %add3A_778 : i32
    %run_scoped3A_780 = arith.constant 1 : i32
    "tpu.region"() ({
      %run_scoped3A_1001 = tpu.sem_alloc : memref<!tpu.dma_semaphore, #tpu.memory_space<semaphore_mem>>
      %dma_start3A_1002 = arith.constant 0 : i32
      %dma_start3A_1003 = arith.constant 0 : i32
      %dma_start3A_1004 = tpu.memref_slice %arg9[%run_scoped3A_780, %dma_start3A_1002, %dma_start3A_1003] : memref<2x128x32xf32, #tpu.memory_space<vmem>> -> memref<1x128x32xf32, #tpu.memory_space<vmem>>
      %dma_start3A_1005 = tpu.memref_squeeze %dma_start3A_1004 : memref<1x128x32xf32, #tpu.memory_space<vmem>> -> memref<128x32xf32, #tpu.memory_space<vmem>>
      %dma_start3A_1006 = arith.constant 0 : i32
      %dma_start3A_1007 = tpu.memref_slice %arg5[%add3A_779, %dma_start3A_1006] : memref<131072x32xf32, #tpu.memory_space<hbm>> -> memref<128x32xf32, #tpu.memory_space<hbm>>
      %dma_start3A_1008 = arith.constant 0 : i32
      %dma_start3A_1009 = tpu.memref_slice %arg5[%add3A_779, %dma_start3A_1008] : memref<131072x32xf32, #tpu.memory_space<hbm>> -> memref<128x32xf32, #tpu.memory_space<hbm>>
      %dma_start3A_1010 = arith.constant 0 : i32
      %dma_start3A_1011 = arith.constant 0 : i32
      %dma_start3A_1012 = tpu.memref_slice %arg9[%run_scoped3A_780, %dma_start3A_1010, %dma_start3A_1011] : memref<2x128x32xf32, #tpu.memory_space<vmem>> -> memref<1x128x32xf32, #tpu.memory_space<vmem>>
      %dma_start3A_1013 = tpu.memref_squeeze %dma_start3A_1012 : memref<1x128x32xf32, #tpu.memory_space<vmem>> -> memref<128x32xf32, #tpu.memory_space<vmem>>
      tpu.enqueue_dma source(%dma_start3A_1013 : memref<128x32xf32, #tpu.memory_space<vmem>>) target(%dma_start3A_1009 : memref<128x32xf32, #tpu.memory_space<hbm>>) target_semaphore(%run_scoped3A_1001 : memref<!tpu.dma_semaphore, #tpu.memory_space<semaphore_mem>>)
      %dma_wait3A_1014 = arith.constant 0 : i32
      %dma_wait3A_1015 = arith.constant 0 : i32
      %dma_wait3A_1016 = tpu.memref_slice %arg9[%run_scoped3A_780, %dma_wait3A_1014, %dma_wait3A_1015] : memref<2x128x32xf32, #tpu.memory_space<vmem>> -> memref<1x128x32xf32, #tpu.memory_space<vmem>>
      %dma_wait3A_1017 = tpu.memref_squeeze %dma_wait3A_1016 : memref<1x128x32xf32, #tpu.memory_space<vmem>> -> memref<128x32xf32, #tpu.memory_space<vmem>>
      %dma_wait3A_1018 = arith.constant 0 : i32
      %dma_wait3A_1019 = tpu.memref_slice %arg5[%add3A_779, %dma_wait3A_1018] : memref<131072x32xf32, #tpu.memory_space<hbm>> -> memref<128x32xf32, #tpu.memory_space<hbm>>
      %dma_wait3A_1020 = arith.constant 0 : i32
      %dma_wait3A_1021 = tpu.memref_slice %arg5[%add3A_779, %dma_wait3A_1020] : memref<131072x32xf32, #tpu.memory_space<hbm>> -> memref<128x32xf32, #tpu.memory_space<hbm>>
      %dma_wait3A_1022 = arith.constant 0 : i32
      %dma_wait3A_1023 = arith.constant 0 : i32
      %dma_wait3A_1024 = tpu.memref_slice %arg9[%run_scoped3A_780, %dma_wait3A_1022, %dma_wait3A_1023] : memref<2x128x32xf32, #tpu.memory_space<vmem>> -> memref<1x128x32xf32, #tpu.memory_space<vmem>>
      %dma_wait3A_1025 = tpu.memref_squeeze %dma_wait3A_1024 : memref<1x128x32xf32, #tpu.memory_space<vmem>> -> memref<128x32xf32, #tpu.memory_space<vmem>>
      tpu.wait_dma2 semaphore(%run_scoped3A_1001 : memref<!tpu.dma_semaphore, #tpu.memory_space<semaphore_mem>>) src(%dma_wait3A_1025 : memref<128x32xf32, #tpu.memory_space<vmem>>) dst(%dma_wait3A_1021 : memref<128x32xf32, #tpu.memory_space<hbm>>)
      tpu.yield
    }) : () -> ()
    %dma_start3A_781 = arith.constant 25 : i32
    %dma_start3A_782 = arith.constant 1 : i32
    %dma_start3A_783 = arith.constant 0 : i32
    %dma_start3A_784 = arith.constant 0 : i32
    %dma_start3A_785 = tpu.memref_slice %arg9[%dma_start3A_782, %dma_start3A_783, %dma_start3A_784] : memref<2x128x32xf32, #tpu.memory_space<vmem>> -> memref<1x128x32xf32, #tpu.memory_space<vmem>>
    %dma_start3A_786 = tpu.memref_squeeze %dma_start3A_785 : memref<1x128x32xf32, #tpu.memory_space<vmem>> -> memref<128x32xf32, #tpu.memory_space<vmem>>
    %dma_start3A_787 = arith.constant 0 : i32
    %dma_start3A_788 = tpu.memref_slice %arg8[%dma_start3A_781, %dma_start3A_787] : memref<32x128xi32, #tpu.memory_space<vmem>> -> memref<1x128xi32, #tpu.memory_space<vmem>>
    %dma_start3A_789 = tpu.memref_squeeze %dma_start3A_788 : memref<1x128xi32, #tpu.memory_space<vmem>> -> memref<128xi32, #tpu.memory_space<vmem>>
    %dma_start3A_790 = arith.constant 0 : i32
    %dma_start3A_791 = arith.constant 0 : i32
    %dma_start3A_792 = tpu.memref_slice %arg2[%dma_start3A_790, %dma_start3A_791] : memref<1600120x32xf32, #tpu.memory_space<hbm>> -> memref<1600120x32xf32, #tpu.memory_space<hbm>>
    tpu.enqueue_indirect_dma source(%dma_start3A_792 : memref<1600120x32xf32, #tpu.memory_space<hbm>>) target(%dma_start3A_786 : memref<128x32xf32, #tpu.memory_space<vmem>>) offsets(%dma_start3A_789 : memref<128xi32, #tpu.memory_space<vmem>>) semaphore(%arg11 : memref<!tpu.dma_semaphore, #tpu.memory_space<semaphore_mem>>)
    %dma_wait3A_793 = arith.constant 24 : i32
    %dma_wait3A_794 = arith.constant 0 : i32
    %dma_wait3A_795 = arith.constant 0 : i32
    %dma_wait3A_796 = arith.constant 0 : i32
    %dma_wait3A_797 = tpu.memref_slice %arg9[%dma_wait3A_794, %dma_wait3A_795, %dma_wait3A_796] : memref<2x128x32xf32, #tpu.memory_space<vmem>> -> memref<1x128x32xf32, #tpu.memory_space<vmem>>
    %dma_wait3A_798 = tpu.memref_squeeze %dma_wait3A_797 : memref<1x128x32xf32, #tpu.memory_space<vmem>> -> memref<128x32xf32, #tpu.memory_space<vmem>>
    %dma_wait3A_799 = arith.constant 0 : i32
    %dma_wait3A_800 = tpu.memref_slice %arg8[%dma_wait3A_793, %dma_wait3A_799] : memref<32x128xi32, #tpu.memory_space<vmem>> -> memref<1x128xi32, #tpu.memory_space<vmem>>
    %dma_wait3A_801 = tpu.memref_squeeze %dma_wait3A_800 : memref<1x128xi32, #tpu.memory_space<vmem>> -> memref<128xi32, #tpu.memory_space<vmem>>
    %dma_wait3A_802 = arith.constant 0 : i32
    %dma_wait3A_803 = arith.constant 0 : i32
    %dma_wait3A_804 = tpu.memref_slice %arg2[%dma_wait3A_802, %dma_wait3A_803] : memref<1600120x32xf32, #tpu.memory_space<hbm>> -> memref<1600120x32xf32, #tpu.memory_space<hbm>>
    tpu.wait_indirect_dma semaphore(%arg10 : memref<!tpu.dma_semaphore, #tpu.memory_space<semaphore_mem>>) src(%dma_wait3A_804 : memref<1600120x32xf32, #tpu.memory_space<hbm>>) dst(%dma_wait3A_798 : memref<128x32xf32, #tpu.memory_space<vmem>>)
    %mul3A_805 = arith.constant 16 : i32
    %mul3A_806 = arith.muli %mul3A_2, %mul3A_805 : i32
    %add3A_807 = arith.constant 3072 : i32
    %add3A_808 = arith.addi %mul3A_806, %add3A_807 : i32
    %run_scoped3A_809 = arith.constant 0 : i32
    "tpu.region"() ({
      %run_scoped3A_1001 = tpu.sem_alloc : memref<!tpu.dma_semaphore, #tpu.memory_space<semaphore_mem>>
      %dma_start3A_1002 = arith.constant 0 : i32
      %dma_start3A_1003 = arith.constant 0 : i32
      %dma_start3A_1004 = tpu.memref_slice %arg9[%run_scoped3A_809, %dma_start3A_1002, %dma_start3A_1003] : memref<2x128x32xf32, #tpu.memory_space<vmem>> -> memref<1x128x32xf32, #tpu.memory_space<vmem>>
      %dma_start3A_1005 = tpu.memref_squeeze %dma_start3A_1004 : memref<1x128x32xf32, #tpu.memory_space<vmem>> -> memref<128x32xf32, #tpu.memory_space<vmem>>
      %dma_start3A_1006 = arith.constant 0 : i32
      %dma_start3A_1007 = tpu.memref_slice %arg5[%add3A_808, %dma_start3A_1006] : memref<131072x32xf32, #tpu.memory_space<hbm>> -> memref<128x32xf32, #tpu.memory_space<hbm>>
      %dma_start3A_1008 = arith.constant 0 : i32
      %dma_start3A_1009 = tpu.memref_slice %arg5[%add3A_808, %dma_start3A_1008] : memref<131072x32xf32, #tpu.memory_space<hbm>> -> memref<128x32xf32, #tpu.memory_space<hbm>>
      %dma_start3A_1010 = arith.constant 0 : i32
      %dma_start3A_1011 = arith.constant 0 : i32
      %dma_start3A_1012 = tpu.memref_slice %arg9[%run_scoped3A_809, %dma_start3A_1010, %dma_start3A_1011] : memref<2x128x32xf32, #tpu.memory_space<vmem>> -> memref<1x128x32xf32, #tpu.memory_space<vmem>>
      %dma_start3A_1013 = tpu.memref_squeeze %dma_start3A_1012 : memref<1x128x32xf32, #tpu.memory_space<vmem>> -> memref<128x32xf32, #tpu.memory_space<vmem>>
      tpu.enqueue_dma source(%dma_start3A_1013 : memref<128x32xf32, #tpu.memory_space<vmem>>) target(%dma_start3A_1009 : memref<128x32xf32, #tpu.memory_space<hbm>>) target_semaphore(%run_scoped3A_1001 : memref<!tpu.dma_semaphore, #tpu.memory_space<semaphore_mem>>)
      %dma_wait3A_1014 = arith.constant 0 : i32
      %dma_wait3A_1015 = arith.constant 0 : i32
      %dma_wait3A_1016 = tpu.memref_slice %arg9[%run_scoped3A_809, %dma_wait3A_1014, %dma_wait3A_1015] : memref<2x128x32xf32, #tpu.memory_space<vmem>> -> memref<1x128x32xf32, #tpu.memory_space<vmem>>
      %dma_wait3A_1017 = tpu.memref_squeeze %dma_wait3A_1016 : memref<1x128x32xf32, #tpu.memory_space<vmem>> -> memref<128x32xf32, #tpu.memory_space<vmem>>
      %dma_wait3A_1018 = arith.constant 0 : i32
      %dma_wait3A_1019 = tpu.memref_slice %arg5[%add3A_808, %dma_wait3A_1018] : memref<131072x32xf32, #tpu.memory_space<hbm>> -> memref<128x32xf32, #tpu.memory_space<hbm>>
      %dma_wait3A_1020 = arith.constant 0 : i32
      %dma_wait3A_1021 = tpu.memref_slice %arg5[%add3A_808, %dma_wait3A_1020] : memref<131072x32xf32, #tpu.memory_space<hbm>> -> memref<128x32xf32, #tpu.memory_space<hbm>>
      %dma_wait3A_1022 = arith.constant 0 : i32
      %dma_wait3A_1023 = arith.constant 0 : i32
      %dma_wait3A_1024 = tpu.memref_slice %arg9[%run_scoped3A_809, %dma_wait3A_1022, %dma_wait3A_1023] : memref<2x128x32xf32, #tpu.memory_space<vmem>> -> memref<1x128x32xf32, #tpu.memory_space<vmem>>
      %dma_wait3A_1025 = tpu.memref_squeeze %dma_wait3A_1024 : memref<1x128x32xf32, #tpu.memory_space<vmem>> -> memref<128x32xf32, #tpu.memory_space<vmem>>
      tpu.wait_dma2 semaphore(%run_scoped3A_1001 : memref<!tpu.dma_semaphore, #tpu.memory_space<semaphore_mem>>) src(%dma_wait3A_1025 : memref<128x32xf32, #tpu.memory_space<vmem>>) dst(%dma_wait3A_1021 : memref<128x32xf32, #tpu.memory_space<hbm>>)
      tpu.yield
    }) : () -> ()
    %dma_start3A_810 = arith.constant 26 : i32
    %dma_start3A_811 = arith.constant 0 : i32
    %dma_start3A_812 = arith.constant 0 : i32
    %dma_start3A_813 = arith.constant 0 : i32
    %dma_start3A_814 = tpu.memref_slice %arg9[%dma_start3A_811, %dma_start3A_812, %dma_start3A_813] : memref<2x128x32xf32, #tpu.memory_space<vmem>> -> memref<1x128x32xf32, #tpu.memory_space<vmem>>
    %dma_start3A_815 = tpu.memref_squeeze %dma_start3A_814 : memref<1x128x32xf32, #tpu.memory_space<vmem>> -> memref<128x32xf32, #tpu.memory_space<vmem>>
    %dma_start3A_816 = arith.constant 0 : i32
    %dma_start3A_817 = tpu.memref_slice %arg8[%dma_start3A_810, %dma_start3A_816] : memref<32x128xi32, #tpu.memory_space<vmem>> -> memref<1x128xi32, #tpu.memory_space<vmem>>
    %dma_start3A_818 = tpu.memref_squeeze %dma_start3A_817 : memref<1x128xi32, #tpu.memory_space<vmem>> -> memref<128xi32, #tpu.memory_space<vmem>>
    %dma_start3A_819 = arith.constant 0 : i32
    %dma_start3A_820 = arith.constant 0 : i32
    %dma_start3A_821 = tpu.memref_slice %arg2[%dma_start3A_819, %dma_start3A_820] : memref<1600120x32xf32, #tpu.memory_space<hbm>> -> memref<1600120x32xf32, #tpu.memory_space<hbm>>
    tpu.enqueue_indirect_dma source(%dma_start3A_821 : memref<1600120x32xf32, #tpu.memory_space<hbm>>) target(%dma_start3A_815 : memref<128x32xf32, #tpu.memory_space<vmem>>) offsets(%dma_start3A_818 : memref<128xi32, #tpu.memory_space<vmem>>) semaphore(%arg10 : memref<!tpu.dma_semaphore, #tpu.memory_space<semaphore_mem>>)
    %dma_wait3A_822 = arith.constant 25 : i32
    %dma_wait3A_823 = arith.constant 1 : i32
    %dma_wait3A_824 = arith.constant 0 : i32
    %dma_wait3A_825 = arith.constant 0 : i32
    %dma_wait3A_826 = tpu.memref_slice %arg9[%dma_wait3A_823, %dma_wait3A_824, %dma_wait3A_825] : memref<2x128x32xf32, #tpu.memory_space<vmem>> -> memref<1x128x32xf32, #tpu.memory_space<vmem>>
    %dma_wait3A_827 = tpu.memref_squeeze %dma_wait3A_826 : memref<1x128x32xf32, #tpu.memory_space<vmem>> -> memref<128x32xf32, #tpu.memory_space<vmem>>
    %dma_wait3A_828 = arith.constant 0 : i32
    %dma_wait3A_829 = tpu.memref_slice %arg8[%dma_wait3A_822, %dma_wait3A_828] : memref<32x128xi32, #tpu.memory_space<vmem>> -> memref<1x128xi32, #tpu.memory_space<vmem>>
    %dma_wait3A_830 = tpu.memref_squeeze %dma_wait3A_829 : memref<1x128xi32, #tpu.memory_space<vmem>> -> memref<128xi32, #tpu.memory_space<vmem>>
    %dma_wait3A_831 = arith.constant 0 : i32
    %dma_wait3A_832 = arith.constant 0 : i32
    %dma_wait3A_833 = tpu.memref_slice %arg2[%dma_wait3A_831, %dma_wait3A_832] : memref<1600120x32xf32, #tpu.memory_space<hbm>> -> memref<1600120x32xf32, #tpu.memory_space<hbm>>
    tpu.wait_indirect_dma semaphore(%arg11 : memref<!tpu.dma_semaphore, #tpu.memory_space<semaphore_mem>>) src(%dma_wait3A_833 : memref<1600120x32xf32, #tpu.memory_space<hbm>>) dst(%dma_wait3A_827 : memref<128x32xf32, #tpu.memory_space<vmem>>)
    %mul3A_834 = arith.constant 16 : i32
    %mul3A_835 = arith.muli %mul3A_2, %mul3A_834 : i32
    %add3A_836 = arith.constant 3200 : i32
    %add3A_837 = arith.addi %mul3A_835, %add3A_836 : i32
    %run_scoped3A_838 = arith.constant 1 : i32
    "tpu.region"() ({
      %run_scoped3A_1001 = tpu.sem_alloc : memref<!tpu.dma_semaphore, #tpu.memory_space<semaphore_mem>>
      %dma_start3A_1002 = arith.constant 0 : i32
      %dma_start3A_1003 = arith.constant 0 : i32
      %dma_start3A_1004 = tpu.memref_slice %arg9[%run_scoped3A_838, %dma_start3A_1002, %dma_start3A_1003] : memref<2x128x32xf32, #tpu.memory_space<vmem>> -> memref<1x128x32xf32, #tpu.memory_space<vmem>>
      %dma_start3A_1005 = tpu.memref_squeeze %dma_start3A_1004 : memref<1x128x32xf32, #tpu.memory_space<vmem>> -> memref<128x32xf32, #tpu.memory_space<vmem>>
      %dma_start3A_1006 = arith.constant 0 : i32
      %dma_start3A_1007 = tpu.memref_slice %arg5[%add3A_837, %dma_start3A_1006] : memref<131072x32xf32, #tpu.memory_space<hbm>> -> memref<128x32xf32, #tpu.memory_space<hbm>>
      %dma_start3A_1008 = arith.constant 0 : i32
      %dma_start3A_1009 = tpu.memref_slice %arg5[%add3A_837, %dma_start3A_1008] : memref<131072x32xf32, #tpu.memory_space<hbm>> -> memref<128x32xf32, #tpu.memory_space<hbm>>
      %dma_start3A_1010 = arith.constant 0 : i32
      %dma_start3A_1011 = arith.constant 0 : i32
      %dma_start3A_1012 = tpu.memref_slice %arg9[%run_scoped3A_838, %dma_start3A_1010, %dma_start3A_1011] : memref<2x128x32xf32, #tpu.memory_space<vmem>> -> memref<1x128x32xf32, #tpu.memory_space<vmem>>
      %dma_start3A_1013 = tpu.memref_squeeze %dma_start3A_1012 : memref<1x128x32xf32, #tpu.memory_space<vmem>> -> memref<128x32xf32, #tpu.memory_space<vmem>>
      tpu.enqueue_dma source(%dma_start3A_1013 : memref<128x32xf32, #tpu.memory_space<vmem>>) target(%dma_start3A_1009 : memref<128x32xf32, #tpu.memory_space<hbm>>) target_semaphore(%run_scoped3A_1001 : memref<!tpu.dma_semaphore, #tpu.memory_space<semaphore_mem>>)
      %dma_wait3A_1014 = arith.constant 0 : i32
      %dma_wait3A_1015 = arith.constant 0 : i32
      %dma_wait3A_1016 = tpu.memref_slice %arg9[%run_scoped3A_838, %dma_wait3A_1014, %dma_wait3A_1015] : memref<2x128x32xf32, #tpu.memory_space<vmem>> -> memref<1x128x32xf32, #tpu.memory_space<vmem>>
      %dma_wait3A_1017 = tpu.memref_squeeze %dma_wait3A_1016 : memref<1x128x32xf32, #tpu.memory_space<vmem>> -> memref<128x32xf32, #tpu.memory_space<vmem>>
      %dma_wait3A_1018 = arith.constant 0 : i32
      %dma_wait3A_1019 = tpu.memref_slice %arg5[%add3A_837, %dma_wait3A_1018] : memref<131072x32xf32, #tpu.memory_space<hbm>> -> memref<128x32xf32, #tpu.memory_space<hbm>>
      %dma_wait3A_1020 = arith.constant 0 : i32
      %dma_wait3A_1021 = tpu.memref_slice %arg5[%add3A_837, %dma_wait3A_1020] : memref<131072x32xf32, #tpu.memory_space<hbm>> -> memref<128x32xf32, #tpu.memory_space<hbm>>
      %dma_wait3A_1022 = arith.constant 0 : i32
      %dma_wait3A_1023 = arith.constant 0 : i32
      %dma_wait3A_1024 = tpu.memref_slice %arg9[%run_scoped3A_838, %dma_wait3A_1022, %dma_wait3A_1023] : memref<2x128x32xf32, #tpu.memory_space<vmem>> -> memref<1x128x32xf32, #tpu.memory_space<vmem>>
      %dma_wait3A_1025 = tpu.memref_squeeze %dma_wait3A_1024 : memref<1x128x32xf32, #tpu.memory_space<vmem>> -> memref<128x32xf32, #tpu.memory_space<vmem>>
      tpu.wait_dma2 semaphore(%run_scoped3A_1001 : memref<!tpu.dma_semaphore, #tpu.memory_space<semaphore_mem>>) src(%dma_wait3A_1025 : memref<128x32xf32, #tpu.memory_space<vmem>>) dst(%dma_wait3A_1021 : memref<128x32xf32, #tpu.memory_space<hbm>>)
      tpu.yield
    }) : () -> ()
    %dma_start3A_839 = arith.constant 27 : i32
    %dma_start3A_840 = arith.constant 1 : i32
    %dma_start3A_841 = arith.constant 0 : i32
    %dma_start3A_842 = arith.constant 0 : i32
    %dma_start3A_843 = tpu.memref_slice %arg9[%dma_start3A_840, %dma_start3A_841, %dma_start3A_842] : memref<2x128x32xf32, #tpu.memory_space<vmem>> -> memref<1x128x32xf32, #tpu.memory_space<vmem>>
    %dma_start3A_844 = tpu.memref_squeeze %dma_start3A_843 : memref<1x128x32xf32, #tpu.memory_space<vmem>> -> memref<128x32xf32, #tpu.memory_space<vmem>>
    %dma_start3A_845 = arith.constant 0 : i32
    %dma_start3A_846 = tpu.memref_slice %arg8[%dma_start3A_839, %dma_start3A_845] : memref<32x128xi32, #tpu.memory_space<vmem>> -> memref<1x128xi32, #tpu.memory_space<vmem>>
    %dma_start3A_847 = tpu.memref_squeeze %dma_start3A_846 : memref<1x128xi32, #tpu.memory_space<vmem>> -> memref<128xi32, #tpu.memory_space<vmem>>
    %dma_start3A_848 = arith.constant 0 : i32
    %dma_start3A_849 = arith.constant 0 : i32
    %dma_start3A_850 = tpu.memref_slice %arg2[%dma_start3A_848, %dma_start3A_849] : memref<1600120x32xf32, #tpu.memory_space<hbm>> -> memref<1600120x32xf32, #tpu.memory_space<hbm>>
    tpu.enqueue_indirect_dma source(%dma_start3A_850 : memref<1600120x32xf32, #tpu.memory_space<hbm>>) target(%dma_start3A_844 : memref<128x32xf32, #tpu.memory_space<vmem>>) offsets(%dma_start3A_847 : memref<128xi32, #tpu.memory_space<vmem>>) semaphore(%arg11 : memref<!tpu.dma_semaphore, #tpu.memory_space<semaphore_mem>>)
    %dma_wait3A_851 = arith.constant 26 : i32
    %dma_wait3A_852 = arith.constant 0 : i32
    %dma_wait3A_853 = arith.constant 0 : i32
    %dma_wait3A_854 = arith.constant 0 : i32
    %dma_wait3A_855 = tpu.memref_slice %arg9[%dma_wait3A_852, %dma_wait3A_853, %dma_wait3A_854] : memref<2x128x32xf32, #tpu.memory_space<vmem>> -> memref<1x128x32xf32, #tpu.memory_space<vmem>>
    %dma_wait3A_856 = tpu.memref_squeeze %dma_wait3A_855 : memref<1x128x32xf32, #tpu.memory_space<vmem>> -> memref<128x32xf32, #tpu.memory_space<vmem>>
    %dma_wait3A_857 = arith.constant 0 : i32
    %dma_wait3A_858 = tpu.memref_slice %arg8[%dma_wait3A_851, %dma_wait3A_857] : memref<32x128xi32, #tpu.memory_space<vmem>> -> memref<1x128xi32, #tpu.memory_space<vmem>>
    %dma_wait3A_859 = tpu.memref_squeeze %dma_wait3A_858 : memref<1x128xi32, #tpu.memory_space<vmem>> -> memref<128xi32, #tpu.memory_space<vmem>>
    %dma_wait3A_860 = arith.constant 0 : i32
    %dma_wait3A_861 = arith.constant 0 : i32
    %dma_wait3A_862 = tpu.memref_slice %arg2[%dma_wait3A_860, %dma_wait3A_861] : memref<1600120x32xf32, #tpu.memory_space<hbm>> -> memref<1600120x32xf32, #tpu.memory_space<hbm>>
    tpu.wait_indirect_dma semaphore(%arg10 : memref<!tpu.dma_semaphore, #tpu.memory_space<semaphore_mem>>) src(%dma_wait3A_862 : memref<1600120x32xf32, #tpu.memory_space<hbm>>) dst(%dma_wait3A_856 : memref<128x32xf32, #tpu.memory_space<vmem>>)
    %mul3A_863 = arith.constant 16 : i32
    %mul3A_864 = arith.muli %mul3A_2, %mul3A_863 : i32
    %add3A_865 = arith.constant 3328 : i32
    %add3A_866 = arith.addi %mul3A_864, %add3A_865 : i32
    %run_scoped3A_867 = arith.constant 0 : i32
    "tpu.region"() ({
      %run_scoped3A_1001 = tpu.sem_alloc : memref<!tpu.dma_semaphore, #tpu.memory_space<semaphore_mem>>
      %dma_start3A_1002 = arith.constant 0 : i32
      %dma_start3A_1003 = arith.constant 0 : i32
      %dma_start3A_1004 = tpu.memref_slice %arg9[%run_scoped3A_867, %dma_start3A_1002, %dma_start3A_1003] : memref<2x128x32xf32, #tpu.memory_space<vmem>> -> memref<1x128x32xf32, #tpu.memory_space<vmem>>
      %dma_start3A_1005 = tpu.memref_squeeze %dma_start3A_1004 : memref<1x128x32xf32, #tpu.memory_space<vmem>> -> memref<128x32xf32, #tpu.memory_space<vmem>>
      %dma_start3A_1006 = arith.constant 0 : i32
      %dma_start3A_1007 = tpu.memref_slice %arg5[%add3A_866, %dma_start3A_1006] : memref<131072x32xf32, #tpu.memory_space<hbm>> -> memref<128x32xf32, #tpu.memory_space<hbm>>
      %dma_start3A_1008 = arith.constant 0 : i32
      %dma_start3A_1009 = tpu.memref_slice %arg5[%add3A_866, %dma_start3A_1008] : memref<131072x32xf32, #tpu.memory_space<hbm>> -> memref<128x32xf32, #tpu.memory_space<hbm>>
      %dma_start3A_1010 = arith.constant 0 : i32
      %dma_start3A_1011 = arith.constant 0 : i32
      %dma_start3A_1012 = tpu.memref_slice %arg9[%run_scoped3A_867, %dma_start3A_1010, %dma_start3A_1011] : memref<2x128x32xf32, #tpu.memory_space<vmem>> -> memref<1x128x32xf32, #tpu.memory_space<vmem>>
      %dma_start3A_1013 = tpu.memref_squeeze %dma_start3A_1012 : memref<1x128x32xf32, #tpu.memory_space<vmem>> -> memref<128x32xf32, #tpu.memory_space<vmem>>
      tpu.enqueue_dma source(%dma_start3A_1013 : memref<128x32xf32, #tpu.memory_space<vmem>>) target(%dma_start3A_1009 : memref<128x32xf32, #tpu.memory_space<hbm>>) target_semaphore(%run_scoped3A_1001 : memref<!tpu.dma_semaphore, #tpu.memory_space<semaphore_mem>>)
      %dma_wait3A_1014 = arith.constant 0 : i32
      %dma_wait3A_1015 = arith.constant 0 : i32
      %dma_wait3A_1016 = tpu.memref_slice %arg9[%run_scoped3A_867, %dma_wait3A_1014, %dma_wait3A_1015] : memref<2x128x32xf32, #tpu.memory_space<vmem>> -> memref<1x128x32xf32, #tpu.memory_space<vmem>>
      %dma_wait3A_1017 = tpu.memref_squeeze %dma_wait3A_1016 : memref<1x128x32xf32, #tpu.memory_space<vmem>> -> memref<128x32xf32, #tpu.memory_space<vmem>>
      %dma_wait3A_1018 = arith.constant 0 : i32
      %dma_wait3A_1019 = tpu.memref_slice %arg5[%add3A_866, %dma_wait3A_1018] : memref<131072x32xf32, #tpu.memory_space<hbm>> -> memref<128x32xf32, #tpu.memory_space<hbm>>
      %dma_wait3A_1020 = arith.constant 0 : i32
      %dma_wait3A_1021 = tpu.memref_slice %arg5[%add3A_866, %dma_wait3A_1020] : memref<131072x32xf32, #tpu.memory_space<hbm>> -> memref<128x32xf32, #tpu.memory_space<hbm>>
      %dma_wait3A_1022 = arith.constant 0 : i32
      %dma_wait3A_1023 = arith.constant 0 : i32
      %dma_wait3A_1024 = tpu.memref_slice %arg9[%run_scoped3A_867, %dma_wait3A_1022, %dma_wait3A_1023] : memref<2x128x32xf32, #tpu.memory_space<vmem>> -> memref<1x128x32xf32, #tpu.memory_space<vmem>>
      %dma_wait3A_1025 = tpu.memref_squeeze %dma_wait3A_1024 : memref<1x128x32xf32, #tpu.memory_space<vmem>> -> memref<128x32xf32, #tpu.memory_space<vmem>>
      tpu.wait_dma2 semaphore(%run_scoped3A_1001 : memref<!tpu.dma_semaphore, #tpu.memory_space<semaphore_mem>>) src(%dma_wait3A_1025 : memref<128x32xf32, #tpu.memory_space<vmem>>) dst(%dma_wait3A_1021 : memref<128x32xf32, #tpu.memory_space<hbm>>)
      tpu.yield
    }) : () -> ()
    %dma_start3A_868 = arith.constant 28 : i32
    %dma_start3A_869 = arith.constant 0 : i32
    %dma_start3A_870 = arith.constant 0 : i32
    %dma_start3A_871 = arith.constant 0 : i32
    %dma_start3A_872 = tpu.memref_slice %arg9[%dma_start3A_869, %dma_start3A_870, %dma_start3A_871] : memref<2x128x32xf32, #tpu.memory_space<vmem>> -> memref<1x128x32xf32, #tpu.memory_space<vmem>>
    %dma_start3A_873 = tpu.memref_squeeze %dma_start3A_872 : memref<1x128x32xf32, #tpu.memory_space<vmem>> -> memref<128x32xf32, #tpu.memory_space<vmem>>
    %dma_start3A_874 = arith.constant 0 : i32
    %dma_start3A_875 = tpu.memref_slice %arg8[%dma_start3A_868, %dma_start3A_874] : memref<32x128xi32, #tpu.memory_space<vmem>> -> memref<1x128xi32, #tpu.memory_space<vmem>>
    %dma_start3A_876 = tpu.memref_squeeze %dma_start3A_875 : memref<1x128xi32, #tpu.memory_space<vmem>> -> memref<128xi32, #tpu.memory_space<vmem>>
    %dma_start3A_877 = arith.constant 0 : i32
    %dma_start3A_878 = arith.constant 0 : i32
    %dma_start3A_879 = tpu.memref_slice %arg2[%dma_start3A_877, %dma_start3A_878] : memref<1600120x32xf32, #tpu.memory_space<hbm>> -> memref<1600120x32xf32, #tpu.memory_space<hbm>>
    tpu.enqueue_indirect_dma source(%dma_start3A_879 : memref<1600120x32xf32, #tpu.memory_space<hbm>>) target(%dma_start3A_873 : memref<128x32xf32, #tpu.memory_space<vmem>>) offsets(%dma_start3A_876 : memref<128xi32, #tpu.memory_space<vmem>>) semaphore(%arg10 : memref<!tpu.dma_semaphore, #tpu.memory_space<semaphore_mem>>)
    %dma_wait3A_880 = arith.constant 27 : i32
    %dma_wait3A_881 = arith.constant 1 : i32
    %dma_wait3A_882 = arith.constant 0 : i32
    %dma_wait3A_883 = arith.constant 0 : i32
    %dma_wait3A_884 = tpu.memref_slice %arg9[%dma_wait3A_881, %dma_wait3A_882, %dma_wait3A_883] : memref<2x128x32xf32, #tpu.memory_space<vmem>> -> memref<1x128x32xf32, #tpu.memory_space<vmem>>
    %dma_wait3A_885 = tpu.memref_squeeze %dma_wait3A_884 : memref<1x128x32xf32, #tpu.memory_space<vmem>> -> memref<128x32xf32, #tpu.memory_space<vmem>>
    %dma_wait3A_886 = arith.constant 0 : i32
    %dma_wait3A_887 = tpu.memref_slice %arg8[%dma_wait3A_880, %dma_wait3A_886] : memref<32x128xi32, #tpu.memory_space<vmem>> -> memref<1x128xi32, #tpu.memory_space<vmem>>
    %dma_wait3A_888 = tpu.memref_squeeze %dma_wait3A_887 : memref<1x128xi32, #tpu.memory_space<vmem>> -> memref<128xi32, #tpu.memory_space<vmem>>
    %dma_wait3A_889 = arith.constant 0 : i32
    %dma_wait3A_890 = arith.constant 0 : i32
    %dma_wait3A_891 = tpu.memref_slice %arg2[%dma_wait3A_889, %dma_wait3A_890] : memref<1600120x32xf32, #tpu.memory_space<hbm>> -> memref<1600120x32xf32, #tpu.memory_space<hbm>>
    tpu.wait_indirect_dma semaphore(%arg11 : memref<!tpu.dma_semaphore, #tpu.memory_space<semaphore_mem>>) src(%dma_wait3A_891 : memref<1600120x32xf32, #tpu.memory_space<hbm>>) dst(%dma_wait3A_885 : memref<128x32xf32, #tpu.memory_space<vmem>>)
    %mul3A_892 = arith.constant 16 : i32
    %mul3A_893 = arith.muli %mul3A_2, %mul3A_892 : i32
    %add3A_894 = arith.constant 3456 : i32
    %add3A_895 = arith.addi %mul3A_893, %add3A_894 : i32
    %run_scoped3A_896 = arith.constant 1 : i32
    "tpu.region"() ({
      %run_scoped3A_1001 = tpu.sem_alloc : memref<!tpu.dma_semaphore, #tpu.memory_space<semaphore_mem>>
      %dma_start3A_1002 = arith.constant 0 : i32
      %dma_start3A_1003 = arith.constant 0 : i32
      %dma_start3A_1004 = tpu.memref_slice %arg9[%run_scoped3A_896, %dma_start3A_1002, %dma_start3A_1003] : memref<2x128x32xf32, #tpu.memory_space<vmem>> -> memref<1x128x32xf32, #tpu.memory_space<vmem>>
      %dma_start3A_1005 = tpu.memref_squeeze %dma_start3A_1004 : memref<1x128x32xf32, #tpu.memory_space<vmem>> -> memref<128x32xf32, #tpu.memory_space<vmem>>
      %dma_start3A_1006 = arith.constant 0 : i32
      %dma_start3A_1007 = tpu.memref_slice %arg5[%add3A_895, %dma_start3A_1006] : memref<131072x32xf32, #tpu.memory_space<hbm>> -> memref<128x32xf32, #tpu.memory_space<hbm>>
      %dma_start3A_1008 = arith.constant 0 : i32
      %dma_start3A_1009 = tpu.memref_slice %arg5[%add3A_895, %dma_start3A_1008] : memref<131072x32xf32, #tpu.memory_space<hbm>> -> memref<128x32xf32, #tpu.memory_space<hbm>>
      %dma_start3A_1010 = arith.constant 0 : i32
      %dma_start3A_1011 = arith.constant 0 : i32
      %dma_start3A_1012 = tpu.memref_slice %arg9[%run_scoped3A_896, %dma_start3A_1010, %dma_start3A_1011] : memref<2x128x32xf32, #tpu.memory_space<vmem>> -> memref<1x128x32xf32, #tpu.memory_space<vmem>>
      %dma_start3A_1013 = tpu.memref_squeeze %dma_start3A_1012 : memref<1x128x32xf32, #tpu.memory_space<vmem>> -> memref<128x32xf32, #tpu.memory_space<vmem>>
      tpu.enqueue_dma source(%dma_start3A_1013 : memref<128x32xf32, #tpu.memory_space<vmem>>) target(%dma_start3A_1009 : memref<128x32xf32, #tpu.memory_space<hbm>>) target_semaphore(%run_scoped3A_1001 : memref<!tpu.dma_semaphore, #tpu.memory_space<semaphore_mem>>)
      %dma_wait3A_1014 = arith.constant 0 : i32
      %dma_wait3A_1015 = arith.constant 0 : i32
      %dma_wait3A_1016 = tpu.memref_slice %arg9[%run_scoped3A_896, %dma_wait3A_1014, %dma_wait3A_1015] : memref<2x128x32xf32, #tpu.memory_space<vmem>> -> memref<1x128x32xf32, #tpu.memory_space<vmem>>
      %dma_wait3A_1017 = tpu.memref_squeeze %dma_wait3A_1016 : memref<1x128x32xf32, #tpu.memory_space<vmem>> -> memref<128x32xf32, #tpu.memory_space<vmem>>
      %dma_wait3A_1018 = arith.constant 0 : i32
      %dma_wait3A_1019 = tpu.memref_slice %arg5[%add3A_895, %dma_wait3A_1018] : memref<131072x32xf32, #tpu.memory_space<hbm>> -> memref<128x32xf32, #tpu.memory_space<hbm>>
      %dma_wait3A_1020 = arith.constant 0 : i32
      %dma_wait3A_1021 = tpu.memref_slice %arg5[%add3A_895, %dma_wait3A_1020] : memref<131072x32xf32, #tpu.memory_space<hbm>> -> memref<128x32xf32, #tpu.memory_space<hbm>>
      %dma_wait3A_1022 = arith.constant 0 : i32
      %dma_wait3A_1023 = arith.constant 0 : i32
      %dma_wait3A_1024 = tpu.memref_slice %arg9[%run_scoped3A_896, %dma_wait3A_1022, %dma_wait3A_1023] : memref<2x128x32xf32, #tpu.memory_space<vmem>> -> memref<1x128x32xf32, #tpu.memory_space<vmem>>
      %dma_wait3A_1025 = tpu.memref_squeeze %dma_wait3A_1024 : memref<1x128x32xf32, #tpu.memory_space<vmem>> -> memref<128x32xf32, #tpu.memory_space<vmem>>
      tpu.wait_dma2 semaphore(%run_scoped3A_1001 : memref<!tpu.dma_semaphore, #tpu.memory_space<semaphore_mem>>) src(%dma_wait3A_1025 : memref<128x32xf32, #tpu.memory_space<vmem>>) dst(%dma_wait3A_1021 : memref<128x32xf32, #tpu.memory_space<hbm>>)
      tpu.yield
    }) : () -> ()
    %dma_start3A_897 = arith.constant 29 : i32
    %dma_start3A_898 = arith.constant 1 : i32
    %dma_start3A_899 = arith.constant 0 : i32
    %dma_start3A_900 = arith.constant 0 : i32
    %dma_start3A_901 = tpu.memref_slice %arg9[%dma_start3A_898, %dma_start3A_899, %dma_start3A_900] : memref<2x128x32xf32, #tpu.memory_space<vmem>> -> memref<1x128x32xf32, #tpu.memory_space<vmem>>
    %dma_start3A_902 = tpu.memref_squeeze %dma_start3A_901 : memref<1x128x32xf32, #tpu.memory_space<vmem>> -> memref<128x32xf32, #tpu.memory_space<vmem>>
    %dma_start3A_903 = arith.constant 0 : i32
    %dma_start3A_904 = tpu.memref_slice %arg8[%dma_start3A_897, %dma_start3A_903] : memref<32x128xi32, #tpu.memory_space<vmem>> -> memref<1x128xi32, #tpu.memory_space<vmem>>
    %dma_start3A_905 = tpu.memref_squeeze %dma_start3A_904 : memref<1x128xi32, #tpu.memory_space<vmem>> -> memref<128xi32, #tpu.memory_space<vmem>>
    %dma_start3A_906 = arith.constant 0 : i32
    %dma_start3A_907 = arith.constant 0 : i32
    %dma_start3A_908 = tpu.memref_slice %arg2[%dma_start3A_906, %dma_start3A_907] : memref<1600120x32xf32, #tpu.memory_space<hbm>> -> memref<1600120x32xf32, #tpu.memory_space<hbm>>
    tpu.enqueue_indirect_dma source(%dma_start3A_908 : memref<1600120x32xf32, #tpu.memory_space<hbm>>) target(%dma_start3A_902 : memref<128x32xf32, #tpu.memory_space<vmem>>) offsets(%dma_start3A_905 : memref<128xi32, #tpu.memory_space<vmem>>) semaphore(%arg11 : memref<!tpu.dma_semaphore, #tpu.memory_space<semaphore_mem>>)
    %dma_wait3A_909 = arith.constant 28 : i32
    %dma_wait3A_910 = arith.constant 0 : i32
    %dma_wait3A_911 = arith.constant 0 : i32
    %dma_wait3A_912 = arith.constant 0 : i32
    %dma_wait3A_913 = tpu.memref_slice %arg9[%dma_wait3A_910, %dma_wait3A_911, %dma_wait3A_912] : memref<2x128x32xf32, #tpu.memory_space<vmem>> -> memref<1x128x32xf32, #tpu.memory_space<vmem>>
    %dma_wait3A_914 = tpu.memref_squeeze %dma_wait3A_913 : memref<1x128x32xf32, #tpu.memory_space<vmem>> -> memref<128x32xf32, #tpu.memory_space<vmem>>
    %dma_wait3A_915 = arith.constant 0 : i32
    %dma_wait3A_916 = tpu.memref_slice %arg8[%dma_wait3A_909, %dma_wait3A_915] : memref<32x128xi32, #tpu.memory_space<vmem>> -> memref<1x128xi32, #tpu.memory_space<vmem>>
    %dma_wait3A_917 = tpu.memref_squeeze %dma_wait3A_916 : memref<1x128xi32, #tpu.memory_space<vmem>> -> memref<128xi32, #tpu.memory_space<vmem>>
    %dma_wait3A_918 = arith.constant 0 : i32
    %dma_wait3A_919 = arith.constant 0 : i32
    %dma_wait3A_920 = tpu.memref_slice %arg2[%dma_wait3A_918, %dma_wait3A_919] : memref<1600120x32xf32, #tpu.memory_space<hbm>> -> memref<1600120x32xf32, #tpu.memory_space<hbm>>
    tpu.wait_indirect_dma semaphore(%arg10 : memref<!tpu.dma_semaphore, #tpu.memory_space<semaphore_mem>>) src(%dma_wait3A_920 : memref<1600120x32xf32, #tpu.memory_space<hbm>>) dst(%dma_wait3A_914 : memref<128x32xf32, #tpu.memory_space<vmem>>)
    %mul3A_921 = arith.constant 16 : i32
    %mul3A_922 = arith.muli %mul3A_2, %mul3A_921 : i32
    %add3A_923 = arith.constant 3584 : i32
    %add3A_924 = arith.addi %mul3A_922, %add3A_923 : i32
    %run_scoped3A_925 = arith.constant 0 : i32
    "tpu.region"() ({
      %run_scoped3A_1001 = tpu.sem_alloc : memref<!tpu.dma_semaphore, #tpu.memory_space<semaphore_mem>>
      %dma_start3A_1002 = arith.constant 0 : i32
      %dma_start3A_1003 = arith.constant 0 : i32
      %dma_start3A_1004 = tpu.memref_slice %arg9[%run_scoped3A_925, %dma_start3A_1002, %dma_start3A_1003] : memref<2x128x32xf32, #tpu.memory_space<vmem>> -> memref<1x128x32xf32, #tpu.memory_space<vmem>>
      %dma_start3A_1005 = tpu.memref_squeeze %dma_start3A_1004 : memref<1x128x32xf32, #tpu.memory_space<vmem>> -> memref<128x32xf32, #tpu.memory_space<vmem>>
      %dma_start3A_1006 = arith.constant 0 : i32
      %dma_start3A_1007 = tpu.memref_slice %arg5[%add3A_924, %dma_start3A_1006] : memref<131072x32xf32, #tpu.memory_space<hbm>> -> memref<128x32xf32, #tpu.memory_space<hbm>>
      %dma_start3A_1008 = arith.constant 0 : i32
      %dma_start3A_1009 = tpu.memref_slice %arg5[%add3A_924, %dma_start3A_1008] : memref<131072x32xf32, #tpu.memory_space<hbm>> -> memref<128x32xf32, #tpu.memory_space<hbm>>
      %dma_start3A_1010 = arith.constant 0 : i32
      %dma_start3A_1011 = arith.constant 0 : i32
      %dma_start3A_1012 = tpu.memref_slice %arg9[%run_scoped3A_925, %dma_start3A_1010, %dma_start3A_1011] : memref<2x128x32xf32, #tpu.memory_space<vmem>> -> memref<1x128x32xf32, #tpu.memory_space<vmem>>
      %dma_start3A_1013 = tpu.memref_squeeze %dma_start3A_1012 : memref<1x128x32xf32, #tpu.memory_space<vmem>> -> memref<128x32xf32, #tpu.memory_space<vmem>>
      tpu.enqueue_dma source(%dma_start3A_1013 : memref<128x32xf32, #tpu.memory_space<vmem>>) target(%dma_start3A_1009 : memref<128x32xf32, #tpu.memory_space<hbm>>) target_semaphore(%run_scoped3A_1001 : memref<!tpu.dma_semaphore, #tpu.memory_space<semaphore_mem>>)
      %dma_wait3A_1014 = arith.constant 0 : i32
      %dma_wait3A_1015 = arith.constant 0 : i32
      %dma_wait3A_1016 = tpu.memref_slice %arg9[%run_scoped3A_925, %dma_wait3A_1014, %dma_wait3A_1015] : memref<2x128x32xf32, #tpu.memory_space<vmem>> -> memref<1x128x32xf32, #tpu.memory_space<vmem>>
      %dma_wait3A_1017 = tpu.memref_squeeze %dma_wait3A_1016 : memref<1x128x32xf32, #tpu.memory_space<vmem>> -> memref<128x32xf32, #tpu.memory_space<vmem>>
      %dma_wait3A_1018 = arith.constant 0 : i32
      %dma_wait3A_1019 = tpu.memref_slice %arg5[%add3A_924, %dma_wait3A_1018] : memref<131072x32xf32, #tpu.memory_space<hbm>> -> memref<128x32xf32, #tpu.memory_space<hbm>>
      %dma_wait3A_1020 = arith.constant 0 : i32
      %dma_wait3A_1021 = tpu.memref_slice %arg5[%add3A_924, %dma_wait3A_1020] : memref<131072x32xf32, #tpu.memory_space<hbm>> -> memref<128x32xf32, #tpu.memory_space<hbm>>
      %dma_wait3A_1022 = arith.constant 0 : i32
      %dma_wait3A_1023 = arith.constant 0 : i32
      %dma_wait3A_1024 = tpu.memref_slice %arg9[%run_scoped3A_925, %dma_wait3A_1022, %dma_wait3A_1023] : memref<2x128x32xf32, #tpu.memory_space<vmem>> -> memref<1x128x32xf32, #tpu.memory_space<vmem>>
      %dma_wait3A_1025 = tpu.memref_squeeze %dma_wait3A_1024 : memref<1x128x32xf32, #tpu.memory_space<vmem>> -> memref<128x32xf32, #tpu.memory_space<vmem>>
      tpu.wait_dma2 semaphore(%run_scoped3A_1001 : memref<!tpu.dma_semaphore, #tpu.memory_space<semaphore_mem>>) src(%dma_wait3A_1025 : memref<128x32xf32, #tpu.memory_space<vmem>>) dst(%dma_wait3A_1021 : memref<128x32xf32, #tpu.memory_space<hbm>>)
      tpu.yield
    }) : () -> ()
    %dma_start3A_926 = arith.constant 30 : i32
    %dma_start3A_927 = arith.constant 0 : i32
    %dma_start3A_928 = arith.constant 0 : i32
    %dma_start3A_929 = arith.constant 0 : i32
    %dma_start3A_930 = tpu.memref_slice %arg9[%dma_start3A_927, %dma_start3A_928, %dma_start3A_929] : memref<2x128x32xf32, #tpu.memory_space<vmem>> -> memref<1x128x32xf32, #tpu.memory_space<vmem>>
    %dma_start3A_931 = tpu.memref_squeeze %dma_start3A_930 : memref<1x128x32xf32, #tpu.memory_space<vmem>> -> memref<128x32xf32, #tpu.memory_space<vmem>>
    %dma_start3A_932 = arith.constant 0 : i32
    %dma_start3A_933 = tpu.memref_slice %arg8[%dma_start3A_926, %dma_start3A_932] : memref<32x128xi32, #tpu.memory_space<vmem>> -> memref<1x128xi32, #tpu.memory_space<vmem>>
    %dma_start3A_934 = tpu.memref_squeeze %dma_start3A_933 : memref<1x128xi32, #tpu.memory_space<vmem>> -> memref<128xi32, #tpu.memory_space<vmem>>
    %dma_start3A_935 = arith.constant 0 : i32
    %dma_start3A_936 = arith.constant 0 : i32
    %dma_start3A_937 = tpu.memref_slice %arg2[%dma_start3A_935, %dma_start3A_936] : memref<1600120x32xf32, #tpu.memory_space<hbm>> -> memref<1600120x32xf32, #tpu.memory_space<hbm>>
    tpu.enqueue_indirect_dma source(%dma_start3A_937 : memref<1600120x32xf32, #tpu.memory_space<hbm>>) target(%dma_start3A_931 : memref<128x32xf32, #tpu.memory_space<vmem>>) offsets(%dma_start3A_934 : memref<128xi32, #tpu.memory_space<vmem>>) semaphore(%arg10 : memref<!tpu.dma_semaphore, #tpu.memory_space<semaphore_mem>>)
    %dma_wait3A_938 = arith.constant 29 : i32
    %dma_wait3A_939 = arith.constant 1 : i32
    %dma_wait3A_940 = arith.constant 0 : i32
    %dma_wait3A_941 = arith.constant 0 : i32
    %dma_wait3A_942 = tpu.memref_slice %arg9[%dma_wait3A_939, %dma_wait3A_940, %dma_wait3A_941] : memref<2x128x32xf32, #tpu.memory_space<vmem>> -> memref<1x128x32xf32, #tpu.memory_space<vmem>>
    %dma_wait3A_943 = tpu.memref_squeeze %dma_wait3A_942 : memref<1x128x32xf32, #tpu.memory_space<vmem>> -> memref<128x32xf32, #tpu.memory_space<vmem>>
    %dma_wait3A_944 = arith.constant 0 : i32
    %dma_wait3A_945 = tpu.memref_slice %arg8[%dma_wait3A_938, %dma_wait3A_944] : memref<32x128xi32, #tpu.memory_space<vmem>> -> memref<1x128xi32, #tpu.memory_space<vmem>>
    %dma_wait3A_946 = tpu.memref_squeeze %dma_wait3A_945 : memref<1x128xi32, #tpu.memory_space<vmem>> -> memref<128xi32, #tpu.memory_space<vmem>>
    %dma_wait3A_947 = arith.constant 0 : i32
    %dma_wait3A_948 = arith.constant 0 : i32
    %dma_wait3A_949 = tpu.memref_slice %arg2[%dma_wait3A_947, %dma_wait3A_948] : memref<1600120x32xf32, #tpu.memory_space<hbm>> -> memref<1600120x32xf32, #tpu.memory_space<hbm>>
    tpu.wait_indirect_dma semaphore(%arg11 : memref<!tpu.dma_semaphore, #tpu.memory_space<semaphore_mem>>) src(%dma_wait3A_949 : memref<1600120x32xf32, #tpu.memory_space<hbm>>) dst(%dma_wait3A_943 : memref<128x32xf32, #tpu.memory_space<vmem>>)
    %mul3A_950 = arith.constant 16 : i32
    %mul3A_951 = arith.muli %mul3A_2, %mul3A_950 : i32
    %add3A_952 = arith.constant 3712 : i32
    %add3A_953 = arith.addi %mul3A_951, %add3A_952 : i32
    %run_scoped3A_954 = arith.constant 1 : i32
    "tpu.region"() ({
      %run_scoped3A_1001 = tpu.sem_alloc : memref<!tpu.dma_semaphore, #tpu.memory_space<semaphore_mem>>
      %dma_start3A_1002 = arith.constant 0 : i32
      %dma_start3A_1003 = arith.constant 0 : i32
      %dma_start3A_1004 = tpu.memref_slice %arg9[%run_scoped3A_954, %dma_start3A_1002, %dma_start3A_1003] : memref<2x128x32xf32, #tpu.memory_space<vmem>> -> memref<1x128x32xf32, #tpu.memory_space<vmem>>
      %dma_start3A_1005 = tpu.memref_squeeze %dma_start3A_1004 : memref<1x128x32xf32, #tpu.memory_space<vmem>> -> memref<128x32xf32, #tpu.memory_space<vmem>>
      %dma_start3A_1006 = arith.constant 0 : i32
      %dma_start3A_1007 = tpu.memref_slice %arg5[%add3A_953, %dma_start3A_1006] : memref<131072x32xf32, #tpu.memory_space<hbm>> -> memref<128x32xf32, #tpu.memory_space<hbm>>
      %dma_start3A_1008 = arith.constant 0 : i32
      %dma_start3A_1009 = tpu.memref_slice %arg5[%add3A_953, %dma_start3A_1008] : memref<131072x32xf32, #tpu.memory_space<hbm>> -> memref<128x32xf32, #tpu.memory_space<hbm>>
      %dma_start3A_1010 = arith.constant 0 : i32
      %dma_start3A_1011 = arith.constant 0 : i32
      %dma_start3A_1012 = tpu.memref_slice %arg9[%run_scoped3A_954, %dma_start3A_1010, %dma_start3A_1011] : memref<2x128x32xf32, #tpu.memory_space<vmem>> -> memref<1x128x32xf32, #tpu.memory_space<vmem>>
      %dma_start3A_1013 = tpu.memref_squeeze %dma_start3A_1012 : memref<1x128x32xf32, #tpu.memory_space<vmem>> -> memref<128x32xf32, #tpu.memory_space<vmem>>
      tpu.enqueue_dma source(%dma_start3A_1013 : memref<128x32xf32, #tpu.memory_space<vmem>>) target(%dma_start3A_1009 : memref<128x32xf32, #tpu.memory_space<hbm>>) target_semaphore(%run_scoped3A_1001 : memref<!tpu.dma_semaphore, #tpu.memory_space<semaphore_mem>>)
      %dma_wait3A_1014 = arith.constant 0 : i32
      %dma_wait3A_1015 = arith.constant 0 : i32
      %dma_wait3A_1016 = tpu.memref_slice %arg9[%run_scoped3A_954, %dma_wait3A_1014, %dma_wait3A_1015] : memref<2x128x32xf32, #tpu.memory_space<vmem>> -> memref<1x128x32xf32, #tpu.memory_space<vmem>>
      %dma_wait3A_1017 = tpu.memref_squeeze %dma_wait3A_1016 : memref<1x128x32xf32, #tpu.memory_space<vmem>> -> memref<128x32xf32, #tpu.memory_space<vmem>>
      %dma_wait3A_1018 = arith.constant 0 : i32
      %dma_wait3A_1019 = tpu.memref_slice %arg5[%add3A_953, %dma_wait3A_1018] : memref<131072x32xf32, #tpu.memory_space<hbm>> -> memref<128x32xf32, #tpu.memory_space<hbm>>
      %dma_wait3A_1020 = arith.constant 0 : i32
      %dma_wait3A_1021 = tpu.memref_slice %arg5[%add3A_953, %dma_wait3A_1020] : memref<131072x32xf32, #tpu.memory_space<hbm>> -> memref<128x32xf32, #tpu.memory_space<hbm>>
      %dma_wait3A_1022 = arith.constant 0 : i32
      %dma_wait3A_1023 = arith.constant 0 : i32
      %dma_wait3A_1024 = tpu.memref_slice %arg9[%run_scoped3A_954, %dma_wait3A_1022, %dma_wait3A_1023] : memref<2x128x32xf32, #tpu.memory_space<vmem>> -> memref<1x128x32xf32, #tpu.memory_space<vmem>>
      %dma_wait3A_1025 = tpu.memref_squeeze %dma_wait3A_1024 : memref<1x128x32xf32, #tpu.memory_space<vmem>> -> memref<128x32xf32, #tpu.memory_space<vmem>>
      tpu.wait_dma2 semaphore(%run_scoped3A_1001 : memref<!tpu.dma_semaphore, #tpu.memory_space<semaphore_mem>>) src(%dma_wait3A_1025 : memref<128x32xf32, #tpu.memory_space<vmem>>) dst(%dma_wait3A_1021 : memref<128x32xf32, #tpu.memory_space<hbm>>)
      tpu.yield
    }) : () -> ()
    %dma_start3A_955 = arith.constant 31 : i32
    %dma_start3A_956 = arith.constant 1 : i32
    %dma_start3A_957 = arith.constant 0 : i32
    %dma_start3A_958 = arith.constant 0 : i32
    %dma_start3A_959 = tpu.memref_slice %arg9[%dma_start3A_956, %dma_start3A_957, %dma_start3A_958] : memref<2x128x32xf32, #tpu.memory_space<vmem>> -> memref<1x128x32xf32, #tpu.memory_space<vmem>>
    %dma_start3A_960 = tpu.memref_squeeze %dma_start3A_959 : memref<1x128x32xf32, #tpu.memory_space<vmem>> -> memref<128x32xf32, #tpu.memory_space<vmem>>
    %dma_start3A_961 = arith.constant 0 : i32
    %dma_start3A_962 = tpu.memref_slice %arg8[%dma_start3A_955, %dma_start3A_961] : memref<32x128xi32, #tpu.memory_space<vmem>> -> memref<1x128xi32, #tpu.memory_space<vmem>>
    %dma_start3A_963 = tpu.memref_squeeze %dma_start3A_962 : memref<1x128xi32, #tpu.memory_space<vmem>> -> memref<128xi32, #tpu.memory_space<vmem>>
    %dma_start3A_964 = arith.constant 0 : i32
    %dma_start3A_965 = arith.constant 0 : i32
    %dma_start3A_966 = tpu.memref_slice %arg2[%dma_start3A_964, %dma_start3A_965] : memref<1600120x32xf32, #tpu.memory_space<hbm>> -> memref<1600120x32xf32, #tpu.memory_space<hbm>>
    tpu.enqueue_indirect_dma source(%dma_start3A_966 : memref<1600120x32xf32, #tpu.memory_space<hbm>>) target(%dma_start3A_960 : memref<128x32xf32, #tpu.memory_space<vmem>>) offsets(%dma_start3A_963 : memref<128xi32, #tpu.memory_space<vmem>>) semaphore(%arg11 : memref<!tpu.dma_semaphore, #tpu.memory_space<semaphore_mem>>)
    %dma_wait3A_967 = arith.constant 30 : i32
    %dma_wait3A_968 = arith.constant 0 : i32
    %dma_wait3A_969 = arith.constant 0 : i32
    %dma_wait3A_970 = arith.constant 0 : i32
    %dma_wait3A_971 = tpu.memref_slice %arg9[%dma_wait3A_968, %dma_wait3A_969, %dma_wait3A_970] : memref<2x128x32xf32, #tpu.memory_space<vmem>> -> memref<1x128x32xf32, #tpu.memory_space<vmem>>
    %dma_wait3A_972 = tpu.memref_squeeze %dma_wait3A_971 : memref<1x128x32xf32, #tpu.memory_space<vmem>> -> memref<128x32xf32, #tpu.memory_space<vmem>>
    %dma_wait3A_973 = arith.constant 0 : i32
    %dma_wait3A_974 = tpu.memref_slice %arg8[%dma_wait3A_967, %dma_wait3A_973] : memref<32x128xi32, #tpu.memory_space<vmem>> -> memref<1x128xi32, #tpu.memory_space<vmem>>
    %dma_wait3A_975 = tpu.memref_squeeze %dma_wait3A_974 : memref<1x128xi32, #tpu.memory_space<vmem>> -> memref<128xi32, #tpu.memory_space<vmem>>
    %dma_wait3A_976 = arith.constant 0 : i32
    %dma_wait3A_977 = arith.constant 0 : i32
    %dma_wait3A_978 = tpu.memref_slice %arg2[%dma_wait3A_976, %dma_wait3A_977] : memref<1600120x32xf32, #tpu.memory_space<hbm>> -> memref<1600120x32xf32, #tpu.memory_space<hbm>>
    tpu.wait_indirect_dma semaphore(%arg10 : memref<!tpu.dma_semaphore, #tpu.memory_space<semaphore_mem>>) src(%dma_wait3A_978 : memref<1600120x32xf32, #tpu.memory_space<hbm>>) dst(%dma_wait3A_972 : memref<128x32xf32, #tpu.memory_space<vmem>>)
    %mul3A_979 = arith.constant 16 : i32
    %mul3A_980 = arith.muli %mul3A_2, %mul3A_979 : i32
    %add3A_981 = arith.constant 3840 : i32
    %add3A_982 = arith.addi %mul3A_980, %add3A_981 : i32
    %run_scoped3A_983 = arith.constant 0 : i32
    "tpu.region"() ({
      %run_scoped3A_1001 = tpu.sem_alloc : memref<!tpu.dma_semaphore, #tpu.memory_space<semaphore_mem>>
      %dma_start3A_1002 = arith.constant 0 : i32
      %dma_start3A_1003 = arith.constant 0 : i32
      %dma_start3A_1004 = tpu.memref_slice %arg9[%run_scoped3A_983, %dma_start3A_1002, %dma_start3A_1003] : memref<2x128x32xf32, #tpu.memory_space<vmem>> -> memref<1x128x32xf32, #tpu.memory_space<vmem>>
      %dma_start3A_1005 = tpu.memref_squeeze %dma_start3A_1004 : memref<1x128x32xf32, #tpu.memory_space<vmem>> -> memref<128x32xf32, #tpu.memory_space<vmem>>
      %dma_start3A_1006 = arith.constant 0 : i32
      %dma_start3A_1007 = tpu.memref_slice %arg5[%add3A_982, %dma_start3A_1006] : memref<131072x32xf32, #tpu.memory_space<hbm>> -> memref<128x32xf32, #tpu.memory_space<hbm>>
      %dma_start3A_1008 = arith.constant 0 : i32
      %dma_start3A_1009 = tpu.memref_slice %arg5[%add3A_982, %dma_start3A_1008] : memref<131072x32xf32, #tpu.memory_space<hbm>> -> memref<128x32xf32, #tpu.memory_space<hbm>>
      %dma_start3A_1010 = arith.constant 0 : i32
      %dma_start3A_1011 = arith.constant 0 : i32
      %dma_start3A_1012 = tpu.memref_slice %arg9[%run_scoped3A_983, %dma_start3A_1010, %dma_start3A_1011] : memref<2x128x32xf32, #tpu.memory_space<vmem>> -> memref<1x128x32xf32, #tpu.memory_space<vmem>>
      %dma_start3A_1013 = tpu.memref_squeeze %dma_start3A_1012 : memref<1x128x32xf32, #tpu.memory_space<vmem>> -> memref<128x32xf32, #tpu.memory_space<vmem>>
      tpu.enqueue_dma source(%dma_start3A_1013 : memref<128x32xf32, #tpu.memory_space<vmem>>) target(%dma_start3A_1009 : memref<128x32xf32, #tpu.memory_space<hbm>>) target_semaphore(%run_scoped3A_1001 : memref<!tpu.dma_semaphore, #tpu.memory_space<semaphore_mem>>)
      %dma_wait3A_1014 = arith.constant 0 : i32
      %dma_wait3A_1015 = arith.constant 0 : i32
      %dma_wait3A_1016 = tpu.memref_slice %arg9[%run_scoped3A_983, %dma_wait3A_1014, %dma_wait3A_1015] : memref<2x128x32xf32, #tpu.memory_space<vmem>> -> memref<1x128x32xf32, #tpu.memory_space<vmem>>
      %dma_wait3A_1017 = tpu.memref_squeeze %dma_wait3A_1016 : memref<1x128x32xf32, #tpu.memory_space<vmem>> -> memref<128x32xf32, #tpu.memory_space<vmem>>
      %dma_wait3A_1018 = arith.constant 0 : i32
      %dma_wait3A_1019 = tpu.memref_slice %arg5[%add3A_982, %dma_wait3A_1018] : memref<131072x32xf32, #tpu.memory_space<hbm>> -> memref<128x32xf32, #tpu.memory_space<hbm>>
      %dma_wait3A_1020 = arith.constant 0 : i32
      %dma_wait3A_1021 = tpu.memref_slice %arg5[%add3A_982, %dma_wait3A_1020] : memref<131072x32xf32, #tpu.memory_space<hbm>> -> memref<128x32xf32, #tpu.memory_space<hbm>>
      %dma_wait3A_1022 = arith.constant 0 : i32
      %dma_wait3A_1023 = arith.constant 0 : i32
      %dma_wait3A_1024 = tpu.memref_slice %arg9[%run_scoped3A_983, %dma_wait3A_1022, %dma_wait3A_1023] : memref<2x128x32xf32, #tpu.memory_space<vmem>> -> memref<1x128x32xf32, #tpu.memory_space<vmem>>
      %dma_wait3A_1025 = tpu.memref_squeeze %dma_wait3A_1024 : memref<1x128x32xf32, #tpu.memory_space<vmem>> -> memref<128x32xf32, #tpu.memory_space<vmem>>
      tpu.wait_dma2 semaphore(%run_scoped3A_1001 : memref<!tpu.dma_semaphore, #tpu.memory_space<semaphore_mem>>) src(%dma_wait3A_1025 : memref<128x32xf32, #tpu.memory_space<vmem>>) dst(%dma_wait3A_1021 : memref<128x32xf32, #tpu.memory_space<hbm>>)
      tpu.yield
    }) : () -> ()
    %dma_wait3A_984 = arith.constant 31 : i32
    %dma_wait3A_985 = arith.constant 1 : i32
    %dma_wait3A_986 = arith.constant 0 : i32
    %dma_wait3A_987 = arith.constant 0 : i32
    %dma_wait3A_988 = tpu.memref_slice %arg9[%dma_wait3A_985, %dma_wait3A_986, %dma_wait3A_987] : memref<2x128x32xf32, #tpu.memory_space<vmem>> -> memref<1x128x32xf32, #tpu.memory_space<vmem>>
    %dma_wait3A_989 = tpu.memref_squeeze %dma_wait3A_988 : memref<1x128x32xf32, #tpu.memory_space<vmem>> -> memref<128x32xf32, #tpu.memory_space<vmem>>
    %dma_wait3A_990 = arith.constant 0 : i32
    %dma_wait3A_991 = tpu.memref_slice %arg8[%dma_wait3A_984, %dma_wait3A_990] : memref<32x128xi32, #tpu.memory_space<vmem>> -> memref<1x128xi32, #tpu.memory_space<vmem>>
    %dma_wait3A_992 = tpu.memref_squeeze %dma_wait3A_991 : memref<1x128xi32, #tpu.memory_space<vmem>> -> memref<128xi32, #tpu.memory_space<vmem>>
    %dma_wait3A_993 = arith.constant 0 : i32
    %dma_wait3A_994 = arith.constant 0 : i32
    %dma_wait3A_995 = tpu.memref_slice %arg2[%dma_wait3A_993, %dma_wait3A_994] : memref<1600120x32xf32, #tpu.memory_space<hbm>> -> memref<1600120x32xf32, #tpu.memory_space<hbm>>
    tpu.wait_indirect_dma semaphore(%arg11 : memref<!tpu.dma_semaphore, #tpu.memory_space<semaphore_mem>>) src(%dma_wait3A_995 : memref<1600120x32xf32, #tpu.memory_space<hbm>>) dst(%dma_wait3A_989 : memref<128x32xf32, #tpu.memory_space<vmem>>)
    %mul3A_996 = arith.constant 16 : i32
    %mul3A_997 = arith.muli %mul3A_2, %mul3A_996 : i32
    %add3A_998 = arith.constant 3968 : i32
    %add3A_999 = arith.addi %mul3A_997, %add3A_998 : i32
    %run_scoped3A_1000 = arith.constant 1 : i32
    "tpu.region"() ({
      %run_scoped3A_1001 = tpu.sem_alloc : memref<!tpu.dma_semaphore, #tpu.memory_space<semaphore_mem>>
      %dma_start3A_1002 = arith.constant 0 : i32
      %dma_start3A_1003 = arith.constant 0 : i32
      %dma_start3A_1004 = tpu.memref_slice %arg9[%run_scoped3A_1000, %dma_start3A_1002, %dma_start3A_1003] : memref<2x128x32xf32, #tpu.memory_space<vmem>> -> memref<1x128x32xf32, #tpu.memory_space<vmem>>
      %dma_start3A_1005 = tpu.memref_squeeze %dma_start3A_1004 : memref<1x128x32xf32, #tpu.memory_space<vmem>> -> memref<128x32xf32, #tpu.memory_space<vmem>>
      %dma_start3A_1006 = arith.constant 0 : i32
      %dma_start3A_1007 = tpu.memref_slice %arg5[%add3A_999, %dma_start3A_1006] : memref<131072x32xf32, #tpu.memory_space<hbm>> -> memref<128x32xf32, #tpu.memory_space<hbm>>
      %dma_start3A_1008 = arith.constant 0 : i32
      %dma_start3A_1009 = tpu.memref_slice %arg5[%add3A_999, %dma_start3A_1008] : memref<131072x32xf32, #tpu.memory_space<hbm>> -> memref<128x32xf32, #tpu.memory_space<hbm>>
      %dma_start3A_1010 = arith.constant 0 : i32
      %dma_start3A_1011 = arith.constant 0 : i32
      %dma_start3A_1012 = tpu.memref_slice %arg9[%run_scoped3A_1000, %dma_start3A_1010, %dma_start3A_1011] : memref<2x128x32xf32, #tpu.memory_space<vmem>> -> memref<1x128x32xf32, #tpu.memory_space<vmem>>
      %dma_start3A_1013 = tpu.memref_squeeze %dma_start3A_1012 : memref<1x128x32xf32, #tpu.memory_space<vmem>> -> memref<128x32xf32, #tpu.memory_space<vmem>>
      tpu.enqueue_dma source(%dma_start3A_1013 : memref<128x32xf32, #tpu.memory_space<vmem>>) target(%dma_start3A_1009 : memref<128x32xf32, #tpu.memory_space<hbm>>) target_semaphore(%run_scoped3A_1001 : memref<!tpu.dma_semaphore, #tpu.memory_space<semaphore_mem>>)
      %dma_wait3A_1014 = arith.constant 0 : i32
      %dma_wait3A_1015 = arith.constant 0 : i32
      %dma_wait3A_1016 = tpu.memref_slice %arg9[%run_scoped3A_1000, %dma_wait3A_1014, %dma_wait3A_1015] : memref<2x128x32xf32, #tpu.memory_space<vmem>> -> memref<1x128x32xf32, #tpu.memory_space<vmem>>
      %dma_wait3A_1017 = tpu.memref_squeeze %dma_wait3A_1016 : memref<1x128x32xf32, #tpu.memory_space<vmem>> -> memref<128x32xf32, #tpu.memory_space<vmem>>
      %dma_wait3A_1018 = arith.constant 0 : i32
      %dma_wait3A_1019 = tpu.memref_slice %arg5[%add3A_999, %dma_wait3A_1018] : memref<131072x32xf32, #tpu.memory_space<hbm>> -> memref<128x32xf32, #tpu.memory_space<hbm>>
      %dma_wait3A_1020 = arith.constant 0 : i32
      %dma_wait3A_1021 = tpu.memref_slice %arg5[%add3A_999, %dma_wait3A_1020] : memref<131072x32xf32, #tpu.memory_space<hbm>> -> memref<128x32xf32, #tpu.memory_space<hbm>>
      %dma_wait3A_1022 = arith.constant 0 : i32
      %dma_wait3A_1023 = arith.constant 0 : i32
      %dma_wait3A_1024 = tpu.memref_slice %arg9[%run_scoped3A_1000, %dma_wait3A_1022, %dma_wait3A_1023] : memref<2x128x32xf32, #tpu.memory_space<vmem>> -> memref<1x128x32xf32, #tpu.memory_space<vmem>>
      %dma_wait3A_1025 = tpu.memref_squeeze %dma_wait3A_1024 : memref<1x128x32xf32, #tpu.memory_space<vmem>> -> memref<128x32xf32, #tpu.memory_space<vmem>>
      tpu.wait_dma2 semaphore(%run_scoped3A_1001 : memref<!tpu.dma_semaphore, #tpu.memory_space<semaphore_mem>>) src(%dma_wait3A_1025 : memref<128x32xf32, #tpu.memory_space<vmem>>) dst(%dma_wait3A_1021 : memref<128x32xf32, #tpu.memory_space<hbm>>)
      tpu.yield
    }) : () -> ()
    return
  }
}

module attributes {stable_mosaic.version = 14 : i64} {
  func.func @_mm_body(%arg0: i32, %arg1: memref<1024x512xf32, #tpu.memory_space<vmem>>, %arg2: memref<1024x512xf32, #tpu.memory_space<vmem>>, %arg3: memref<1024x1024xf32, #tpu.memory_space<vmem>>) attributes {dimension_semantics = [#tpu.dimension_semantics<arbitrary>], iteration_bounds = array<i64: 8>, scalar_prefetch = 0 : i64, scratch_operands = 0 : i64, tpu.core_type = #tpu.core_type<tc>, window_params = [{transform_indices = @transform_0, window_bounds = array<i64: 1024, 512>}, {pipeline_mode = #tpu.pipeline_mode<synchronous>, transform_indices = @transform_1, window_bounds = array<i64: 1024, 512>}, {transform_indices = @transform_2, window_bounds = array<i64: 1024, 1024>}]} {
    %get3A = arith.constant 0 : index
    %get3A_0 = arith.constant 0 : index
    %get3A_1 = vector.load %arg1[%get3A, %get3A_0] : memref<1024x512xf32, #tpu.memory_space<vmem>>, vector<1024x512xf32>
    %get3A_2 = arith.constant 0 : index
    %get3A_3 = arith.constant 0 : index
    %get3A_4 = vector.load %arg2[%get3A_2, %get3A_3] : memref<1024x512xf32, #tpu.memory_space<vmem>>, vector<1024x512xf32>
    %dot_general3A = arith.constant dense<0.000000e+00> : vector<1024x1024xf32>
    %dot_general3A_5 = tpu.matmul %get3A_1, %get3A_4, %dot_general3A {dimension_numbers = #tpu.dot_dimension_numbers<[1], [1], [0], [0], [0, 0, 1, 0], [], []>, transpose_lhs_hint = false} : vector<1024x512xf32>, vector<1024x512xf32>, vector<1024x1024xf32> -> vector<1024x1024xf32>
    %swap3A = arith.constant 0 : index
    %swap3A_6 = arith.constant 0 : index
    %swap3A_7 = vector.load %arg3[%swap3A, %swap3A_6] : memref<1024x1024xf32, #tpu.memory_space<vmem>>, vector<1024x1024xf32>
    tpu.vector_store %arg3[%swap3A, %swap3A_6], %dot_general3A_5 {strides = array<i32>} : memref<1024x1024xf32, #tpu.memory_space<vmem>>, vector<1024x1024xf32>,
    return
  }
  func.func @transform_0(%arg0: i32) -> (i32, i32) {
    %c0_i32 = arith.constant 0 : i32
    %c0_i32_0 = arith.constant 0 : i32
    return %arg0, %c0_i32 : i32, i32
  }
  func.func @transform_1(%arg0: i32) -> (i32, i32) {
    %c0_i32 = arith.constant 0 : i32
    %c0_i32_0 = arith.constant 0 : i32
    %c0_i32_1 = arith.constant 0 : i32
    return %c0_i32, %c0_i32_0 : i32, i32
  }
  func.func @transform_2(%arg0: i32) -> (i32, i32) {
    %c0_i32 = arith.constant 0 : i32
    %c0_i32_0 = arith.constant 0 : i32
    return %arg0, %c0_i32 : i32, i32
  }
}

</mosaic_0001>

<sc_bundles>
// kernel: kernel.4.cloned.1.call-start
scs
__scs_entry_jumppad:
0x0: {  	(pc) =	sbr.rel $0x88, $3  }
0x1: {  	(tag) =	ssettag $0x0;
	lr =	simm.s32 $0x1  }
0x2: {  	[smem:$0x3F9C] =	sst lr;
	_ =	strace $0xD0000000  }
0x3: {  	_ = 	snop  }
0x4: {  	_ = 	snop  }
0x5: {  	_ = 	snop  }
0x6: {  	_ = 	snop  }
0x7: {  	_ = 	snop  }
__scs_overlays_trampoline_lowered:
0x8: {  	[smem:$0x3FAB] =	sst s0  }
0x9: {  	[smem:$0x3FAC] =	sst s1  }
0xa: {  	[smem:$0x3FAD] =	sst s2  }
0xb: {  	[smem:$0x3FAE] =	sst s3  }
0xc: {  	[smem:$0x3FAF] =	sst s4  }
0xd: {  	[smem:$0x3FB0] =	sst s5  }
0xe: {  	[smem:$0x3FB1] =	sst s6  }
0xf: {  	[smem:$0x3FB2] =	sst s7  }
0x10: {  	[smem:$0x3FB3] =	sst s8  }
0x11: {  	[smem:$0x3FB4] =	sst s9;
	s0 =	simm.s32 @!p0 $0x0  }
0x12: {  	s1 =	sld [smem:$0x3F9A];
	s0 =	simm.s32 @p0 $0x1  }
0x13: {  	[smem:$0x3FB5] =	sst s0;
	s0 =	simm.s32 @!p1 $0x0  }
0x14: {  	s2 =	sld [smem:$0x3F99];
	s0 =	simm.s32 @p1 $0x1  }
0x15: {  	[smem:$0x3FB6] =	sst s0;
	s0 =	simm.s32 @!p2 $0x0  }
0x16: {  	s3 =	sld [smem:$0x3FDB];
	s0 =	simm.s32 @p2 $0x1  }
0x17: {  	s4 =	simm.s32 $0x1BF5;
	[smem:$0x3FB8] =	sst s0  }
0x18: {  	s0 =	sld [smem:$0x3F9B];
	_ =	swait.ge [sflag:s4], $0x0  }
0x19: {  	s7 =	sld [smem:$0x3F9C]  }
0x1a: {  	s8 =	sadd.s32 $0xFFFFE003, lr  }
0x1b: {  	s9 =	sadd.s32 $0xFFFFFEF7, lr;
	s5 =	simm.s32 $0xFFFFFFFF;
	p2 =	slt.u32 s8, $0xFFFFF086  }
0x1c: {  	p1 =	slt.u32 s9, $0xF7A;
	s5 =	simm.s32 @!p2 $0x0  }
0x1d: {  	s5 =	simm.s32 @p1 $0x1;
	p0 =	seq.s32 s7, s2  }
0x1e: {  	s7 =	smul.u32 @!p0 $0xF7A, s2;
	p2 =	seq.s32 @!p0 s5, $0x0  }
0x1f: {  	s9 =	smul.u32 $0xF7A, s1;
	s8 =	simm.s32 @!p0 $0x1BF5;
	p2 =	por !p2, p0  }
0x20: {  	[sflag:s8] =	ssyncset.s32 @!p0 $0xFFFFF086;
	s6 =	sadd.s32 @!p0 s3, s7;
	s7 =	simm.s32 @!p0 $0x108  }
0x21: {  	s3 =	sadd.s32 s3, s9;
	s6 =	sadd.s32 @!p0 $0x88, s6;
	s7 =	simm.s32 @p2 $0x1082  }
0x22: {  	[simem:s7], [sflag:s8] =	dma.local @!p0 [hbm:s6], $0xF7A  }
0x23: {  	s9 =	sor.u32 $0xD0000000, s2;
	s6 =	simm.s32 $0x108;
	_ =	swait.ge @!p0 [sflag:s8], $0x0  }
0x24: {  	s3 =	sadd.s32 $0x88, s3;
	s6 =	simm.s32 @!p1 $0x1082;
	[sflag:s4] =	ssyncset.s32 $0xFFFFF086  }
0x25: {  	[simem:s6], [sflag:s4] =	dma.local [hbm:s3], $0xF7A  }
0x26: {  	[smem:$0x3F9C] =	sst s1;
	(tag) =	ssettag s2;
	_ =	strace s9  }
0x27: {  	s1 =	sld [smem:$0x3FAC]  }
0x28: {  	s2 =	sld [smem:$0x3FAD]  }
0x29: {  	s4 =	sld [smem:$0x3FAF]  }
0x2a: {  	p0 =	seq.s32 s5, $0x0;
	s5 =	sld [smem:$0x3FB0]  }
0x2b: {  	s6 =	sld [smem:$0x3FB1]  }
0x2c: {  	s7 =	sld [smem:$0x3FB2]  }
0x2d: {  	s3 =	simm.s32 $0x108;
	s8 =	sld [smem:$0x3FB3]  }
0x2e: {  	s3 =	simm.s32 @!p0 $0x1082;
	s9 =	sld [smem:$0x3FB4]  }
0x2f: {  	lr =	sadd.s32 s0, s3;
	s0 =	sld [smem:$0x3FAB]  }
0x30: {  	s3 =	sld [smem:$0x3FAE]  }
0x31: {  	[smem:$0x3FB7] =	sst s10  }
0x32: {  	s10 =	sld [smem:$0x3FB5];
	_ =	sdelay $0x3  }
0x33: {  	p0 =	seq.s32 s10, $0x1;
	s10 =	sld [smem:$0x3FB7];
	_ =	sdelay $0x3  }
0x34: {  	[smem:$0x3FB7] =	sst s10  }
0x35: {  	s10 =	sld [smem:$0x3FB6];
	_ =	sdelay $0x3  }
0x36: {  	p1 =	seq.s32 s10, $0x1;
	s10 =	sld [smem:$0x3FB7];
	_ =	sdelay $0x3  }
0x37: {  	[smem:$0x3FB7] =	sst s10  }
0x38: {  	s10 =	sld [smem:$0x3FB8]  }
0x39: {  	_ = 	snop;
	(pc) =	sbr.ind lr, $3  }
0x3a: {  	_ = 	snop  }
0x3b: {  	_ = 	snop  }
0x3c: {  	p2 =	seq.s32 s10, $0x1;
	s10 =	sld [smem:$0x3FB7]  }
0x3d: {  	_ =	shalt  }
0x3e: {  	_ =	shalt  }
0x3f: {  	_ =	shalt  }
0x40: {  	_ =	shalt  }
0x41: {  	_ =	shalt  }
0x42: {  	_ =	shalt  }
0x43: {  	_ =	shalt  }
0x44: {  	_ =	shalt  }
0x45: {  	_ =	shalt  }
0x46: {  	_ =	shalt  }
0x47: {  	_ =	shalt  }
0x48: {  	_ =	shalt  }
0x49: {  	_ =	shalt  }
0x4a: {  	_ =	shalt  }
0x4b: {  	_ =	shalt  }
0x4c: {  	_ =	shalt  }
0x4d: {  	_ =	shalt  }
0x4e: {  	_ =	shalt  }
0x4f: {  	_ =	shalt  }
0x50: {  	_ =	shalt  }
0x51: {  	_ =	shalt  }
0x52: {  	_ =	shalt  }
0x53: {  	_ =	shalt  }
0x54: {  	_ =	shalt  }
0x55: {  	_ =	shalt  }
0x56: {  	_ =	shalt  }
0x57: {  	_ =	shalt  }
0x58: {  	_ =	shalt  }
0x59: {  	_ =	shalt  }
0x5a: {  	_ =	shalt  }
0x5b: {  	_ =	shalt  }
0x5c: {  	_ =	shalt  }
0x5d: {  	_ =	shalt  }
0x5e: {  	_ =	shalt  }
0x5f: {  	_ =	shalt  }
0x60: {  	_ =	shalt  }
0x61: {  	_ =	shalt  }
0x62: {  	_ =	shalt  }
0x63: {  	_ =	shalt  }
0x64: {  	_ =	shalt  }
0x65: {  	_ =	shalt  }
0x66: {  	_ =	shalt  }
0x67: {  	_ =	shalt  }
0x68: {  	_ =	shalt  }
0x69: {  	_ =	shalt  }
0x6a: {  	_ =	shalt  }
0x6b: {  	_ =	shalt  }
0x6c: {  	_ =	shalt  }
0x6d: {  	_ =	shalt  }
0x6e: {  	_ =	shalt  }
0x6f: {  	_ =	shalt  }
0x70: {  	_ =	shalt  }
0x71: {  	_ =	shalt  }
0x72: {  	_ =	shalt  }
0x73: {  	_ =	shalt  }
0x74: {  	_ =	shalt  }
0x75: {  	_ =	shalt  }
0x76: {  	_ =	shalt  }
0x77: {  	_ =	shalt  }
0x78: {  	_ =	shalt  }
0x79: {  	_ =	shalt  }
0x7a: {  	_ =	shalt  }
0x7b: {  	_ =	shalt  }
0x7c: {  	_ =	shalt  }
0x7d: {  	_ =	shalt  }
0x7e: {  	_ =	shalt  }
0x7f: {  	_ =	shalt  }
0x80: {  	_ =	shalt  }
0x81: {  	_ =	shalt  }
0x82: {  	_ =	shalt  }
0x83: {  	_ =	shalt  }
0x84: {  	_ =	shalt  }
0x85: {  	_ =	shalt  }
0x86: {  	_ =	shalt  }
0x87: {  	_ =	shalt  }
.Lfunc_end0:
.L_simem_size_0:
called_computation_lowered:
.L_overlay_start_0:
0x88: {  	s2 =	sld [smem:$0x3FD9]  }
0x89: {  	s3 =	sld [smem:$0x3FFE];
	_ =	sdelay $0x1  }
0x8a: {  	s1 =	srdreg.scid  }
0x8b: {  	s0 =	sand.u32 $0x1, s1  }
0x8c: {  	s17 =	sshll.u32 s0, $0xA;
	s2 =	sadd.s32 s3, s2  }
0x8d: {  	s2 =	sadd.s32 s2, s17  }
0x8e: {  	[smem:$0x3FC3] =	sst s2  }
0x8f: {  	_ = 	snop  }
0x90: {  	s2 =	sld [smem:$0x3FD0];
	(tm) =	ssettm $0x1  }
0x91: {  	s18 =	sld [smem:$0x3FFB];
	_ =	sdelay $0x3  }
0x92: {  	_ =	strace s18  }
0x93: {  	s3 =	sld [smem:$0x3FFC];
	_ =	sdelay $0x3  }
0x94: {  	_ =	strace s3  }
0x95: {  	s3 =	sld [smem:$0x3FFD];
	_ =	sdelay $0x3  }
0x96: {  	_ =	strace s3  }
0x97: {  	_ =	strace $0x8FFFFFFF  }
0x98: {  	s19 =	sld [smem:$0x3FDB];
	_ =	sdelay $0x1  }
0x99: {  	s4 =	simm.s32 $_scs_section_size  }
0x9a: {  	s5 =	simm.s32 $_size__tile_overlayer_lowered;
	s6 =	simm.s32 $_tile_overlayer_lowered  }
0x9b: {  	s22 =	simm.s32 $0x1BFF;
	s21 =	sshll.u32 s6, $0x1;
	s3 =	sadd.s32 s4, s19  }
0x9c: {  	s7 =	simm.s32 $0x0;
	s20 =	sshll.u32 s5, $0x1;
	s5 =	sadd.s32 s21, s3  }
0x9d: {  	[timem:s7], [sflag:s22] =	dma.local [hbm:s5], s20  }
0x9e: {  	_ =	swait.ge [sflag:s22], s20  }
0x9f: {  	s4 =	ssub.s32 $0x0, s20;
	[sflag:s22] =	ssyncset.done $0x0  }
0xa0: {  	[sflag:s22] =	ssyncadd.s32 s4;
	_ =	sdelay $0x1  }
0xa1: {  	s23 =	simm.s32 $0x1B8B  }
0xa2: {  	_ =	swait.ge [sflag:s23], $0x1  }
0xa3: {  	[sflag:s23] =	ssyncset.done $0x0  }
0xa4: {  	s25 =	simm.s32 $0x1B8E;
	s24 =	sld [smem:$0x3FFE];
	[sflag:s23] =	ssyncadd.s32 $0xFFFFFFFF  }
0xa5: {  	s26 =	simm.s32 $execute0_lowered;
	[smem:$0x3FD2] =	sst s25  }
0xa6: {  	s5 =	sshll.u32 s26, $0x1;
	_ =	strace $0x80000046;
	[dreg:$0x1] =	wrdreg $0xFFFFFFFF  }
0xa7: {  	s28 =	simm.s32 $_size_execute0_lowered;
	s3 =	sadd.s32 s3, s5;
	[dreg:$0x0] =	wrdreg $0x0  }
0xa8: {  	s5 =	sshll.u32 s28, $0x1;
	[dreg:$0x2] =	wrdreg s3  }
0xa9: {  	[dreg:$0x3] =	wrdreg s5  }
0xaa: {  	[dreg:$0x4] =	wrdreg $0xC0  }
0xab: {  	_ =	task [dreg:s7], $0x5FFFF  }
0xac: {  	[dreg:$0x1] =	wrdreg $0xFFFFFFFF  }
0xad: {  	[dreg:$0x0] =	wrdreg $0x60  }
0xae: {  	[dreg:$0x2] =	wrdreg s24  }
0xaf: {  	[dreg:$0x3] =	wrdreg s2  }
0xb0: {  	[dreg:$0x4] =	wrdreg $0x9  }
0xb1: {  	_ =	task.clear_ibuf [dreg:s7], $0x5FFFF;
	_ =	strace $0x90000046  }
0xb2: {  	s29 =	simm.s32 $0x9;
	_ =	strace $0x80000048  }
0xb3: {  	_ =	swait.ge [sflag:s29], $0x1  }
0xb4: {  	[sflag:s29] =	ssyncadd.s32 $0xFFFFFFFF  }
0xb5: {  	_ =	strace $0x90000048  }
0xb6: {  	_ =	sfence  }
0xb7: {  	s30 =	sld [smem:$0x0];
	_ =	sdelay $0x2  }
0xb8: {  	s31 =	sshll.u32 s1, $0xD;
	s1 =	sshrl.u32 s1, $0x2  }
0xb9: {  	s3 =	sand.u32 $0x4000, s31;
	s1 =	sadd.s32 s1, s30  }
0xba: {  	s0 =	sor.u32 s3, s0;
	s1 =	sshll.u32 s1, $0x11  }
0xbb: {  	s0 =	sor.u32 s1, s0  }
0xbc: {  	s0 =	sadd.s32 $0x8F2B, s0  }
0xbd: {  	[sflag:s0] =	ssyncadd.remote.s32 $0x1  }
0xbe: {  	_ =	sfence.sel $0xFFFF  }
0xbf: {  	[dreg:$0x0] =	wrdreg $0xFFFFFFFF;
	(pc) =	sbr.abs _section_cstart, $3  }
0xc0: {  	[dreg:$0x1] =	wrdreg $0xFFFFFFFF  }
0xc1: {  	_ =	task.clear_ibuf [dreg:s7], $0x2FFFF;
	_ =	strace $0x9FFFFFFF  }
0xc2: {  	(tm) =	ssettm $0x7FFFFFFF  }
0xc3: {  	_ =	shalt  }
tec
execute0_lowered:
.L_overlay_start_1:
0x0: {  	(tag) =	ssettag $0x1  }
0x1: {  	s1 =	srdreg.scid;
	s3 =	stileid.u32  }
0x2: {  	s0 =	rddreg [dreg:$0x0];
	s1 =	sand.u32 $0x1, s1;
	s3 =	sshll.u32 s3, $0x1  }
0x3: {  	s2 =	rddreg [dreg:$0x1];
	s5 =	simm.s32 $0x0;
	s3 =	sor.u32 s1, s3  }
0x4: {  	[smem:$0x7FF] =	sst s5;
	s6 =	sadd.s32 $0x186BE00, s0;
	s4 =	smul.u32 $0x60, s3  }
0x5: {  	_ =	strace $0x80000047;
	[dreg:$0x3] =	wrdreg s6;
	s1 =	ssub.s32 $0x2, s1  }
0x6: {  	s26 =	sshrl.u32 s1, $0x1;
	s4 =	sadd.s32 s4, s0;
	s0 =	sadd.s32 $0x1400, s0  }
0x7: {  	s3 =	sshll.u32 s3, $0xE;
	[dreg:$0x4] =	wrdreg s0;
	s28 =	sadd.s32 $0x1600, s4  }
0x8: {  	s0 =	ssub.s32 s1, s26;
	s1 =	sadd.s32 s2, s3;
	[dreg:$0x5] =	wrdreg s28  }
0x9: {  	s2 =	sadd.s32 $0x200, s1;
	[dreg:$0x6] =	wrdreg s1  }
0xa: {  	s29 =	sadd.s32 $0x400, s1;
	[dreg:$0x7] =	wrdreg s2  }
0xb: {  	s30 =	sadd.s32 $0x600, s1;
	[dreg:$0x8] =	wrdreg s29  }
0xc: {  	s31 =	sadd.s32 $0x800, s1;
	[dreg:$0x9] =	wrdreg s30  }
0xd: {  	s3 =	sadd.s32 $0xA00, s1;
	[dreg:$0xa] =	wrdreg s31  }
0xe: {  	s4 =	sadd.s32 $0xC00, s1;
	[dreg:$0xb] =	wrdreg s3  }
0xf: {  	s6 =	sadd.s32 $0xE00, s1;
	[dreg:$0xc] =	wrdreg s4  }
0x10: {  	s7 =	sadd.s32 $0x1000, s1;
	[dreg:$0xd] =	wrdreg s6  }
0x11: {  	s8 =	sadd.s32 $0x1200, s1;
	[dreg:$0xe] =	wrdreg s7  }
0x12: {  	s9 =	sadd.s32 $0x1400, s1;
	[dreg:$0xf] =	wrdreg s8  }
0x13: {  	s10 =	sadd.s32 $0x1600, s1;
	[dreg:$0x10] =	wrdreg s9  }
0x14: {  	s11 =	sadd.s32 $0x1800, s1;
	[dreg:$0x11] =	wrdreg s10  }
0x15: {  	s12 =	sadd.s32 $0x1A00, s1;
	[dreg:$0x12] =	wrdreg s11  }
0x16: {  	s13 =	sadd.s32 $0x1C00, s1;
	[dreg:$0x13] =	wrdreg s12  }
0x17: {  	s14 =	sadd.s32 $0x1E00, s1;
	[dreg:$0x14] =	wrdreg s13  }
0x18: {  	s15 =	sadd.s32 $0x2000, s1;
	[dreg:$0x15] =	wrdreg s14  }
0x19: {  	s16 =	sadd.s32 $0x2200, s1;
	[dreg:$0x16] =	wrdreg s15  }
0x1a: {  	s17 =	sadd.s32 $0x2400, s1;
	[dreg:$0x17] =	wrdreg s16  }
0x1b: {  	s0 =	smax.u32 s0, $0x1;
	[dreg:$0x18] =	wrdreg s17  }
0x1c: {  	s18 =	sadd.s32 $0x2600, s1;
	[dreg:$0x19] =	wrdreg s0  }
0x1d: {  	s19 =	sadd.s32 $0x2800, s1;
	[dreg:$0x1a] =	wrdreg s18  }
0x1e: {  	s20 =	sadd.s32 $0x2A00, s1;
	[dreg:$0x1b] =	wrdreg s19  }
0x1f: {  	v0 =	vimm.s32 $0x0;
	vm1 =	vmmov $0xff;
	s21 =	sadd.s32 $0x2C00, s1;
	[dreg:$0x1c] =	wrdreg s20  }
0x20: {  	vm0 =	vcmask $0x300;
	vm4 =	vcmask $0x704;
	vm5 =	vcmask $0xB08;
	s22 =	sadd.s32 $0x2E00, s1;
	[dreg:$0x1d] =	wrdreg s21  }
0x21: {  	vm6 =	vcmask $0xF0C;
	vm7 =	vcmask $0x1310;
	vm2 =	vcmask $0x1714;
	s23 =	sadd.s32 $0x3000, s1;
	[dreg:$0x1e] =	wrdreg s22  }
0x22: {  	vm8 =	vcmask $0x1B18;
	vm9 =	vcmask $0x1F1C;
	vm10 =	vcmask $0x2320;
	s24 =	sadd.s32 $0x3200, s1;
	[dreg:$0x1f] =	wrdreg s23  }
0x23: {  	vm11 =	vcmask $0x2724;
	vm12 =	vcmask $0x2B28;
	vm13 =	vcmask $0x2F2C;
	s25 =	sadd.s32 $0x3400, s1;
	[smem:$0x7F7] =	sst s24  }
0x24: {  	vm14 =	vcmask $0x3330;
	vm15 =	vcmask $0x3734;
	vm3 =	vcmask $0x3B38;
	s26 =	sadd.s32 $0x3600, s1;
	[smem:$0x7F8] =	sst s25  }
0x25: {  	v1 =	vimm.s32 $0x1;
	v2 =	vimm.s32 $0x2;
	v3 =	vimm.s32 $0x3;
	s28 =	sadd.s32 $0x3800, s1;
	[smem:$0x7F9] =	sst s26  }
0x26: {  	v4 =	vimm.s32 $0x4;
	v5 =	vimm.s32 $0x5;
	v6 =	vimm.s32 $0x6;
	[smem:$0x7FA] =	sst s28;
	s29 =	sadd.s32 $0x3A00, s1  }
0x27: {  	v7 =	vimm.s32 $0x7;
	v8 =	vimm.s32 $0x8;
	v9 =	vimm.s32 $0x9;
	s30 =	sadd.s32 $0x3C00, s1;
	[smem:$0x7FB] =	sst s29  }
0x28: {  	v10 =	vimm.s32 $0xA;
	v11 =	vimm.s32 $0xB;
	v12 =	vimm.s32 $0xC;
	s31 =	sadd.s32 $0x3E00, s1;
	[smem:$0x7FC] =	sst s30  }
0x29: {  	v13 =	vimm.s32 $0xD;
	v14 =	vimm.s32 $0xE;
	v15 =	vimm.s32 $0xF;
	s2 =	simm.s32 $0x3;
	s1 =	simm.s32 $0x0;
	[smem:$0x7FD] =	sst s31  }
.LBB2_1:
0x2a: {  	[smem:$0x7F5] =	sst s1  }
0x2b: {  	s0 =	rddreg [dreg:$0x5]  }
0x2c: {  	[tilespmem:s5], [sflag:$0x3] =	stream.linear.gather [hbm4b:s0+s5], $0x300, $0x38;
	[tilespmem:$0x33A0] =	vst v63  }
0x2d: {  	_ =	swait.ge [sflag:s2], $0x300  }
0x2e: {  	[sflag:s2] =	ssyncset.done $0x0  }
0x2f: {  	s30 =	simm.s32 $0x300;
	s29 =	rddreg [dreg:$0x4];
	[sflag:s2] =	ssyncadd.s32 $0xFFFFFD00  }
0x30: {  	[tilespmem:s30], [sflag:$0x3] =	stream.linear.gather [hbm4b:s29+s5], $0xA0, $0x38;
	[tilespmem:$0x33A0] =	vst v63  }
0x31: {  	_ =	swait.ge [sflag:s2], $0xA0  }
0x32: {  	[sflag:s2] =	ssyncset.done $0x0  }
0x33: {  	[sflag:s2] =	ssyncadd.s32 $0xFFFFFF60  }
0x34: {  	v16 =	vld [tilespmem:$0x300]  }
0x35: {  	v17 =	vld [tilespmem:$0x310]  }
0x36: {  	v18 =	vld [tilespmem:$0x320]  }
0x37: {  	v19 =	vld [tilespmem:$0x330]  }
0x38: {  	v20 =	vld [tilespmem:$0x340]  }
0x39: {  	v21 =	vld [tilespmem:$0x350]  }
0x3a: {  	v22 =	vld [tilespmem:$0x360]  }
0x3b: {  	v23 =	vld [tilespmem:$0x370]  }
0x3c: {  	s31 =	simm.s32 $0x420;
	v24 =	vld [tilespmem:$0x380]  }
0x3d: {  	s0 =	simm.s32 $0x0;
	[smem:$0x7F6] =	sst s31;
	v25 =	vld [tilespmem:$0x390]  }
.LBB2_2:
0x3e: {  	[smem:$0x7F4] =	sst s0  }
0x3f: {  	s0 =	sld [smem:$0x7F4];
	_ =	sdelay $0x2  }
0x40: {  	s0 =	sshra.s32 s0, $0x2  }
0x41: {  	v28 =	vld [tilespmem:s0+$0x0]  }
0x42: {  	v26 =	vld [tilespmem:s0+$0x100]  }
0x43: {  	v27 =	vld [tilespmem:s0+$0x200];
	_ =	sdelay $0x3  }
0x44: {  	v29 =	vperm.xlane v28, v0  }
0x45: {  	v30 =	vperm.xlane v26, v0;
	v31 =	vperm.xlane v27, v0  }
0x46: {  	v32 =	vmul.u32 v17, v29  }
0x47: {  	v31 =	vsel vm1, $0x0, v31;
	v29 =	vmul.u32 v16, v29;
	v33 =	vmul.u32 v19, v30  }
0x48: {  	v30 =	vmul.u32 v18, v30;
	v35 =	vmul.u32 v21, v31;
	v34 =	vshll.u32 v32, $0x10  }
0x49: {  	v31 =	vmul.u32 v20, v31;
	v36 =	vshll.u32 v33, $0x10;
	v34 =	vadd.s32 v29, v34  }
0x4a: {  	v36 =	vadd.s32 v30, v36;
	v37 =	vshll.u32 v35, $0x10;
	v38 =	vxor.u32 v22, v34  }
0x4b: {  	v37 =	vadd.s32 v31, v37;
	v38 =	vxor.u32 v36, v38  }
0x4c: {  	v38 =	vxor.u32 v37, v38  }
0x4d: {  	(v2sf) =	vpush v38, $0x0  }
0x4e: {  	(v2sf) =	vpush v23, $0x0  }
0x4f: {  	(v2sf) =	vpush v38, $0xF  }
0x50: {  	(v2sf) =	vpush v23, $0xF  }
0x51: {  	(v2sf) =	vpush v38, $0x1  }
0x52: {  	(v2sf) =	vpush v23, $0x1;
	_ =	sdelay $0x1  }
0x53: {  	(v2sf) =	vpush v38, $0x2  }
0x54: {  	(v2sf) =	vpush v23, $0x2  }
0x55: {  	(v2sf) =	vpush v38, $0x3  }
0x56: {  	(v2sf) =	vpush v23, $0x3  }
0x57: {  	(v2sf) =	vpush v38, $0x4  }
0x58: {  	(v2sf) =	vpush v23, $0x4;
	_ =	sdelay $0x2  }
0x59: {  	s28 =	spop (v2sf)  }
0x5a: {  	(v2sf) =	vpush v38, $0x5;
	s13 =	spop (v2sf)  }
0x5b: {  	(v2sf) =	vpush v23, $0x5;
	s1 =	spop (v2sf)  }
0x5c: {  	s12 =	spop (v2sf)  }
0x5d: {  	(drf) =	srem.u32 s28, s13;
	(v2sf) =	vpush v38, $0x6;
	s2 =	spop (v2sf)  }
0x5e: {  	(v2sf) =	vpush v23, $0x6;
	(drf) =	srem.u32 s1, s12;
	s14 =	spop (v2sf)  }
0x5f: {  	(drf) =	srem.u32 s2, s14  }
0x60: {  	(v2sf) =	vpush v38, $0x7;
	s3 =	spop (v2sf)  }
0x61: {  	(v2sf) =	vpush v23, $0x7;
	s15 =	spop (v2sf)  }
0x62: {  	s29 =	spop (v2sf);
	(drf) =	srem.u32 s3, s15  }
0x63: {  	(v2sf) =	vpush v38, $0x8;
	s16 =	spop (v2sf)  }
0x64: {  	(v2sf) =	vpush v23, $0x8;
	s30 =	spop (v2sf)  }
0x65: {  	(v2sf) =	vpush v38, $0x9;
	(drf) =	srem.u32 s29, s16;
	s17 =	spop (v2sf)  }
0x66: {  	(v2sf) =	vpush v23, $0x9;
	s31 =	spop (drf)  }
0x67: {  	(v2sf) =	vpush v38, $0xA;
	s18 =	spop (drf)  }
0x68: {  	(v2sf) =	vpush v23, $0xA;
	(drf) =	srem.u32 s30, s17;
	s2 =	spop (drf)  }
0x69: {  	(v2sf) =	vpush v38, $0xB;
	s6 =	spop (v2sf)  }
0x6a: {  	(v2sf) =	vpush v23, $0xB;
	s25 =	spop (v2sf)  }
0x6b: {  	(v2sf) =	vpush v38, $0xC;
	s3 =	spop (drf)  }
0x6c: {  	(v2sf) =	vpush v23, $0xC;
	s7 =	spop (v2sf)  }
0x6d: {  	(v2sf) =	vpush v38, $0xD;
	s23 =	spop (v2sf)  }
0x6e: {  	(v2sf) =	vpush v23, $0xD;
	s4 =	spop (drf)  }
0x6f: {  	(v2sf) =	vpush v38, $0xE;
	s8 =	spop (v2sf)  }
0x70: {  	(v2sf) =	vpush v23, $0xE;
	s22 =	spop (v2sf)  }
0x71: {  	s5 =	spop (drf)  }
0x72: {  	s9 =	spop (v2sf)  }
0x73: {  	s28 =	spop (v2sf)  }
0x74: {  	s10 =	spop (v2sf)  }
0x75: {  	s29 =	spop (v2sf)  }
0x76: {  	s11 =	spop (v2sf)  }
0x77: {  	(drf) =	srem.u32 s6, s25;
	s24 =	spop (v2sf)  }
0x78: {  	(drf) =	srem.u32 s7, s23;
	s19 =	spop (v2sf)  }
0x79: {  	(drf) =	srem.u32 s8, s22;
	s20 =	spop (v2sf)  }
0x7a: {  	(drf) =	srem.u32 s9, s28;
	s21 =	spop (v2sf)  }
0x7b: {  	v44 =	vmov s18;
	(drf) =	srem.u32 s10, s29;
	s18 =	spop (v2sf)  }
0x7c: {  	v38 =	vsel vm0, s31, v44;
	(drf) =	srem.u32 s11, s24;
	s26 =	spop (v2sf)  }
0x7d: {  	v38 =	vsel vm4, s2, v38;
	(drf) =	srem.u32 s19, s20;
	s30 =	spop (v2sf)  }
0x7e: {  	v38 =	vsel vm5, s3, v38;
	(drf) =	srem.u32 s21, s18;
	s31 =	spop (v2sf)  }
0x7f: {  	v38 =	vsel vm6, s4, v38;
	(drf) =	srem.u32 s26, s30;
	s8 =	spop (v2sf)  }
0x80: {  	v38 =	vsel vm7, s5, v38;
	s2 =	spop (drf);
	(drf) =	srem.u32 s31, s8  }
0x81: {  	v32 =	vshrl.u32 v32, $0x10;
	v45 =	vsel vm2, s2, v38;
	s3 =	spop (drf)  }
0x82: {  	v33 =	vshrl.u32 v33, $0x10;
	vm0 =	vlt.u32 v34, v29;
	v29 =	vsel vm8, s3, v45;
	s4 =	spop (drf)  }
0x83: {  	v46 =	vshrl.u32 v35, $0x10;
	v34 =	vsel vm0, $0x1, v0;
	v29 =	vsel vm9, s4, v29;
	s5 =	spop (drf)  }
0x84: {  	vm0 =	vlt.u32 v36, v30;
	v32 =	vadd.s32 v34, v32;
	v29 =	vsel vm10, s5, v29;
	s6 =	spop (drf)  }
0x85: {  	v30 =	vsel vm0, $0x1, v0;
	vm0 =	vlt.u32 v37, v31;
	v29 =	vsel vm11, s6, v29;
	s7 =	spop (drf)  }
0x86: {  	v30 =	vadd.s32 v30, v33;
	v31 =	vsel vm0, $0x1, v0;
	v29 =	vsel vm12, s7, v29;
	s9 =	spop (drf)  }
0x87: {  	v31 =	vadd.s32 v31, v46;
	v30 =	vxor.u32 v32, v30;
	v29 =	vsel vm13, s9, v29;
	s10 =	spop (drf)  }
0x88: {  	v30 =	vxor.u32 v31, v30;
	v29 =	vsel vm14, s10, v29;
	s19 =	spop (drf)  }
0x89: {  	v30 =	vmul.u32 v24, v30;
	s11 =	smov.u32 s20;
	v29 =	vsel vm15, s19, v29;
	s20 =	spop (drf)  }
0x8a: {  	v29 =	vsel vm3, s20, v29  }
0x8b: {  	v29 =	vadd.s32 v29, v30  }
0x8c: {  	(v2sf) =	vpush v29, $0x0  }
0x8d: {  	(v2sf) =	vpush v29, $0xF  }
0x8e: {  	(v2sf) =	vpush v29, $0x1  }
0x8f: {  	(v2sf) =	vpush v29, $0x2  }
0x90: {  	(v2sf) =	vpush v29, $0x3  }
0x91: {  	(v2sf) =	vpush v29, $0x4  }
0x92: {  	(v2sf) =	vpush v29, $0x5  }
0x93: {  	(v2sf) =	vpush v29, $0x6  }
0x94: {  	(v2sf) =	vpush v29, $0x7  }
0x95: {  	(v2sf) =	vpush v29, $0x8;
	_ =	sdelay $0x1  }
0x96: {  	(v2sf) =	vpush v29, $0x9;
	_ =	sdelay $0x1  }
0x97: {  	(v2sf) =	vpush v29, $0xA;
	_ =	sdelay $0x1  }
0x98: {  	(v2sf) =	vpush v29, $0xB;
	s21 =	spop (v2sf)  }
0x99: {  	v47 =	vperm.xlane v28, v1;
	(drf) =	srem.u32 s21, s13;
	s26 =	spop (v2sf)  }
0x9a: {  	v48 =	vperm.xlane v26, v1;
	(v2sf) =	vpush v29, $0xC;
	s31 =	spop (v2sf)  }
0x9b: {  	v49 =	vperm.xlane v27, v1;
	v50 =	vmul.u32 v17, v47;
	(drf) =	srem.u32 s26, s12;
	s1 =	spop (v2sf)  }
0x9c: {  	v51 =	vmul.u32 v19, v48;
	s4 =	spop (v2sf)  }
0x9d: {  	v52 =	vshll.u32 v50, $0x10;
	v32 =	vsel vm1, $0x0, v49;
	v30 =	vmul.u32 v16, v47;
	(drf) =	srem.u32 s31, s14;
	s5 =	spop (v2sf)  }
0x9e: {  	v54 =	vshll.u32 v51, $0x10;
	v31 =	vmul.u32 v18, v48;
	v53 =	vmul.u32 v21, v32;
	s6 =	spop (v2sf)  }
0x9f: {  	v32 =	vmul.u32 v20, v32;
	v35 =	vadd.s32 v30, v52;
	(drf) =	srem.u32 s1, s15;
	(v2sf) =	vpush v29, $0xD;
	s7 =	spop (v2sf)  }
0xa0: {  	v37 =	vadd.s32 v31, v54;
	v55 =	vshll.u32 v53, $0x10;
	v39 =	vxor.u32 v22, v35;
	s19 =	spop (v2sf)  }
0xa1: {  	v38 =	vadd.s32 v32, v55;
	v39 =	vxor.u32 v37, v39;
	(drf) =	srem.u32 s4, s16;
	(v2sf) =	vpush v29, $0xE;
	s20 =	spop (v2sf)  }
0xa2: {  	v56 =	vxor.u32 v38, v39;
	(drf) =	srem.u32 s5, s17;
	s2 =	spop (drf)  }
0xa3: {  	(v2sf) =	vpush v56, $0x0;
	(drf) =	srem.u32 s6, s25;
	s21 =	spop (v2sf)  }
0xa4: {  	(drf) =	srem.u32 s7, s23;
	s3 =	spop (drf)  }
0xa5: {  	s26 =	spop (v2sf)  }
0xa6: {  	(v2sf) =	vpush v56, $0xF;
	(drf) =	srem.u32 s19, s22;
	s9 =	spop (drf)  }
0xa7: {  	s5 =	spop (v2sf)  }
0xa8: {  	(v2sf) =	vpush v56, $0x1;
	(drf) =	srem.u32 s20, s28;
	s10 =	spop (drf)  }
0xa9: {  	[smem:$0x73B] =	sst s2;
	s6 =	spop (v2sf)  }
0xaa: {  	(v2sf) =	vpush v56, $0x2;
	(drf) =	srem.u32 s21, s29;
	s31 =	spop (drf)  }
0xab: {  	(v2sf) =	vpush v56, $0x3;
	(drf) =	srem.u32 s26, s24;
	s2 =	spop (drf)  }
0xac: {  	[smem:$0x73A] =	sst s3;
	(v2sf) =	vpush v56, $0x4;
	s3 =	spop (drf)  }
0xad: {  	(v2sf) =	vpush v56, $0x5;
	(drf) =	srem.u32 s5, s11;
	s4 =	spop (drf)  }
0xae: {  	[smem:$0x73C] =	sst s9;
	s20 =	spop (v2sf)  }
0xaf: {  	(v2sf) =	vpush v56, $0x6;
	(drf) =	srem.u32 s6, s18;
	s7 =	spop (drf)  }
0xb0: {  	[smem:$0x73D] =	sst s10;
	s21 =	spop (v2sf)  }
0xb1: {  	[smem:$0x73E] =	sst s31;
	(v2sf) =	vpush v56, $0x7;
	s9 =	spop (drf)  }
0xb2: {  	[smem:$0x73F] =	sst s2;
	s26 =	spop (v2sf)  }
0xb3: {  	[smem:$0x740] =	sst s3;
	s10 =	spop (drf)  }
0xb4: {  	(drf) =	srem.u32 s20, s30;
	s19 =	spop (drf)  }
0xb5: {  	(v2sf) =	vpush v56, $0x8;
	[smem:$0x741] =	sst s4;
	s31 =	spop (v2sf)  }
0xb6: {  	(drf) =	srem.u32 s21, s8;
	s1 =	spop (drf)  }
0xb7: {  	(v2sf) =	vpush v56, $0x9;
	[smem:$0x742] =	sst s7;
	s3 =	spop (v2sf)  }
0xb8: {  	(drf) =	srem.u32 s26, s13;
	s2 =	spop (drf)  }
0xb9: {  	(drf) =	srem.u32 s31, s12;
	s4 =	spop (v2sf)  }
0xba: {  	(v2sf) =	vpush v56, $0xA;
	(drf) =	srem.u32 s3, s14;
	s5 =	spop (v2sf)  }
0xbb: {  	[smem:$0x743] =	sst s9;
	(v2sf) =	vpush v56, $0xB;
	s6 =	spop (v2sf)  }
0xbc: {  	(drf) =	srem.u32 s4, s15;
	s9 =	spop (v2sf)  }
0xbd: {  	[smem:$0x744] =	sst s10;
	(v2sf) =	vpush v56, $0xC;
	s31 =	spop (drf)  }
0xbe: {  	(v2sf) =	vpush v56, $0xD;
	(drf) =	srem.u32 s5, s16;
	s10 =	spop (v2sf)  }
0xbf: {  	(v2sf) =	vpush v56, $0xE;
	(drf) =	srem.u32 s6, s17;
	s7 =	spop (drf)  }
0xc0: {  	s21 =	spop (v2sf)  }
0xc1: {  	[smem:$0x746] =	sst s1;
	s0 =	spop (drf)  }
0xc2: {  	(drf) =	srem.u32 s9, s25;
	s1 =	spop (drf)  }
0xc3: {  	s20 =	spop (drf)  }
0xc4: {  	s26 =	spop (v2sf)  }
0xc5: {  	[smem:$0x74A] =	sst s7;
	s3 =	spop (drf)  }
0xc6: {  	(drf) =	srem.u32 s10, s23;
	s7 =	spop (v2sf)  }
0xc7: {  	s4 =	spop (drf)  }
0xc8: {  	(drf) =	srem.u32 s21, s22;
	s5 =	spop (drf)  }
0xc9: {  	(drf) =	srem.u32 s26, s28;
	s9 =	spop (v2sf)  }
0xca: {  	vm0 =	vcmask $0x300;
	v57 =	vmov s1;
	(drf) =	srem.u32 s7, s29;
	s21 =	spop (v2sf)  }
0xcb: {  	v29 =	vsel vm0, s0, v57;
	vm0 =	vcmask $0x704;
	(drf) =	srem.u32 s9, s24;
	s10 =	spop (drf)  }
0xcc: {  	v29 =	vsel vm0, s20, v29;
	(drf) =	srem.u32 s21, s11;
	s26 =	spop (v2sf)  }
0xcd: {  	v29 =	vsel vm5, s3, v29;
	(drf) =	srem.u32 s26, s18;
	s3 =	spop (v2sf)  }
0xce: {  	v29 =	vsel vm6, s4, v29;
	(drf) =	srem.u32 s3, s30;
	s4 =	spop (v2sf)  }
0xcf: {  	v29 =	vsel vm7, s5, v29;
	s20 =	spop (drf);
	(drf) =	srem.u32 s4, s8  }
0xd0: {  	v58 =	vshrl.u32 v51, $0x10;
	v29 =	vsel vm2, s10, v29  }
0xd1: {  	v33 =	vshrl.u32 v50, $0x10;
	vm0 =	vlt.u32 v35, v30;
	v29 =	vsel vm8, s20, v29;
	s5 =	spop (drf)  }
0xd2: {  	v59 =	vshrl.u32 v53, $0x10;
	v30 =	vsel vm0, $0x1, v0;
	v29 =	vsel vm9, s5, v29;
	s6 =	spop (drf)  }
0xd3: {  	vm0 =	vlt.u32 v37, v31;
	v30 =	vadd.s32 v30, v33;
	v29 =	vsel vm10, s6, v29;
	s7 =	spop (drf)  }
0xd4: {  	v31 =	vsel vm0, $0x1, v0;
	vm0 =	vlt.u32 v38, v32;
	v29 =	vsel vm11, s7, v29;
	s9 =	spop (drf)  }
0xd5: {  	v31 =	vadd.s32 v31, v58;
	v32 =	vsel vm0, $0x1, v0;
	v29 =	vsel vm12, s9, v29;
	s10 =	spop (drf)  }
0xd6: {  	v32 =	vadd.s32 v32, v59;
	v30 =	vxor.u32 v30, v31;
	v29 =	vsel vm13, s10, v29;
	s20 =	spop (drf)  }
0xd7: {  	v30 =	vxor.u32 v32, v30;
	v29 =	vsel vm14, s20, v29;
	s21 =	spop (drf)  }
0xd8: {  	v30 =	vmul.u32 v24, v30;
	v29 =	vsel vm15, s21, v29;
	s26 =	spop (drf)  }
0xd9: {  	v29 =	vsel vm3, s26, v29  }
0xda: {  	v30 =	vadd.s32 v29, v30  }
0xdb: {  	(v2sf) =	vpush v30, $0x0  }
0xdc: {  	(v2sf) =	vpush v30, $0xF  }
0xdd: {  	(v2sf) =	vpush v30, $0x1  }
0xde: {  	(v2sf) =	vpush v30, $0x2  }
0xdf: {  	(v2sf) =	vpush v30, $0x3  }
0xe0: {  	(v2sf) =	vpush v30, $0x4  }
0xe1: {  	(v2sf) =	vpush v30, $0x5  }
0xe2: {  	(v2sf) =	vpush v30, $0x6  }
0xe3: {  	(v2sf) =	vpush v30, $0x7  }
0xe4: {  	(v2sf) =	vpush v30, $0x8;
	_ =	sdelay $0x1  }
0xe5: {  	(v2sf) =	vpush v30, $0x9;
	_ =	sdelay $0x1  }
0xe6: {  	(v2sf) =	vpush v30, $0xA;
	_ =	sdelay $0x1  }
0xe7: {  	v60 =	vperm.xlane v28, v2;
	[smem:$0x747] =	sst s2;
	(v2sf) =	vpush v30, $0xB;
	s1 =	spop (v2sf)  }
0xe8: {  	v61 =	vperm.xlane v26, v2;
	(drf) =	srem.u32 s1, s13;
	s2 =	spop (v2sf)  }
0xe9: {  	v62 =	vperm.xlane v27, v2;
	v63 =	vmul.u32 v17, v60;
	s3 =	spop (v2sf)  }
0xea: {  	v42 =	vmul.u32 v16, v60;
	v43 =	vmul.u32 v19, v61;
	(drf) =	srem.u32 s2, s12;
	s4 =	spop (v2sf)  }
0xeb: {  	v44 =	vshll.u32 v63, $0x10;
	v32 =	vsel vm1, $0x0, v62;
	(v2sf) =	vpush v30, $0xC;
	s7 =	spop (v2sf)  }
0xec: {  	v35 =	vadd.s32 v42, v44;
	v31 =	vmul.u32 v18, v61;
	v45 =	vmul.u32 v21, v32;
	(drf) =	srem.u32 s3, s14;
	s9 =	spop (v2sf)  }
0xed: {  	v46 =	vshll.u32 v43, $0x10;
	v48 =	vxor.u32 v22, v35;
	v32 =	vmul.u32 v20, v32;
	s10 =	spop (v2sf)  }
0xee: {  	v37 =	vadd.s32 v31, v46;
	v47 =	vshll.u32 v45, $0x10;
	(v2sf) =	vpush v30, $0xD;
	(drf) =	srem.u32 s4, s15;
	s20 =	spop (v2sf)  }
0xef: {  	v39 =	vxor.u32 v37, v48;
	v38 =	vadd.s32 v32, v47;
	(v2sf) =	vpush v30, $0xE;
	(drf) =	srem.u32 s7, s16;
	s1 =	spop (v2sf)  }
0xf0: {  	v49 =	vxor.u32 v38, v39;
	(drf) =	srem.u32 s9, s17;
	s2 =	spop (v2sf)  }
0xf1: {  	(v2sf) =	vpush v49, $0x0;
	s5 =	spop (drf)  }
0xf2: {  	(drf) =	srem.u32 s10, s25;
	s3 =	spop (v2sf)  }
0xf3: {  	(drf) =	srem.u32 s20, s23;
	s6 =	spop (drf)  }
0xf4: {  	s4 =	spop (v2sf)  }
0xf5: {  	(v2sf) =	vpush v49, $0xF;
	(drf) =	srem.u32 s1, s22;
	s21 =	spop (drf)  }
0xf6: {  	[smem:$0x749] =	sst s5;
	s10 =	spop (v2sf)  }
0xf7: {  	(v2sf) =	vpush v49, $0x1;
	(drf) =	srem.u32 s2, s28;
	s26 =	spop (drf)  }
0xf8: {  	(v2sf) =	vpush v49, $0x2;
	[smem:$0x748] =	sst s6;
	s5 =	spop (drf)  }
0xf9: {  	(drf) =	srem.u32 s3, s29;
	s6 =	spop (drf)  }
0xfa: {  	(v2sf) =	vpush v49, $0x3;
	(drf) =	srem.u32 s4, s24;
	s20 =	spop (v2sf)  }
0xfb: {  	(v2sf) =	vpush v49, $0x4;
	[smem:$0x74B] =	sst s21;
	s7 =	spop (drf)  }
0xfc: {  	(drf) =	srem.u32 s10, s11;
	s9 =	spop (drf)  }
0xfd: {  	(v2sf) =	vpush v49, $0x5;
	[smem:$0x74D] =	sst s26;
	s3 =	spop (v2sf)  }
0xfe: {  	[smem:$0x74F] =	sst s5;
	s4 =	spop (v2sf)  }
0xff: {  	(drf) =	srem.u32 s20, s18;
	s21 =	spop (drf)  }
0x100: {  	(v2sf) =	vpush v49, $0x6;
	[smem:$0x751] =	sst s6;
	s5 =	spop (v2sf)  }
0x101: {  	(v2sf) =	vpush v49, $0x7;
	[smem:$0x754] =	sst s7;
	s26 =	spop (drf)  }
0x102: {  	(drf) =	srem.u32 s3, s30;
	s1 =	spop (drf)  }
0x103: {  	(v2sf) =	vpush v49, $0x8;
	[smem:$0x756] =	sst s9;
	s2 =	spop (drf)  }
0x104: {  	(drf) =	srem.u32 s4, s8;
	s6 =	spop (v2sf)  }
0x105: {  	(v2sf) =	vpush v49, $0x9;
	(drf) =	srem.u32 s5, s13;
	s7 =	spop (drf)  }
0x106: {  	[smem:$0x758] =	sst s21;
	s10 =	spop (v2sf)  }
0x107: {  	[smem:$0x75A] =	sst s26;
	s20 =	spop (v2sf)  }
0x108: {  	(drf) =	srem.u32 s6, s12;
	s9 =	spop (drf)  }
0x109: {  	[smem:$0x75C] =	sst s1;
	(v2sf) =	vpush v49, $0xA;
	s21 =	spop (v2sf)  }
0x10a: {  	(v2sf) =	vpush v49, $0xB;
	(drf) =	srem.u32 s10, s14;
	s26 =	spop (v2sf)  }
0x10b: {  	[smem:$0x75E] =	sst s2;
	s1 =	spop (drf)  }
0x10c: {  	(v2sf) =	vpush v49, $0xC;
	(drf) =	srem.u32 s20, s15;
	s6 =	spop (v2sf)  }
0x10d: {  	(v2sf) =	vpush v49, $0xD;
	(drf) =	srem.u32 s21, s16;
	s2 =	spop (drf)  }
0x10e: {  	(v2sf) =	vpush v49, $0xE;
	(drf) =	srem.u32 s26, s17;
	s0 =	spop (drf)  }
0x10f: {  	[smem:$0x760] =	sst s7;
	s7 =	spop (v2sf)  }
0x110: {  	s20 =	spop (v2sf)  }
0x111: {  	(drf) =	srem.u32 s6, s25;
	s3 =	spop (drf)  }
0x112: {  	s21 =	spop (v2sf)  }
0x113: {  	[smem:$0x762] =	sst s9;
	s9 =	spop (drf)  }
0x114: {  	s26 =	spop (v2sf)  }
0x115: {  	(drf) =	srem.u32 s7, s23;
	s10 =	spop (drf)  }
0x116: {  	vm0 =	vcmask $0x300;
	v50 =	vmov s3;
	s4 =	spop (drf)  }
0x117: {  	(drf) =	srem.u32 s20, s22;
	v30 =	vsel vm0, s0, v50;
	vm0 =	vcmask $0x704;
	s5 =	spop (drf)  }
0x118: {  	(drf) =	srem.u32 s21, s28;
	v30 =	vsel vm0, s9, v30;
	s6 =	spop (v2sf)  }
0x119: {  	(drf) =	srem.u32 s26, s29;
	v30 =	vsel vm5, s10, v30;
	s10 =	spop (v2sf)  }
0x11a: {  	(drf) =	srem.u32 s6, s24;
	s7 =	spop (drf)  }
0x11b: {  	(drf) =	srem.u32 s10, s11;
	s20 =	spop (v2sf)  }
0x11c: {  	(drf) =	srem.u32 s20, s18;
	s21 =	spop (v2sf)  }
0x11d: {  	v30 =	vsel vm6, s4, v30;
	(drf) =	srem.u32 s21, s30;
	s26 =	spop (v2sf)  }
0x11e: {  	v30 =	vsel vm7, s5, v30;
	s9 =	spop (drf);
	(drf) =	srem.u32 s26, s8  }
0x11f: {  	v33 =	vshrl.u32 v63, $0x10;
	v30 =	vsel vm2, s7, v30  }
0x120: {  	v52 =	vshrl.u32 v45, $0x10;
	[smem:$0x764] =	sst s1;
	vm0 =	vlt.u32 v35, v42;
	v30 =	vsel vm8, s9, v30;
	s1 =	spop (drf)  }
0x121: {  	v29 =	vshrl.u32 v43, $0x10;
	[smem:$0x766] =	sst s2;
	v34 =	vsel vm0, $0x1, v0;
	v30 =	vsel vm9, s1, v30;
	s2 =	spop (drf)  }
0x122: {  	vm0 =	vlt.u32 v37, v31;
	v33 =	vadd.s32 v34, v33;
	v30 =	vsel vm10, s2, v30;
	s3 =	spop (drf)  }
0x123: {  	v31 =	vsel vm0, $0x1, v0;
	vm0 =	vlt.u32 v38, v32;
	v30 =	vsel vm11, s3, v30;
	s4 =	spop (drf)  }
0x124: {  	v29 =	vadd.s32 v31, v29;
	v51 =	vsel vm0, $0x1, v0;
	v30 =	vsel vm12, s4, v30;
	s5 =	spop (drf)  }
0x125: {  	v31 =	vadd.s32 v51, v52;
	v29 =	vxor.u32 v33, v29;
	v30 =	vsel vm13, s5, v30;
	s6 =	spop (drf)  }
0x126: {  	v29 =	vxor.u32 v31, v29;
	v30 =	vsel vm14, s6, v30;
	s7 =	spop (drf)  }
0x127: {  	v29 =	vmul.u32 v24, v29;
	v30 =	vsel vm15, s7, v30;
	s9 =	spop (drf)  }
0x128: {  	v30 =	vsel vm3, s9, v30  }
0x129: {  	v30 =	vadd.s32 v30, v29  }
0x12a: {  	(v2sf) =	vpush v30, $0x0  }
0x12b: {  	(v2sf) =	vpush v30, $0xF  }
0x12c: {  	(v2sf) =	vpush v30, $0x1  }
0x12d: {  	(v2sf) =	vpush v30, $0x2  }
0x12e: {  	(v2sf) =	vpush v30, $0x3  }
0x12f: {  	(v2sf) =	vpush v30, $0x4  }
0x130: {  	(v2sf) =	vpush v30, $0x5  }
0x131: {  	(v2sf) =	vpush v30, $0x6  }
0x132: {  	(v2sf) =	vpush v30, $0x7  }
0x133: {  	(v2sf) =	vpush v30, $0x8;
	_ =	sdelay $0x1  }
0x134: {  	(v2sf) =	vpush v30, $0x9;
	_ =	sdelay $0x1  }
0x135: {  	(v2sf) =	vpush v30, $0xA;
	_ =	sdelay $0x1  }
0x136: {  	v53 =	vperm.xlane v28, v3;
	(v2sf) =	vpush v30, $0xB;
	s10 =	spop (v2sf)  }
0x137: {  	v54 =	vperm.xlane v26, v3;
	(drf) =	srem.u32 s10, s13;
	s20 =	spop (v2sf)  }
0x138: {  	v55 =	vperm.xlane v27, v3;
	[smem:$0x745] =	sst s19;
	v56 =	vmul.u32 v17, v53;
	s21 =	spop (v2sf)  }
0x139: {  	v57 =	vmul.u32 v16, v53;
	v58 =	vmul.u32 v19, v54;
	(drf) =	srem.u32 s20, s12;
	s26 =	spop (v2sf)  }
0x13a: {  	v59 =	vshll.u32 v56, $0x10;
	v32 =	vsel vm1, $0x0, v55;
	(v2sf) =	vpush v30, $0xC;
	(drf) =	srem.u32 s21, s14;
	s3 =	spop (v2sf)  }
0x13b: {  	v35 =	vadd.s32 v57, v59;
	v60 =	vmul.u32 v21, v32;
	v31 =	vmul.u32 v18, v54;
	(drf) =	srem.u32 s26, s15;
	s4 =	spop (v2sf)  }
0x13c: {  	v61 =	vshll.u32 v58, $0x10;
	v63 =	vxor.u32 v22, v35;
	v32 =	vmul.u32 v20, v32;
	(drf) =	srem.u32 s3, s16;
	s5 =	spop (v2sf)  }
0x13d: {  	v62 =	vshll.u32 v60, $0x10;
	v37 =	vadd.s32 v31, v61;
	(v2sf) =	vpush v30, $0xD;
	(drf) =	srem.u32 s4, s17;
	s6 =	spop (v2sf)  }
0x13e: {  	v38 =	vadd.s32 v32, v62;
	v39 =	vxor.u32 v37, v63;
	(v2sf) =	vpush v30, $0xE;
	(drf) =	srem.u32 s5, s25;
	s10 =	spop (v2sf)  }
0x13f: {  	v41 =	vxor.u32 v38, v39;
	(drf) =	srem.u32 s6, s23;
	s20 =	spop (v2sf)  }
0x140: {  	(v2sf) =	vpush v41, $0x0;
	s1 =	spop (drf);
	(drf) =	srem.u32 s10, s22  }
0x141: {  	s21 =	spop (v2sf);
	[smem:$0x74E] =	sst s1  }
0x142: {  	s2 =	spop (drf);
	(drf) =	srem.u32 s20, s28  }
0x143: {  	s26 =	spop (v2sf);
	[smem:$0x74C] =	sst s2  }
0x144: {  	(v2sf) =	vpush v41, $0xF;
	s7 =	spop (drf);
	(drf) =	srem.u32 s21, s29  }
0x145: {  	s5 =	spop (v2sf);
	[smem:$0x750] =	sst s7  }
0x146: {  	(v2sf) =	vpush v41, $0x1;
	s9 =	spop (drf);
	(drf) =	srem.u32 s26, s24  }
0x147: {  	[smem:$0x752] =	sst s9;
	s1 =	spop (drf)  }
0x148: {  	(drf) =	srem.u32 s5, s11;
	s2 =	spop (drf)  }
0x149: {  	[smem:$0x755] =	sst s1;
	s6 =	spop (v2sf)  }
0x14a: {  	(v2sf) =	vpush v41, $0x2;
	[smem:$0x757] =	sst s2;
	s3 =	spop (drf)  }
0x14b: {  	(drf) =	srem.u32 s6, s18;
	s4 =	spop (drf)  }
0x14c: {  	(v2sf) =	vpush v41, $0x3;
	[smem:$0x759] =	sst s3;
	s21 =	spop (v2sf)  }
0x14d: {  	[smem:$0x75B] =	sst s4;
	s26 =	spop (v2sf)  }
0x14e: {  	(v2sf) =	vpush v41, $0x4;
	(drf) =	srem.u32 s21, s30;
	s7 =	spop (drf)  }
0x14f: {  	(drf) =	srem.u32 s26, s8;
	s1 =	spop (v2sf)  }
0x150: {  	(v2sf) =	vpush v41, $0x5;
	[smem:$0x75D] =	sst s7;
	s9 =	spop (drf)  }
0x151: {  	[smem:$0x75F] =	sst s9;
	s10 =	spop (drf)  }
0x152: {  	(v2sf) =	vpush v41, $0x6;
	(drf) =	srem.u32 s1, s13;
	s20 =	spop (drf)  }
0x153: {  	[smem:$0x761] =	sst s10;
	s2 =	spop (v2sf)  }
0x154: {  	(v2sf) =	vpush v41, $0x7;
	[smem:$0x763] =	sst s20;
	s3 =	spop (drf)  }
0x155: {  	(v2sf) =	vpush v41, $0x8;
	(drf) =	srem.u32 s2, s12;
	s5 =	spop (v2sf)  }
0x156: {  	[smem:$0x765] =	sst s3;
	s4 =	spop (drf)  }
0x157: {  	(drf) =	srem.u32 s5, s14;
	[smem:$0x767] =	sst s4  }
0x158: {  	(v2sf) =	vpush v41, $0x9  }
0x159: {  	s6 =	spop (v2sf)  }
0x15a: {  	(v2sf) =	vpush v41, $0xA;
	s10 =	spop (drf)  }
0x15b: {  	s7 =	spop (v2sf)  }
0x15c: {  	(drf) =	srem.u32 s6, s15;
	(v2sf) =	vpush v41, $0xB;
	s20 =	spop (drf)  }
0x15d: {  	(drf) =	srem.u32 s7, s16;
	s9 =	spop (v2sf);
	(v2sf) =	vpush v41, $0xC  }
0x15e: {  	s0 =	spop (drf);
	(drf) =	srem.u32 s9, s17;
	(v2sf) =	vpush v41, $0xD  }
0x15f: {  	s21 =	spop (v2sf);
	(v2sf) =	vpush v41, $0xE  }
0x160: {  	s1 =	spop (drf)  }
0x161: {  	(drf) =	srem.u32 s21, s25;
	s26 =	spop (v2sf)  }
0x162: {  	s3 =	spop (drf)  }
0x163: {  	[smem:$0x768] =	sst s10;
	s10 =	spop (v2sf)  }
0x164: {  	[smem:$0x769] =	sst s20;
	s20 =	spop (v2sf)  }
0x165: {  	s4 =	spop (drf)  }
0x166: {  	(drf) =	srem.u32 s26, s23;
	s7 =	spop (drf)  }
0x167: {  	(drf) =	srem.u32 s10, s22;
	s5 =	spop (drf)  }
0x168: {  	vm0 =	vcmask $0x300;
	v42 =	vmov s1;
	(drf) =	srem.u32 s20, s28;
	s21 =	spop (v2sf)  }
0x169: {  	s9 =	smov.u32 s23;
	v30 =	vsel vm0, s0, v42;
	vm0 =	vcmask $0x704;
	(drf) =	srem.u32 s21, s29;
	s23 =	spop (v2sf)  }
0x16a: {  	v30 =	vsel vm0, s3, v30;
	(drf) =	srem.u32 s23, s24;
	s23 =	smov.u32 s24;
	s24 =	spop (drf)  }
0x16b: {  	v30 =	vsel vm5, s4, v30;
	s6 =	spop (v2sf)  }
0x16c: {  	v30 =	vsel vm6, s7, v30;
	(drf) =	srem.u32 s6, s11;
	s7 =	spop (v2sf)  }
0x16d: {  	(drf) =	srem.u32 s7, s18;
	s10 =	spop (v2sf)  }
0x16e: {  	(drf) =	srem.u32 s10, s30;
	s20 =	spop (v2sf)  }
0x16f: {  	v30 =	vsel vm7, s5, v30;
	s26 =	spop (drf);
	(drf) =	srem.u32 s20, s8  }
0x170: {  	v33 =	vshrl.u32 v56, $0x10;
	v30 =	vsel vm2, s24, v30  }
0x171: {  	v44 =	vshrl.u32 v60, $0x10;
	vm0 =	vlt.u32 v35, v57;
	v30 =	vsel vm8, s26, v30;
	s21 =	spop (drf)  }
0x172: {  	v29 =	vshrl.u32 v58, $0x10;
	v34 =	vsel vm0, $0x1, v0;
	v30 =	vsel vm9, s21, v30;
	s26 =	spop (drf)  }
0x173: {  	vm0 =	vlt.u32 v37, v31;
	v33 =	vadd.s32 v34, v33;
	v30 =	vsel vm10, s26, v30;
	s1 =	spop (drf)  }
0x174: {  	v31 =	vsel vm0, $0x1, v0;
	vm0 =	vlt.u32 v38, v32;
	v30 =	vsel vm11, s1, v30;
	s2 =	spop (drf)  }
0x175: {  	v29 =	vadd.s32 v31, v29;
	v43 =	vsel vm0, $0x1, v0;
	v30 =	vsel vm12, s2, v30;
	s3 =	spop (drf)  }
0x176: {  	v31 =	vadd.s32 v43, v44;
	v29 =	vxor.u32 v33, v29;
	v30 =	vsel vm13, s3, v30;
	s4 =	spop (drf)  }
0x177: {  	v29 =	vxor.u32 v31, v29;
	v30 =	vsel vm14, s4, v30;
	s5 =	spop (drf)  }
0x178: {  	v29 =	vmul.u32 v24, v29;
	v30 =	vsel vm15, s5, v30;
	s6 =	spop (drf)  }
0x179: {  	v30 =	vsel vm3, s6, v30  }
0x17a: {  	v45 =	vadd.s32 v30, v29  }
0x17b: {  	(v2sf) =	vpush v45, $0x0  }
0x17c: {  	(v2sf) =	vpush v45, $0xF  }
0x17d: {  	(v2sf) =	vpush v45, $0x1  }
0x17e: {  	(v2sf) =	vpush v45, $0x2  }
0x17f: {  	(v2sf) =	vpush v45, $0x3  }
0x180: {  	(v2sf) =	vpush v45, $0x4  }
0x181: {  	(v2sf) =	vpush v45, $0x5  }
0x182: {  	(v2sf) =	vpush v45, $0x6  }
0x183: {  	(v2sf) =	vpush v45, $0x7  }
0x184: {  	(v2sf) =	vpush v45, $0x8;
	_ =	sdelay $0x1  }
0x185: {  	(v2sf) =	vpush v45, $0x9;
	_ =	sdelay $0x1  }
0x186: {  	v46 =	vperm.xlane v28, v4;
	[smem:$0x753] =	sst s17;
	(v2sf) =	vpush v45, $0xA  }
0x187: {  	v48 =	vperm.xlane v27, v4;
	[smem:$0x76A] =	sst s11  }
0x188: {  	v47 =	vperm.xlane v26, v4;
	v49 =	vmul.u32 v17, v46;
	[smem:$0x76C] =	sst s13;
	(v2sf) =	vpush v45, $0xB;
	s7 =	spop (v2sf)  }
0x189: {  	v51 =	vmul.u32 v16, v46;
	s24 =	smov.u32 s8;
	(drf) =	srem.u32 s7, s13;
	s8 =	spop (v2sf)  }
0x18a: {  	v53 =	vshll.u32 v49, $0x10;
	v50 =	vsel vm1, $0x0, v48;
	v52 =	vmul.u32 v19, v47;
	[smem:$0x76E] =	sst s14;
	s10 =	spop (v2sf)  }
0x18b: {  	v54 =	vmul.u32 v21, v50;
	v55 =	vadd.s32 v51, v53;
	v32 =	vmul.u32 v18, v47;
	s3 =	smov.u32 s13;
	(drf) =	srem.u32 s8, s12;
	s13 =	spop (v2sf)  }
0x18c: {  	v56 =	vshll.u32 v52, $0x10;
	v59 =	vxor.u32 v22, v55;
	v33 =	vmul.u32 v20, v50;
	s26 =	smov.u32 s14;
	(drf) =	srem.u32 s10, s14;
	s14 =	spop (v2sf)  }
0x18d: {  	s19 =	smov.u32 s15;
	v58 =	vshll.u32 v54, $0x10;
	v57 =	vadd.s32 v32, v56;
	(v2sf) =	vpush v45, $0xC;
	(drf) =	srem.u32 s13, s15;
	s15 =	spop (v2sf)  }
0x18e: {  	[smem:$0x76B] =	sst s18;
	v39 =	vxor.u32 v57, v59;
	v35 =	vadd.s32 v33, v58;
	(v2sf) =	vpush v45, $0xD;
	s20 =	spop (v2sf)  }
0x18f: {  	[smem:$0x76D] =	sst s12;
	v60 =	vxor.u32 v35, v39;
	(v2sf) =	vpush v45, $0xE;
	s21 =	spop (v2sf)  }
0x190: {  	(drf) =	srem.u32 s14, s16;
	(v2sf) =	vpush v60, $0x0;
	s0 =	spop (v2sf)  }
0x191: {  	(drf) =	srem.u32 s15, s17;
	s4 =	spop (v2sf)  }
0x192: {  	(drf) =	srem.u32 s20, s25;
	s8 =	spop (drf)  }
0x193: {  	s15 =	sld [smem:$0x73A];
	s5 =	spop (v2sf)  }
0x194: {  	(drf) =	srem.u32 s21, s9;
	s2 =	spop (drf)  }
0x195: {  	(drf) =	srem.u32 s0, s22;
	s6 =	spop (v2sf)  }
0x196: {  	(v2sf) =	vpush v60, $0xF;
	v61 =	vmov s15;
	s15 =	sld [smem:$0x73D];
	s10 =	spop (drf)  }
0x197: {  	(drf) =	srem.u32 s4, s28;
	s7 =	spop (v2sf)  }
0x198: {  	(drf) =	srem.u32 s5, s29;
	s13 =	spop (drf)  }
0x199: {  	s5 =	sld [smem:$0x73B];
	s14 =	spop (drf)  }
0x19a: {  	(drf) =	srem.u32 s6, s23;
	s17 =	spop (drf)  }
0x19b: {  	(drf) =	srem.u32 s7, s11;
	s20 =	spop (drf)  }
0x19c: {  	s7 =	sld [smem:$0x73C];
	s11 =	spop (v2sf)  }
0x19d: {  	(drf) =	srem.u32 s11, s18;
	s4 =	spop (v2sf)  }
0x19e: {  	(drf) =	srem.u32 s4, s30;
	s6 =	spop (v2sf)  }
0x19f: {  	vm0 =	vcmask $0x300;
	(drf) =	srem.u32 s6, s24;
	s11 =	spop (v2sf)  }
0x1a0: {  	v39 =	vsel vm0, s5, v61;
	vm0 =	vcmask $0x704;
	(drf) =	srem.u32 s11, s3;
	s3 =	sld [smem:$0x73E]  }
0x1a1: {  	v39 =	vsel vm0, s7, v39;
	s4 =	sld [smem:$0x73F]  }
0x1a2: {  	s5 =	sld [smem:$0x740];
	v39 =	vsel vm5, s15, v39  }
0x1a3: {  	s6 =	sld [smem:$0x741];
	v39 =	vsel vm6, s3, v39  }
0x1a4: {  	s7 =	sld [smem:$0x742];
	s21 =	spop (drf);
	v39 =	vsel vm7, s4, v39  }
0x1a5: {  	s18 =	spop (v2sf);
	s11 =	sld [smem:$0x743];
	v39 =	vsel vm2, s5, v39  }
0x1a6: {  	(v2sf) =	vpush v60, $0x1;
	(drf) =	srem.u32 s18, s12;
	s12 =	sld [smem:$0x744];
	v39 =	vsel vm8, s6, v39  }
0x1a7: {  	s15 =	sld [smem:$0x745];
	v39 =	vsel vm9, s7, v39  }
0x1a8: {  	v39 =	vsel vm10, s11, v39  }
0x1a9: {  	s18 =	sld [smem:$0x746];
	v39 =	vsel vm11, s12, v39  }
0x1aa: {  	v39 =	vsel vm12, s15, v39;
	s15 =	sld [smem:$0x747];
	_ =	sdelay $0x1  }
0x1ab: {  	(v2sf) =	vpush v60, $0x2;
	v39 =	vsel vm13, s18, v39  }
0x1ac: {  	v39 =	vsel vm14, s15, v39;
	s15 =	sld [smem:$0x748]  }
0x1ad: {  	v39 =	vsel vm15, s31, v39;
	s31 =	sld [smem:$0x749]  }
0x1ae: {  	(v2sf) =	vpush v60, $0x3  }
0x1af: {  	vm0 =	vcmask $0x300;
	v40 =	vmov s15  }
0x1b0: {  	v40 =	vsel vm0, s31, v40;
	s31 =	sld [smem:$0x74A];
	_ =	sdelay $0x2  }
0x1b1: {  	s1 =	spop (drf);
	v39 =	vsel vm3, s31, v39;
	s31 =	sld [smem:$0x74B]  }
0x1b2: {  	(v2sf) =	vpush v60, $0x4;
	s0 =	spop (v2sf)  }
0x1b3: {  	(v2sf) =	vpush v60, $0x5;
	(drf) =	srem.u32 s0, s26;
	s26 =	sld [smem:$0x74D];
	vm0 =	vcmask $0x704  }
0x1b4: {  	v40 =	vsel vm0, s31, v40;
	s31 =	sld [smem:$0x74C]  }
0x1b5: {  	[smem:$0x76F] =	sst s9;
	(v2sf) =	vpush v60, $0x6;
	s3 =	spop (drf)  }
0x1b6: {  	s4 =	spop (drf);
	v40 =	vsel vm5, s26, v40;
	s26 =	sld [smem:$0x74E]  }
0x1b7: {  	s5 =	spop (drf);
	v41 =	vmov s31;
	s31 =	sld [smem:$0x750]  }
0x1b8: {  	v42 =	vmov s2;
	s2 =	sld [smem:$0x760];
	(v2sf) =	vpush v60, $0x7;
	s0 =	spop (v2sf);
	vm0 =	vcmask $0x300  }
0x1b9: {  	s6 =	spop (drf);
	v41 =	vsel vm0, s26, v41;
	s26 =	sld [smem:$0x74F];
	vm0 =	vcmask $0x704  }
0x1ba: {  	(v2sf) =	vpush v60, $0x8;
	(drf) =	srem.u32 s0, s19;
	v41 =	vsel vm0, s31, v41;
	vm0 =	vcmask $0x300;
	s31 =	sld [smem:$0x751]  }
0x1bb: {  	s0 =	spop (v2sf);
	v42 =	vsel vm0, s8, v42;
	s8 =	sld [smem:$0x752];
	vm0 =	vcmask $0x704  }
0x1bc: {  	(v2sf) =	vpush v60, $0x9;
	s7 =	spop (drf);
	v40 =	vsel vm6, s26, v40;
	v42 =	vsel vm0, s10, v42;
	s10 =	sld [smem:$0x755]  }
0x1bd: {  	(drf) =	srem.u32 s0, s16;
	v40 =	vsel vm7, s31, v40;
	s31 =	sld [smem:$0x753]  }
0x1be: {  	(v2sf) =	vpush v60, $0xA;
	s11 =	spop (drf);
	v42 =	vsel vm5, s13, v42;
	v41 =	vsel vm5, s8, v41;
	s8 =	sld [smem:$0x754]  }
0x1bf: {  	s12 =	spop (drf);
	v42 =	vsel vm6, s14, v42;
	s14 =	sld [smem:$0x758]  }
0x1c0: {  	s18 =	spop (drf);
	v41 =	vsel vm6, s10, v41;
	s10 =	sld [smem:$0x757]  }
0x1c1: {  	s26 =	spop (v2sf);
	v42 =	vsel vm7, s17, v42;
	s17 =	sld [smem:$0x75D]  }
0x1c2: {  	(drf) =	srem.u32 s26, s31;
	s26 =	spop (v2sf)  }
0x1c3: {  	v42 =	vsel vm2, s20, v42;
	v40 =	vsel vm2, s8, v40;
	(drf) =	srem.u32 s26, s25;
	s8 =	sld [smem:$0x756]  }
0x1c4: {  	s26 =	spop (v2sf);
	v42 =	vsel vm8, s21, v42;
	s21 =	sld [smem:$0x75E]  }
0x1c5: {  	(drf) =	srem.u32 s26, s9;
	s26 =	sld [smem:$0x759]  }
0x1c6: {  	(v2sf) =	vpush v60, $0xB;
	s15 =	spop (drf);
	s9 =	sld [smem:$0x75A]  }
0x1c7: {  	(v2sf) =	vpush v60, $0xC;
	v41 =	vsel vm7, s10, v41;
	s13 =	spop (v2sf);
	s10 =	sld [smem:$0x75B];
	v40 =	vsel vm8, s8, v40  }
0x1c8: {  	(v2sf) =	vpush v60, $0xD;
	(drf) =	srem.u32 s13, s22;
	v40 =	vsel vm9, s14, v40;
	s14 =	sld [smem:$0x75C]  }
0x1c9: {  	(v2sf) =	vpush v60, $0xE;
	s8 =	spop (v2sf);
	v41 =	vsel vm2, s26, v41;
	s26 =	sld [smem:$0x75F]  }
0x1ca: {  	(drf) =	srem.u32 s8, s28;
	s8 =	sld [smem:$0x761]  }
0x1cb: {  	s13 =	spop (v2sf);
	v40 =	vsel vm10, s9, v40;
	s9 =	sld [smem:$0x762]  }
0x1cc: {  	v41 =	vsel vm8, s10, v41;
	(drf) =	srem.u32 s13, s29;
	s10 =	sld [smem:$0x763]  }
0x1cd: {  	s20 =	spop (v2sf);
	s13 =	sld [smem:$0x764]  }
0x1ce: {  	v46 =	vmov s15;
	v41 =	vsel vm9, s17, v41;
	(drf) =	srem.u32 s20, s23;
	s20 =	sld [smem:$0x766]  }
0x1cf: {  	vm0 =	vcmask $0x300;
	v40 =	vsel vm11, s14, v40;
	v41 =	vsel vm10, s26, v41;
	s14 =	sld [smem:$0x765]  }
0x1d0: {  	v42 =	vsel vm9, s1, v42;
	v40 =	vsel vm12, s21, v40;
	v41 =	vsel vm11, s8, v41;
	s21 =	sld [smem:$0x767]  }
0x1d1: {  	s0 =	spop (drf);
	v42 =	vsel vm10, s3, v42;
	s17 =	smov.u32 s23;
	s23 =	sld [smem:$0x768];
	v40 =	vsel vm13, s2, v40;
	v41 =	vsel vm12, s10, v41  }
0x1d2: {  	s1 =	spop (drf);
	v42 =	vsel vm11, s4, v42;
	s26 =	sld [smem:$0x769];
	v40 =	vsel vm14, s9, v40;
	v41 =	vsel vm13, s14, v41  }
0x1d3: {  	v42 =	vsel vm12, s5, v42;
	s2 =	spop (drf);
	v40 =	vsel vm15, s13, v40;
	v41 =	vsel vm14, s21, v41;
	s13 =	sld [smem:$0x76A]  }
0x1d4: {  	v38 =	vsel vm0, s18, v46;
	v42 =	vsel vm13, s6, v42;
	s3 =	spop (drf);
	v41 =	vsel vm15, s23, v41;
	s23 =	sld [smem:$0x76B]  }
0x1d5: {  	vm0 =	vcmask $0x704;
	v42 =	vsel vm14, s7, v42;
	v41 =	vsel vm3, s26, v41;
	s26 =	spop (v2sf)  }
0x1d6: {  	v38 =	vsel vm0, s0, v38;
	v63 =	vsel vm15, s11, v42;
	v40 =	vsel vm3, s20, v40;
	(drf) =	srem.u32 s26, s13;
	s11 =	spop (v2sf)  }
0x1d7: {  	v38 =	vsel vm5, s1, v38;
	v62 =	vadd.s32 v25, v40;
	v40 =	vsel vm3, s12, v63;
	(drf) =	srem.u32 s11, s23;
	s12 =	spop (v2sf)  }
0x1d8: {  	v38 =	vsel vm6, s2, v38;
	(drf) =	srem.u32 s12, s30;
	s14 =	spop (v2sf)  }
0x1d9: {  	s4 =	spop (drf);
	v38 =	vsel vm7, s3, v38;
	(drf) =	srem.u32 s14, s24  }
0x1da: {  	v31 =	vshrl.u32 v49, $0x10;
	s5 =	spop (drf);
	v47 =	vsel vm2, s4, v38  }
0x1db: {  	v30 =	vshrl.u32 v52, $0x10;
	vm0 =	vlt.u32 v55, v51;
	s7 =	spop (drf);
	v34 =	vsel vm8, s5, v47  }
0x1dc: {  	v29 =	vshrl.u32 v54, $0x10;
	v37 =	vsel vm0, $0x1, v0;
	s8 =	spop (drf);
	v48 =	vsel vm9, s7, v34  }
0x1dd: {  	vm0 =	vlt.u32 v57, v32;
	v31 =	vadd.s32 v37, v31;
	s20 =	spop (drf);
	v32 =	vsel vm10, s8, v48  }
0x1de: {  	v49 =	vsel vm0, $0x1, v0;
	vm0 =	vlt.u32 v35, v33;
	s21 =	spop (drf);
	v32 =	vsel vm11, s20, v32  }
0x1df: {  	v30 =	vadd.s32 v49, v30;
	v33 =	vsel vm0, $0x1, v0;
	v32 =	vsel vm12, s21, v32;
	s15 =	spop (drf)  }
0x1e0: {  	v29 =	vadd.s32 v33, v29;
	v30 =	vxor.u32 v31, v30;
	v50 =	vsel vm13, s15, v32;
	s18 =	spop (drf)  }
0x1e1: {  	v29 =	vxor.u32 v29, v30;
	v51 =	vsel vm14, s18, v50;
	s20 =	spop (drf)  }
0x1e2: {  	v29 =	vmul.u32 v24, v29;
	v30 =	vsel vm15, s20, v51;
	s21 =	spop (drf)  }
0x1e3: {  	v30 =	vsel vm3, s21, v30  }
0x1e4: {  	v29 =	vadd.s32 v30, v29  }
0x1e5: {  	(v2sf) =	vpush v29, $0x0;
	_ =	sdelay $0x2  }
0x1e6: {  	(v2sf) =	vpush v29, $0xF  }
0x1e7: {  	(v2sf) =	vpush v29, $0x1  }
0x1e8: {  	(v2sf) =	vpush v29, $0x2  }
0x1e9: {  	(v2sf) =	vpush v29, $0x3  }
0x1ea: {  	(v2sf) =	vpush v29, $0x4  }
0x1eb: {  	(v2sf) =	vpush v29, $0x5  }
0x1ec: {  	(v2sf) =	vpush v29, $0x6  }
0x1ed: {  	(v2sf) =	vpush v29, $0x7  }
0x1ee: {  	(v2sf) =	vpush v29, $0x8;
	_ =	sdelay $0x1  }
0x1ef: {  	s14 =	sld [smem:$0x76C]  }
0x1f0: {  	(v2sf) =	vpush v29, $0x9  }
0x1f1: {  	v52 =	vperm.xlane v28, v5;
	s6 =	sld [smem:$0x7F6];
	s26 =	spop (v2sf)  }
0x1f2: {  	v53 =	vperm.xlane v26, v5;
	(drf) =	srem.u32 s26, s14;
	s26 =	sld [smem:$0x76D]  }
0x1f3: {  	v39 =	vadd.s32 v25, v39;
	v55 =	vmul.u32 v17, v52;
	(v2sf) =	vpush v29, $0xA  }
0x1f4: {  	v56 =	vmul.u32 v19, v53;
	v54 =	vperm.xlane v27, v5;
	[tilespmem:s6+$0xFFFFFF80] =	vst v39;
	s11 =	sld [smem:$0x76E];
	s1 =	spop (v2sf)  }
0x1f5: {  	v57 =	vshll.u32 v55, $0x10;
	[tilespmem:s6+$0xFFFFFF90] =	vst v62;
	v44 =	vadd.s32 v25, v41;
	(v2sf) =	vpush v29, $0xB;
	s2 =	spop (v2sf);
	(drf) =	srem.u32 s1, s26  }
0x1f6: {  	[smem:$0x7F6] =	sst s6;
	v45 =	vadd.s32 v25, v40;
	[tilespmem:s6+$0xFFFFFFA0] =	vst v44;
	v32 =	vsel vm1, $0x0, v54;
	v30 =	vmul.u32 v16, v52;
	s3 =	spop (v2sf)  }
0x1f7: {  	v31 =	vmul.u32 v18, v53;
	[tilespmem:s6+$0xFFFFFFB0] =	vst v45;
	v58 =	vmul.u32 v21, v32;
	(v2sf) =	vpush v29, $0xC;
	s6 =	spop (v2sf);
	(drf) =	srem.u32 s2, s11  }
0x1f8: {  	v59 =	vshll.u32 v56, $0x10;
	v32 =	vmul.u32 v20, v32;
	v35 =	vadd.s32 v30, v57;
	s7 =	spop (v2sf);
	(drf) =	srem.u32 s3, s19  }
0x1f9: {  	v37 =	vadd.s32 v31, v59;
	v60 =	vshll.u32 v58, $0x10;
	v61 =	vxor.u32 v22, v35;
	s8 =	spop (v2sf)  }
0x1fa: {  	v38 =	vadd.s32 v32, v60;
	v39 =	vxor.u32 v37, v61;
	(v2sf) =	vpush v29, $0xD;
	(drf) =	srem.u32 s6, s16;
	s9 =	spop (v2sf)  }
0x1fb: {  	s20 =	smov.u32 s16;
	v62 =	vxor.u32 v38, v39;
	(v2sf) =	vpush v29, $0xE;
	s16 =	sld [smem:$0x76F];
	s12 =	spop (v2sf)  }
0x1fc: {  	(v2sf) =	vpush v62, $0x0;
	(drf) =	srem.u32 s7, s31;
	s15 =	spop (v2sf)  }
0x1fd: {  	(drf) =	srem.u32 s8, s25;
	s4 =	spop (drf)  }
0x1fe: {  	s21 =	smov.u32 s31;
	(drf) =	srem.u32 s9, s16;
	s5 =	spop (drf)  }
0x1ff: {  	s31 =	smov.u32 s22;
	(v2sf) =	vpush v62, $0xF;
	(drf) =	srem.u32 s12, s22;
	s22 =	spop (v2sf)  }
0x200: {  	s18 =	spop (drf)  }
0x201: {  	(v2sf) =	vpush v62, $0x1;
	(drf) =	srem.u32 s15, s28;
	s10 =	spop (drf)  }
0x202: {  	s8 =	smov.u32 s29;
	(drf) =	srem.u32 s22, s29;
	s29 =	spop (v2sf)  }
0x203: {  	s1 =	spop (drf)  }
0x204: {  	[smem:$0x770] =	sst s5;
	s5 =	spop (v2sf)  }
0x205: {  	(v2sf) =	vpush v62, $0x2;
	s2 =	spop (drf)  }
0x206: {  	[smem:$0x771] =	sst s4;
	s6 =	spop (v2sf)  }
0x207: {  	(v2sf) =	vpush v62, $0x3;
	(drf) =	srem.u32 s29, s17;
	s3 =	spop (drf)  }
0x208: {  	(drf) =	srem.u32 s5, s13;
	s4 =	spop (drf)  }
0x209: {  	s22 =	smov.u32 s13;
	(v2sf) =	vpush v62, $0x4;
	(drf) =	srem.u32 s6, s23;
	s13 =	spop (v2sf)  }
0x20a: {  	(v2sf) =	vpush v62, $0x5;
	(drf) =	srem.u32 s13, s30;
	s15 =	spop (v2sf)  }
0x20b: {  	s13 =	smov.u32 s24;
	(drf) =	srem.u32 s15, s24;
	s24 =	spop (v2sf)  }
0x20c: {  	(v2sf) =	vpush v62, $0x6;
	s7 =	spop (drf)  }
0x20d: {  	[smem:$0x772] =	sst s10;
	s9 =	spop (drf)  }
0x20e: {  	[smem:$0x773] =	sst s1;
	(v2sf) =	vpush v62, $0x7;
	s29 =	spop (v2sf)  }
0x20f: {  	[smem:$0x774] =	sst s2;
	s10 =	spop (drf)  }
0x210: {  	[smem:$0x775] =	sst s3;
	(v2sf) =	vpush v62, $0x8;
	s3 =	spop (v2sf)  }
0x211: {  	(v2sf) =	vpush v62, $0x9;
	(drf) =	srem.u32 s24, s14;
	s12 =	spop (drf)  }
0x212: {  	[smem:$0x776] =	sst s4;
	s1 =	spop (drf)  }
0x213: {  	(v2sf) =	vpush v62, $0xA;
	(drf) =	srem.u32 s29, s26;
	s2 =	spop (drf)  }
0x214: {  	[smem:$0x777] =	sst s7;
	(v2sf) =	vpush v62, $0xB;
	s4 =	spop (v2sf)  }
0x215: {  	(drf) =	srem.u32 s3, s11;
	s7 =	spop (drf)  }
0x216: {  	[smem:$0x778] =	sst s9;
	s5 =	spop (v2sf)  }
0x217: {  	[smem:$0x779] =	sst s10;
	s9 =	spop (drf)  }
0x218: {  	(v2sf) =	vpush v62, $0xC;
	(drf) =	srem.u32 s4, s19;
	s6 =	spop (v2sf)  }
0x219: {  	[smem:$0x77A] =	sst s12;
	(v2sf) =	vpush v62, $0xD;
	s10 =	spop (v2sf)  }
0x21a: {  	[smem:$0x77B] =	sst s1;
	(v2sf) =	vpush v62, $0xE;
	s0 =	spop (drf)  }
0x21b: {  	(drf) =	srem.u32 s5, s20;
	s12 =	spop (v2sf)  }
0x21c: {  	(drf) =	srem.u32 s6, s21;
	s1 =	spop (drf)  }
0x21d: {  	s29 =	smov.u32 s25;
	(drf) =	srem.u32 s10, s25;
	s25 =	spop (v2sf)  }
0x21e: {  	[smem:$0x77C] =	sst s2;
	s2 =	spop (drf)  }
0x21f: {  	[smem:$0x77E] =	sst s7;
	s7 =	spop (v2sf)  }
0x220: {  	vm0 =	vcmask $0x300;
	[smem:$0x77F] =	sst s9;
	v63 =	vmov s1;
	s9 =	spop (v2sf)  }
0x221: {  	(drf) =	srem.u32 s12, s16;
	v29 =	vsel vm0, s0, v63;
	vm0 =	vcmask $0x704;
	s3 =	spop (drf)  }
0x222: {  	v29 =	vsel vm0, s2, v29;
	s10 =	spop (v2sf)  }
0x223: {  	(drf) =	srem.u32 s25, s31;
	v29 =	vsel vm5, s3, v29;
	s3 =	spop (v2sf)  }
0x224: {  	(drf) =	srem.u32 s7, s28;
	s4 =	spop (drf)  }
0x225: {  	(drf) =	srem.u32 s9, s8;
	s5 =	spop (drf)  }
0x226: {  	(drf) =	srem.u32 s10, s17;
	s12 =	spop (drf)  }
0x227: {  	v29 =	vsel vm6, s4, v29;
	(drf) =	srem.u32 s3, s22;
	s4 =	spop (v2sf)  }
0x228: {  	v29 =	vsel vm7, s5, v29;
	(drf) =	srem.u32 s4, s23;
	s5 =	spop (v2sf)  }
0x229: {  	(drf) =	srem.u32 s5, s30;
	s6 =	spop (v2sf)  }
0x22a: {  	s25 =	spop (drf);
	(drf) =	srem.u32 s6, s13  }
0x22b: {  	vm0 =	vlt.u32 v35, v30;
	v29 =	vsel vm2, s12, v29  }
0x22c: {  	v33 =	vshrl.u32 v55, $0x10;
	v30 =	vsel vm0, $0x1, v0;
	v29 =	vsel vm8, s25, v29;
	s7 =	spop (drf)  }
0x22d: {  	vm0 =	vlt.u32 v37, v31;
	v37 =	vshrl.u32 v56, $0x10;
	v29 =	vsel vm9, s7, v29;
	s9 =	spop (drf)  }
0x22e: {  	v30 =	vadd.s32 v30, v33;
	v31 =	vsel vm0, $0x1, v0;
	v29 =	vsel vm10, s9, v29;
	s10 =	spop (drf)  }
0x22f: {  	vm0 =	vlt.u32 v38, v32;
	v38 =	vshrl.u32 v58, $0x10;
	v29 =	vsel vm11, s10, v29;
	s12 =	spop (drf)  }
0x230: {  	v31 =	vadd.s32 v31, v37;
	v32 =	vsel vm0, $0x1, v0;
	s3 =	smov.u32 s22;
	v29 =	vsel vm12, s12, v29;
	s22 =	spop (drf)  }
0x231: {  	v32 =	vadd.s32 v32, v38;
	v30 =	vxor.u32 v30, v31;
	v29 =	vsel vm13, s22, v29;
	s25 =	spop (drf)  }
0x232: {  	v30 =	vxor.u32 v32, v30;
	v29 =	vsel vm14, s25, v29;
	s1 =	spop (drf)  }
0x233: {  	v30 =	vmul.u32 v24, v30;
	v29 =	vsel vm15, s1, v29;
	s2 =	spop (drf)  }
0x234: {  	v29 =	vsel vm3, s2, v29  }
0x235: {  	v30 =	vadd.s32 v29, v30  }
0x236: {  	(v2sf) =	vpush v30, $0x0  }
0x237: {  	(v2sf) =	vpush v30, $0xF  }
0x238: {  	(v2sf) =	vpush v30, $0x1  }
0x239: {  	(v2sf) =	vpush v30, $0x2  }
0x23a: {  	(v2sf) =	vpush v30, $0x3  }
0x23b: {  	(v2sf) =	vpush v30, $0x4  }
0x23c: {  	(v2sf) =	vpush v30, $0x5  }
0x23d: {  	(v2sf) =	vpush v30, $0x6  }
0x23e: {  	(v2sf) =	vpush v30, $0x7  }
0x23f: {  	(v2sf) =	vpush v30, $0x8;
	_ =	sdelay $0x1  }
0x240: {  	(v2sf) =	vpush v30, $0x9;
	_ =	sdelay $0x2  }
0x241: {  	v40 =	vperm.xlane v26, v6  }
0x242: {  	v39 =	vperm.xlane v28, v6;
	(v2sf) =	vpush v30, $0xA;
	s4 =	spop (v2sf)  }
0x243: {  	v44 =	vmul.u32 v19, v40;
	(drf) =	srem.u32 s4, s14;
	s5 =	spop (v2sf)  }
0x244: {  	v41 =	vperm.xlane v27, v6;
	v42 =	vmul.u32 v17, v39;
	(v2sf) =	vpush v30, $0xB;
	s6 =	spop (v2sf)  }
0x245: {  	v47 =	vshll.u32 v44, $0x10;
	(drf) =	srem.u32 s5, s26;
	s7 =	spop (v2sf)  }
0x246: {  	v43 =	vmul.u32 v16, v39;
	v45 =	vshll.u32 v42, $0x10;
	v32 =	vsel vm1, $0x0, v41;
	s10 =	spop (v2sf)  }
0x247: {  	s24 =	smov.u32 s11;
	v31 =	vmul.u32 v18, v40;
	v46 =	vmul.u32 v21, v32;
	(v2sf) =	vpush v30, $0xC;
	(drf) =	srem.u32 s6, s11;
	s11 =	spop (v2sf)  }
0x248: {  	v35 =	vadd.s32 v43, v45;
	v32 =	vmul.u32 v20, v32;
	(v2sf) =	vpush v30, $0xD;
	s12 =	spop (v2sf)  }
0x249: {  	v49 =	vxor.u32 v22, v35;
	v37 =	vadd.s32 v31, v47;
	v48 =	vshll.u32 v46, $0x10;
	(drf) =	srem.u32 s7, s19;
	s22 =	spop (v2sf)  }
0x24a: {  	v39 =	vxor.u32 v37, v49;
	v38 =	vadd.s32 v32, v48;
	(v2sf) =	vpush v30, $0xE;
	s5 =	spop (v2sf)  }
0x24b: {  	v50 =	vxor.u32 v38, v39;
	(drf) =	srem.u32 s10, s20;
	s6 =	spop (v2sf)  }
0x24c: {  	(v2sf) =	vpush v50, $0x0;
	(drf) =	srem.u32 s11, s21;
	s25 =	spop (drf)  }
0x24d: {  	s7 =	spop (v2sf)  }
0x24e: {  	(drf) =	srem.u32 s12, s29;
	s9 =	spop (drf)  }
0x24f: {  	(v2sf) =	vpush v50, $0xF;
	(drf) =	srem.u32 s22, s16;
	[smem:$0x77D] =	sst s9  }
0x250: {  	s2 =	spop (drf);
	(drf) =	srem.u32 s5, s31  }
0x251: {  	(v2sf) =	vpush v50, $0x1;
	s9 =	spop (v2sf);
	[smem:$0x780] =	sst s2  }
0x252: {  	s4 =	spop (drf);
	(drf) =	srem.u32 s6, s28  }
0x253: {  	(v2sf) =	vpush v50, $0x2;
	s22 =	spop (v2sf);
	[smem:$0x782] =	sst s4  }
0x254: {  	(drf) =	srem.u32 s7, s8;
	s10 =	spop (drf)  }
0x255: {  	(v2sf) =	vpush v50, $0x3;
	(drf) =	srem.u32 s9, s17;
	s11 =	spop (drf)  }
0x256: {  	(v2sf) =	vpush v50, $0x4;
	[smem:$0x784] =	sst s10;
	s2 =	spop (v2sf)  }
0x257: {  	(v2sf) =	vpush v50, $0x5;
	[smem:$0x786] =	sst s11;
	s9 =	spop (v2sf)  }
0x258: {  	(drf) =	srem.u32 s22, s3;
	s12 =	spop (drf)  }
0x259: {  	s1 =	smov.u32 s26;
	s11 =	spop (v2sf);
	[smem:$0x788] =	sst s12  }
0x25a: {  	s26 =	smov.u32 s16;
	s16 =	spop (drf);
	(drf) =	srem.u32 s2, s23  }
0x25b: {  	s12 =	spop (v2sf);
	[smem:$0x78A] =	sst s16  }
0x25c: {  	s7 =	smov.u32 s3;
	s3 =	spop (drf);
	(drf) =	srem.u32 s9, s30  }
0x25d: {  	[smem:$0x78C] =	sst s3;
	s4 =	spop (drf)  }
0x25e: {  	(v2sf) =	vpush v50, $0x6;
	(drf) =	srem.u32 s11, s13;
	s16 =	spop (v2sf)  }
0x25f: {  	[smem:$0x78E] =	sst s4;
	s5 =	spop (drf)  }
0x260: {  	(v2sf) =	vpush v50, $0x7;
	(drf) =	srem.u32 s12, s14;
	s2 =	spop (v2sf)  }
0x261: {  	[smem:$0x790] =	sst s5;
	s6 =	spop (drf)  }
0x262: {  	(v2sf) =	vpush v50, $0x8;
	(drf) =	srem.u32 s16, s1;
	s3 =	spop (v2sf)  }
0x263: {  	[smem:$0x792] =	sst s6;
	s22 =	spop (drf)  }
0x264: {  	(v2sf) =	vpush v50, $0x9;
	(drf) =	srem.u32 s2, s24;
	s4 =	spop (v2sf)  }
0x265: {  	[smem:$0x794] =	sst s22;
	s5 =	spop (v2sf)  }
0x266: {  	(v2sf) =	vpush v50, $0xA;
	(drf) =	srem.u32 s3, s19;
	s12 =	spop (v2sf)  }
0x267: {  	s11 =	smov.u32 s1;
	(v2sf) =	vpush v50, $0xB;
	(drf) =	srem.u32 s4, s20;
	s1 =	spop (drf)  }
0x268: {  	(v2sf) =	vpush v50, $0xC;
	(drf) =	srem.u32 s5, s21;
	s6 =	spop (drf)  }
0x269: {  	(v2sf) =	vpush v50, $0xD;
	[smem:$0x796] =	sst s1;
	s9 =	spop (drf)  }
0x26a: {  	[smem:$0x798] =	sst s6;
	s0 =	spop (drf)  }
0x26b: {  	(v2sf) =	vpush v50, $0xE;
	[smem:$0x79B] =	sst s9;
	s1 =	spop (drf)  }
0x26c: {  	(drf) =	srem.u32 s12, s29  }
0x26d: {  	s2 =	spop (v2sf)  }
0x26e: {  	(drf) =	srem.u32 s2, s26;
	s2 =	spop (drf)  }
0x26f: {  	s22 =	spop (v2sf)  }
0x270: {  	s3 =	spop (drf)  }
0x271: {  	s9 =	spop (v2sf)  }
0x272: {  	s4 =	spop (drf)  }
0x273: {  	s12 =	spop (v2sf)  }
0x274: {  	(drf) =	srem.u32 s22, s31;
	s5 =	spop (drf)  }
0x275: {  	vm0 =	vcmask $0x300;
	v51 =	vmov s1;
	(drf) =	srem.u32 s9, s28;
	s22 =	spop (v2sf)  }
0x276: {  	v30 =	vsel vm0, s0, v51;
	vm0 =	vcmask $0x704;
	(drf) =	srem.u32 s12, s8;
	s12 =	spop (v2sf)  }
0x277: {  	v30 =	vsel vm0, s2, v30;
	(drf) =	srem.u32 s22, s17;
	s22 =	spop (v2sf)  }
0x278: {  	v30 =	vsel vm5, s3, v30;
	(drf) =	srem.u32 s12, s7;
	s3 =	spop (v2sf)  }
0x279: {  	(drf) =	srem.u32 s22, s23;
	s6 =	spop (drf)  }
0x27a: {  	v30 =	vsel vm6, s4, v30;
	(drf) =	srem.u32 s3, s30;
	s4 =	spop (v2sf)  }
0x27b: {  	v30 =	vsel vm7, s5, v30;
	s9 =	spop (drf);
	(drf) =	srem.u32 s4, s13  }
0x27c: {  	v33 =	vshrl.u32 v42, $0x10;
	v30 =	vsel vm2, s6, v30  }
0x27d: {  	v53 =	vshrl.u32 v46, $0x10;
	vm0 =	vlt.u32 v35, v43;
	v30 =	vsel vm8, s9, v30;
	s5 =	spop (drf)  }
0x27e: {  	v29 =	vshrl.u32 v44, $0x10;
	v34 =	vsel vm0, $0x1, v0;
	v30 =	vsel vm9, s5, v30;
	s6 =	spop (drf)  }
0x27f: {  	vm0 =	vlt.u32 v37, v31;
	v33 =	vadd.s32 v34, v33;
	v30 =	vsel vm10, s6, v30;
	s9 =	spop (drf)  }
0x280: {  	v31 =	vsel vm0, $0x1, v0;
	vm0 =	vlt.u32 v38, v32;
	v30 =	vsel vm11, s9, v30;
	s22 =	spop (drf)  }
0x281: {  	v29 =	vadd.s32 v31, v29;
	v52 =	vsel vm0, $0x1, v0;
	s12 =	smov.u32 s30;
	v30 =	vsel vm12, s22, v30;
	s30 =	spop (drf)  }
0x282: {  	v31 =	vadd.s32 v52, v53;
	v29 =	vxor.u32 v33, v29;
	v30 =	vsel vm13, s30, v30;
	s1 =	spop (drf)  }
0x283: {  	v29 =	vxor.u32 v31, v29;
	v30 =	vsel vm14, s1, v30;
	s2 =	spop (drf)  }
0x284: {  	v29 =	vmul.u32 v24, v29;
	v30 =	vsel vm15, s2, v30;
	s3 =	spop (drf)  }
0x285: {  	v30 =	vsel vm3, s3, v30  }
0x286: {  	v30 =	vadd.s32 v30, v29  }
0x287: {  	(v2sf) =	vpush v30, $0x0  }
0x288: {  	(v2sf) =	vpush v30, $0xF;
	_ =	sdelay $0x1  }
0x289: {  	(v2sf) =	vpush v30, $0x1  }
0x28a: {  	(v2sf) =	vpush v30, $0x2  }
0x28b: {  	(v2sf) =	vpush v30, $0x3  }
0x28c: {  	(v2sf) =	vpush v30, $0x4  }
0x28d: {  	(v2sf) =	vpush v30, $0x5  }
0x28e: {  	(v2sf) =	vpush v30, $0x6  }
0x28f: {  	(v2sf) =	vpush v30, $0x7;
	_ =	sdelay $0x2  }
0x290: {  	(v2sf) =	vpush v30, $0x8;
	_ =	sdelay $0x1  }
0x291: {  	(v2sf) =	vpush v30, $0x9  }
0x292: {  	s4 =	spop (v2sf)  }
0x293: {  	v54 =	vperm.xlane v28, v7;
	(v2sf) =	vpush v30, $0xA;
	(drf) =	srem.u32 s4, s14;
	s5 =	spop (v2sf)  }
0x294: {  	v55 =	vperm.xlane v26, v7;
	(drf) =	srem.u32 s5, s11  }
0x295: {  	v57 =	vmul.u32 v17, v54;
	v56 =	vperm.xlane v27, v7;
	(v2sf) =	vpush v30, $0xB;
	s9 =	spop (v2sf)  }
0x296: {  	v59 =	vmul.u32 v19, v55;
	v58 =	vmul.u32 v16, v54;
	(drf) =	srem.u32 s9, s24;
	s22 =	spop (v2sf)  }
0x297: {  	v60 =	vshll.u32 v57, $0x10;
	v32 =	vsel vm1, $0x0, v56;
	(v2sf) =	vpush v30, $0xC;
	s2 =	spop (v2sf)  }
0x298: {  	v35 =	vadd.s32 v58, v60;
	v61 =	vmul.u32 v21, v32;
	v31 =	vmul.u32 v18, v55;
	(drf) =	srem.u32 s22, s19;
	s3 =	spop (v2sf)  }
0x299: {  	v62 =	vshll.u32 v59, $0x10;
	v42 =	vxor.u32 v22, v35;
	v32 =	vmul.u32 v20, v32;
	s4 =	spop (v2sf)  }
0x29a: {  	v63 =	vshll.u32 v61, $0x10;
	v37 =	vadd.s32 v31, v62;
	(v2sf) =	vpush v30, $0xD;
	(drf) =	srem.u32 s2, s20;
	s5 =	spop (v2sf)  }
0x29b: {  	v38 =	vadd.s32 v32, v63;
	v39 =	vxor.u32 v37, v42;
	(v2sf) =	vpush v30, $0xE;
	s22 =	spop (v2sf)  }
0x29c: {  	v43 =	vxor.u32 v38, v39;
	(drf) =	srem.u32 s3, s21;
	s30 =	spop (drf)  }
0x29d: {  	(v2sf) =	vpush v43, $0x0;
	(drf) =	srem.u32 s4, s29;
	s1 =	spop (drf)  }
0x29e: {  	[smem:$0x783] =	sst s30;
	s30 =	spop (v2sf)  }
0x29f: {  	(drf) =	srem.u32 s5, s26;
	s9 =	spop (drf)  }
0x2a0: {  	(v2sf) =	vpush v43, $0xF;
	[smem:$0x781] =	sst s1;
	s1 =	spop (v2sf)  }
0x2a1: {  	s15 =	smov.u32 s21;
	(drf) =	srem.u32 s22, s31;
	s21 =	spop (drf)  }
0x2a2: {  	(v2sf) =	vpush v43, $0x1;
	(drf) =	srem.u32 s30, s28;
	s2 =	spop (v2sf)  }
0x2a3: {  	[smem:$0x785] =	sst s9;
	s3 =	spop (drf)  }
0x2a4: {  	[smem:$0x787] =	sst s21;
	s21 =	spop (v2sf)  }
0x2a5: {  	(v2sf) =	vpush v43, $0x2;
	(drf) =	srem.u32 s1, s8;
	s4 =	spop (drf)  }
0x2a6: {  	(v2sf) =	vpush v43, $0x3;
	(drf) =	srem.u32 s2, s17;
	s22 =	spop (v2sf)  }
0x2a7: {  	(drf) =	srem.u32 s21, s7;
	s5 =	spop (drf)  }
0x2a8: {  	(v2sf) =	vpush v43, $0x4;
	(drf) =	srem.u32 s22, s23;
	s9 =	spop (drf)  }
0x2a9: {  	[smem:$0x78D] =	sst s5;
	s5 =	spop (v2sf)  }
0x2aa: {  	(v2sf) =	vpush v43, $0x5;
	[smem:$0x78F] =	sst s9;
	s9 =	spop (v2sf)  }
0x2ab: {  	[smem:$0x789] =	sst s3;
	(v2sf) =	vpush v43, $0x6;
	s1 =	spop (drf)  }
0x2ac: {  	[smem:$0x78B] =	sst s4;
	s21 =	spop (v2sf)  }
0x2ad: {  	(drf) =	srem.u32 s5, s12;
	s2 =	spop (drf)  }
0x2ae: {  	(v2sf) =	vpush v43, $0x7;
	(drf) =	srem.u32 s9, s13;
	s3 =	spop (drf)  }
0x2af: {  	[smem:$0x791] =	sst s1;
	s22 =	spop (v2sf)  }
0x2b0: {  	(v2sf) =	vpush v43, $0x8;
	[smem:$0x793] =	sst s2;
	s4 =	spop (drf)  }
0x2b1: {  	(v2sf) =	vpush v43, $0x9;
	[smem:$0x795] =	sst s3;
	s3 =	spop (v2sf)  }
0x2b2: {  	(drf) =	srem.u32 s21, s14;
	s1 =	spop (drf)  }
0x2b3: {  	(drf) =	srem.u32 s22, s11;
	s2 =	spop (drf)  }
0x2b4: {  	(v2sf) =	vpush v43, $0xA;
	[smem:$0x797] =	sst s4;
	s4 =	spop (v2sf)  }
0x2b5: {  	s10 =	smov.u32 s23;
	(drf) =	srem.u32 s3, s24;
	s5 =	spop (v2sf)  }
0x2b6: {  	s16 =	smov.u32 s19;
	s21 =	smov.u32 s11;
	(v2sf) =	vpush v43, $0xB;
	s11 =	spop (drf)  }
0x2b7: {  	s19 =	smov.u32 s20;
	(drf) =	srem.u32 s4, s16;
	s9 =	spop (v2sf)  }
0x2b8: {  	s23 =	smov.u32 s13;
	(v2sf) =	vpush v43, $0xC;
	(drf) =	srem.u32 s5, s20;
	s13 =	spop (drf)  }
0x2b9: {  	(v2sf) =	vpush v43, $0xD;
	s20 =	smov.u32 s15;
	(drf) =	srem.u32 s9, s15;
	s15 =	spop (v2sf)  }
0x2ba: {  	s22 =	smov.u32 s16;
	[smem:$0x799] =	sst s1;
	(v2sf) =	vpush v43, $0xE;
	s16 =	spop (v2sf)  }
0x2bb: {  	[smem:$0x79C] =	sst s11;
	s0 =	spop (drf)  }
0x2bc: {  	(drf) =	srem.u32 s15, s29;
	s1 =	spop (drf)  }
0x2bd: {  	s11 =	smov.u32 s26;
	(drf) =	srem.u32 s16, s26;
	s26 =	spop (v2sf)  }
0x2be: {  	[smem:$0x79A] =	sst s2;
	s2 =	spop (drf)  }
0x2bf: {  	s9 =	spop (v2sf)  }
0x2c0: {  	[smem:$0x79D] =	sst s13;
	s13 =	spop (v2sf)  }
0x2c1: {  	s3 =	spop (drf)  }
0x2c2: {  	[smem:$0x79E] =	sst s28;
	vm0 =	vcmask $0x300;
	v44 =	vmov s1;
	s4 =	spop (drf)  }
0x2c3: {  	(drf) =	srem.u32 s26, s31;
	v30 =	vsel vm0, s0, v44;
	vm0 =	vcmask $0x704;
	s15 =	spop (v2sf)  }
0x2c4: {  	v30 =	vsel vm0, s2, v30;
	(drf) =	srem.u32 s9, s28;
	s5 =	spop (drf)  }
0x2c5: {  	(drf) =	srem.u32 s13, s8;
	v30 =	vsel vm5, s3, v30;
	s3 =	spop (v2sf)  }
0x2c6: {  	s16 =	smov.u32 s28;
	(drf) =	srem.u32 s15, s17;
	s28 =	spop (drf)  }
0x2c7: {  	v30 =	vsel vm6, s4, v30;
	(drf) =	srem.u32 s3, s7;
	s9 =	spop (v2sf)  }
0x2c8: {  	v30 =	vsel vm7, s5, v30;
	(drf) =	srem.u32 s9, s10;
	s15 =	spop (v2sf)  }
0x2c9: {  	v30 =	vsel vm2, s28, v30;
	(drf) =	srem.u32 s15, s12;
	s28 =	spop (v2sf)  }
0x2ca: {  	s26 =	smov.u32 s31;
	s31 =	spop (drf);
	(drf) =	srem.u32 s28, s23  }
0x2cb: {  	v33 =	vshrl.u32 v57, $0x10  }
0x2cc: {  	v46 =	vshrl.u32 v61, $0x10;
	vm0 =	vlt.u32 v35, v58;
	v30 =	vsel vm8, s31, v30;
	s31 =	spop (drf)  }
0x2cd: {  	v29 =	vshrl.u32 v59, $0x10;
	v34 =	vsel vm0, $0x1, v0;
	v30 =	vsel vm9, s31, v30;
	s1 =	spop (drf)  }
0x2ce: {  	vm0 =	vlt.u32 v37, v31;
	v33 =	vadd.s32 v34, v33;
	v30 =	vsel vm10, s1, v30;
	s2 =	spop (drf)  }
0x2cf: {  	v31 =	vsel vm0, $0x1, v0;
	vm0 =	vlt.u32 v38, v32;
	v30 =	vsel vm11, s2, v30;
	s4 =	spop (drf)  }
0x2d0: {  	v29 =	vadd.s32 v31, v29;
	v45 =	vsel vm0, $0x1, v0;
	v30 =	vsel vm12, s4, v30;
	s5 =	spop (drf)  }
0x2d1: {  	s13 =	smov.u32 s7;
	v31 =	vadd.s32 v45, v46;
	v29 =	vxor.u32 v33, v29;
	v30 =	vsel vm13, s5, v30;
	s7 =	spop (drf)  }
0x2d2: {  	v29 =	vxor.u32 v31, v29;
	v30 =	vsel vm14, s7, v30;
	s9 =	spop (drf)  }
0x2d3: {  	s3 =	smov.u32 s10;
	v29 =	vmul.u32 v24, v29;
	v30 =	vsel vm15, s9, v30;
	s10 =	spop (drf)  }
0x2d4: {  	v30 =	vsel vm3, s10, v30  }
0x2d5: {  	v47 =	vadd.s32 v30, v29  }
0x2d6: {  	(v2sf) =	vpush v47, $0x0  }
0x2d7: {  	(v2sf) =	vpush v47, $0xF  }
0x2d8: {  	(v2sf) =	vpush v47, $0x1  }
0x2d9: {  	(v2sf) =	vpush v47, $0x2  }
0x2da: {  	(v2sf) =	vpush v47, $0x3;
	_ =	sdelay $0x1  }
0x2db: {  	(v2sf) =	vpush v47, $0x4  }
0x2dc: {  	(v2sf) =	vpush v47, $0x5  }
0x2dd: {  	(v2sf) =	vpush v47, $0x6  }
0x2de: {  	(v2sf) =	vpush v47, $0x7  }
0x2df: {  	(v2sf) =	vpush v47, $0x8;
	_ =	sdelay $0x1  }
0x2e0: {  	(v2sf) =	vpush v47, $0x9;
	_ =	sdelay $0x1  }
0x2e1: {  	(v2sf) =	vpush v47, $0xA  }
0x2e2: {  	s15 =	spop (v2sf)  }
0x2e3: {  	s28 =	smov.u32 s23;
	(v2sf) =	vpush v47, $0xB;
	(drf) =	srem.u32 s15, s14;
	s23 =	spop (v2sf)  }
0x2e4: {  	(drf) =	srem.u32 s23, s21;
	s31 =	spop (v2sf)  }
0x2e5: {  	(v2sf) =	vpush v47, $0xC;
	(drf) =	srem.u32 s31, s24;
	s1 =	spop (v2sf)  }
0x2e6: {  	(drf) =	srem.u32 s1, s22;
	s2 =	spop (v2sf)  }
0x2e7: {  	s1 =	sld [smem:$0x774];
	(drf) =	srem.u32 s2, s19  }
0x2e8: {  	s4 =	spop (v2sf);
	s2 =	sld [smem:$0x770]  }
0x2e9: {  	v50 =	vperm.xlane v27, v8;
	(drf) =	srem.u32 s4, s20;
	s5 =	spop (v2sf)  }
0x2ea: {  	v48 =	vperm.xlane v28, v8;
	s6 =	smov.u32 s14;
	(drf) =	srem.u32 s5, s29;
	s14 =	spop (v2sf)  }
0x2eb: {  	v49 =	vperm.xlane v26, v8;
	v51 =	vsel vm1, $0x0, v50;
	s5 =	sld [smem:$0x771];
	s15 =	spop (v2sf)  }
0x2ec: {  	v55 =	vmul.u32 v20, v51;
	v34 =	vmul.u32 v16, v48;
	v31 =	vmul.u32 v17, v48;
	s31 =	smov.u32 s20;
	(drf) =	srem.u32 s14, s11;
	s20 =	spop (v2sf)  }
0x2ed: {  	v30 =	vmul.u32 v19, v49;
	v29 =	vmul.u32 v21, v51;
	v58 =	vmov s2;
	s2 =	sld [smem:$0x775];
	s9 =	spop (drf)  }
0x2ee: {  	vm0 =	vcmask $0x300;
	v33 =	vmul.u32 v18, v49;
	v52 =	vshll.u32 v31, $0x10;
	(drf) =	srem.u32 s15, s26;
	s4 =	spop (v2sf)  }
0x2ef: {  	v53 =	vadd.s32 v34, v52;
	v54 =	vshll.u32 v30, $0x10;
	v56 =	vshll.u32 v29, $0x10;
	(drf) =	srem.u32 s20, s16;
	s7 =	spop (drf)  }
0x2f0: {  	v57 =	vxor.u32 v22, v53;
	v36 =	vadd.s32 v33, v54;
	v35 =	vadd.s32 v55, v56;
	s16 =	sld [smem:$0x772];
	s14 =	spop (v2sf)  }
0x2f1: {  	v39 =	vxor.u32 v36, v57;
	v60 =	vsel vm0, s5, v58;
	vm0 =	vcmask $0x704;
	(drf) =	srem.u32 s4, s8;
	s10 =	spop (drf)  }
0x2f2: {  	v59 =	vxor.u32 v35, v39;
	v39 =	vsel vm0, s18, v60;
	s18 =	sld [smem:$0x773];
	s15 =	spop (v2sf)  }
0x2f3: {  	s23 =	smov.u32 s22;
	(drf) =	srem.u32 s14, s17;
	s22 =	spop (drf)  }
0x2f4: {  	s20 =	smov.u32 s17;
	v39 =	vsel vm5, s16, v39;
	(drf) =	srem.u32 s15, s13;
	s17 =	spop (v2sf)  }
0x2f5: {  	s14 =	smov.u32 s3;
	v39 =	vsel vm6, s18, v39;
	(drf) =	srem.u32 s17, s3;
	s3 =	sld [smem:$0x776]  }
0x2f6: {  	s4 =	sld [smem:$0x777];
	v39 =	vsel vm7, s1, v39  }
0x2f7: {  	s5 =	sld [smem:$0x778];
	v39 =	vsel vm2, s2, v39  }
0x2f8: {  	s30 =	smov.u32 s8;
	s8 =	sld [smem:$0x779];
	v39 =	vsel vm8, s3, v39  }
0x2f9: {  	s15 =	sld [smem:$0x77A];
	v39 =	vsel vm9, s4, v39  }
0x2fa: {  	v39 =	vsel vm10, s5, v39  }
0x2fb: {  	s16 =	sld [smem:$0x77B];
	v39 =	vsel vm11, s8, v39  }
0x2fc: {  	v39 =	vsel vm12, s15, v39;
	s15 =	sld [smem:$0x77C];
	_ =	sdelay $0x1  }
0x2fd: {  	v39 =	vsel vm13, s16, v39  }
0x2fe: {  	v39 =	vsel vm14, s15, v39;
	s15 =	sld [smem:$0x77D];
	_ =	sdelay $0x2  }
0x2ff: {  	s0 =	sld [smem:$0x77E];
	vm0 =	vcmask $0x300;
	v61 =	vmov s15  }
0x300: {  	v40 =	vsel vm0, s25, v61;
	s25 =	sld [smem:$0x77F];
	_ =	sdelay $0x1  }
0x301: {  	v39 =	vsel vm15, s0, v39  }
0x302: {  	(v2sf) =	vpush v47, $0xD;
	v39 =	vsel vm3, s25, v39;
	s25 =	sld [smem:$0x780]  }
0x303: {  	(v2sf) =	vpush v47, $0xE  }
0x304: {  	(v2sf) =	vpush v59, $0x0;
	vm0 =	vcmask $0x704  }
0x305: {  	v40 =	vsel vm0, s25, v40;
	s25 =	sld [smem:$0x781];
	_ =	sdelay $0x2  }
0x306: {  	v62 =	vmov s25;
	s25 =	sld [smem:$0x782]  }
0x307: {  	(v2sf) =	vpush v59, $0xF  }
0x308: {  	s18 =	spop (drf)  }
0x309: {  	(v2sf) =	vpush v59, $0x1;
	s1 =	spop (drf);
	v40 =	vsel vm5, s25, v40;
	s25 =	sld [smem:$0x783]  }
0x30a: {  	s2 =	spop (drf)  }
0x30b: {  	s3 =	spop (drf);
	vm0 =	vcmask $0x300  }
0x30c: {  	(v2sf) =	vpush v59, $0x2;
	s4 =	spop (drf);
	v41 =	vsel vm0, s25, v62;
	s25 =	sld [smem:$0x784]  }
0x30d: {  	s5 =	spop (drf)  }
0x30e: {  	(v2sf) =	vpush v59, $0x3;
	s8 =	spop (drf)  }
0x30f: {  	s0 =	spop (v2sf);
	v40 =	vsel vm6, s25, v40;
	s25 =	sld [smem:$0x785]  }
0x310: {  	(drf) =	srem.u32 s0, s12;
	s0 =	spop (v2sf)  }
0x311: {  	(v2sf) =	vpush v59, $0x4;
	(drf) =	srem.u32 s0, s28;
	s0 =	spop (v2sf);
	vm0 =	vcmask $0x704  }
0x312: {  	v63 =	vmov s7;
	(drf) =	srem.u32 s0, s6;
	v41 =	vsel vm0, s25, v41;
	vm0 =	vcmask $0x300;
	s25 =	smov.u32 s6;
	s6 =	sld [smem:$0x786]  }
0x313: {  	(v2sf) =	vpush v59, $0x5;
	s17 =	spop (drf);
	v42 =	vsel vm0, s9, v63;
	s9 =	sld [smem:$0x787];
	vm0 =	vcmask $0x704  }
0x314: {  	s16 =	spop (drf);
	v42 =	vsel vm0, s10, v42;
	s10 =	sld [smem:$0x788]  }
0x315: {  	(v2sf) =	vpush v59, $0x6;
	s15 =	spop (drf);
	v42 =	vsel vm5, s22, v42;
	s22 =	sld [smem:$0x78B]  }
0x316: {  	s0 =	spop (v2sf);
	v40 =	vsel vm7, s6, v40;
	s6 =	sld [smem:$0x78F]  }
0x317: {  	(drf) =	srem.u32 s0, s21;
	v41 =	vsel vm5, s9, v41;
	s9 =	smov.u32 s21;
	s21 =	sld [smem:$0x789];
	v42 =	vsel vm6, s18, v42  }
0x318: {  	s0 =	spop (v2sf);
	v40 =	vsel vm2, s10, v40;
	s10 =	sld [smem:$0x78A];
	v42 =	vsel vm7, s1, v42  }
0x319: {  	(drf) =	srem.u32 s0, s24;
	v42 =	vsel vm2, s2, v42;
	s2 =	sld [smem:$0x793]  }
0x31a: {  	(v2sf) =	vpush v59, $0x7;
	s0 =	spop (drf);
	v42 =	vsel vm8, s3, v42;
	s3 =	sld [smem:$0x794]  }
0x31b: {  	v41 =	vsel vm6, s21, v41;
	s21 =	smov.u32 s24;
	s24 =	spop (v2sf);
	v40 =	vsel vm8, s10, v40;
	s10 =	sld [smem:$0x78C]  }
0x31c: {  	(v2sf) =	vpush v59, $0x8;
	v41 =	vsel vm7, s22, v41;
	(drf) =	srem.u32 s24, s23;
	s22 =	sld [smem:$0x78D]  }
0x31d: {  	s24 =	spop (v2sf);
	v42 =	vsel vm9, s4, v42;
	s4 =	sld [smem:$0x795]  }
0x31e: {  	(v2sf) =	vpush v59, $0x9;
	(drf) =	srem.u32 s24, s19;
	s24 =	sld [smem:$0x78E];
	v42 =	vsel vm10, s5, v42  }
0x31f: {  	s1 =	spop (drf);
	v42 =	vsel vm11, s8, v42;
	s8 =	sld [smem:$0x798]  }
0x320: {  	s18 =	smov.u32 s23;
	(v2sf) =	vpush v59, $0xA;
	s23 =	spop (v2sf);
	v40 =	vsel vm9, s10, v40;
	s10 =	sld [smem:$0x790]  }
0x321: {  	(v2sf) =	vpush v59, $0xB;
	(drf) =	srem.u32 s23, s31;
	v41 =	vsel vm2, s22, v41;
	s22 =	sld [smem:$0x791]  }
0x322: {  	(v2sf) =	vpush v59, $0xC;
	s7 =	spop (v2sf);
	v40 =	vsel vm10, s24, v40;
	s24 =	smov.u32 s31;
	s31 =	sld [smem:$0x792]  }
0x323: {  	(v2sf) =	vpush v59, $0xD;
	(drf) =	srem.u32 s7, s29;
	s7 =	sld [smem:$0x797];
	v42 =	vsel vm12, s17, v42;
	v41 =	vsel vm8, s6, v41  }
0x324: {  	s23 =	spop (v2sf);
	s17 =	sld [smem:$0x79B];
	(v2sf) =	vpush v59, $0xE;
	v40 =	vsel vm11, s10, v40;
	v41 =	vsel vm9, s22, v41  }
0x325: {  	(drf) =	srem.u32 s23, s11;
	v40 =	vsel vm12, s31, v40;
	v41 =	vsel vm10, s2, v41;
	s2 =	spop (drf)  }
0x326: {  	s10 =	sld [smem:$0x799];
	v40 =	vsel vm13, s3, v40;
	s3 =	spop (drf)  }
0x327: {  	s6 =	sld [smem:$0x796];
	v41 =	vsel vm11, s4, v41;
	s4 =	spop (drf)  }
0x328: {  	v42 =	vsel vm13, s16, v42;
	s31 =	smov.u32 s11;
	s11 =	sld [smem:$0x79A];
	v41 =	vsel vm12, s7, v41;
	s5 =	spop (drf)  }
0x329: {  	s23 =	sld [smem:$0x7F6];
	v42 =	vsel vm14, s15, v42;
	v41 =	vsel vm13, s10, v41;
	s10 =	spop (v2sf)  }
0x32a: {  	s15 =	sld [smem:$0x79E];
	v47 =	vsel vm15, s0, v42;
	s0 =	spop (drf)  }
0x32b: {  	s22 =	sld [smem:$0x79C];
	v40 =	vsel vm14, s6, v40;
	v41 =	vsel vm14, s11, v41;
	s11 =	spop (v2sf)  }
0x32c: {  	v49 =	vsel vm3, s1, v47;
	v40 =	vsel vm15, s8, v40;
	s8 =	sld [smem:$0x79D];
	s1 =	spop (drf)  }
0x32d: {  	v39 =	vadd.s32 v25, v39;
	(drf) =	srem.u32 s10, s26;
	s16 =	spop (v2sf)  }
0x32e: {  	vm0 =	vcmask $0x300;
	v50 =	vadd.s32 v25, v49;
	v51 =	vmov s3;
	(drf) =	srem.u32 s11, s15;
	s6 =	spop (drf)  }
0x32f: {  	[tilespmem:s23+$0xFFFFFFC0] =	vst v39;
	v38 =	vsel vm0, s2, v51;
	v40 =	vsel vm3, s17, v40;
	v41 =	vsel vm15, s22, v41;
	(drf) =	srem.u32 s16, s30;
	s17 =	spop (v2sf)  }
0x330: {  	[tilespmem:s23+$0xFFFFFFF0] =	vst v50;
	vm0 =	vcmask $0x704;
	v45 =	vadd.s32 v25, v40;
	v46 =	vsel vm3, s8, v41;
	s16 =	smov.u32 s20;
	(drf) =	srem.u32 s17, s20;
	s20 =	spop (v2sf)  }
0x331: {  	v38 =	vsel vm0, s4, v38;
	[tilespmem:s23+$0xFFFFFFD0] =	vst v45;
	v48 =	vadd.s32 v25, v46;
	(drf) =	srem.u32 s20, s13;
	s22 =	spop (v2sf)  }
0x332: {  	v38 =	vsel vm5, s5, v38;
	[tilespmem:s23+$0xFFFFFFE0] =	vst v48;
	(drf) =	srem.u32 s22, s14;
	s23 =	spop (v2sf)  }
0x333: {  	v38 =	vsel vm6, s0, v38;
	(drf) =	srem.u32 s23, s12;
	s3 =	spop (v2sf)  }
0x334: {  	s7 =	spop (drf);
	v38 =	vsel vm7, s1, v38;
	(drf) =	srem.u32 s3, s28  }
0x335: {  	v31 =	vshrl.u32 v31, $0x10;
	v52 =	vsel vm2, s6, v38  }
0x336: {  	v30 =	vshrl.u32 v30, $0x10;
	vm0 =	vlt.u32 v53, v34;
	v34 =	vsel vm8, s7, v52;
	s4 =	spop (drf)  }
0x337: {  	v29 =	vshrl.u32 v29, $0x10;
	v37 =	vsel vm0, $0x1, v0;
	v53 =	vsel vm9, s4, v34;
	s5 =	spop (drf)  }
0x338: {  	vm0 =	vlt.u32 v36, v33;
	v31 =	vadd.s32 v37, v31;
	v33 =	vsel vm10, s5, v53;
	s6 =	spop (drf)  }
0x339: {  	v54 =	vsel vm0, $0x1, v0;
	vm0 =	vlt.u32 v35, v55;
	v55 =	vsel vm11, s6, v33;
	s7 =	spop (drf)  }
0x33a: {  	v30 =	vadd.s32 v54, v30;
	v56 =	vsel vm0, $0x1, v0;
	v32 =	vsel vm12, s7, v55;
	s8 =	spop (drf)  }
0x33b: {  	v29 =	vadd.s32 v56, v29;
	v30 =	vxor.u32 v31, v30;
	v57 =	vsel vm13, s8, v32;
	s10 =	spop (drf)  }
0x33c: {  	v29 =	vxor.u32 v29, v30;
	v58 =	vsel vm14, s10, v57;
	s17 =	spop (drf)  }
0x33d: {  	v29 =	vmul.u32 v24, v29;
	v30 =	vsel vm15, s17, v58;
	s20 =	spop (drf)  }
0x33e: {  	v30 =	vsel vm3, s20, v30  }
0x33f: {  	v29 =	vadd.s32 v30, v29  }
0x340: {  	(v2sf) =	vpush v29, $0x0  }
0x341: {  	(v2sf) =	vpush v29, $0xF  }
0x342: {  	(v2sf) =	vpush v29, $0x1  }
0x343: {  	(v2sf) =	vpush v29, $0x2  }
0x344: {  	(v2sf) =	vpush v29, $0x3  }
0x345: {  	(v2sf) =	vpush v29, $0x4  }
0x346: {  	(v2sf) =	vpush v29, $0x5  }
0x347: {  	(v2sf) =	vpush v29, $0x6  }
0x348: {  	(v2sf) =	vpush v29, $0x7  }
0x349: {  	(v2sf) =	vpush v29, $0x8;
	_ =	sdelay $0x1  }
0x34a: {  	(v2sf) =	vpush v29, $0x9;
	_ =	sdelay $0x1  }
0x34b: {  	(v2sf) =	vpush v29, $0xA;
	_ =	sdelay $0x1  }
0x34c: {  	s22 =	spop (v2sf)  }
0x34d: {  	v60 =	vperm.xlane v26, v9;
	s10 =	smov.u32 s25;
	(v2sf) =	vpush v29, $0xB;
	(drf) =	srem.u32 s22, s25;
	s25 =	spop (v2sf)  }
0x34e: {  	v59 =	vperm.xlane v28, v9;
	s23 =	smov.u32 s28;
	s28 =	spop (v2sf)  }
0x34f: {  	v61 =	vperm.xlane v27, v9;
	v63 =	vmul.u32 v19, v60;
	(v2sf) =	vpush v29, $0xC;
	(drf) =	srem.u32 s25, s9;
	s1 =	spop (v2sf)  }
0x350: {  	v62 =	vmul.u32 v17, v59;
	s4 =	spop (v2sf)  }
0x351: {  	v44 =	vshll.u32 v63, $0x10;
	v32 =	vsel vm1, $0x0, v61;
	v30 =	vmul.u32 v16, v59;
	(drf) =	srem.u32 s28, s21;
	s5 =	spop (v2sf)  }
0x352: {  	v42 =	vshll.u32 v62, $0x10;
	v31 =	vmul.u32 v18, v60;
	v43 =	vmul.u32 v21, v32;
	(drf) =	srem.u32 s1, s18;
	s6 =	spop (v2sf)  }
0x353: {  	v32 =	vmul.u32 v20, v32;
	v35 =	vadd.s32 v30, v42;
	(v2sf) =	vpush v29, $0xD;
	s8 =	spop (v2sf)  }
0x354: {  	v37 =	vadd.s32 v31, v44;
	v45 =	vshll.u32 v43, $0x10;
	v46 =	vxor.u32 v22, v35;
	(drf) =	srem.u32 s4, s19;
	s25 =	spop (v2sf)  }
0x355: {  	v38 =	vadd.s32 v32, v45;
	v39 =	vxor.u32 v37, v46;
	(v2sf) =	vpush v29, $0xE;
	(drf) =	srem.u32 s5, s24;
	s28 =	spop (v2sf)  }
0x356: {  	v47 =	vxor.u32 v38, v39;
	(drf) =	srem.u32 s6, s29;
	s2 =	spop (drf)  }
0x357: {  	(v2sf) =	vpush v47, $0x0;
	(drf) =	srem.u32 s8, s31;
	s1 =	spop (v2sf)  }
0x358: {  	[smem:$0x7A0] =	sst s2;
	s3 =	spop (drf)  }
0x359: {  	(drf) =	srem.u32 s25, s26;
	s2 =	spop (v2sf)  }
0x35a: {  	(v2sf) =	vpush v47, $0xF;
	[smem:$0x79F] =	sst s3;
	s17 =	spop (drf)  }
0x35b: {  	(drf) =	srem.u32 s28, s15;
	s22 =	spop (drf)  }
0x35c: {  	(v2sf) =	vpush v47, $0x1;
	[smem:$0x7A1] =	sst s17;
	s17 =	spop (v2sf)  }
0x35d: {  	(drf) =	srem.u32 s1, s30;
	s3 =	spop (drf)  }
0x35e: {  	(v2sf) =	vpush v47, $0x2;
	[smem:$0x7A2] =	sst s22;
	s22 =	spop (v2sf)  }
0x35f: {  	(v2sf) =	vpush v47, $0x3;
	(drf) =	srem.u32 s2, s16;
	s4 =	spop (drf)  }
0x360: {  	(v2sf) =	vpush v47, $0x4;
	[smem:$0x7A3] =	sst s3;
	s5 =	spop (drf)  }
0x361: {  	(drf) =	srem.u32 s17, s13;
	s6 =	spop (drf)  }
0x362: {  	(v2sf) =	vpush v47, $0x5;
	[smem:$0x7A4] =	sst s4;
	s3 =	spop (v2sf)  }
0x363: {  	(drf) =	srem.u32 s22, s14;
	s25 =	spop (drf)  }
0x364: {  	(v2sf) =	vpush v47, $0x6;
	[smem:$0x7A5] =	sst s5;
	s4 =	spop (v2sf)  }
0x365: {  	s8 =	smov.u32 s26;
	[smem:$0x7A6] =	sst s6;
	s26 =	spop (drf)  }
0x366: {  	(v2sf) =	vpush v47, $0x7;
	(drf) =	srem.u32 s3, s12;
	s5 =	spop (v2sf)  }
0x367: {  	(drf) =	srem.u32 s4, s23;
	s1 =	spop (drf)  }
0x368: {  	[smem:$0x7A8] =	sst s26;
	s2 =	spop (drf)  }
0x369: {  	(v2sf) =	vpush v47, $0x8;
	(drf) =	srem.u32 s5, s10;
	s6 =	spop (v2sf)  }
0x36a: {  	s26 =	smov.u32 s9;
	(drf) =	srem.u32 s6, s9;
	s9 =	spop (drf)  }
0x36b: {  	s22 =	smov.u32 s23;
	(v2sf) =	vpush v47, $0x9;
	s23 =	spop (v2sf)  }
0x36c: {  	[smem:$0x7A9] =	sst s1;
	s17 =	spop (drf)  }
0x36d: {  	s7 =	smov.u32 s21;
	[smem:$0x7AA] =	sst s2;
	s1 =	spop (v2sf)  }
0x36e: {  	(v2sf) =	vpush v47, $0xA;
	(drf) =	srem.u32 s23, s7;
	s2 =	spop (v2sf)  }
0x36f: {  	(v2sf) =	vpush v47, $0xB;
	s3 =	spop (v2sf)  }
0x370: {  	(drf) =	srem.u32 s1, s18;
	s4 =	spop (drf)  }
0x371: {  	[smem:$0x7AB] =	sst s9;
	(v2sf) =	vpush v47, $0xC;
	s6 =	spop (v2sf)  }
0x372: {  	(v2sf) =	vpush v47, $0xD;
	(drf) =	srem.u32 s2, s19;
	s5 =	spop (drf)  }
0x373: {  	(v2sf) =	vpush v47, $0xE;
	(drf) =	srem.u32 s3, s24;
	s9 =	spop (v2sf)  }
0x374: {  	s0 =	spop (drf)  }
0x375: {  	[smem:$0x7AC] =	sst s17;
	s17 =	spop (v2sf)  }
0x376: {  	(drf) =	srem.u32 s6, s29;
	s1 =	spop (drf)  }
0x377: {  	s2 =	spop (drf)  }
0x378: {  	s20 =	smov.u32 s24;
	s24 =	spop (v2sf)  }
0x379: {  	(drf) =	srem.u32 s9, s31;
	s3 =	spop (drf)  }
0x37a: {  	(drf) =	srem.u32 s17, s8;
	s17 =	spop (v2sf)  }
0x37b: {  	vm0 =	vcmask $0x300;
	[smem:$0x7AE] =	sst s4;
	v48 =	vmov s1;
	s4 =	spop (drf)  }
0x37c: {  	[smem:$0x7B0] =	sst s5;
	v29 =	vsel vm0, s0, v48;
	vm0 =	vcmask $0x704;
	s5 =	spop (drf)  }
0x37d: {  	(drf) =	srem.u32 s24, s15;
	v29 =	vsel vm0, s2, v29;
	s24 =	spop (v2sf)  }
0x37e: {  	(drf) =	srem.u32 s17, s30;
	v29 =	vsel vm5, s3, v29;
	s3 =	spop (v2sf)  }
0x37f: {  	(drf) =	srem.u32 s24, s16;
	s0 =	spop (drf)  }
0x380: {  	(drf) =	srem.u32 s3, s13;
	s6 =	spop (v2sf)  }
0x381: {  	(drf) =	srem.u32 s6, s14;
	s17 =	spop (v2sf)  }
0x382: {  	v29 =	vsel vm6, s4, v29;
	(drf) =	srem.u32 s17, s12;
	s3 =	spop (v2sf)  }
0x383: {  	v29 =	vsel vm7, s5, v29;
	s1 =	spop (drf);
	(drf) =	srem.u32 s3, s22  }
0x384: {  	v49 =	vshrl.u32 v63, $0x10;
	v29 =	vsel vm2, s0, v29  }
0x385: {  	v33 =	vshrl.u32 v62, $0x10;
	vm0 =	vlt.u32 v35, v30;
	v29 =	vsel vm8, s1, v29;
	s4 =	spop (drf)  }
0x386: {  	v50 =	vshrl.u32 v43, $0x10;
	v30 =	vsel vm0, $0x1, v0;
	v29 =	vsel vm9, s4, v29;
	s5 =	spop (drf)  }
0x387: {  	vm0 =	vlt.u32 v37, v31;
	v30 =	vadd.s32 v30, v33;
	v29 =	vsel vm10, s5, v29;
	s6 =	spop (drf)  }
0x388: {  	[smem:$0x7A7] =	sst s25;
	s25 =	smov.u32 s12;
	v31 =	vsel vm0, $0x1, v0;
	vm0 =	vlt.u32 v38, v32;
	v29 =	vsel vm11, s6, v29;
	s12 =	spop (drf)  }
0x389: {  	v31 =	vadd.s32 v31, v49;
	v32 =	vsel vm0, $0x1, v0;
	v29 =	vsel vm12, s12, v29;
	s17 =	spop (drf)  }
0x38a: {  	v32 =	vadd.s32 v32, v50;
	v30 =	vxor.u32 v30, v31;
	v29 =	vsel vm13, s17, v29;
	s1 =	spop (drf)  }
0x38b: {  	v30 =	vxor.u32 v32, v30;
	v29 =	vsel vm14, s1, v29;
	s2 =	spop (drf)  }
0x38c: {  	v30 =	vmul.u32 v24, v30;
	v29 =	vsel vm15, s2, v29;
	s3 =	spop (drf)  }
0x38d: {  	v29 =	vsel vm3, s3, v29  }
0x38e: {  	v30 =	vadd.s32 v29, v30  }
0x38f: {  	(v2sf) =	vpush v30, $0x0  }
0x390: {  	(v2sf) =	vpush v30, $0xF;
	_ =	sdelay $0x1  }
0x391: {  	(v2sf) =	vpush v30, $0x1;
	_ =	sdelay $0x1  }
0x392: {  	(v2sf) =	vpush v30, $0x2  }
0x393: {  	(v2sf) =	vpush v30, $0x3  }
0x394: {  	(v2sf) =	vpush v30, $0x4  }
0x395: {  	(v2sf) =	vpush v30, $0x5  }
0x396: {  	(v2sf) =	vpush v30, $0x6;
	_ =	sdelay $0x2  }
0x397: {  	(v2sf) =	vpush v30, $0x7;
	_ =	sdelay $0x1  }
0x398: {  	(v2sf) =	vpush v30, $0x8  }
0x399: {  	s4 =	spop (v2sf)  }
0x39a: {  	(v2sf) =	vpush v30, $0x9;
	(drf) =	srem.u32 s4, s10;
	s5 =	spop (v2sf)  }
0x39b: {  	(v2sf) =	vpush v30, $0xA;
	(drf) =	srem.u32 s5, s26  }
0x39c: {  	s6 =	spop (v2sf)  }
0x39d: {  	v51 =	vperm.xlane v28, v10;
	(v2sf) =	vpush v30, $0xB;
	(drf) =	srem.u32 s6, s7  }
0x39e: {  	v52 =	vperm.xlane v26, v10;
	(v2sf) =	vpush v30, $0xC;
	s12 =	spop (v2sf)  }
0x39f: {  	v54 =	vmul.u32 v17, v51;
	v53 =	vperm.xlane v27, v10;
	(drf) =	srem.u32 s12, s18;
	s2 =	spop (v2sf)  }
0x3a0: {  	v56 =	vmul.u32 v19, v52;
	s3 =	spop (v2sf)  }
0x3a1: {  	v55 =	vmul.u32 v16, v51;
	v57 =	vshll.u32 v54, $0x10;
	v32 =	vsel vm1, $0x0, v53;
	s4 =	spop (v2sf)  }
0x3a2: {  	v59 =	vshll.u32 v56, $0x10;
	v31 =	vmul.u32 v18, v52;
	v58 =	vmul.u32 v21, v32;
	(drf) =	srem.u32 s2, s19;
	s5 =	spop (v2sf)  }
0x3a3: {  	v35 =	vadd.s32 v55, v57;
	v32 =	vmul.u32 v20, v32;
	(v2sf) =	vpush v30, $0xD;
	s17 =	spop (drf);
	(drf) =	srem.u32 s3, s20  }
0x3a4: {  	v61 =	vxor.u32 v22, v35;
	v37 =	vadd.s32 v31, v59;
	v60 =	vshll.u32 v58, $0x10;
	[smem:$0x7AF] =	sst s17;
	s1 =	spop (drf)  }
0x3a5: {  	v39 =	vxor.u32 v37, v61;
	v38 =	vadd.s32 v32, v60;
	(v2sf) =	vpush v30, $0xE;
	(drf) =	srem.u32 s4, s29;
	s17 =	spop (v2sf)  }
0x3a6: {  	v62 =	vxor.u32 v38, v39;
	[smem:$0x7AD] =	sst s1;
	s6 =	spop (drf)  }
0x3a7: {  	(v2sf) =	vpush v62, $0x0;
	(drf) =	srem.u32 s5, s31;
	s1 =	spop (v2sf)  }
0x3a8: {  	s12 =	spop (drf);
	(drf) =	srem.u32 s17, s8  }
0x3a9: {  	(v2sf) =	vpush v62, $0xF;
	s2 =	spop (v2sf)  }
0x3aa: {  	(drf) =	srem.u32 s1, s15;
	s3 =	spop (v2sf)  }
0x3ab: {  	(v2sf) =	vpush v62, $0x1;
	s4 =	spop (drf)  }
0x3ac: {  	(v2sf) =	vpush v62, $0x2;
	(drf) =	srem.u32 s2, s30;
	s1 =	spop (v2sf)  }
0x3ad: {  	[smem:$0x7B1] =	sst s6;
	s2 =	spop (v2sf)  }
0x3ae: {  	(v2sf) =	vpush v62, $0x3;
	(drf) =	srem.u32 s3, s16;
	s5 =	spop (drf)  }
0x3af: {  	(v2sf) =	vpush v62, $0x4;
	[smem:$0x7B4] =	sst s4;
	s6 =	spop (drf)  }
0x3b0: {  	(v2sf) =	vpush v62, $0x5;
	(drf) =	srem.u32 s1, s13;
	s17 =	spop (drf)  }
0x3b1: {  	(v2sf) =	vpush v62, $0x6;
	(drf) =	srem.u32 s2, s14;
	s3 =	spop (drf)  }
0x3b2: {  	[smem:$0x7B9] =	sst s17;
	s17 =	spop (v2sf)  }
0x3b3: {  	(v2sf) =	vpush v62, $0x7;
	[smem:$0x7B6] =	sst s5;
	s4 =	spop (drf)  }
0x3b4: {  	[smem:$0x7B8] =	sst s6;
	s1 =	spop (v2sf)  }
0x3b5: {  	[smem:$0x7BA] =	sst s3;
	s5 =	spop (drf)  }
0x3b6: {  	(drf) =	srem.u32 s17, s25;
	s2 =	spop (v2sf)  }
0x3b7: {  	[smem:$0x7BC] =	sst s4;
	s6 =	spop (drf)  }
0x3b8: {  	(drf) =	srem.u32 s1, s22;
	s3 =	spop (v2sf)  }
0x3b9: {  	(v2sf) =	vpush v62, $0x8;
	[smem:$0x7BE] =	sst s5;
	s4 =	spop (drf)  }
0x3ba: {  	[smem:$0x7C0] =	sst s6;
	s6 =	spop (v2sf)  }
0x3bb: {  	(v2sf) =	vpush v62, $0x9;
	(drf) =	srem.u32 s2, s10;
	s17 =	spop (v2sf)  }
0x3bc: {  	(drf) =	srem.u32 s3, s26;
	s5 =	spop (drf)  }
0x3bd: {  	(v2sf) =	vpush v62, $0xA;
	(drf) =	srem.u32 s6, s7;
	s1 =	spop (v2sf)  }
0x3be: {  	(v2sf) =	vpush v62, $0xB;
	(drf) =	srem.u32 s17, s18;
	s2 =	spop (v2sf)  }
0x3bf: {  	(v2sf) =	vpush v62, $0xC;
	[smem:$0x7C5] =	sst s5;
	s5 =	spop (v2sf)  }
0x3c0: {  	(drf) =	srem.u32 s1, s19;
	s6 =	spop (v2sf)  }
0x3c1: {  	(v2sf) =	vpush v62, $0xD;
	s3 =	spop (drf)  }
0x3c2: {  	(v2sf) =	vpush v62, $0xE;
	(drf) =	srem.u32 s2, s20;
	s17 =	spop (v2sf)  }
0x3c3: {  	[smem:$0x7C2] =	sst s4;
	s4 =	spop (drf)  }
0x3c4: {  	s0 =	spop (drf)  }
0x3c5: {  	s1 =	spop (drf)  }
0x3c6: {  	(drf) =	srem.u32 s5, s29;
	s2 =	spop (drf)  }
0x3c7: {  	[smem:$0x7C7] =	sst s3;
	s3 =	spop (drf)  }
0x3c8: {  	s9 =	smov.u32 s31;
	(drf) =	srem.u32 s6, s31;
	s31 =	spop (v2sf)  }
0x3c9: {  	[smem:$0x7C9] =	sst s4;
	s4 =	spop (drf)  }
0x3ca: {  	(drf) =	srem.u32 s17, s8;
	s17 =	spop (v2sf)  }
0x3cb: {  	s5 =	spop (drf)  }
0x3cc: {  	(drf) =	srem.u32 s31, s15;
	s31 =	spop (v2sf)  }
0x3cd: {  	vm0 =	vcmask $0x300;
	v63 =	vmov s1;
	(drf) =	srem.u32 s17, s30;
	s6 =	spop (v2sf)  }
0x3ce: {  	v30 =	vsel vm0, s0, v63;
	vm0 =	vcmask $0x704;
	(drf) =	srem.u32 s31, s16;
	s17 =	spop (v2sf)  }
0x3cf: {  	v30 =	vsel vm0, s2, v30;
	(drf) =	srem.u32 s6, s13;
	s0 =	spop (drf)  }
0x3d0: {  	v30 =	vsel vm5, s3, v30;
	(drf) =	srem.u32 s17, s14;
	s31 =	spop (v2sf)  }
0x3d1: {  	v30 =	vsel vm6, s4, v30;
	(drf) =	srem.u32 s31, s25;
	s2 =	spop (v2sf)  }
0x3d2: {  	v30 =	vsel vm7, s5, v30;
	s1 =	spop (drf);
	(drf) =	srem.u32 s2, s22  }
0x3d3: {  	v33 =	vshrl.u32 v54, $0x10;
	v30 =	vsel vm2, s0, v30  }
0x3d4: {  	v40 =	vshrl.u32 v58, $0x10;
	vm0 =	vlt.u32 v35, v55;
	v30 =	vsel vm8, s1, v30;
	s3 =	spop (drf)  }
0x3d5: {  	v29 =	vshrl.u32 v56, $0x10;
	v34 =	vsel vm0, $0x1, v0;
	v30 =	vsel vm9, s3, v30;
	s4 =	spop (drf)  }
0x3d6: {  	vm0 =	vlt.u32 v37, v31;
	v33 =	vadd.s32 v34, v33;
	v30 =	vsel vm10, s4, v30;
	s5 =	spop (drf)  }
0x3d7: {  	v31 =	vsel vm0, $0x1, v0;
	vm0 =	vlt.u32 v38, v32;
	v30 =	vsel vm11, s5, v30;
	s6 =	spop (drf)  }
0x3d8: {  	v29 =	vadd.s32 v31, v29;
	v39 =	vsel vm0, $0x1, v0;
	v30 =	vsel vm12, s6, v30;
	s17 =	spop (drf)  }
0x3d9: {  	v31 =	vadd.s32 v39, v40;
	v29 =	vxor.u32 v33, v29;
	v30 =	vsel vm13, s17, v30;
	s31 =	spop (drf)  }
0x3da: {  	v29 =	vxor.u32 v31, v29;
	v30 =	vsel vm14, s31, v30;
	s1 =	spop (drf)  }
0x3db: {  	v29 =	vmul.u32 v24, v29;
	v30 =	vsel vm15, s1, v30;
	s2 =	spop (drf)  }
0x3dc: {  	v30 =	vsel vm3, s2, v30  }
0x3dd: {  	v30 =	vadd.s32 v30, v29  }
0x3de: {  	(v2sf) =	vpush v30, $0x0  }
0x3df: {  	(v2sf) =	vpush v30, $0xF;
	_ =	sdelay $0x1  }
0x3e0: {  	(v2sf) =	vpush v30, $0x1  }
0x3e1: {  	(v2sf) =	vpush v30, $0x2  }
0x3e2: {  	(v2sf) =	vpush v30, $0x3  }
0x3e3: {  	(v2sf) =	vpush v30, $0x4  }
0x3e4: {  	(v2sf) =	vpush v30, $0x5  }
0x3e5: {  	(v2sf) =	vpush v30, $0x6  }
0x3e6: {  	(v2sf) =	vpush v30, $0x7;
	_ =	sdelay $0x2  }
0x3e7: {  	(v2sf) =	vpush v30, $0x8;
	_ =	sdelay $0x1  }
0x3e8: {  	(v2sf) =	vpush v30, $0x9  }
0x3e9: {  	s3 =	spop (v2sf)  }
0x3ea: {  	v41 =	vperm.xlane v28, v11;
	(v2sf) =	vpush v30, $0xA;
	(drf) =	srem.u32 s3, s10;
	s4 =	spop (v2sf)  }
0x3eb: {  	v42 =	vperm.xlane v26, v11;
	(drf) =	srem.u32 s4, s26  }
0x3ec: {  	v44 =	vmul.u32 v17, v41;
	v43 =	vperm.xlane v27, v11;
	(v2sf) =	vpush v30, $0xB;
	s5 =	spop (v2sf)  }
0x3ed: {  	v45 =	vmul.u32 v16, v41;
	v46 =	vmul.u32 v19, v42;
	(drf) =	srem.u32 s5, s7;
	s6 =	spop (v2sf)  }
0x3ee: {  	v47 =	vshll.u32 v44, $0x10;
	v32 =	vsel vm1, $0x0, v43;
	(v2sf) =	vpush v30, $0xC;
	s17 =	spop (v2sf)  }
0x3ef: {  	v35 =	vadd.s32 v45, v47;
	v48 =	vmul.u32 v21, v32;
	v31 =	vmul.u32 v18, v42;
	(drf) =	srem.u32 s6, s18;
	s1 =	spop (v2sf)  }
0x3f0: {  	v49 =	vshll.u32 v46, $0x10;
	v51 =	vxor.u32 v22, v35;
	v32 =	vmul.u32 v20, v32;
	s2 =	spop (v2sf)  }
0x3f1: {  	v50 =	vshll.u32 v48, $0x10;
	v37 =	vadd.s32 v31, v49;
	(v2sf) =	vpush v30, $0xD;
	(drf) =	srem.u32 s17, s19;
	s3 =	spop (v2sf)  }
0x3f2: {  	v38 =	vadd.s32 v32, v50;
	v39 =	vxor.u32 v37, v51;
	(v2sf) =	vpush v30, $0xE;
	s6 =	spop (v2sf)  }
0x3f3: {  	s23 =	smov.u32 s7;
	v52 =	vxor.u32 v38, v39;
	(drf) =	srem.u32 s1, s20;
	s7 =	spop (drf)  }
0x3f4: {  	(v2sf) =	vpush v52, $0x0;
	(drf) =	srem.u32 s2, s29;
	s31 =	spop (drf)  }
0x3f5: {  	[smem:$0x7B3] =	sst s7;
	s7 =	spop (v2sf)  }
0x3f6: {  	(drf) =	srem.u32 s3, s9;
	s4 =	spop (drf)  }
0x3f7: {  	(v2sf) =	vpush v52, $0xF;
	s17 =	spop (v2sf)  }
0x3f8: {  	s5 =	spop (drf)  }
0x3f9: {  	(v2sf) =	vpush v52, $0x1;
	(drf) =	srem.u32 s6, s8;
	s1 =	spop (v2sf)  }
0x3fa: {  	(drf) =	srem.u32 s7, s15;
	s6 =	spop (drf)  }
0x3fb: {  	[smem:$0x7B5] =	sst s4;
	s4 =	spop (v2sf)  }
0x3fc: {  	(v2sf) =	vpush v52, $0x2;
	(drf) =	srem.u32 s17, s30;
	s7 =	spop (drf)  }
0x3fd: {  	(v2sf) =	vpush v52, $0x3;
	[smem:$0x7B7] =	sst s5;
	s5 =	spop (v2sf)  }
0x3fe: {  	(drf) =	srem.u32 s1, s16;
	s2 =	spop (drf)  }
0x3ff: {  	(v2sf) =	vpush v52, $0x4;
	(drf) =	srem.u32 s4, s13;
	s3 =	spop (drf)  }
0x400: {  	(drf) =	srem.u32 s5, s14;
	s1 =	spop (v2sf)  }
0x401: {  	(v2sf) =	vpush v52, $0x5;
	[smem:$0x7BD] =	sst s3;
	s3 =	spop (v2sf)  }
0x402: {  	s11 =	smov.u32 s14;
	(v2sf) =	vpush v52, $0x6;
	s14 =	spop (drf)  }
0x403: {  	[smem:$0x7B2] =	sst s12;
	s4 =	spop (v2sf)  }
0x404: {  	s12 =	smov.u32 s15;
	(v2sf) =	vpush v52, $0x7;
	(drf) =	srem.u32 s1, s25;
	s15 =	spop (drf)  }
0x405: {  	s28 =	smov.u32 s16;
	(drf) =	srem.u32 s3, s22;
	s16 =	spop (drf)  }
0x406: {  	(v2sf) =	vpush v52, $0x8;
	[smem:$0x7BF] =	sst s14;
	s5 =	spop (v2sf)  }
0x407: {  	[smem:$0x7C1] =	sst s15;
	s17 =	spop (drf)  }
0x408: {  	(v2sf) =	vpush v52, $0x9;
	[smem:$0x7C3] =	sst s16;
	s16 =	spop (v2sf)  }
0x409: {  	(drf) =	srem.u32 s4, s10;
	s14 =	spop (drf)  }
0x40a: {  	(drf) =	srem.u32 s5, s26;
	s15 =	spop (drf)  }
0x40b: {  	(v2sf) =	vpush v52, $0xA;
	[smem:$0x7C4] =	sst s17;
	s17 =	spop (v2sf)  }
0x40c: {  	s0 =	spop (v2sf)  }
0x40d: {  	(v2sf) =	vpush v52, $0xB;
	(drf) =	srem.u32 s16, s23;
	s3 =	spop (drf)  }
0x40e: {  	s1 =	spop (v2sf)  }
0x40f: {  	(v2sf) =	vpush v52, $0xC;
	(drf) =	srem.u32 s17, s18;
	s4 =	spop (drf)  }
0x410: {  	(v2sf) =	vpush v52, $0xD;
	(drf) =	srem.u32 s0, s19;
	s0 =	spop (v2sf)  }
0x411: {  	(v2sf) =	vpush v52, $0xE;
	(drf) =	srem.u32 s1, s20;
	s1 =	spop (v2sf)  }
0x412: {  	[smem:$0x7C8] =	sst s15;
	s15 =	spop (drf)  }
0x413: {  	[smem:$0x7BB] =	sst s2;
	s2 =	spop (v2sf)  }
0x414: {  	(drf) =	srem.u32 s0, s29;
	s5 =	spop (drf)  }
0x415: {  	[smem:$0x7CA] =	sst s3;
	s3 =	spop (v2sf)  }
0x416: {  	s17 =	spop (drf)  }
0x417: {  	[smem:$0x7CB] =	sst s4;
	s4 =	spop (v2sf)  }
0x418: {  	s21 =	smov.u32 s18;
	(drf) =	srem.u32 s1, s9;
	s18 =	spop (drf)  }
0x419: {  	s0 =	spop (drf)  }
0x41a: {  	(drf) =	srem.u32 s2, s8;
	v53 =	vmov s5;
	s5 =	spop (v2sf)  }
0x41b: {  	(drf) =	srem.u32 s3, s12;
	s1 =	spop (drf)  }
0x41c: {  	vm0 =	vcmask $0x300;
	(drf) =	srem.u32 s4, s30;
	s2 =	spop (v2sf)  }
0x41d: {  	v30 =	vsel vm0, s15, v53;
	vm0 =	vcmask $0x704;
	(drf) =	srem.u32 s5, s28;
	s15 =	spop (drf)  }
0x41e: {  	v30 =	vsel vm0, s17, v30;
	(drf) =	srem.u32 s2, s13;
	s3 =	spop (v2sf)  }
0x41f: {  	v30 =	vsel vm5, s18, v30;
	(drf) =	srem.u32 s3, s11;
	s4 =	spop (v2sf)  }
0x420: {  	v30 =	vsel vm6, s0, v30;
	(drf) =	srem.u32 s4, s25;
	s5 =	spop (v2sf)  }
0x421: {  	v30 =	vsel vm7, s1, v30;
	s17 =	spop (drf);
	(drf) =	srem.u32 s5, s22  }
0x422: {  	v33 =	vshrl.u32 v44, $0x10;
	v30 =	vsel vm2, s15, v30  }
0x423: {  	s24 =	smov.u32 s13;
	v55 =	vshrl.u32 v48, $0x10;
	vm0 =	vlt.u32 v35, v45;
	v30 =	vsel vm8, s17, v30;
	s13 =	spop (drf)  }
0x424: {  	v29 =	vshrl.u32 v46, $0x10;
	[smem:$0x7C6] =	sst s14;
	v34 =	vsel vm0, $0x1, v0;
	v30 =	vsel vm9, s13, v30;
	s14 =	spop (drf)  }
0x425: {  	vm0 =	vlt.u32 v37, v31;
	v33 =	vadd.s32 v34, v33;
	v30 =	vsel vm10, s14, v30;
	s15 =	spop (drf)  }
0x426: {  	v31 =	vsel vm0, $0x1, v0;
	vm0 =	vlt.u32 v38, v32;
	v30 =	vsel vm11, s15, v30;
	s16 =	spop (drf)  }
0x427: {  	v29 =	vadd.s32 v31, v29;
	v54 =	vsel vm0, $0x1, v0;
	v30 =	vsel vm12, s16, v30;
	s17 =	spop (drf)  }
0x428: {  	v31 =	vadd.s32 v54, v55;
	v29 =	vxor.u32 v33, v29;
	v30 =	vsel vm13, s17, v30;
	s18 =	spop (drf)  }
0x429: {  	v29 =	vxor.u32 v31, v29;
	v30 =	vsel vm14, s18, v30;
	s1 =	spop (drf)  }
0x42a: {  	v29 =	vmul.u32 v24, v29;
	v30 =	vsel vm15, s1, v30;
	s2 =	spop (drf)  }
0x42b: {  	v30 =	vsel vm3, s2, v30  }
0x42c: {  	v56 =	vadd.s32 v30, v29  }
0x42d: {  	(v2sf) =	vpush v56, $0x0  }
0x42e: {  	(v2sf) =	vpush v56, $0xF  }
0x42f: {  	(v2sf) =	vpush v56, $0x1;
	_ =	sdelay $0x1  }
0x430: {  	(v2sf) =	vpush v56, $0x2  }
0x431: {  	(v2sf) =	vpush v56, $0x3;
	_ =	sdelay $0x1  }
0x432: {  	(v2sf) =	vpush v56, $0x4  }
0x433: {  	(v2sf) =	vpush v56, $0x5  }
0x434: {  	s3 =	sld [smem:$0x79F];
	(v2sf) =	vpush v56, $0x6  }
0x435: {  	s5 =	sld [smem:$0x7A0];
	(v2sf) =	vpush v56, $0x7  }
0x436: {  	s14 =	sld [smem:$0x7A1]  }
0x437: {  	vm0 =	vcmask $0x300;
	v57 =	vmov s3;
	s17 =	sld [smem:$0x7A2];
	(v2sf) =	vpush v56, $0x8  }
0x438: {  	v29 =	vsel vm0, s5, v57;
	vm0 =	vcmask $0x704  }
0x439: {  	v29 =	vsel vm0, s14, v29;
	s14 =	sld [smem:$0x7A4]  }
0x43a: {  	v61 =	vsel vm5, s17, v29;
	s17 =	sld [smem:$0x7A7];
	s4 =	spop (v2sf)  }
0x43b: {  	(drf) =	srem.u32 s4, s10;
	s13 =	spop (v2sf)  }
0x43c: {  	(drf) =	srem.u32 s13, s26;
	s15 =	spop (v2sf)  }
0x43d: {  	s13 =	sld [smem:$0x7A3];
	(drf) =	srem.u32 s15, s23  }
0x43e: {  	s16 =	spop (v2sf);
	s15 =	sld [smem:$0x7A5]  }
0x43f: {  	(drf) =	srem.u32 s16, s21;
	s18 =	spop (v2sf)  }
0x440: {  	s16 =	sld [smem:$0x7A6];
	(drf) =	srem.u32 s18, s19  }
0x441: {  	s1 =	spop (v2sf);
	s18 =	sld [smem:$0x7A8]  }
0x442: {  	v39 =	vsel vm6, s13, v61;
	(drf) =	srem.u32 s1, s20;
	s2 =	spop (v2sf)  }
0x443: {  	v39 =	vsel vm7, s14, v39;
	(drf) =	srem.u32 s2, s29;
	s3 =	spop (v2sf)  }
0x444: {  	(v2sf) =	vpush v56, $0x9;
	v39 =	vsel vm2, s15, v39;
	(drf) =	srem.u32 s3, s9;
	s4 =	spop (v2sf)  }
0x445: {  	v39 =	vsel vm8, s16, v39;
	s3 =	sld [smem:$0x7A9];
	(drf) =	srem.u32 s4, s8  }
0x446: {  	(v2sf) =	vpush v56, $0xA;
	s5 =	spop (v2sf);
	v39 =	vsel vm9, s17, v39;
	s4 =	sld [smem:$0x7AA]  }
0x447: {  	v60 =	vperm.xlane v27, v12;
	(drf) =	srem.u32 s5, s12;
	v39 =	vsel vm10, s18, v39;
	s5 =	sld [smem:$0x7AB]  }
0x448: {  	(v2sf) =	vpush v56, $0xB;
	s13 =	sld [smem:$0x7AC];
	v39 =	vsel vm11, s3, v39  }
0x449: {  	v58 =	vperm.xlane v28, v12;
	v62 =	vsel vm1, $0x0, v60;
	v39 =	vsel vm12, s4, v39  }
0x44a: {  	v59 =	vperm.xlane v26, v12;
	v46 =	vmul.u32 v21, v62;
	v39 =	vsel vm13, s5, v39  }
0x44b: {  	v49 =	vmul.u32 v20, v62;
	v31 =	vmul.u32 v17, v58;
	v39 =	vsel vm14, s13, v39;
	s13 =	sld [smem:$0x7AE]  }
0x44c: {  	v63 =	vmul.u32 v16, v58;
	v50 =	vshll.u32 v46, $0x10;
	v30 =	vmul.u32 v19, v59  }
0x44d: {  	v45 =	vmul.u32 v18, v59;
	v35 =	vadd.s32 v49, v50;
	v44 =	vshll.u32 v31, $0x10;
	s5 =	sld [smem:$0x7AD]  }
0x44e: {  	v47 =	vadd.s32 v63, v44;
	v48 =	vshll.u32 v30, $0x10;
	v39 =	vsel vm15, s13, v39;
	s13 =	sld [smem:$0x7AF]  }
0x44f: {  	v51 =	vxor.u32 v22, v47;
	v36 =	vadd.s32 v45, v48;
	(v2sf) =	vpush v56, $0xC  }
0x450: {  	vm0 =	vcmask $0x300;
	v40 =	vxor.u32 v36, v51;
	v53 =	vmov s5  }
0x451: {  	v52 =	vxor.u32 v35, v40;
	v40 =	vsel vm0, s13, v53;
	s13 =	sld [smem:$0x7B0]  }
0x452: {  	(v2sf) =	vpush v56, $0xD;
	s2 =	spop (drf)  }
0x453: {  	v54 =	vmov s31;
	s31 =	sld [smem:$0x7B2];
	s0 =	spop (v2sf)  }
0x454: {  	(v2sf) =	vpush v56, $0xE;
	s1 =	spop (drf);
	v39 =	vsel vm3, s13, v39;
	s13 =	sld [smem:$0x7B1]  }
0x455: {  	(drf) =	srem.u32 s0, s30;
	s0 =	spop (v2sf)  }
0x456: {  	(v2sf) =	vpush v52, $0x0;
	s14 =	spop (drf);
	vm0 =	vcmask $0x704  }
0x457: {  	(drf) =	srem.u32 s0, s28;
	s0 =	spop (v2sf);
	v40 =	vsel vm0, s13, v40  }
0x458: {  	(v2sf) =	vpush v52, $0xF;
	s15 =	spop (drf);
	v40 =	vsel vm5, s31, v40;
	s31 =	sld [smem:$0x7B3]  }
0x459: {  	(v2sf) =	vpush v52, $0x1;
	s16 =	spop (drf)  }
0x45a: {  	s17 =	spop (drf);
	vm0 =	vcmask $0x300;
	s13 =	sld [smem:$0x7B5]  }
0x45b: {  	s18 =	spop (drf);
	v41 =	vsel vm0, s31, v54;
	s31 =	sld [smem:$0x7B4]  }
0x45c: {  	(v2sf) =	vpush v52, $0x2;
	(drf) =	srem.u32 s0, s24;
	s3 =	spop (drf);
	vm0 =	vcmask $0x704  }
0x45d: {  	v55 =	vmov s1;
	s4 =	spop (drf);
	v41 =	vsel vm0, s13, v41;
	vm0 =	vcmask $0x300;
	s13 =	sld [smem:$0x7B7]  }
0x45e: {  	v42 =	vsel vm0, s2, v55;
	s2 =	sld [smem:$0x7B6];
	v40 =	vsel vm6, s31, v40;
	s31 =	spop (v2sf)  }
0x45f: {  	(drf) =	srem.u32 s31, s11;
	s31 =	sld [smem:$0x7B8]  }
0x460: {  	s5 =	spop (drf);
	vm0 =	vcmask $0x704;
	v41 =	vsel vm5, s13, v41;
	s13 =	sld [smem:$0x7BA]  }
0x461: {  	v42 =	vsel vm0, s14, v42;
	s14 =	spop (v2sf);
	v41 =	vsel vm6, s6, v41;
	s6 =	sld [smem:$0x7B9]  }
0x462: {  	v42 =	vsel vm5, s15, v42;
	(drf) =	srem.u32 s14, s25;
	s14 =	sld [smem:$0x7BB]  }
0x463: {  	v40 =	vsel vm7, s2, v40;
	s2 =	spop (v2sf);
	v42 =	vsel vm6, s16, v42;
	s16 =	sld [smem:$0x7BC]  }
0x464: {  	(drf) =	srem.u32 s2, s22;
	v42 =	vsel vm7, s17, v42;
	s17 =	sld [smem:$0x7BD]  }
0x465: {  	(v2sf) =	vpush v52, $0x3;
	v41 =	vsel vm7, s7, v41;
	s7 =	spop (v2sf);
	s2 =	sld [smem:$0x7BF]  }
0x466: {  	v40 =	vsel vm2, s31, v40;
	(drf) =	srem.u32 s7, s10;
	s31 =	sld [smem:$0x7BE]  }
0x467: {  	(v2sf) =	vpush v52, $0x4;
	s15 =	spop (v2sf);
	s7 =	sld [smem:$0x7C0]  }
0x468: {  	(v2sf) =	vpush v52, $0x5;
	v42 =	vsel vm2, s18, v42;
	(drf) =	srem.u32 s15, s26;
	s18 =	spop (v2sf)  }
0x469: {  	(v2sf) =	vpush v52, $0x6;
	v41 =	vsel vm2, s14, v41;
	s14 =	spop (drf);
	s15 =	sld [smem:$0x7C2]  }
0x46a: {  	(v2sf) =	vpush v52, $0x7;
	v40 =	vsel vm8, s6, v40;
	v42 =	vsel vm8, s3, v42;
	s3 =	sld [smem:$0x7C5];
	(drf) =	srem.u32 s18, s23  }
0x46b: {  	(v2sf) =	vpush v52, $0x8;
	v40 =	vsel vm9, s13, v40;
	s6 =	spop (v2sf);
	s13 =	sld [smem:$0x7C1]  }
0x46c: {  	v41 =	vsel vm8, s17, v41;
	s17 =	spop (drf);
	(v2sf) =	vpush v52, $0x9;
	v40 =	vsel vm10, s16, v40;
	(drf) =	srem.u32 s6, s21  }
0x46d: {  	v42 =	vsel vm9, s4, v42;
	s16 =	sld [smem:$0x7C3];
	(v2sf) =	vpush v52, $0xA;
	v40 =	vsel vm11, s31, v40;
	s31 =	spop (drf)  }
0x46e: {  	s18 =	sld [smem:$0x7C4];
	v41 =	vsel vm9, s2, v41;
	v42 =	vsel vm10, s5, v42;
	(v2sf) =	vpush v52, $0xB;
	s5 =	spop (drf)  }
0x46f: {  	s4 =	sld [smem:$0x7C6];
	v41 =	vsel vm10, s13, v41;
	(v2sf) =	vpush v52, $0xC;
	s13 =	spop (drf)  }
0x470: {  	s6 =	sld [smem:$0x7C7];
	v42 =	vsel vm11, s14, v42;
	v41 =	vsel vm11, s16, v41;
	s16 =	spop (drf)  }
0x471: {  	s14 =	sld [smem:$0x7C9];
	v42 =	vsel vm12, s17, v42;
	(v2sf) =	vpush v52, $0xD;
	s0 =	spop (drf)  }
0x472: {  	v40 =	vsel vm12, s7, v40;
	s7 =	sld [smem:$0x7C8];
	v42 =	vsel vm13, s31, v42;
	s31 =	spop (drf)  }
0x473: {  	s17 =	sld [smem:$0x7F6];
	v40 =	vsel vm13, s15, v40;
	(v2sf) =	vpush v52, $0xE;
	s2 =	spop (drf)  }
0x474: {  	s15 =	sld [smem:$0x7CA];
	v41 =	vsel vm12, s18, v41;
	v40 =	vsel vm14, s3, v40;
	v42 =	vsel vm14, s5, v42;
	s5 =	spop (v2sf)  }
0x475: {  	v39 =	vadd.s32 v25, v39;
	s18 =	sld [smem:$0x7CB];
	v41 =	vsel vm13, s4, v41;
	v40 =	vsel vm15, s6, v40;
	s3 =	spop (drf)  }
0x476: {  	v58 =	vsel vm15, s13, v42;
	v41 =	vsel vm14, s7, v41;
	v40 =	vsel vm3, s14, v40;
	(drf) =	srem.u32 s5, s19;
	s6 =	spop (v2sf)  }
0x477: {  	[tilespmem:s17+$0x0] =	vst v39;
	v60 =	vsel vm3, s16, v58;
	v41 =	vsel vm15, s15, v41;
	v56 =	vadd.s32 v25, v40;
	s14 =	spop (v2sf)  }
0x478: {  	v61 =	vadd.s32 v25, v60;
	v57 =	vsel vm3, s18, v41;
	[tilespmem:s17+$0x10] =	vst v56;
	(drf) =	srem.u32 s6, s20;
	s15 =	spop (v2sf)  }
0x479: {  	[tilespmem:s17+$0x30] =	vst v61;
	v59 =	vadd.s32 v25, v57;
	s16 =	spop (v2sf)  }
0x47a: {  	[tilespmem:s17+$0x20] =	vst v59;
	(drf) =	srem.u32 s14, s29;
	s17 =	spop (v2sf)  }
0x47b: {  	(drf) =	srem.u32 s15, s9;
	s18 =	spop (v2sf)  }
0x47c: {  	vm0 =	vcmask $0x300;
	v62 =	vmov s31;
	(drf) =	srem.u32 s16, s8;
	s31 =	spop (v2sf)  }
0x47d: {  	v38 =	vsel vm0, s0, v62;
	vm0 =	vcmask $0x704;
	(drf) =	srem.u32 s17, s12;
	s1 =	spop (v2sf)  }
0x47e: {  	v38 =	vsel vm0, s2, v38;
	(drf) =	srem.u32 s18, s30;
	s2 =	spop (v2sf)  }
0x47f: {  	(drf) =	srem.u32 s31, s28;
	s7 =	spop (drf)  }
0x480: {  	v38 =	vsel vm5, s3, v38;
	(drf) =	srem.u32 s1, s24;
	s3 =	spop (v2sf)  }
0x481: {  	(drf) =	srem.u32 s2, s11;
	s13 =	spop (drf)  }
0x482: {  	v38 =	vsel vm6, s7, v38;
	(drf) =	srem.u32 s3, s25;
	s6 =	spop (v2sf)  }
0x483: {  	v38 =	vsel vm7, s13, v38;
	s7 =	spop (drf);
	(drf) =	srem.u32 s6, s22  }
0x484: {  	vm0 =	vlt.u32 v47, v63;
	v63 =	vsel vm2, s7, v38;
	s14 =	spop (drf)  }
0x485: {  	v31 =	vshrl.u32 v31, $0x10;
	v30 =	vshrl.u32 v30, $0x10;
	v34 =	vsel vm8, s14, v63;
	s15 =	spop (drf)  }
0x486: {  	v29 =	vshrl.u32 v46, $0x10;
	v37 =	vsel vm0, $0x1, v0;
	v38 =	vsel vm9, s15, v34;
	s16 =	spop (drf)  }
0x487: {  	vm0 =	vlt.u32 v36, v45;
	v31 =	vadd.s32 v37, v31;
	v33 =	vsel vm10, s16, v38;
	s17 =	spop (drf)  }
0x488: {  	v39 =	vsel vm0, $0x1, v0;
	vm0 =	vlt.u32 v35, v49;
	v40 =	vsel vm11, s17, v33;
	s18 =	spop (drf)  }
0x489: {  	v30 =	vadd.s32 v39, v30;
	v41 =	vsel vm0, $0x1, v0;
	v32 =	vsel vm12, s18, v40;
	s31 =	spop (drf)  }
0x48a: {  	v29 =	vadd.s32 v41, v29;
	v30 =	vxor.u32 v31, v30;
	v42 =	vsel vm13, s31, v32;
	s1 =	spop (drf)  }
0x48b: {  	v29 =	vxor.u32 v29, v30;
	v43 =	vsel vm14, s1, v42;
	s2 =	spop (drf)  }
0x48c: {  	v29 =	vmul.u32 v24, v29;
	v30 =	vsel vm15, s2, v43;
	s3 =	spop (drf)  }
0x48d: {  	v30 =	vsel vm3, s3, v30  }
0x48e: {  	v29 =	vadd.s32 v30, v29  }
0x48f: {  	(v2sf) =	vpush v29, $0x0  }
0x490: {  	(v2sf) =	vpush v29, $0xF  }
0x491: {  	(v2sf) =	vpush v29, $0x1;
	_ =	sdelay $0x2  }
0x492: {  	(v2sf) =	vpush v29, $0x2;
	_ =	sdelay $0x1  }
0x493: {  	(v2sf) =	vpush v29, $0x3  }
0x494: {  	(v2sf) =	vpush v29, $0x4  }
0x495: {  	(v2sf) =	vpush v29, $0x5;
	_ =	sdelay $0x3  }
0x496: {  	(v2sf) =	vpush v29, $0x6;
	_ =	sdelay $0x1  }
0x497: {  	s4 =	spop (v2sf)  }
0x498: {  	(v2sf) =	vpush v29, $0x7;
	(drf) =	srem.u32 s4, s10;
	s5 =	spop (v2sf)  }
0x499: {  	(v2sf) =	vpush v29, $0x8;
	(drf) =	srem.u32 s5, s26;
	s6 =	spop (v2sf)  }
0x49a: {  	(v2sf) =	vpush v29, $0x9;
	(drf) =	srem.u32 s6, s23  }
0x49b: {  	(v2sf) =	vpush v29, $0xA  }
0x49c: {  	s7 =	spop (v2sf)  }
0x49d: {  	(drf) =	srem.u32 s7, s21  }
0x49e: {  	s16 =	spop (v2sf)  }
0x49f: {  	v44 =	vperm.xlane v28, v13;
	(v2sf) =	vpush v29, $0xB;
	(drf) =	srem.u32 s16, s19;
	s17 =	spop (v2sf)  }
0x4a0: {  	v46 =	vperm.xlane v27, v13;
	v45 =	vperm.xlane v26, v13;
	(drf) =	srem.u32 s17, s20;
	s18 =	spop (v2sf)  }
0x4a1: {  	v47 =	vmul.u32 v17, v44;
	(v2sf) =	vpush v29, $0xC;
	(drf) =	srem.u32 s18, s29;
	s14 =	spop (drf)  }
0x4a2: {  	v48 =	vmul.u32 v19, v45;
	v32 =	vsel vm1, $0x0, v46;
	v30 =	vmul.u32 v16, v44;
	[smem:$0x7CD] =	sst s14;
	s15 =	spop (drf)  }
0x4a3: {  	v49 =	vshll.u32 v47, $0x10;
	v31 =	vmul.u32 v18, v45;
	v50 =	vmul.u32 v21, v32;
	[smem:$0x7CC] =	sst s15;
	s2 =	spop (drf)  }
0x4a4: {  	v51 =	vshll.u32 v48, $0x10;
	v32 =	vmul.u32 v20, v32;
	v35 =	vadd.s32 v30, v49;
	s31 =	spop (v2sf);
	[smem:$0x7CE] =	sst s2  }
0x4a5: {  	v37 =	vadd.s32 v31, v51;
	v52 =	vshll.u32 v50, $0x10;
	v53 =	vxor.u32 v22, v35;
	(drf) =	srem.u32 s31, s9  }
0x4a6: {  	v38 =	vadd.s32 v32, v52;
	v39 =	vxor.u32 v37, v53;
	s0 =	spop (drf);
	(v2sf) =	vpush v29, $0xD  }
0x4a7: {  	v54 =	vxor.u32 v38, v39;
	s3 =	spop (v2sf);
	(v2sf) =	vpush v29, $0xE  }
0x4a8: {  	(drf) =	srem.u32 s3, s8;
	s4 =	spop (v2sf);
	(v2sf) =	vpush v54, $0x0  }
0x4a9: {  	(drf) =	srem.u32 s4, s12;
	s5 =	spop (v2sf)  }
0x4aa: {  	(v2sf) =	vpush v54, $0xF;
	(drf) =	srem.u32 s5, s30;
	s6 =	spop (v2sf)  }
0x4ab: {  	s7 =	spop (drf);
	(drf) =	srem.u32 s6, s28  }
0x4ac: {  	s14 =	spop (drf);
	(v2sf) =	vpush v54, $0x1  }
0x4ad: {  	s15 =	spop (drf);
	(v2sf) =	vpush v54, $0x2  }
0x4ae: {  	s17 =	spop (v2sf);
	(v2sf) =	vpush v54, $0x3  }
0x4af: {  	(v2sf) =	vpush v54, $0x4;
	s16 =	spop (drf);
	(drf) =	srem.u32 s17, s24  }
0x4b0: {  	s18 =	spop (v2sf);
	(v2sf) =	vpush v54, $0x5  }
0x4b1: {  	(drf) =	srem.u32 s18, s11;
	(v2sf) =	vpush v54, $0x6;
	s31 =	spop (drf)  }
0x4b2: {  	s2 =	spop (drf)  }
0x4b3: {  	(v2sf) =	vpush v54, $0x7;
	s3 =	spop (drf)  }
0x4b4: {  	[smem:$0x7D0] =	sst s7;
	s4 =	spop (drf)  }
0x4b5: {  	[smem:$0x7D1] =	sst s14;
	s5 =	spop (v2sf)  }
0x4b6: {  	[smem:$0x7D2] =	sst s15;
	s6 =	spop (v2sf)  }
0x4b7: {  	[smem:$0x7D3] =	sst s16;
	s7 =	spop (v2sf)  }
0x4b8: {  	(drf) =	srem.u32 s5, s25;
	s15 =	spop (drf)  }
0x4b9: {  	[smem:$0x7D4] =	sst s31;
	(v2sf) =	vpush v54, $0x8;
	s14 =	spop (v2sf)  }
0x4ba: {  	(drf) =	srem.u32 s6, s22;
	s16 =	spop (drf)  }
0x4bb: {  	(v2sf) =	vpush v54, $0x9;
	(drf) =	srem.u32 s7, s10;
	s17 =	spop (v2sf)  }
0x4bc: {  	(drf) =	srem.u32 s14, s26;
	s18 =	spop (v2sf)  }
0x4bd: {  	s13 =	smov.u32 s22;
	(v2sf) =	vpush v54, $0xA;
	(drf) =	srem.u32 s17, s23;
	s22 =	spop (v2sf)  }
0x4be: {  	(v2sf) =	vpush v54, $0xB;
	(drf) =	srem.u32 s18, s21;
	s31 =	spop (v2sf)  }
0x4bf: {  	[smem:$0x7D9] =	sst s16;
	(v2sf) =	vpush v54, $0xC;
	s16 =	spop (v2sf)  }
0x4c0: {  	(drf) =	srem.u32 s22, s19;
	s17 =	spop (v2sf)  }
0x4c1: {  	(v2sf) =	vpush v54, $0xD;
	s1 =	spop (drf)  }
0x4c2: {  	(v2sf) =	vpush v54, $0xE;
	(drf) =	srem.u32 s31, s20;
	s31 =	spop (v2sf)  }
0x4c3: {  	[smem:$0x7D5] =	sst s2;
	s2 =	spop (drf)  }
0x4c4: {  	[smem:$0x7CF] =	sst s0;
	s0 =	spop (drf)  }
0x4c5: {  	[smem:$0x7D6] =	sst s3;
	s3 =	spop (drf)  }
0x4c6: {  	(drf) =	srem.u32 s16, s29;
	s18 =	spop (drf)  }
0x4c7: {  	s22 =	spop (drf)  }
0x4c8: {  	[smem:$0x7D7] =	sst s4;
	s14 =	spop (v2sf)  }
0x4c9: {  	(drf) =	srem.u32 s17, s9;
	s4 =	spop (drf)  }
0x4ca: {  	vm0 =	vcmask $0x300;
	[smem:$0x7D8] =	sst s15;
	v55 =	vmov s3;
	s15 =	spop (v2sf)  }
0x4cb: {  	(drf) =	srem.u32 s31, s8;
	v29 =	vsel vm0, s0, v55;
	vm0 =	vcmask $0x704;
	s5 =	spop (drf)  }
0x4cc: {  	(drf) =	srem.u32 s14, s12;
	v29 =	vsel vm0, s18, v29;
	s16 =	spop (v2sf)  }
0x4cd: {  	(drf) =	srem.u32 s15, s30;
	v29 =	vsel vm5, s22, v29;
	s22 =	spop (v2sf)  }
0x4ce: {  	(drf) =	srem.u32 s16, s28;
	s31 =	spop (v2sf)  }
0x4cf: {  	(drf) =	srem.u32 s22, s24;
	s17 =	spop (drf)  }
0x4d0: {  	(drf) =	srem.u32 s31, s11;
	s3 =	spop (v2sf)  }
0x4d1: {  	v29 =	vsel vm6, s4, v29;
	(drf) =	srem.u32 s3, s25;
	s4 =	spop (v2sf)  }
0x4d2: {  	v29 =	vsel vm7, s5, v29;
	s18 =	spop (drf);
	(drf) =	srem.u32 s4, s13  }
0x4d3: {  	v56 =	vshrl.u32 v48, $0x10;
	v29 =	vsel vm2, s17, v29  }
0x4d4: {  	v33 =	vshrl.u32 v47, $0x10;
	vm0 =	vlt.u32 v35, v30;
	v29 =	vsel vm8, s18, v29;
	s5 =	spop (drf)  }
0x4d5: {  	v57 =	vshrl.u32 v50, $0x10;
	v30 =	vsel vm0, $0x1, v0;
	v29 =	vsel vm9, s5, v29;
	s6 =	spop (drf)  }
0x4d6: {  	vm0 =	vlt.u32 v37, v31;
	v30 =	vadd.s32 v30, v33;
	v29 =	vsel vm10, s6, v29;
	s14 =	spop (drf)  }
0x4d7: {  	v31 =	vsel vm0, $0x1, v0;
	vm0 =	vlt.u32 v38, v32;
	v29 =	vsel vm11, s14, v29;
	s15 =	spop (drf)  }
0x4d8: {  	v31 =	vadd.s32 v31, v56;
	v32 =	vsel vm0, $0x1, v0;
	v29 =	vsel vm12, s15, v29;
	s16 =	spop (drf)  }
0x4d9: {  	v32 =	vadd.s32 v32, v57;
	v30 =	vxor.u32 v30, v31;
	v29 =	vsel vm13, s16, v29;
	s17 =	spop (drf)  }
0x4da: {  	v30 =	vxor.u32 v32, v30;
	v29 =	vsel vm14, s17, v29;
	s18 =	spop (drf)  }
0x4db: {  	v30 =	vmul.u32 v24, v30;
	v29 =	vsel vm15, s18, v29;
	s31 =	spop (drf)  }
0x4dc: {  	v29 =	vsel vm3, s31, v29  }
0x4dd: {  	v30 =	vadd.s32 v29, v30  }
0x4de: {  	(v2sf) =	vpush v30, $0x0  }
0x4df: {  	(v2sf) =	vpush v30, $0xF  }
0x4e0: {  	(v2sf) =	vpush v30, $0x1  }
0x4e1: {  	(v2sf) =	vpush v30, $0x2  }
0x4e2: {  	(v2sf) =	vpush v30, $0x3  }
0x4e3: {  	(v2sf) =	vpush v30, $0x4  }
0x4e4: {  	(v2sf) =	vpush v30, $0x5  }
0x4e5: {  	(v2sf) =	vpush v30, $0x6  }
0x4e6: {  	(v2sf) =	vpush v30, $0x7  }
0x4e7: {  	(v2sf) =	vpush v30, $0x8;
	_ =	sdelay $0x1  }
0x4e8: {  	(v2sf) =	vpush v30, $0x9;
	_ =	sdelay $0x1  }
0x4e9: {  	(v2sf) =	vpush v30, $0xA  }
0x4ea: {  	[smem:$0x7DB] =	sst s1  }
0x4eb: {  	v58 =	vperm.xlane v28, v14;
	[smem:$0x7DD] =	sst s2;
	(v2sf) =	vpush v30, $0xB;
	s1 =	spop (v2sf)  }
0x4ec: {  	v59 =	vperm.xlane v26, v14;
	(drf) =	srem.u32 s1, s10;
	s2 =	spop (v2sf)  }
0x4ed: {  	v60 =	vperm.xlane v27, v14;
	v61 =	vmul.u32 v17, v58;
	s3 =	spop (v2sf)  }
0x4ee: {  	v62 =	vmul.u32 v16, v58;
	v63 =	vmul.u32 v19, v59;
	(drf) =	srem.u32 s2, s26;
	s4 =	spop (v2sf)  }
0x4ef: {  	v42 =	vshll.u32 v61, $0x10;
	v32 =	vsel vm1, $0x0, v60;
	(v2sf) =	vpush v30, $0xC;
	s14 =	spop (v2sf)  }
0x4f0: {  	v35 =	vadd.s32 v62, v42;
	v31 =	vmul.u32 v18, v59;
	v43 =	vmul.u32 v21, v32;
	(drf) =	srem.u32 s3, s23;
	s15 =	spop (v2sf)  }
0x4f1: {  	v44 =	vshll.u32 v63, $0x10;
	v46 =	vxor.u32 v22, v35;
	v32 =	vmul.u32 v20, v32;
	s16 =	spop (v2sf)  }
0x4f2: {  	v37 =	vadd.s32 v31, v44;
	v45 =	vshll.u32 v43, $0x10;
	(v2sf) =	vpush v30, $0xD;
	(drf) =	srem.u32 s4, s21;
	s17 =	spop (v2sf)  }
0x4f3: {  	v39 =	vxor.u32 v37, v46;
	v38 =	vadd.s32 v32, v45;
	(v2sf) =	vpush v30, $0xE;
	(drf) =	srem.u32 s14, s19;
	s1 =	spop (v2sf)  }
0x4f4: {  	v47 =	vxor.u32 v38, v39;
	(drf) =	srem.u32 s15, s20;
	s2 =	spop (v2sf)  }
0x4f5: {  	(v2sf) =	vpush v47, $0x0;
	s5 =	spop (drf)  }
0x4f6: {  	(drf) =	srem.u32 s16, s29;
	s3 =	spop (v2sf)  }
0x4f7: {  	(drf) =	srem.u32 s17, s9;
	s6 =	spop (drf)  }
0x4f8: {  	s4 =	spop (v2sf)  }
0x4f9: {  	(v2sf) =	vpush v47, $0xF;
	(drf) =	srem.u32 s1, s8;
	s18 =	spop (drf)  }
0x4fa: {  	[smem:$0x7DC] =	sst s5;
	s16 =	spop (v2sf)  }
0x4fb: {  	(v2sf) =	vpush v47, $0x1;
	(drf) =	srem.u32 s2, s12;
	s31 =	spop (drf)  }
0x4fc: {  	(v2sf) =	vpush v47, $0x2;
	[smem:$0x7DA] =	sst s6;
	s5 =	spop (drf)  }
0x4fd: {  	(drf) =	srem.u32 s3, s30;
	s6 =	spop (drf)  }
0x4fe: {  	(v2sf) =	vpush v47, $0x3;
	(drf) =	srem.u32 s4, s28;
	s17 =	spop (v2sf)  }
0x4ff: {  	(v2sf) =	vpush v47, $0x4;
	[smem:$0x7DE] =	sst s18;
	s14 =	spop (drf)  }
0x500: {  	(drf) =	srem.u32 s16, s24;
	s15 =	spop (drf)  }
0x501: {  	(v2sf) =	vpush v47, $0x5;
	[smem:$0x7E0] =	sst s31;
	s3 =	spop (v2sf)  }
0x502: {  	[smem:$0x7E2] =	sst s5;
	s4 =	spop (v2sf)  }
0x503: {  	(drf) =	srem.u32 s17, s11;
	s18 =	spop (drf)  }
0x504: {  	(v2sf) =	vpush v47, $0x6;
	[smem:$0x7E3] =	sst s6;
	s5 =	spop (v2sf)  }
0x505: {  	(v2sf) =	vpush v47, $0x7;
	[smem:$0x7E4] =	sst s14;
	s31 =	spop (drf)  }
0x506: {  	(drf) =	srem.u32 s3, s25;
	s1 =	spop (drf)  }
0x507: {  	(v2sf) =	vpush v47, $0x8;
	[smem:$0x7E6] =	sst s15;
	s2 =	spop (drf)  }
0x508: {  	(drf) =	srem.u32 s4, s13;
	s6 =	spop (v2sf)  }
0x509: {  	(v2sf) =	vpush v47, $0x9;
	(drf) =	srem.u32 s5, s10;
	s14 =	spop (drf)  }
0x50a: {  	[smem:$0x7E7] =	sst s18;
	s16 =	spop (v2sf)  }
0x50b: {  	[smem:$0x7E9] =	sst s31;
	s17 =	spop (v2sf)  }
0x50c: {  	(drf) =	srem.u32 s6, s26;
	s15 =	spop (drf)  }
0x50d: {  	[smem:$0x7EA] =	sst s1;
	(v2sf) =	vpush v47, $0xA;
	s18 =	spop (v2sf)  }
0x50e: {  	(v2sf) =	vpush v47, $0xB;
	(drf) =	srem.u32 s16, s23;
	s31 =	spop (v2sf)  }
0x50f: {  	[smem:$0x7EB] =	sst s2;
	s1 =	spop (drf)  }
0x510: {  	(v2sf) =	vpush v47, $0xC;
	(drf) =	srem.u32 s17, s21;
	s6 =	spop (v2sf)  }
0x511: {  	(v2sf) =	vpush v47, $0xD;
	(drf) =	srem.u32 s18, s19;
	s2 =	spop (drf)  }
0x512: {  	(v2sf) =	vpush v47, $0xE;
	(drf) =	srem.u32 s31, s20;
	s0 =	spop (drf)  }
0x513: {  	[smem:$0x7ED] =	sst s14;
	s14 =	spop (v2sf)  }
0x514: {  	s17 =	spop (v2sf)  }
0x515: {  	(drf) =	srem.u32 s6, s29;
	s3 =	spop (drf)  }
0x516: {  	s18 =	spop (v2sf)  }
0x517: {  	[smem:$0x7EF] =	sst s15;
	s15 =	spop (drf)  }
0x518: {  	s31 =	spop (v2sf)  }
0x519: {  	(drf) =	srem.u32 s14, s9;
	s16 =	spop (drf)  }
0x51a: {  	vm0 =	vcmask $0x300;
	v48 =	vmov s3;
	s4 =	spop (drf)  }
0x51b: {  	(drf) =	srem.u32 s17, s8;
	v30 =	vsel vm0, s0, v48;
	vm0 =	vcmask $0x704;
	s5 =	spop (drf)  }
0x51c: {  	(drf) =	srem.u32 s18, s12;
	v30 =	vsel vm0, s15, v30;
	s6 =	spop (v2sf)  }
0x51d: {  	(drf) =	srem.u32 s31, s30;
	v30 =	vsel vm5, s16, v30;
	s16 =	spop (v2sf)  }
0x51e: {  	(drf) =	srem.u32 s6, s28;
	s14 =	spop (drf)  }
0x51f: {  	(drf) =	srem.u32 s16, s24;
	s17 =	spop (v2sf)  }
0x520: {  	(drf) =	srem.u32 s17, s11;
	s18 =	spop (v2sf)  }
0x521: {  	v30 =	vsel vm6, s4, v30;
	(drf) =	srem.u32 s18, s25;
	s31 =	spop (v2sf)  }
0x522: {  	v30 =	vsel vm7, s5, v30;
	s15 =	spop (drf);
	(drf) =	srem.u32 s31, s13  }
0x523: {  	v33 =	vshrl.u32 v61, $0x10;
	v30 =	vsel vm2, s14, v30  }
0x524: {  	v50 =	vshrl.u32 v43, $0x10;
	[smem:$0x7F2] =	sst s2;
	vm0 =	vlt.u32 v35, v62;
	v30 =	vsel vm8, s15, v30;
	s2 =	spop (drf)  }
0x525: {  	v29 =	vshrl.u32 v63, $0x10;
	v34 =	vsel vm0, $0x1, v0;
	v30 =	vsel vm9, s2, v30;
	s3 =	spop (drf)  }
0x526: {  	vm0 =	vlt.u32 v37, v31;
	v33 =	vadd.s32 v34, v33;
	v30 =	vsel vm10, s3, v30;
	s4 =	spop (drf)  }
0x527: {  	v31 =	vsel vm0, $0x1, v0;
	vm0 =	vlt.u32 v38, v32;
	v30 =	vsel vm11, s4, v30;
	s5 =	spop (drf)  }
0x528: {  	v29 =	vadd.s32 v31, v29;
	v49 =	vsel vm0, $0x1, v0;
	v30 =	vsel vm12, s5, v30;
	s6 =	spop (drf)  }
0x529: {  	v31 =	vadd.s32 v49, v50;
	v29 =	vxor.u32 v33, v29;
	v30 =	vsel vm13, s6, v30;
	s14 =	spop (drf)  }
0x52a: {  	v29 =	vxor.u32 v31, v29;
	v30 =	vsel vm14, s14, v30;
	s15 =	spop (drf)  }
0x52b: {  	v29 =	vmul.u32 v24, v29;
	v30 =	vsel vm15, s15, v30;
	s16 =	spop (drf)  }
0x52c: {  	v30 =	vsel vm3, s16, v30  }
0x52d: {  	v29 =	vadd.s32 v30, v29  }
0x52e: {  	(v2sf) =	vpush v29, $0x0  }
0x52f: {  	(v2sf) =	vpush v29, $0xF  }
0x530: {  	(v2sf) =	vpush v29, $0x1  }
0x531: {  	(v2sf) =	vpush v29, $0x2  }
0x532: {  	(v2sf) =	vpush v29, $0x3  }
0x533: {  	(v2sf) =	vpush v29, $0x4  }
0x534: {  	(v2sf) =	vpush v29, $0x5  }
0x535: {  	(v2sf) =	vpush v29, $0x6  }
0x536: {  	(v2sf) =	vpush v29, $0x7  }
0x537: {  	(v2sf) =	vpush v29, $0x8;
	_ =	sdelay $0x1  }
0x538: {  	(v2sf) =	vpush v29, $0x9;
	_ =	sdelay $0x1  }
0x539: {  	(v2sf) =	vpush v29, $0xA;
	_ =	sdelay $0x1  }
0x53a: {  	s17 =	spop (v2sf)  }
0x53b: {  	(drf) =	srem.u32 s17, s10;
	s18 =	spop (v2sf)  }
0x53c: {  	v28 =	vperm.xlane v28, v15;
	[smem:$0x7F0] =	sst s1;
	s31 =	spop (v2sf)  }
0x53d: {  	v27 =	vperm.xlane v27, v15;
	(drf) =	srem.u32 s18, s26;
	s1 =	spop (v2sf)  }
0x53e: {  	v51 =	vperm.xlane v26, v15;
	v26 =	vmul.u32 v17, v28;
	(v2sf) =	vpush v29, $0xB;
	s2 =	spop (v2sf)  }
0x53f: {  	v28 =	vmul.u32 v16, v28;
	v52 =	vsel vm1, $0x0, v27;
	(drf) =	srem.u32 s31, s23;
	s5 =	spop (v2sf)  }
0x540: {  	v27 =	vmul.u32 v19, v51;
	v53 =	vshll.u32 v26, $0x10;
	(drf) =	srem.u32 s1, s21;
	(v2sf) =	vpush v29, $0xC;
	s6 =	spop (v2sf)  }
0x541: {  	v54 =	vmul.u32 v21, v52;
	v30 =	vmul.u32 v18, v51;
	(drf) =	srem.u32 s2, s19;
	(v2sf) =	vpush v29, $0xD;
	s14 =	spop (v2sf)  }
0x542: {  	v55 =	vshll.u32 v27, $0x10;
	v32 =	vadd.s32 v28, v53;
	v31 =	vmul.u32 v20, v52;
	(drf) =	srem.u32 s5, s20;
	s16 =	spop (v2sf)  }
0x543: {  	v56 =	vshll.u32 v54, $0x10;
	v57 =	vxor.u32 v22, v32;
	v34 =	vadd.s32 v30, v55;
	(drf) =	srem.u32 s6, s29;
	s17 =	spop (v2sf)  }
0x544: {  	v35 =	vadd.s32 v31, v56;
	v36 =	vxor.u32 v34, v57;
	(v2sf) =	vpush v29, $0xE;
	s3 =	spop (drf)  }
0x545: {  	v58 =	vxor.u32 v35, v36;
	(drf) =	srem.u32 s14, s9;
	s18 =	spop (v2sf)  }
0x546: {  	(v2sf) =	vpush v58, $0x0;
	s4 =	spop (drf)  }
0x547: {  	s1 =	spop (v2sf)  }
0x548: {  	(v2sf) =	vpush v58, $0xF;
	(drf) =	srem.u32 s16, s8;
	s6 =	spop (drf)  }
0x549: {  	(v2sf) =	vpush v58, $0x1;
	(drf) =	srem.u32 s17, s12;
	s31 =	spop (drf)  }
0x54a: {  	(v2sf) =	vpush v58, $0x2;
	[smem:$0x7E1] =	sst s3;
	s15 =	spop (drf)  }
0x54b: {  	(v2sf) =	vpush v58, $0x3;
	(drf) =	srem.u32 s18, s30;
	s3 =	spop (drf)  }
0x54c: {  	[smem:$0x7DF] =	sst s4;
	(v2sf) =	vpush v58, $0x4;
	s5 =	spop (drf)  }
0x54d: {  	(drf) =	srem.u32 s1, s28;
	s4 =	spop (v2sf)  }
0x54e: {  	s2 =	spop (drf)  }
0x54f: {  	s14 =	spop (v2sf)  }
0x550: {  	[smem:$0x7E5] =	sst s15;
	s15 =	spop (v2sf)  }
0x551: {  	(drf) =	srem.u32 s4, s24;
	s4 =	spop (drf)  }
0x552: {  	s22 =	smov.u32 s24;
	s24 =	spop (drf)  }
0x553: {  	(v2sf) =	vpush v58, $0x5;
	s18 =	spop (v2sf)  }
0x554: {  	(drf) =	srem.u32 s14, s11;
	(v2sf) =	vpush v58, $0x6;
	s16 =	spop (drf)  }
0x555: {  	(drf) =	srem.u32 s15, s25;
	(v2sf) =	vpush v58, $0x7;
	s0 =	spop (v2sf)  }
0x556: {  	(drf) =	srem.u32 s18, s13;
	s17 =	spop (drf)  }
0x557: {  	(drf) =	srem.u32 s0, s10;
	s1 =	spop (v2sf)  }
0x558: {  	(v2sf) =	vpush v58, $0x8;
	(drf) =	srem.u32 s1, s26;
	s15 =	spop (v2sf)  }
0x559: {  	[smem:$0x7EC] =	sst s16;
	s16 =	spop (v2sf)  }
0x55a: {  	[smem:$0x7EE] =	sst s17;
	(v2sf) =	vpush v58, $0x9;
	s17 =	spop (v2sf)  }
0x55b: {  	[smem:$0x7E8] =	sst s2;
	s18 =	spop (v2sf)  }
0x55c: {  	s7 =	smov.u32 s10;
	(v2sf) =	vpush v58, $0xA;
	s10 =	spop (drf);
	(drf) =	srem.u32 s15, s23  }
0x55d: {  	(v2sf) =	vpush v58, $0xB;
	s2 =	spop (drf);
	(drf) =	srem.u32 s16, s21  }
0x55e: {  	(v2sf) =	vpush v58, $0xC;
	[smem:$0x7F1] =	sst s2;
	s14 =	spop (drf)  }
0x55f: {  	(v2sf) =	vpush v58, $0xD;
	(drf) =	srem.u32 s17, s19;
	s2 =	spop (drf)  }
0x560: {  	s15 =	spop (drf)  }
0x561: {  	(drf) =	srem.u32 s18, s20;
	s16 =	spop (drf)  }
0x562: {  	s0 =	spop (v2sf)  }
0x563: {  	s1 =	spop (v2sf)  }
0x564: {  	[smem:$0x7F3] =	sst s14;
	s14 =	spop (v2sf)  }
0x565: {  	(v2sf) =	vpush v58, $0xE;
	(drf) =	srem.u32 s0, s29;
	s17 =	spop (drf)  }
0x566: {  	(drf) =	srem.u32 s1, s9;
	s18 =	spop (drf)  }
0x567: {  	(drf) =	srem.u32 s14, s8;
	s14 =	spop (v2sf)  }
0x568: {  	vm0 =	vcmask $0x300;
	v59 =	vmov s16;
	s0 =	spop (drf)  }
0x569: {  	v29 =	vsel vm0, s15, v59;
	vm0 =	vcmask $0x704;
	(drf) =	srem.u32 s14, s12;
	s14 =	spop (v2sf)  }
0x56a: {  	v29 =	vsel vm0, s17, v29;
	s1 =	spop (drf);
	(drf) =	srem.u32 s14, s30  }
0x56b: {  	v29 =	vsel vm5, s18, v29;
	s16 =	spop (v2sf)  }
0x56c: {  	v29 =	vsel vm6, s0, v29;
	(drf) =	srem.u32 s16, s28;
	s18 =	spop (v2sf)  }
0x56d: {  	v29 =	vsel vm7, s1, v29;
	s1 =	spop (v2sf)  }
0x56e: {  	s17 =	spop (v2sf)  }
0x56f: {  	s14 =	spop (drf)  }
0x570: {  	vm4 =	vmmov vm3;
	s15 =	spop (drf)  }
0x571: {  	v26 =	vshrl.u32 v26, $0x10;
	v27 =	vshrl.u32 v27, $0x10;
	(drf) =	srem.u32 s18, s22;
	v29 =	vsel vm2, s14, v29;
	s16 =	spop (drf)  }
0x572: {  	v60 =	vshrl.u32 v54, $0x10;
	vm3 =	vmmov vm15;
	(drf) =	srem.u32 s1, s11;
	v29 =	vsel vm8, s15, v29;
	s1 =	spop (drf)  }
0x573: {  	vm15 =	vmmov vm14;
	vm14 =	vmmov vm13;
	v29 =	vsel vm9, s16, v29;
	s14 =	spop (drf)  }
0x574: {  	vm13 =	vmmov vm12;
	vm0 =	vlt.u32 v32, v28;
	v29 =	vsel vm10, s1, v29;
	s18 =	spop (v2sf)  }
0x575: {  	v28 =	vsel vm0, $0x1, v0;
	vm0 =	vlt.u32 v35, v31;
	(drf) =	srem.u32 s17, s25;
	v29 =	vsel vm11, s14, v29;
	s15 =	spop (drf)  }
0x576: {  	v31 =	vsel vm0, $0x1, v0;
	(drf) =	srem.u32 s18, s13;
	v29 =	vsel vm12, s15, v29;
	vm12 =	vmmov vm11  }
0x577: {  	vm11 =	vmmov vm10;
	vm10 =	vmmov vm9;
	vm9 =	vmmov vm8  }
0x578: {  	vm8 =	vmmov vm2;
	vm2 =	vmmov vm1;
	vm1 =	vlt.u32 v34, v30  }
0x579: {  	v26 =	vadd.s32 v28, v26;
	v28 =	vadd.s32 v31, v60;
	v30 =	vsel vm1, $0x1, v0  }
0x57a: {  	vm1 =	vmmov vm2;
	vm2 =	vmmov vm8;
	vm8 =	vmmov vm9  }
0x57b: {  	vm9 =	vmmov vm10;
	vm10 =	vmmov vm11;
	vm11 =	vmmov vm12  }
0x57c: {  	s16 =	spop (drf);
	vm12 =	vmmov vm13;
	vm13 =	vmmov vm14;
	v27 =	vadd.s32 v30, v27  }
0x57d: {  	vm14 =	vmmov vm15;
	v29 =	vsel vm13, s16, v29;
	v26 =	vxor.u32 v26, v27;
	s17 =	spop (drf)  }
0x57e: {  	vm15 =	vmmov vm3;
	v27 =	vsel vm14, s17, v29;
	v26 =	vxor.u32 v28, v26;
	s18 =	spop (drf)  }
0x57f: {  	vm3 =	vmmov vm4;
	v27 =	vsel vm15, s18, v27;
	v26 =	vmul.u32 v24, v26;
	s1 =	spop (drf)  }
0x580: {  	v27 =	vsel vm3, s1, v27  }
0x581: {  	v26 =	vadd.s32 v27, v26  }
0x582: {  	(v2sf) =	vpush v26, $0x0  }
0x583: {  	(v2sf) =	vpush v26, $0xF;
	_ =	sdelay $0x1  }
0x584: {  	(v2sf) =	vpush v26, $0x1  }
0x585: {  	(v2sf) =	vpush v26, $0x2;
	_ =	sdelay $0x1  }
0x586: {  	s14 =	sld [smem:$0x7CC];
	(v2sf) =	vpush v26, $0x3  }
0x587: {  	s15 =	sld [smem:$0x7CD]  }
0x588: {  	s16 =	sld [smem:$0x7CE];
	(v2sf) =	vpush v26, $0x4  }
0x589: {  	vm0 =	vcmask $0x300;
	s17 =	sld [smem:$0x7CF];
	v27 =	vmov s14  }
0x58a: {  	vm4 =	vcmask $0x704;
	s18 =	sld [smem:$0x7D0];
	v27 =	vsel vm0, s15, v27;
	(v2sf) =	vpush v26, $0x5  }
0x58b: {  	v27 =	vsel vm4, s16, v27;
	(v2sf) =	vpush v26, $0x6  }
0x58c: {  	v27 =	vsel vm5, s17, v27  }
0x58d: {  	v27 =	vsel vm6, s18, v27;
	s18 =	sld [smem:$0x7D1]  }
0x58e: {  	(v2sf) =	vpush v26, $0x7  }
0x58f: {  	(v2sf) =	vpush v26, $0x8;
	s0 =	spop (v2sf)  }
0x590: {  	v27 =	vsel vm7, s18, v27;
	s18 =	sld [smem:$0x7D4];
	(v2sf) =	vpush v26, $0x9;
	s1 =	spop (v2sf)  }
0x591: {  	(drf) =	srem.u32 s0, s7;
	s7 =	sld [smem:$0x7D2]  }
0x592: {  	s14 =	spop (v2sf);
	(drf) =	srem.u32 s1, s26  }
0x593: {  	(v2sf) =	vpush v26, $0xA;
	s26 =	sld [smem:$0x7D7];
	s15 =	spop (v2sf)  }
0x594: {  	(v2sf) =	vpush v26, $0xB;
	(drf) =	srem.u32 s14, s23;
	s14 =	sld [smem:$0x7D3]  }
0x595: {  	(v2sf) =	vpush v26, $0xC;
	s23 =	sld [smem:$0x7D6];
	s16 =	spop (v2sf)  }
0x596: {  	(v2sf) =	vpush v26, $0xD;
	(drf) =	srem.u32 s15, s21;
	s21 =	sld [smem:$0x7D5]  }
0x597: {  	(v2sf) =	vpush v26, $0xE;
	v26 =	vsel vm2, s7, v27;
	s7 =	sld [smem:$0x7D8];
	s17 =	spop (v2sf)  }
0x598: {  	(drf) =	srem.u32 s16, s19;
	s19 =	sld [smem:$0x7DA]  }
0x599: {  	s0 =	spop (v2sf);
	(drf) =	srem.u32 s17, s20  }
0x59a: {  	s20 =	sld [smem:$0x7DB];
	s1 =	spop (v2sf)  }
0x59b: {  	v26 =	vsel vm8, s14, v26;
	(drf) =	srem.u32 s0, s29;
	s29 =	sld [smem:$0x7DE]  }
0x59c: {  	v26 =	vsel vm9, s18, v26;
	(drf) =	srem.u32 s1, s9;
	s9 =	sld [smem:$0x7D9]  }
0x59d: {  	s14 =	spop (v2sf);
	v26 =	vsel vm10, s21, v26;
	s21 =	sld [smem:$0x7DC]  }
0x59e: {  	s15 =	spop (v2sf);
	(drf) =	srem.u32 s14, s8  }
0x59f: {  	v26 =	vsel vm11, s23, v26;
	s8 =	sld [smem:$0x7DF];
	s16 =	spop (v2sf)  }
0x5a0: {  	v26 =	vsel vm12, s26, v26;
	s23 =	spop (drf);
	s26 =	sld [smem:$0x7DD]  }
0x5a1: {  	(drf) =	srem.u32 s15, s12;
	s12 =	sld [smem:$0x7E0]  }
0x5a2: {  	s15 =	sld [smem:$0x7EB];
	s17 =	spop (v2sf)  }
0x5a3: {  	v26 =	vsel vm13, s7, v26;
	(drf) =	srem.u32 s16, s30;
	s16 =	sld [smem:$0x7E1]  }
0x5a4: {  	s30 =	sld [smem:$0x7E6];
	v26 =	vsel vm14, s9, v26;
	s9 =	spop (drf)  }
0x5a5: {  	(drf) =	srem.u32 s17, s28;
	s28 =	sld [smem:$0x7E5]  }
0x5a6: {  	s18 =	spop (v2sf);
	v61 =	vmov s8;
	s8 =	sld [smem:$0x7E8]  }
0x5a7: {  	v27 =	vmov s19;
	v26 =	vsel vm15, s20, v26;
	s19 =	spop (drf);
	s20 =	sld [smem:$0x7E2]  }
0x5a8: {  	(drf) =	srem.u32 s18, s22;
	s22 =	sld [smem:$0x7E3]  }
0x5a9: {  	s0 =	spop (v2sf);
	s18 =	sld [smem:$0x7ED]  }
0x5aa: {  	v27 =	vsel vm0, s21, v27;
	v26 =	vsel vm3, s26, v26;
	s21 =	spop (drf);
	s26 =	sld [smem:$0x7E4]  }
0x5ab: {  	v28 =	vsel vm0, s16, v61;
	(drf) =	srem.u32 s0, s11;
	s11 =	sld [smem:$0x7E9]  }
0x5ac: {  	v27 =	vsel vm4, s29, v27;
	v62 =	vmov s9;
	s1 =	spop (v2sf);
	s16 =	sld [smem:$0x7EC];
	v28 =	vsel vm4, s6, v28  }
0x5ad: {  	v27 =	vsel vm5, s12, v27;
	v29 =	vsel vm0, s23, v62;
	s23 =	spop (drf);
	(drf) =	srem.u32 s1, s25;
	v28 =	vsel vm5, s31, v28  }
0x5ae: {  	v29 =	vsel vm4, s19, v29;
	s19 =	sld [smem:$0x7EE];
	v27 =	vsel vm6, s20, v27;
	s29 =	spop (drf);
	v28 =	vsel vm6, s28, v28  }
0x5af: {  	v29 =	vsel vm5, s21, v29;
	s31 =	spop (v2sf);
	v27 =	vsel vm7, s22, v27;
	v28 =	vsel vm7, s3, v28;
	s3 =	sld [smem:$0x7E7]  }
0x5b0: {  	v26 =	vadd.s32 v25, v26;
	s21 =	sld [smem:$0x7EF];
	v29 =	vsel vm6, s23, v29;
	(drf) =	srem.u32 s31, s13;
	v27 =	vsel vm2, s26, v27  }
0x5b1: {  	s6 =	spop (drf);
	s13 =	sld [smem:$0x7EA];
	v29 =	vsel vm7, s29, v29;
	v27 =	vsel vm8, s30, v27;
	v28 =	vsel vm2, s5, v28  }
0x5b2: {  	s23 =	sld [smem:$0x7F0];
	s7 =	spop (drf);
	v29 =	vsel vm2, s6, v29;
	v28 =	vsel vm8, s8, v28;
	v27 =	vsel vm9, s3, v27  }
0x5b3: {  	s28 =	sld [smem:$0x7F3];
	s9 =	spop (drf);
	v29 =	vsel vm8, s7, v29;
	v28 =	vsel vm9, s4, v28;
	v27 =	vsel vm10, s11, v27  }
0x5b4: {  	s31 =	sld [smem:$0x7F4];
	s12 =	spop (drf);
	v29 =	vsel vm9, s9, v29;
	v28 =	vsel vm10, s24, v28;
	v27 =	vsel vm11, s13, v27  }
0x5b5: {  	s14 =	spop (drf);
	v29 =	vsel vm10, s12, v29;
	s24 =	sld [smem:$0x7F1];
	v28 =	vsel vm11, s16, v28;
	v27 =	vsel vm12, s15, v27  }
0x5b6: {  	s26 =	sld [smem:$0x7F2];
	s17 =	spop (drf);
	v29 =	vsel vm11, s14, v29;
	v28 =	vsel vm12, s19, v28;
	v27 =	vsel vm13, s18, v27  }
0x5b7: {  	s29 =	sld [smem:$0x7F6];
	s20 =	spop (drf);
	v29 =	vsel vm12, s17, v29;
	v28 =	vsel vm13, s10, v28;
	v27 =	vsel vm14, s21, v27  }
0x5b8: {  	p0 =	sne.s32 s31, $0x3C0;
	s22 =	spop (drf);
	v29 =	vsel vm13, s20, v29;
	v28 =	vsel vm14, s24, v28;
	v27 =	vsel vm15, s23, v27  }
.Ltmp0:
0x5b9: {  	s25 =	spop (drf);
	v29 =	vsel vm14, s22, v29;
	v28 =	vsel vm15, s28, v28;
	v27 =	vsel vm3, s26, v27;
	(pc) =	sbr.rel @p0 .LBB2_2-.Ltmp0, $4  }
0x5ba: {  	[tilespmem:s29+$0x40] =	vst v26;
	s30 =	spop (drf);
	v63 =	vsel vm15, s25, v29;
	v26 =	vadd.s32 v25, v27;
	v27 =	vsel vm3, s2, v28  }
0x5bb: {  	[tilespmem:s29+$0x50] =	vst v26;
	v26 =	vadd.s32 v25, v27;
	v27 =	vsel vm3, s30, v63  }
0x5bc: {  	s3 =	sadd.s32 $0x100, s29;
	[tilespmem:s29+$0x60] =	vst v26;
	v26 =	vadd.s32 v25, v27  }
0x5bd: {  	s0 =	sadd.s32 $0x40, s31;
	[smem:$0x7F6] =	sst s3;
	[tilespmem:s29+$0x70] =	vst v26  }
0x5be: {  	s0 =	rddreg [dreg:$0x3]  }
0x5bf: {  	s3 =	simm.s32 $0x80;
	s1 =	simm.s32 $0x3A0;
	s4 =	simm.s32 $0x13A0  }
0x5c0: {  	[tilespmem:s4], [sflag:$0x1] =	stream.indirect.gather [hbm4b:s0+s3], $0x20, s1, s3, $0xb8;
	[tilespmem:$0x33A0] =	vst v63  }
0x5c1: {  	s10 =	simm.s32 $0x420;
	s6 =	simm.s32 $0x23A0;
	s7 =	simm.s32 $0x1  }
0x5c2: {  	[tilespmem:s6], [sflag:$0x2] =	stream.indirect.gather [hbm4b:s0+s3], $0x20, s10, s3, $0xb8;
	[tilespmem:$0x33A0] =	vst v63  }
0x5c3: {  	_ =	swait.ge [sflag:s7], $0x1000  }
0x5c4: {  	s5 =	simm.s32 $0x0;
	[sflag:s7] =	ssyncset.done $0x0  }
0x5c5: {  	s2 =	simm.s32 $0x3;
	s11 =	rddreg [dreg:$0x6];
	[sflag:s7] =	ssyncadd.s32 $0xFFFFF000  }
0x5c6: {  	[hbm4b:s11+s5] =	stream.linear.scatter [tilespmem:s4], [sflag:$0x3], $0x1000, $0x38;
	[tilespmem:$0x33A0] =	vst v63  }
0x5c7: {  	_ =	swait.ge [sflag:s2], $0x1000  }
0x5c8: {  	[sflag:s2] =	ssyncset.done $0x0  }
0x5c9: {  	s12 =	simm.s32 $0x4A0;
	s8 =	simm.s32 $0x2;
	[sflag:s2] =	ssyncadd.s32 $0xFFFFF000  }
0x5ca: {  	[tilespmem:s4], [sflag:$0x1] =	stream.indirect.gather [hbm4b:s0+s3], $0x20, s12, s3, $0xb8;
	[tilespmem:$0x33A0] =	vst v63  }
0x5cb: {  	_ =	swait.ge [sflag:s8], $0x1000  }
0x5cc: {  	[sflag:s8] =	ssyncset.done $0x0  }
0x5cd: {  	s13 =	rddreg [dreg:$0x7];
	[sflag:s8] =	ssyncadd.s32 $0xFFFFF000  }
0x5ce: {  	[hbm4b:s13+s5] =	stream.linear.scatter [tilespmem:s6], [sflag:$0x3], $0x1000, $0x38;
	[tilespmem:$0x33A0] =	vst v63  }
0x5cf: {  	_ =	swait.ge [sflag:s2], $0x1000  }
0x5d0: {  	[sflag:s2] =	ssyncset.done $0x0  }
0x5d1: {  	s14 =	simm.s32 $0x520;
	[sflag:s2] =	ssyncadd.s32 $0xFFFFF000  }
0x5d2: {  	[tilespmem:s6], [sflag:$0x2] =	stream.indirect.gather [hbm4b:s0+s3], $0x20, s14, s3, $0xb8;
	[tilespmem:$0x33A0] =	vst v63  }
0x5d3: {  	_ =	swait.ge [sflag:s7], $0x1000  }
0x5d4: {  	[sflag:s7] =	ssyncset.done $0x0  }
0x5d5: {  	s15 =	rddreg [dreg:$0x8];
	[sflag:s7] =	ssyncadd.s32 $0xFFFFF000  }
0x5d6: {  	[hbm4b:s15+s5] =	stream.linear.scatter [tilespmem:s4], [sflag:$0x3], $0x1000, $0x38;
	[tilespmem:$0x33A0] =	vst v63  }
0x5d7: {  	_ =	swait.ge [sflag:s2], $0x1000  }
0x5d8: {  	[sflag:s2] =	ssyncset.done $0x0  }
0x5d9: {  	s16 =	simm.s32 $0x5A0;
	[sflag:s2] =	ssyncadd.s32 $0xFFFFF000  }
0x5da: {  	[tilespmem:s4], [sflag:$0x1] =	stream.indirect.gather [hbm4b:s0+s3], $0x20, s16, s3, $0xb8;
	[tilespmem:$0x33A0] =	vst v63  }
0x5db: {  	_ =	swait.ge [sflag:s8], $0x1000  }
0x5dc: {  	[sflag:s8] =	ssyncset.done $0x0  }
0x5dd: {  	s17 =	rddreg [dreg:$0x9];
	[sflag:s8] =	ssyncadd.s32 $0xFFFFF000  }
0x5de: {  	[hbm4b:s17+s5] =	stream.linear.scatter [tilespmem:s6], [sflag:$0x3], $0x1000, $0x38;
	[tilespmem:$0x33A0] =	vst v63  }
0x5df: {  	_ =	swait.ge [sflag:s2], $0x1000  }
0x5e0: {  	[sflag:s2] =	ssyncset.done $0x0  }
0x5e1: {  	s18 =	simm.s32 $0x620;
	[sflag:s2] =	ssyncadd.s32 $0xFFFFF000  }
0x5e2: {  	[tilespmem:s6], [sflag:$0x2] =	stream.indirect.gather [hbm4b:s0+s3], $0x20, s18, s3, $0xb8;
	[tilespmem:$0x33A0] =	vst v63  }
0x5e3: {  	_ =	swait.ge [sflag:s7], $0x1000  }
0x5e4: {  	[sflag:s7] =	ssyncset.done $0x0  }
0x5e5: {  	s19 =	rddreg [dreg:$0xa];
	[sflag:s7] =	ssyncadd.s32 $0xFFFFF000  }
0x5e6: {  	[hbm4b:s19+s5] =	stream.linear.scatter [tilespmem:s4], [sflag:$0x3], $0x1000, $0x38;
	[tilespmem:$0x33A0] =	vst v63  }
0x5e7: {  	_ =	swait.ge [sflag:s2], $0x1000  }
0x5e8: {  	[sflag:s2] =	ssyncset.done $0x0  }
0x5e9: {  	s20 =	simm.s32 $0x6A0;
	[sflag:s2] =	ssyncadd.s32 $0xFFFFF000  }
0x5ea: {  	[tilespmem:s4], [sflag:$0x1] =	stream.indirect.gather [hbm4b:s0+s3], $0x20, s20, s3, $0xb8;
	[tilespmem:$0x33A0] =	vst v63  }
0x5eb: {  	_ =	swait.ge [sflag:s8], $0x1000  }
0x5ec: {  	[sflag:s8] =	ssyncset.done $0x0  }
0x5ed: {  	s21 =	rddreg [dreg:$0xb];
	[sflag:s8] =	ssyncadd.s32 $0xFFFFF000  }
0x5ee: {  	[hbm4b:s21+s5] =	stream.linear.scatter [tilespmem:s6], [sflag:$0x3], $0x1000, $0x38;
	[tilespmem:$0x33A0] =	vst v63  }
0x5ef: {  	_ =	swait.ge [sflag:s2], $0x1000  }
0x5f0: {  	[sflag:s2] =	ssyncset.done $0x0  }
0x5f1: {  	s22 =	simm.s32 $0x720;
	[sflag:s2] =	ssyncadd.s32 $0xFFFFF000  }
0x5f2: {  	[tilespmem:s6], [sflag:$0x2] =	stream.indirect.gather [hbm4b:s0+s3], $0x20, s22, s3, $0xb8;
	[tilespmem:$0x33A0] =	vst v63  }
0x5f3: {  	_ =	swait.ge [sflag:s7], $0x1000  }
0x5f4: {  	[sflag:s7] =	ssyncset.done $0x0  }
0x5f5: {  	s23 =	rddreg [dreg:$0xc];
	[sflag:s7] =	ssyncadd.s32 $0xFFFFF000  }
0x5f6: {  	[hbm4b:s23+s5] =	stream.linear.scatter [tilespmem:s4], [sflag:$0x3], $0x1000, $0x38;
	[tilespmem:$0x33A0] =	vst v63  }
0x5f7: {  	_ =	swait.ge [sflag:s2], $0x1000  }
0x5f8: {  	[sflag:s2] =	ssyncset.done $0x0  }
0x5f9: {  	s24 =	simm.s32 $0x7A0;
	[sflag:s2] =	ssyncadd.s32 $0xFFFFF000  }
0x5fa: {  	[tilespmem:s4], [sflag:$0x1] =	stream.indirect.gather [hbm4b:s0+s3], $0x20, s24, s3, $0xb8;
	[tilespmem:$0x33A0] =	vst v63  }
0x5fb: {  	_ =	swait.ge [sflag:s8], $0x1000  }
0x5fc: {  	[sflag:s8] =	ssyncset.done $0x0  }
0x5fd: {  	s25 =	rddreg [dreg:$0xd];
	[sflag:s8] =	ssyncadd.s32 $0xFFFFF000  }
0x5fe: {  	[hbm4b:s25+s5] =	stream.linear.scatter [tilespmem:s6], [sflag:$0x3], $0x1000, $0x38;
	[tilespmem:$0x33A0] =	vst v63  }
0x5ff: {  	_ =	swait.ge [sflag:s2], $0x1000  }
0x600: {  	[sflag:s2] =	ssyncset.done $0x0  }
0x601: {  	s26 =	simm.s32 $0x820;
	[sflag:s2] =	ssyncadd.s32 $0xFFFFF000  }
0x602: {  	[tilespmem:s6], [sflag:$0x2] =	stream.indirect.gather [hbm4b:s0+s3], $0x20, s26, s3, $0xb8;
	[tilespmem:$0x33A0] =	vst v63  }
0x603: {  	_ =	swait.ge [sflag:s7], $0x1000  }
0x604: {  	[sflag:s7] =	ssyncset.done $0x0  }
0x605: {  	s28 =	rddreg [dreg:$0xe];
	[sflag:s7] =	ssyncadd.s32 $0xFFFFF000  }
0x606: {  	[hbm4b:s28+s5] =	stream.linear.scatter [tilespmem:s4], [sflag:$0x3], $0x1000, $0x38;
	[tilespmem:$0x33A0] =	vst v63  }
0x607: {  	_ =	swait.ge [sflag:s2], $0x1000  }
0x608: {  	[sflag:s2] =	ssyncset.done $0x0  }
0x609: {  	s29 =	simm.s32 $0x8A0;
	[sflag:s2] =	ssyncadd.s32 $0xFFFFF000  }
0x60a: {  	[tilespmem:s4], [sflag:$0x1] =	stream.indirect.gather [hbm4b:s0+s3], $0x20, s29, s3, $0xb8;
	[tilespmem:$0x33A0] =	vst v63  }
0x60b: {  	_ =	swait.ge [sflag:s8], $0x1000  }
0x60c: {  	[sflag:s8] =	ssyncset.done $0x0  }
0x60d: {  	s30 =	rddreg [dreg:$0xf];
	[sflag:s8] =	ssyncadd.s32 $0xFFFFF000  }
0x60e: {  	[hbm4b:s30+s5] =	stream.linear.scatter [tilespmem:s6], [sflag:$0x3], $0x1000, $0x38;
	[tilespmem:$0x33A0] =	vst v63  }
0x60f: {  	_ =	swait.ge [sflag:s2], $0x1000  }
0x610: {  	[sflag:s2] =	ssyncset.done $0x0  }
0x611: {  	s31 =	simm.s32 $0x920;
	[sflag:s2] =	ssyncadd.s32 $0xFFFFF000  }
0x612: {  	[tilespmem:s6], [sflag:$0x2] =	stream.indirect.gather [hbm4b:s0+s3], $0x20, s31, s3, $0xb8;
	[tilespmem:$0x33A0] =	vst v63  }
0x613: {  	_ =	swait.ge [sflag:s7], $0x1000  }
0x614: {  	[sflag:s7] =	ssyncset.done $0x0  }
0x615: {  	s9 =	rddreg [dreg:$0x10];
	[sflag:s7] =	ssyncadd.s32 $0xFFFFF000  }
0x616: {  	[hbm4b:s9+s5] =	stream.linear.scatter [tilespmem:s4], [sflag:$0x3], $0x1000, $0x38;
	[tilespmem:$0x33A0] =	vst v63  }
0x617: {  	_ =	swait.ge [sflag:s2], $0x1000  }
0x618: {  	[sflag:s2] =	ssyncset.done $0x0  }
0x619: {  	s10 =	simm.s32 $0x9A0;
	[sflag:s2] =	ssyncadd.s32 $0xFFFFF000  }
0x61a: {  	[tilespmem:s4], [sflag:$0x1] =	stream.indirect.gather [hbm4b:s0+s3], $0x20, s10, s3, $0xb8;
	[tilespmem:$0x33A0] =	vst v63  }
0x61b: {  	_ =	swait.ge [sflag:s8], $0x1000  }
0x61c: {  	[sflag:s8] =	ssyncset.done $0x0  }
0x61d: {  	s11 =	rddreg [dreg:$0x11];
	[sflag:s8] =	ssyncadd.s32 $0xFFFFF000  }
0x61e: {  	[hbm4b:s11+s5] =	stream.linear.scatter [tilespmem:s6], [sflag:$0x3], $0x1000, $0x38;
	[tilespmem:$0x33A0] =	vst v63  }
0x61f: {  	_ =	swait.ge [sflag:s2], $0x1000  }
0x620: {  	[sflag:s2] =	ssyncset.done $0x0  }
0x621: {  	s12 =	simm.s32 $0xA20;
	[sflag:s2] =	ssyncadd.s32 $0xFFFFF000  }
0x622: {  	[tilespmem:s6], [sflag:$0x2] =	stream.indirect.gather [hbm4b:s0+s3], $0x20, s12, s3, $0xb8;
	[tilespmem:$0x33A0] =	vst v63  }
0x623: {  	_ =	swait.ge [sflag:s7], $0x1000  }
0x624: {  	[sflag:s7] =	ssyncset.done $0x0  }
0x625: {  	s13 =	rddreg [dreg:$0x12];
	[sflag:s7] =	ssyncadd.s32 $0xFFFFF000  }
0x626: {  	[hbm4b:s13+s5] =	stream.linear.scatter [tilespmem:s4], [sflag:$0x3], $0x1000, $0x38;
	[tilespmem:$0x33A0] =	vst v63  }
0x627: {  	_ =	swait.ge [sflag:s2], $0x1000  }
0x628: {  	[sflag:s2] =	ssyncset.done $0x0  }
0x629: {  	s14 =	simm.s32 $0xAA0;
	[sflag:s2] =	ssyncadd.s32 $0xFFFFF000  }
0x62a: {  	[tilespmem:s4], [sflag:$0x1] =	stream.indirect.gather [hbm4b:s0+s3], $0x20, s14, s3, $0xb8;
	[tilespmem:$0x33A0] =	vst v63  }
0x62b: {  	_ =	swait.ge [sflag:s8], $0x1000  }
0x62c: {  	[sflag:s8] =	ssyncset.done $0x0  }
0x62d: {  	s15 =	rddreg [dreg:$0x13];
	[sflag:s8] =	ssyncadd.s32 $0xFFFFF000  }
0x62e: {  	[hbm4b:s15+s5] =	stream.linear.scatter [tilespmem:s6], [sflag:$0x3], $0x1000, $0x38;
	[tilespmem:$0x33A0] =	vst v63  }
0x62f: {  	_ =	swait.ge [sflag:s2], $0x1000  }
0x630: {  	[sflag:s2] =	ssyncset.done $0x0  }
0x631: {  	s16 =	simm.s32 $0xB20;
	[sflag:s2] =	ssyncadd.s32 $0xFFFFF000  }
0x632: {  	[tilespmem:s6], [sflag:$0x2] =	stream.indirect.gather [hbm4b:s0+s3], $0x20, s16, s3, $0xb8;
	[tilespmem:$0x33A0] =	vst v63  }
0x633: {  	_ =	swait.ge [sflag:s7], $0x1000  }
0x634: {  	[sflag:s7] =	ssyncset.done $0x0  }
0x635: {  	s17 =	rddreg [dreg:$0x14];
	[sflag:s7] =	ssyncadd.s32 $0xFFFFF000  }
0x636: {  	[hbm4b:s17+s5] =	stream.linear.scatter [tilespmem:s4], [sflag:$0x3], $0x1000, $0x38;
	[tilespmem:$0x33A0] =	vst v63  }
0x637: {  	_ =	swait.ge [sflag:s2], $0x1000  }
0x638: {  	[sflag:s2] =	ssyncset.done $0x0  }
0x639: {  	s18 =	simm.s32 $0xBA0;
	[sflag:s2] =	ssyncadd.s32 $0xFFFFF000  }
0x63a: {  	[tilespmem:s4], [sflag:$0x1] =	stream.indirect.gather [hbm4b:s0+s3], $0x20, s18, s3, $0xb8;
	[tilespmem:$0x33A0] =	vst v63  }
0x63b: {  	_ =	swait.ge [sflag:s8], $0x1000  }
0x63c: {  	[sflag:s8] =	ssyncset.done $0x0  }
0x63d: {  	s19 =	rddreg [dreg:$0x15];
	[sflag:s8] =	ssyncadd.s32 $0xFFFFF000  }
0x63e: {  	[hbm4b:s19+s5] =	stream.linear.scatter [tilespmem:s6], [sflag:$0x3], $0x1000, $0x38;
	[tilespmem:$0x33A0] =	vst v63  }
0x63f: {  	_ =	swait.ge [sflag:s2], $0x1000  }
0x640: {  	[sflag:s2] =	ssyncset.done $0x0  }
0x641: {  	s20 =	simm.s32 $0xC20;
	[sflag:s2] =	ssyncadd.s32 $0xFFFFF000  }
0x642: {  	[tilespmem:s6], [sflag:$0x2] =	stream.indirect.gather [hbm4b:s0+s3], $0x20, s20, s3, $0xb8;
	[tilespmem:$0x33A0] =	vst v63  }
0x643: {  	_ =	swait.ge [sflag:s7], $0x1000  }
0x644: {  	[sflag:s7] =	ssyncset.done $0x0  }
0x645: {  	s21 =	rddreg [dreg:$0x16];
	[sflag:s7] =	ssyncadd.s32 $0xFFFFF000  }
0x646: {  	[hbm4b:s21+s5] =	stream.linear.scatter [tilespmem:s4], [sflag:$0x3], $0x1000, $0x38;
	[tilespmem:$0x33A0] =	vst v63  }
0x647: {  	_ =	swait.ge [sflag:s2], $0x1000  }
0x648: {  	[sflag:s2] =	ssyncset.done $0x0  }
0x649: {  	s22 =	simm.s32 $0xCA0;
	[sflag:s2] =	ssyncadd.s32 $0xFFFFF000  }
0x64a: {  	[tilespmem:s4], [sflag:$0x1] =	stream.indirect.gather [hbm4b:s0+s3], $0x20, s22, s3, $0xb8;
	[tilespmem:$0x33A0] =	vst v63  }
0x64b: {  	_ =	swait.ge [sflag:s8], $0x1000  }
0x64c: {  	[sflag:s8] =	ssyncset.done $0x0  }
0x64d: {  	s23 =	rddreg [dreg:$0x17];
	[sflag:s8] =	ssyncadd.s32 $0xFFFFF000  }
0x64e: {  	[hbm4b:s23+s5] =	stream.linear.scatter [tilespmem:s6], [sflag:$0x3], $0x1000, $0x38;
	[tilespmem:$0x33A0] =	vst v63  }
0x64f: {  	_ =	swait.ge [sflag:s2], $0x1000  }
0x650: {  	[sflag:s2] =	ssyncset.done $0x0  }
0x651: {  	s24 =	simm.s32 $0xD20;
	[sflag:s2] =	ssyncadd.s32 $0xFFFFF000  }
0x652: {  	[tilespmem:s6], [sflag:$0x2] =	stream.indirect.gather [hbm4b:s0+s3], $0x20, s24, s3, $0xb8;
	[tilespmem:$0x33A0] =	vst v63  }
0x653: {  	_ =	swait.ge [sflag:s7], $0x1000  }
0x654: {  	[sflag:s7] =	ssyncset.done $0x0  }
0x655: {  	s25 =	rddreg [dreg:$0x18];
	[sflag:s7] =	ssyncadd.s32 $0xFFFFF000  }
0x656: {  	[hbm4b:s25+s5] =	stream.linear.scatter [tilespmem:s4], [sflag:$0x3], $0x1000, $0x38;
	[tilespmem:$0x33A0] =	vst v63  }
0x657: {  	_ =	swait.ge [sflag:s2], $0x1000  }
0x658: {  	[sflag:s2] =	ssyncset.done $0x0  }
0x659: {  	s26 =	simm.s32 $0xDA0;
	[sflag:s2] =	ssyncadd.s32 $0xFFFFF000  }
0x65a: {  	[tilespmem:s4], [sflag:$0x1] =	stream.indirect.gather [hbm4b:s0+s3], $0x20, s26, s3, $0xb8;
	[tilespmem:$0x33A0] =	vst v63  }
0x65b: {  	_ =	swait.ge [sflag:s8], $0x1000  }
0x65c: {  	[sflag:s8] =	ssyncset.done $0x0  }
0x65d: {  	s28 =	rddreg [dreg:$0x1a];
	[sflag:s8] =	ssyncadd.s32 $0xFFFFF000  }
0x65e: {  	[hbm4b:s28+s5] =	stream.linear.scatter [tilespmem:s6], [sflag:$0x3], $0x1000, $0x38;
	[tilespmem:$0x33A0] =	vst v63  }
0x65f: {  	_ =	swait.ge [sflag:s2], $0x1000  }
0x660: {  	[sflag:s2] =	ssyncset.done $0x0  }
0x661: {  	s29 =	simm.s32 $0xE20;
	[sflag:s2] =	ssyncadd.s32 $0xFFFFF000  }
0x662: {  	[tilespmem:s6], [sflag:$0x2] =	stream.indirect.gather [hbm4b:s0+s3], $0x20, s29, s3, $0xb8;
	[tilespmem:$0x33A0] =	vst v63  }
0x663: {  	_ =	swait.ge [sflag:s7], $0x1000  }
0x664: {  	[sflag:s7] =	ssyncset.done $0x0  }
0x665: {  	s30 =	rddreg [dreg:$0x1b];
	[sflag:s7] =	ssyncadd.s32 $0xFFFFF000  }
0x666: {  	[hbm4b:s30+s5] =	stream.linear.scatter [tilespmem:s4], [sflag:$0x3], $0x1000, $0x38;
	[tilespmem:$0x33A0] =	vst v63  }
0x667: {  	_ =	swait.ge [sflag:s2], $0x1000  }
0x668: {  	[sflag:s2] =	ssyncset.done $0x0  }
0x669: {  	s31 =	simm.s32 $0xEA0;
	[sflag:s2] =	ssyncadd.s32 $0xFFFFF000  }
0x66a: {  	[tilespmem:s4], [sflag:$0x1] =	stream.indirect.gather [hbm4b:s0+s3], $0x20, s31, s3, $0xb8;
	[tilespmem:$0x33A0] =	vst v63  }
0x66b: {  	_ =	swait.ge [sflag:s8], $0x1000  }
0x66c: {  	[sflag:s8] =	ssyncset.done $0x0  }
0x66d: {  	s9 =	rddreg [dreg:$0x1c];
	[sflag:s8] =	ssyncadd.s32 $0xFFFFF000  }
0x66e: {  	[hbm4b:s9+s5] =	stream.linear.scatter [tilespmem:s6], [sflag:$0x3], $0x1000, $0x38;
	[tilespmem:$0x33A0] =	vst v63  }
0x66f: {  	_ =	swait.ge [sflag:s2], $0x1000  }
0x670: {  	[sflag:s2] =	ssyncset.done $0x0  }
0x671: {  	s10 =	simm.s32 $0xF20;
	[sflag:s2] =	ssyncadd.s32 $0xFFFFF000  }
0x672: {  	[tilespmem:s6], [sflag:$0x2] =	stream.indirect.gather [hbm4b:s0+s3], $0x20, s10, s3, $0xb8;
	[tilespmem:$0x33A0] =	vst v63  }
0x673: {  	_ =	swait.ge [sflag:s7], $0x1000  }
0x674: {  	[sflag:s7] =	ssyncset.done $0x0  }
0x675: {  	s11 =	rddreg [dreg:$0x1d];
	[sflag:s7] =	ssyncadd.s32 $0xFFFFF000  }
0x676: {  	[hbm4b:s11+s5] =	stream.linear.scatter [tilespmem:s4], [sflag:$0x3], $0x1000, $0x38;
	[tilespmem:$0x33A0] =	vst v63  }
0x677: {  	_ =	swait.ge [sflag:s2], $0x1000  }
0x678: {  	[sflag:s2] =	ssyncset.done $0x0  }
0x679: {  	s12 =	simm.s32 $0xFA0;
	[sflag:s2] =	ssyncadd.s32 $0xFFFFF000  }
0x67a: {  	[tilespmem:s4], [sflag:$0x1] =	stream.indirect.gather [hbm4b:s0+s3], $0x20, s12, s3, $0xb8;
	[tilespmem:$0x33A0] =	vst v63  }
0x67b: {  	_ =	swait.ge [sflag:s8], $0x1000  }
0x67c: {  	[sflag:s8] =	ssyncset.done $0x0  }
0x67d: {  	s13 =	rddreg [dreg:$0x1e];
	[sflag:s8] =	ssyncadd.s32 $0xFFFFF000  }
0x67e: {  	[hbm4b:s13+s5] =	stream.linear.scatter [tilespmem:s6], [sflag:$0x3], $0x1000, $0x38;
	[tilespmem:$0x33A0] =	vst v63  }
0x67f: {  	_ =	swait.ge [sflag:s2], $0x1000  }
0x680: {  	[sflag:s2] =	ssyncset.done $0x0  }
0x681: {  	s14 =	simm.s32 $0x1020;
	[sflag:s2] =	ssyncadd.s32 $0xFFFFF000  }
0x682: {  	[tilespmem:s6], [sflag:$0x2] =	stream.indirect.gather [hbm4b:s0+s3], $0x20, s14, s3, $0xb8;
	[tilespmem:$0x33A0] =	vst v63  }
0x683: {  	_ =	swait.ge [sflag:s7], $0x1000  }
0x684: {  	[sflag:s7] =	ssyncset.done $0x0  }
0x685: {  	s15 =	rddreg [dreg:$0x1f];
	[sflag:s7] =	ssyncadd.s32 $0xFFFFF000  }
0x686: {  	[hbm4b:s15+s5] =	stream.linear.scatter [tilespmem:s4], [sflag:$0x3], $0x1000, $0x38;
	[tilespmem:$0x33A0] =	vst v63  }
0x687: {  	_ =	swait.ge [sflag:s2], $0x1000  }
0x688: {  	[sflag:s2] =	ssyncset.done $0x0  }
0x689: {  	s16 =	simm.s32 $0x10A0;
	[sflag:s2] =	ssyncadd.s32 $0xFFFFF000  }
0x68a: {  	[tilespmem:s4], [sflag:$0x1] =	stream.indirect.gather [hbm4b:s0+s3], $0x20, s16, s3, $0xb8;
	[tilespmem:$0x33A0] =	vst v63  }
0x68b: {  	_ =	swait.ge [sflag:s8], $0x1000  }
0x68c: {  	s17 =	sld [smem:$0x7F7]  }
0x68d: {  	[sflag:s8] =	ssyncset.done $0x0  }
0x68e: {  	[sflag:s8] =	ssyncadd.s32 $0xFFFFF000  }
0x68f: {  	[hbm4b:s17+s5] =	stream.linear.scatter [tilespmem:s6], [sflag:$0x3], $0x1000, $0x38;
	[tilespmem:$0x33A0] =	vst v63  }
0x690: {  	_ =	swait.ge [sflag:s2], $0x1000  }
0x691: {  	[sflag:s2] =	ssyncset.done $0x0  }
0x692: {  	s18 =	simm.s32 $0x1120;
	[sflag:s2] =	ssyncadd.s32 $0xFFFFF000  }
0x693: {  	[tilespmem:s6], [sflag:$0x2] =	stream.indirect.gather [hbm4b:s0+s3], $0x20, s18, s3, $0xb8;
	[tilespmem:$0x33A0] =	vst v63  }
0x694: {  	_ =	swait.ge [sflag:s7], $0x1000  }
0x695: {  	s19 =	sld [smem:$0x7F8]  }
0x696: {  	[sflag:s7] =	ssyncset.done $0x0  }
0x697: {  	[sflag:s7] =	ssyncadd.s32 $0xFFFFF000  }
0x698: {  	[hbm4b:s19+s5] =	stream.linear.scatter [tilespmem:s4], [sflag:$0x3], $0x1000, $0x38;
	[tilespmem:$0x33A0] =	vst v63  }
0x699: {  	_ =	swait.ge [sflag:s2], $0x1000  }
0x69a: {  	[sflag:s2] =	ssyncset.done $0x0  }
0x69b: {  	s20 =	simm.s32 $0x11A0;
	[sflag:s2] =	ssyncadd.s32 $0xFFFFF000  }
0x69c: {  	[tilespmem:s4], [sflag:$0x1] =	stream.indirect.gather [hbm4b:s0+s3], $0x20, s20, s3, $0xb8;
	[tilespmem:$0x33A0] =	vst v63  }
0x69d: {  	_ =	swait.ge [sflag:s8], $0x1000  }
0x69e: {  	s21 =	sld [smem:$0x7F9]  }
0x69f: {  	[sflag:s8] =	ssyncset.done $0x0  }
0x6a0: {  	[sflag:s8] =	ssyncadd.s32 $0xFFFFF000  }
0x6a1: {  	[hbm4b:s21+s5] =	stream.linear.scatter [tilespmem:s6], [sflag:$0x3], $0x1000, $0x38;
	[tilespmem:$0x33A0] =	vst v63  }
0x6a2: {  	_ =	swait.ge [sflag:s2], $0x1000  }
0x6a3: {  	[sflag:s2] =	ssyncset.done $0x0  }
0x6a4: {  	s22 =	simm.s32 $0x1220;
	[sflag:s2] =	ssyncadd.s32 $0xFFFFF000  }
0x6a5: {  	[tilespmem:s6], [sflag:$0x2] =	stream.indirect.gather [hbm4b:s0+s3], $0x20, s22, s3, $0xb8;
	[tilespmem:$0x33A0] =	vst v63  }
0x6a6: {  	_ =	swait.ge [sflag:s7], $0x1000  }
0x6a7: {  	s23 =	sld [smem:$0x7FA]  }
0x6a8: {  	[sflag:s7] =	ssyncset.done $0x0  }
0x6a9: {  	[sflag:s7] =	ssyncadd.s32 $0xFFFFF000  }
0x6aa: {  	[hbm4b:s23+s5] =	stream.linear.scatter [tilespmem:s4], [sflag:$0x3], $0x1000, $0x38;
	[tilespmem:$0x33A0] =	vst v63  }
0x6ab: {  	_ =	swait.ge [sflag:s2], $0x1000  }
0x6ac: {  	[sflag:s2] =	ssyncset.done $0x0  }
0x6ad: {  	s24 =	simm.s32 $0x12A0;
	[sflag:s2] =	ssyncadd.s32 $0xFFFFF000  }
0x6ae: {  	[tilespmem:s4], [sflag:$0x1] =	stream.indirect.gather [hbm4b:s0+s3], $0x20, s24, s3, $0xb8;
	[tilespmem:$0x33A0] =	vst v63  }
0x6af: {  	_ =	swait.ge [sflag:s8], $0x1000  }
0x6b0: {  	s25 =	sld [smem:$0x7FB]  }
0x6b1: {  	[sflag:s8] =	ssyncset.done $0x0  }
0x6b2: {  	[sflag:s8] =	ssyncadd.s32 $0xFFFFF000  }
0x6b3: {  	[hbm4b:s25+s5] =	stream.linear.scatter [tilespmem:s6], [sflag:$0x3], $0x1000, $0x38;
	[tilespmem:$0x33A0] =	vst v63  }
0x6b4: {  	_ =	swait.ge [sflag:s2], $0x1000  }
0x6b5: {  	[sflag:s2] =	ssyncset.done $0x0  }
0x6b6: {  	s26 =	simm.s32 $0x1320;
	[sflag:s2] =	ssyncadd.s32 $0xFFFFF000  }
0x6b7: {  	[tilespmem:s6], [sflag:$0x2] =	stream.indirect.gather [hbm4b:s0+s3], $0x20, s26, s3, $0xb8;
	[tilespmem:$0x33A0] =	vst v63  }
0x6b8: {  	_ =	swait.ge [sflag:s7], $0x1000  }
0x6b9: {  	s28 =	sld [smem:$0x7FC]  }
0x6ba: {  	[sflag:s7] =	ssyncset.done $0x0  }
0x6bb: {  	[sflag:s7] =	ssyncadd.s32 $0xFFFFF000  }
0x6bc: {  	[hbm4b:s28+s5] =	stream.linear.scatter [tilespmem:s4], [sflag:$0x3], $0x1000, $0x38;
	[tilespmem:$0x33A0] =	vst v63  }
0x6bd: {  	_ =	swait.ge [sflag:s2], $0x1000  }
0x6be: {  	[sflag:s2] =	ssyncset.done $0x0  }
0x6bf: {  	[sflag:s2] =	ssyncadd.s32 $0xFFFFF000  }
0x6c0: {  	_ =	swait.ge [sflag:s8], $0x1000  }
0x6c1: {  	s29 =	sld [smem:$0x7FD]  }
0x6c2: {  	[sflag:s8] =	ssyncset.done $0x0  }
0x6c3: {  	[sflag:s8] =	ssyncadd.s32 $0xFFFFF000  }
0x6c4: {  	[hbm4b:s29+s5] =	stream.linear.scatter [tilespmem:s6], [sflag:$0x3], $0x1000, $0x38;
	[tilespmem:$0x33A0] =	vst v63  }
0x6c5: {  	_ =	swait.ge [sflag:s2], $0x1000  }
0x6c6: {  	s30 =	sld [smem:$0x7F5];
	_ =	sdelay $0x2  }
0x6c7: {  	s31 =	rddreg [dreg:$0x19];
	s1 =	sadd.s32 $0x1, s30  }
0x6c8: {  	p0 =	sne.s32 s1, s31  }
.Ltmp1:
0x6c9: {  	_ = 	snop;
	(pc) =	sbr.rel @p0 .LBB2_1-.Ltmp1, $3  }
0x6ca: {  	_ =	sdelay $0x1  }
0x6cb: {  	[sflag:s2] =	ssyncset.done $0x0  }
0x6cc: {  	[sflag:s2] =	ssyncadd.s32 $0xFFFFF000  }
0x6cd: {  	_ =	sfence.sel $0x180000  }
0x6ce: {  	[bflag:$0x0] =	sbarrier.arrive $0xFFFF  }
0x6cf: {  	_ =	strace $0x90000047  }
0x6d0: {  	s0 =	stileid.u32;
	[bflag:$0x2] =	sbarrier.arrive $0xFFFF  }
0x6d1: {  	p0 =	sne.s32 s0, $0x0;
	s0 =	rddreg [dreg:$0x2]  }
0x6d2: {  	s0 =	sadd.s32 @!p0 $0x100000, s0  }
0x6d3: {  	[sflag:s0] =	ssyncadd.tile.s32 @!p0 $0x1;
	_ =	shalt  }
.Lfunc_end2:
_tile_overlayer_lowered:
.L_overlay_start_2:
0x6d4: {  	(tag) =	ssettag $0x2  }
0x6d5: {  	s0 =	rddreg [dreg:$0x0];
	s2 =	stileid.u32  }
0x6d6: {  	s1 =	rddreg [dreg:$0x1];
	p0 =	sne.s32 s2, $0x0  }
0x6d7: {  	s3 =	rddreg [dreg:$0x2];
	[bflag:$0x3] =	sbarrier.arrive $0xFFFF;
	s2 =	simm.s32 @!p0 $0x1C03  }
0x6d8: {  	[timem:s3], [sflag:s2] =	dma.local @!p0 [hbm:s0], s1  }
0x6d9: {  	s0 =	simm.s32 @!p0 $0x3  }
0x6da: {  	_ =	swait.ge @!p0 [sflag:s0], s1  }
0x6db: {  	s1 =	ssub.s32 @!p0 $0x0, s1;
	[sflag:s0] =	ssyncset.done @!p0 $0x0  }
0x6dc: {  	[sflag:s0] =	ssyncadd.s32 @!p0 s1  }
0x6dd: {  	[bflag:$0x3] =	sbarrier.arrive $0xFFFF  }
0x6de: {  	_ =	shalt  }

</sc_bundles>
